<compile_context>
chip_gen: v7x
topology: tpu7x:2x2x1
jax: 0.10.2.dev20260603
libtpu: 0.0.44.dev20260713+nightly
codegen_flags: <defaults>
</compile_context>

<pallas_src>
import functools
import jax
import jax.numpy as jnp
from jax import lax
from jax.experimental import pallas as pl
from jax.experimental.pallas import tpu as pltpu, tpu_sc as plsc

N = 10000
D = 128
H = D // 2
OUT = 10
NC = 2
NS = 16
NW = NC * NS
N_PAD = 10240
RPT = N_PAD // NS
CHUNK = 128
CH = 160
E_PAD = NS * CH * CHUNK
XB = 4
XCH = (N_PAD // NW) // XB

_mesh = plsc.VectorSubcoreMesh(core_axis_name="c", subcore_axis_name="s")
_sc_params = pltpu.CompilerParams(use_tc_tiling_on_sc=False)
_sc_params_nl = pltpu.CompilerParams(use_tc_tiling_on_sc=False,
                                     needs_layout_passes=False)


@functools.partial(
    pl.kernel,
    mesh=_mesh,
    compiler_params=_sc_params,
    out_type=[
        jax.ShapeDtypeStruct((N_PAD, D), jnp.float32),
        jax.ShapeDtypeStruct((NC, N_PAD, 16), jnp.float32),
    ],
    scratch_types=[
        pltpu.VMEM((XB, XCH), jnp.int32),
        pltpu.VMEM((XCH, D), jnp.float32),
        pltpu.VMEM((XCH, D), jnp.float32),
        pltpu.VMEM((CH // 2, CHUNK), jnp.int32),
        pltpu.VMEM((CHUNK, 16), jnp.float32),
        pltpu.VMEM_SHARED((N_PAD, 16), jnp.float32),
        pltpu.SemaphoreType.DMA,
        pltpu.SemaphoreType.DMA,
        pltpu.SemaphoreType.DMA,
        pltpu.SemaphoreType.DMA,
    ],
)
def _sc_gather_deg(emb_hbm, x_hbm, dst_hbm, zeros16_hbm, ones16_hbm,
                   h0_hbm, degp_hbm,
                   xv, rb0, rb1, dstv, onesv, deg_acc, sg0, sg1, sw, sd):
    c = lax.axis_index("c")
    s = lax.axis_index("s")
    wid = s * NC + c

    rbs = (rb0, rb1)
    gse = (sg0, sg1)
    def _h0_slice(j):
        return h0_hbm.at[pl.ds(wid * (XB * XCH) + j * XCH, XCH)]

    pltpu.sync_copy(x_hbm.at[wid], xv)
    pltpu.async_copy(emb_hbm.at[xv.at[0]], rb0, sg0)
    for j in range(XB):
        b = j % 2
        if j + 1 < XB:
            if j >= 1:
                pltpu.make_async_copy(rbs[1 - b], _h0_slice(j - 1), sw).wait()
            pltpu.async_copy(emb_hbm.at[xv.at[j + 1]], rbs[1 - b], gse[1 - b])
        pltpu.make_async_copy(emb_hbm.at[xv.at[j]], rbs[b], gse[b]).wait()
        pltpu.async_copy(rbs[b], _h0_slice(j), sw)

    pltpu.sync_copy(zeros16_hbm.at[pl.ds(s * RPT, RPT)],
                    deg_acc.at[pl.ds(s * RPT, RPT)])
    pltpu.sync_copy(ones16_hbm, onesv)
    pltpu.sync_copy(dst_hbm.at[s, pl.ds(c * (CH // 2), CH // 2)], dstv)
    plsc.subcore_barrier()

    def body(g, carry):
        for k in range(4):
            pltpu.async_copy(onesv, deg_acc.at[dstv.at[g * 4 + k]], sd,
                             add=True)
        for k in range(4):
            pltpu.make_async_copy(onesv, deg_acc.at[dstv.at[g * 4 + k]],
                                  sd).wait()
        return carry

    lax.fori_loop(0, CH // 8, body, 0)
    for j in (XB - 2, XB - 1):
        pltpu.make_async_copy(rbs[j % 2], _h0_slice(j), sw).wait()
    plsc.subcore_barrier()
    pltpu.sync_copy(deg_acc.at[pl.ds(s * RPT, RPT)],
                    degp_hbm.at[c, pl.ds(s * RPT, RPT)])


@functools.partial(
    pl.kernel,
    mesh=_mesh,
    compiler_params=_sc_params,
    out_type=jax.ShapeDtypeStruct((NC, N_PAD, H), jnp.float32),
    scratch_types=[
        pltpu.VMEM((CH, CHUNK), jnp.int32),
        pltpu.VMEM((CH, CHUNK), jnp.int32),
        pltpu.VMEM((CHUNK, H), jnp.float32),
        pltpu.VMEM((CHUNK, H), jnp.float32),
        pltpu.VMEM((CHUNK, H), jnp.float32),
        pltpu.VMEM((CHUNK, H), jnp.float32),
        pltpu.VMEM_SHARED((N_PAD, H), jnp.float32),
        pltpu.SemaphoreType.DMA,
        pltpu.SemaphoreType.DMA,
        pltpu.SemaphoreType.DMA,
        pltpu.SemaphoreType.DMA,
        pltpu.SemaphoreType.DMA,
        pltpu.SemaphoreType.DMA,
        pltpu.SemaphoreType.DMA,
        pltpu.SemaphoreType.DMA,
    ],
)
def _sc_edge_agg(hs_hbm, src_hbm, dst_hbm, zeros_hbm, p_hbm,
                 srcv, dstv, r0, r1, r2, r3, accum,
                 g0, g1, g2, g3, s0, s1, s2, s3):
    c = lax.axis_index("c")
    s = lax.axis_index("s")
    rows = (r0, r1, r2, r3)
    gsem = (g0, g1, g2, g3)
    ssem = (s0, s1, s2, s3)

    pltpu.sync_copy(zeros_hbm.at[pl.ds(s * RPT, RPT)],
                    accum.at[pl.ds(s * RPT, RPT)])
    pltpu.sync_copy(src_hbm.at[s], srcv)
    pltpu.sync_copy(dst_hbm.at[s], dstv)
    plsc.subcore_barrier()

    def _scatter(j, db2):
        pltpu.make_async_copy(hs_hbm.at[c].at[srcv.at[j]], rows[db2],
                              gsem[db2]).wait()
        pltpu.async_copy(rows[db2], accum.at[dstv.at[j]], ssem[db2], add=True)

    def quad(q, carry):
        for db in range(4):
            j = q * 4 + db

            @pl.when(q >= 1)
            def _(db=db, j=j):
                pltpu.make_async_copy(rows[db], accum.at[dstv.at[j - 4]],
                                      ssem[db]).wait()

            pltpu.async_copy(hs_hbm.at[c].at[srcv.at[j]], rows[db], gsem[db])

            db2 = (db + 2) % 4
            if db < 2:
                @pl.when(q >= 1)
                def _(j=j, db2=db2):
                    _scatter(j - 2, db2)
            else:
                _scatter(j - 2, db2)
        return carry

    lax.fori_loop(0, CH // 4, quad, 0)
    _scatter(CH - 2, (CH - 2) % 4)
    _scatter(CH - 1, (CH - 1) % 4)
    for db in range(4):
        j = CH - 4 + db
        pltpu.make_async_copy(rows[db], accum.at[dstv.at[j]], ssem[db]).wait()
    plsc.subcore_barrier()
    pltpu.sync_copy(accum.at[pl.ds(s * RPT, RPT)],
                    p_hbm.at[c, pl.ds(s * RPT, RPT)])


FCH = CH + 2
NSLOT = 1040
SPT = NSLOT // NS


@functools.partial(
    pl.kernel,
    mesh=_mesh,
    compiler_params=_sc_params_nl,
    out_type=[
        jax.ShapeDtypeStruct((NC, 1024, H), jnp.float32),
        jax.ShapeDtypeStruct((NC, 1024, H), jnp.float32),
        jax.ShapeDtypeStruct((NC, 1024, 16), jnp.float32),
        jax.ShapeDtypeStruct((NC, 1024, H), jnp.float32),
    ],
    scratch_types=[
        pltpu.VMEM((CH, CHUNK), jnp.int32),
        pltpu.VMEM((CH, CHUNK), jnp.int32),
        pltpu.VMEM((FCH, CHUNK), jnp.int32),
        pltpu.VMEM((FCH, CHUNK), jnp.int32),
        pltpu.VMEM((N_PAD,), jnp.int32),
        pltpu.VMEM((1024,), jnp.int32),
        pltpu.VMEM((64,), jnp.int32),
        pltpu.VMEM((CHUNK, H), jnp.float32),
        pltpu.VMEM((CHUNK, H), jnp.float32),
        pltpu.VMEM((64, H), jnp.float32),
        pltpu.VMEM((64, 16), jnp.float32),
        pltpu.VMEM_SHARED((NSLOT, H), jnp.float32),
        pltpu.SemaphoreType.DMA,
        pltpu.SemaphoreType.DMA,
    ],
)
def _sc_edge_agg_targets(hs_hbm, src_hbm, dst_hbm, ti_hbm, zi32_hbm,
                         zeros_hbm, degp_hbm, pt_hbm, hst_hbm, degt_hbm,
                         p3c_hbm, srcv, dstv, fsrc, fdst, mark, tiv, slotbuf,
                         rows0, rows1, bufh, bufd, accum, g0, g1):
    c = lax.axis_index("c")
    s = lax.axis_index("s")
    i32 = jnp.int32

    pltpu.sync_copy(zeros_hbm.at[pl.ds(s * SPT, SPT)],
                    accum.at[pl.ds(s * SPT, SPT)])
    pltpu.sync_copy(src_hbm.at[s], srcv)
    pltpu.sync_copy(dst_hbm.at[s], dstv)
    pltpu.sync_copy(zi32_hbm, mark)
    pltpu.sync_copy(ti_hbm, tiv)

    lane = lax.iota(i32, 16)
    for t in range(1024 // 16):
        tv = tiv[pl.ds(t * 16, 16)]
        plsc.store_scatter(mark, [tv], t * 16 + lane + 1)

    for t2 in range(4):
        tv = tiv[pl.ds(s * 64 + t2 * 16, 16)]
        slotbuf[pl.ds(t2 * 16, 16)] = plsc.load_gather(mark, [tv]) - 1

    def filt(j, off):
        for k in range(CHUNK // 16):
            sv = srcv[j, pl.ds(k * 16, 16)]
            dv = dstv[j, pl.ds(k * 16, 16)]
            flags = plsc.load_gather(mark, [dv])
            msk = flags > 0
            mi = jnp.where(msk, 1, 0).astype(i32)
            pos = off + plsc.cumsum(mi) - 1
            row = lax.shift_right_logical(pos, 7)
            col = lax.bitwise_and(pos, 127)
            plsc.store_scatter(fsrc, [row, col], sv, mask=msk)
            plsc.store_scatter(fdst, [row, col], flags - 1, mask=msk)
            off = off + jnp.sum(mi)
        return off

    off = lax.fori_loop(0, CH, filt, jnp.asarray(0, i32))

    trash_s = jnp.full((16,), N, i32)
    trash_d = jnp.full((16,), 1024, i32)
    for t in range(256 // 16):
        pos = off + t * 16 + lane
        row = lax.shift_right_logical(pos, 7)
        col = lax.bitwise_and(pos, 127)
        plsc.store_scatter(fsrc, [row, col], trash_s)
        plsc.store_scatter(fdst, [row, col], trash_d)

    plsc.subcore_barrier()

    npair = jnp.maximum((off + 255) // 256, 1)

    pltpu.async_copy(hs_hbm.at[c].at[fsrc.at[0]], rows0, g0)

    def pair(jj, carry):
        j = jj * 2
        pltpu.async_copy(hs_hbm.at[c].at[fsrc.at[j + 1]], rows1, g1)
        pltpu.make_async_copy(hs_hbm.at[c].at[fsrc.at[j]], rows0, g0).wait()
        pltpu.sync_copy(rows0, accum.at[fdst.at[j]], add=True)

        @pl.when(jj + 1 < npair)
        def _():
            pltpu.async_copy(hs_hbm.at[c].at[fsrc.at[j + 2]], rows0, g0)

        pltpu.make_async_copy(hs_hbm.at[c].at[fsrc.at[j + 1]], rows1, g1).wait()
        pltpu.sync_copy(rows1, accum.at[fdst.at[j + 1]], add=True)
        return carry

    lax.fori_loop(0, npair, pair, 0)
    plsc.subcore_barrier()

    pltpu.sync_copy(accum.at[pl.ds(s * 64, 64)],
                    p3c_hbm.at[c, pl.ds(s * 64, 64)])
    plsc.subcore_barrier()
    tslice = tiv.at[pl.ds(s * 64, 64)]
    pltpu.async_copy(p3c_hbm.at[c].at[slotbuf], bufh, g0).wait()
    pltpu.sync_copy(bufh, pt_hbm.at[c, pl.ds(s * 64, 64)])
    pltpu.async_copy(hs_hbm.at[c].at[tslice], bufh, g0).wait()
    pltpu.sync_copy(bufh, hst_hbm.at[c, pl.ds(s * 64, 64)])
    pltpu.async_copy(degp_hbm.at[c].at[tslice], bufd, g0).wait()
    pltpu.sync_copy(bufd, degt_hbm.at[c, pl.ds(s * 64, 64)])


_BLK = 1024
_GRID = N_PAD // _BLK

_half_spec = pl.BlockSpec((NC, _BLK, H), lambda i: (0, i, 0))
_full_spec = pl.BlockSpec((_BLK, D), lambda i: (i, 0))
_dinv_spec = pl.BlockSpec((_BLK, 1), lambda i: (i, 0))
_w_spec = pl.BlockSpec((D, D), lambda i: (0, 0))
_v_spec = pl.BlockSpec((1, D), lambda i: (0, 0))


def _tc_first_body(h0_ref, w_ref, d0_ref, d1_ref, hs_ref, dinv_ref):
    pid = pl.program_id(0)
    deg = d0_ref[:, 0:1] + d1_ref[:, 0:1] + 1.0
    rows = lax.broadcasted_iota(jnp.int32, (_BLK, 1), 0) + pid * _BLK
    dinv = jnp.where(rows < N, lax.rsqrt(deg), 0.0)
    hw = jnp.dot(h0_ref[...], w_ref[...], preferred_element_type=jnp.float32)
    hs = hw * dinv
    hs_ref[0] = hs[:, :H]
    hs_ref[1] = hs[:, H:]
    dinv_ref[...] = dinv


def _tc_first(h0, w0, d0, d1):
    return pl.pallas_call(
        _tc_first_body,
        grid=(_GRID,),
        in_specs=[
            _full_spec,
            _w_spec,
            pl.BlockSpec((_BLK, 16), lambda i: (i, 0)),
            pl.BlockSpec((_BLK, 16), lambda i: (i, 0)),
        ],
        out_specs=[_half_spec, _dinv_spec],
        out_shape=[
            jax.ShapeDtypeStruct((NC, N_PAD, H), jnp.float32),
            jax.ShapeDtypeStruct((N_PAD, 1), jnp.float32),
        ],
    )(h0, w0, d0, d1)


def _halves_ln_relu(p_ref, hs_ref, dinv_ref, b_ref, g_ref, be_ref):
    dinv = dinv_ref[...]
    b = b_ref[...]
    g = g_ref[...]
    be = be_ref[...]
    z_lo = (p_ref[0] + hs_ref[0]) * dinv + b[:, :H]
    z_hi = (p_ref[1] + hs_ref[1]) * dinv + b[:, H:]
    mu = (jnp.sum(z_lo, axis=-1, keepdims=True)
          + jnp.sum(z_hi, axis=-1, keepdims=True)) * (1.0 / D)
    zc_lo = z_lo - mu
    zc_hi = z_hi - mu
    var = (jnp.sum(zc_lo * zc_lo, axis=-1, keepdims=True)
           + jnp.sum(zc_hi * zc_hi, axis=-1, keepdims=True)) * (1.0 / D)
    rs = lax.rsqrt(var + 1e-5)
    h_lo = jnp.maximum(zc_lo * rs * g[:, :H] + be[:, :H], 0.0)
    h_hi = jnp.maximum(zc_hi * rs * g[:, H:] + be[:, H:], 0.0)
    return h_lo, h_hi, dinv


def _tc_mid_body(p_ref, hs_ref, dinv_ref, b_ref, g_ref, be_ref, w_ref,
                 out_ref):
    h_lo, h_hi, dinv = _halves_ln_relu(p_ref, hs_ref, dinv_ref, b_ref, g_ref,
                                       be_ref)
    w = w_ref[...]
    hw = (jnp.dot(h_lo, w[:H, :], preferred_element_type=jnp.float32)
          + jnp.dot(h_hi, w[H:, :], preferred_element_type=jnp.float32))
    hs = hw * dinv
    out_ref[0] = hs[:, :H]
    out_ref[1] = hs[:, H:]


def _tc_mid(p, hs, dinv, b, g, be, w):
    return pl.pallas_call(
        _tc_mid_body,
        grid=(_GRID,),
        in_specs=[_half_spec, _half_spec, _dinv_spec, _v_spec, _v_spec,
                  _v_spec, _w_spec],
        out_specs=_half_spec,
        out_shape=jax.ShapeDtypeStruct((NC, N_PAD, H), jnp.float32),
    )(p, hs, dinv, b, g, be, w)


def _tc_final_body(pt_ref, hst_ref, degt_ref, b2_ref, g2_ref, be2_ref,
                   w0_ref, b0_ref, g0_ref, be0_ref,
                   w1_ref, b1_ref, g1_ref, be1_ref, wo_ref, bo_ref, out_ref):
    def lin_ln_relu(h, w, b, g, be):
        z = jnp.dot(h, w, preferred_element_type=jnp.float32) + b
        mu = jnp.mean(z, axis=-1, keepdims=True)
        zc = z - mu
        var = jnp.mean(zc * zc, axis=-1, keepdims=True)
        zn = zc * lax.rsqrt(var + 1e-5) * g + be
        return jnp.maximum(zn, 0.0)

    deg = degt_ref[0][:, 0:1] + degt_ref[1][:, 0:1] + 1.0
    dinv = lax.rsqrt(deg)
    b2 = b2_ref[...]
    g2 = g2_ref[...]
    be2 = be2_ref[...]
    z_lo = (pt_ref[0] + hst_ref[0]) * dinv + b2[:, :H]
    z_hi = (pt_ref[1] + hst_ref[1]) * dinv + b2[:, H:]
    mu = (jnp.sum(z_lo, axis=-1, keepdims=True)
          + jnp.sum(z_hi, axis=-1, keepdims=True)) * (1.0 / D)
    zc_lo = z_lo - mu
    zc_hi = z_hi - mu
    var = (jnp.sum(zc_lo * zc_lo, axis=-1, keepdims=True)
           + jnp.sum(zc_hi * zc_hi, axis=-1, keepdims=True)) * (1.0 / D)
    rs = lax.rsqrt(var + 1e-5)
    h_lo = jnp.maximum(zc_lo * rs * g2[:, :H] + be2[:, :H], 0.0)
    h_hi = jnp.maximum(zc_hi * rs * g2[:, H:] + be2[:, H:], 0.0)

    w0 = w0_ref[...]
    h = (jnp.dot(h_lo, w0[:H, :], preferred_element_type=jnp.float32)
         + jnp.dot(h_hi, w0[H:, :], preferred_element_type=jnp.float32)
         + b0_ref[...])
    mu = jnp.mean(h, axis=-1, keepdims=True)
    zc = h - mu
    var = jnp.mean(zc * zc, axis=-1, keepdims=True)
    h = jnp.maximum(zc * lax.rsqrt(var + 1e-5) * g0_ref[...] + be0_ref[...],
                    0.0)
    h = lin_ln_relu(h, w1_ref[...], b1_ref[...], g1_ref[...], be1_ref[...])
    out_ref[...] = jnp.dot(h, wo_ref[...],
                           preferred_element_type=jnp.float32) + bo_ref[...]


def _tc_final(pt, hst, degt, b2, g2, be2, w0, b0, g0, be0,
              w1, b1, g1, be1, wo, bo):
    hspec = pl.BlockSpec((NC, 1024, H), lambda: (0, 0, 0))
    wspec = pl.BlockSpec((D, D), lambda: (0, 0))
    vspec = pl.BlockSpec((1, D), lambda: (0, 0))
    return pl.pallas_call(
        _tc_final_body,
        in_specs=[hspec, hspec, pl.BlockSpec((NC, 1024, 16), lambda: (0, 0, 0)),
                  vspec, vspec, vspec,
                  wspec, vspec, vspec, vspec,
                  wspec, vspec, vspec, vspec, wspec, vspec],
        out_specs=pl.BlockSpec((1024, D), lambda: (0, 0)),
        out_shape=jax.ShapeDtypeStruct((1024, D), jnp.float32),
    )(pt, hst, degt, b2, g2, be2, w0, b0, g0, be0, w1, b1, g1, be1, wo, bo)


def kernel(x, edge_index, teamplate_node_mask, target_indices, edge_list,
           emb, conv_W, conv_b, conv_g, conv_be,
           lin_W, lin_b, lin_g, lin_be, out_W, out_b):
    f32 = jnp.float32
    i32 = jnp.int32

    x = jnp.ravel(x).astype(i32)
    x_pad = jnp.concatenate([x, jnp.zeros((N_PAD - N,), i32)]).reshape(NW, XB, XCH)

    edges = edge_list[0]
    epad = E_PAD - edges.shape[1]
    src_p = jnp.concatenate([edges[0].astype(i32), jnp.full((epad,), N, i32)])
    dst_p = jnp.concatenate([edges[1].astype(i32), jnp.full((epad,), N, i32)])
    src_p = src_p.reshape(NS, CH, CHUNK)
    dst_p = dst_p.reshape(NS, CH, CHUNK)

    ti_flat = jnp.ravel(target_indices).astype(i32)
    zi32 = jnp.zeros((N_PAD,), i32)

    zeros_h = jnp.zeros((N_PAD, H), f32)
    zeros16 = jnp.zeros((N_PAD, 16), f32)
    ones16 = jnp.ones((CHUNK, 16), f32)

    cb = conv_b.reshape(3, 1, D)
    cg = conv_g.reshape(3, 1, D)
    cbe = conv_be.reshape(3, 1, D)
    lb = lin_b.reshape(2, 1, D)
    lg = lin_g.reshape(2, 1, D)
    lbe = lin_be.reshape(2, 1, D)
    wo = jnp.zeros((D, D), f32).at[:, :OUT].set(out_W)
    bo = jnp.zeros((1, D), f32).at[0, :OUT].set(out_b)

    h0, degp = _sc_gather_deg(emb, x_pad, dst_p, zeros16, ones16)

    hs, dinv = _tc_first(h0, conv_W[0], degp[0], degp[1])

    for i in range(2):
        p = _sc_edge_agg(hs, src_p, dst_p, zeros_h)
        hs = _tc_mid(p, hs, dinv, cb[i], cg[i], cbe[i], conv_W[i + 1])

    pt, hst, degt, _ = _sc_edge_agg_targets(hs, src_p, dst_p, ti_flat, zi32,
                                            zeros_h, degp)
    out = _tc_final(pt, hst, degt, cb[2], cg[2], cbe[2],
                    lin_W[0], lb[0], lg[0], lbe[0],
                    lin_W[1], lb[1], lg[1], lbe[1], wo, bo)
    return out[:, :OUT]

# --- scband reference (transcript-rebuilt; emitter-appended) ---
"""Pipeline reference for scband-gnn-classification-56642028700255 (READ-ONLY COPY).

The authoritative reference and input builder live on the scoring server;
editing this copy changes nothing except your own understanding.
"""

import jax, jax.numpy as jnp
import numpy as np

N = 10000
E = 320000
V = 10000
D = 128
L_GNN = 3
L_LIN = 2
OUT = 10


def _layer_norm(h, g, b, eps=1e-5):
    mu = jnp.mean(h, axis=-1, keepdims=True)
    var = jnp.var(h, axis=-1, keepdims=True)
    return (h - mu) / jnp.sqrt(var + eps) * g + b


def _gcn_conv(h, edges, W, b):
    # GCNConv with self-loops and symmetric normalization: D^-1/2 (A+I) D^-1/2 (h W) + b
    n = h.shape[0]
    loop = jnp.arange(n, dtype=edges.dtype)
    src = jnp.concatenate([edges[0], loop])
    dst = jnp.concatenate([edges[1], loop])
    deg = jnp.zeros((n,), dtype=h.dtype).at[dst].add(1.0)
    dinv = jnp.where(deg > 0, jax.lax.rsqrt(deg), 0.0)
    norm = dinv[src] * dinv[dst]
    hw = h @ W
    msg = jnp.take(hw, src, axis=0) * norm[:, None]
    out = jnp.zeros((n, W.shape[1]), dtype=h.dtype).at[dst].add(msg)
    return out + b


def setup_inputs(seed: int = 0):
    key = jax.random.key(seed)
    ks = jax.random.split(key, 20)
    inp = {}
    inp["x"] = jax.random.randint(ks[0], (N,), 0, V, dtype=jnp.int32)
    inp["edge_index"] = jax.random.randint(ks[1], (2, E), 0, N, dtype=jnp.int32)
    inp["teamplate_node_mask"] = jnp.zeros((N,), dtype=jnp.bool_)
    inp["target_indices"] = jax.random.randint(ks[2], (1024,), 0, N, dtype=jnp.int32)
    inp["edge_list"] = jax.random.randint(ks[3], (1, 2, E), 0, N, dtype=jnp.int32)
    # learned parameters
    inp["emb"] = jax.random.normal(ks[4], (V, D), dtype=jnp.float32)
    inp["conv_W"] = jax.random.normal(ks[5], (L_GNN, D, D), dtype=jnp.float32) * (1.0 / np.sqrt(D))
    inp["conv_b"] = jnp.zeros((L_GNN, D), dtype=jnp.float32)
    inp["conv_g"] = jnp.ones((L_GNN, D), dtype=jnp.float32)
    inp["conv_be"] = jnp.zeros((L_GNN, D), dtype=jnp.float32)
    inp["lin_W"] = jax.random.normal(ks[6], (L_LIN, D, D), dtype=jnp.float32) * (1.0 / np.sqrt(D))
    inp["lin_b"] = jnp.zeros((L_LIN, D), dtype=jnp.float32)
    inp["lin_g"] = jnp.ones((L_LIN, D), dtype=jnp.float32)
    inp["lin_be"] = jnp.zeros((L_LIN, D), dtype=jnp.float32)
    inp["out_W"] = jax.random.normal(ks[7], (D, OUT), dtype=jnp.float32) * (1.0 / np.sqrt(D))
    inp["out_b"] = jnp.zeros((OUT,), dtype=jnp.float32)
    return inp


def reference(x, edge_index, teamplate_node_mask, target_indices, edge_list,
              emb, conv_W, conv_b, conv_g, conv_be,
              lin_W, lin_b, lin_g, lin_be, out_W, out_b):
    x = jnp.ravel(x)
    ti = jnp.ravel(target_indices)
    h = jnp.take(emb, x, axis=0)
    edges = edge_list[0]
    for i in range(L_GNN):
        h = _gcn_conv(h, edges, conv_W[i], conv_b[i])
        h = _layer_norm(h, conv_g[i], conv_be[i])
        h = jax.nn.relu(h)
    h = jnp.take(h, ti, axis=0)
    for i in range(L_LIN):
        h = h @ lin_W[i] + lin_b[i]
        h = _layer_norm(h, lin_g[i], lin_be[i])
        h = jax.nn.relu(h)
    return h @ out_W + out_b

if __name__ == "__main__":
    import jax
    _d = setup_inputs()
    print(jax.jit(kernel)(*tuple(_d.values())))

</pallas_src>

<mosaic_0001>
#map = affine_map<(d0, d1) -> (0, 0, 0)>
#map1 = affine_map<(d0, d1) -> (0, 0)>
module attributes {stable_mosaic.version = 14 : i64} {
  func.func @_sc_edge_agg(%arg0: i32, %arg1: i32, %arg2: memref<2x10240x64xf32, #tpu.memory_space<hbm>>, %arg3: memref<16x160x128xi32, #tpu.memory_space<hbm>>, %arg4: memref<16x160x128xi32, #tpu.memory_space<hbm>>, %arg5: memref<10240x64xf32, #tpu.memory_space<hbm>>, %arg6: memref<2x10240x64xf32, #tpu.memory_space<hbm>>, %arg7: memref<160x128xi32, #tpu.memory_space<vmem>>, %arg8: memref<160x128xi32, #tpu.memory_space<vmem>>, %arg9: memref<128x64xf32, #tpu.memory_space<vmem>>, %arg10: memref<128x64xf32, #tpu.memory_space<vmem>>, %arg11: memref<128x64xf32, #tpu.memory_space<vmem>>, %arg12: memref<128x64xf32, #tpu.memory_space<vmem>>, %arg13: memref<10240x64xf32, #tpu.memory_space<vmem_shared>>, %arg14: memref<!tpu.dma_semaphore, #tpu.memory_space<semaphore_mem>>, %arg15: memref<!tpu.dma_semaphore, #tpu.memory_space<semaphore_mem>>, %arg16: memref<!tpu.dma_semaphore, #tpu.memory_space<semaphore_mem>>, %arg17: memref<!tpu.dma_semaphore, #tpu.memory_space<semaphore_mem>>, %arg18: memref<!tpu.dma_semaphore, #tpu.memory_space<semaphore_mem>>, %arg19: memref<!tpu.dma_semaphore, #tpu.memory_space<semaphore_mem>>, %arg20: memref<!tpu.dma_semaphore, #tpu.memory_space<semaphore_mem>>, %arg21: memref<!tpu.dma_semaphore, #tpu.memory_space<semaphore_mem>>) attributes {dimension_semantics = [#tpu.dimension_semantics<core_parallel>, #tpu.dimension_semantics<subcore_parallel>], iteration_bounds = array<i64: 2, 16>, scalar_prefetch = 0 : i64, scratch_operands = 15 : i64, tpu.core_type = #tpu.core_type<sc_vector_subcore>, window_params = [{transform_indices = #map}, {transform_indices = #map}, {transform_indices = #map}, {transform_indices = #map1}, {transform_indices = #map}]} {
    %mul3A = arith.constant 640 : i32
    %mul3A_0 = arith.muli %arg1, %mul3A : i32
    %mul3A_1 = arith.constant 640 : i32
    %mul3A_2 = arith.muli %arg1, %mul3A_1 : i32
    "tpu.region"() ({
      %run_scoped3A = tpu.sem_alloc : memref<!tpu.dma_semaphore, #tpu.memory_space<semaphore_mem>>
      %dma_start3A_75 = arith.constant 0 : i32
      %dma_start3A_76 = tpu.memref_slice %arg13[%mul3A_2, %dma_start3A_75] : memref<10240x64xf32, #tpu.memory_space<vmem_shared>> -> memref<640x64xf32, #tpu.memory_space<vmem_shared>>
      %dma_start3A_77 = arith.constant 0 : i32
      %dma_start3A_78 = tpu.memref_slice %arg5[%mul3A_0, %dma_start3A_77] : memref<10240x64xf32, #tpu.memory_space<hbm>> -> memref<640x64xf32, #tpu.memory_space<hbm>>
      tpu.enqueue_dma source(%dma_start3A_78 : memref<640x64xf32, #tpu.memory_space<hbm>>) target(%dma_start3A_76 : memref<640x64xf32, #tpu.memory_space<vmem_shared>>) target_semaphore(%run_scoped3A : memref<!tpu.dma_semaphore, #tpu.memory_space<semaphore_mem>>)
      %dma_wait3A_79 = arith.constant 0 : i32
      %dma_wait3A_80 = tpu.memref_slice %arg13[%mul3A_2, %dma_wait3A_79] : memref<10240x64xf32, #tpu.memory_space<vmem_shared>> -> memref<640x64xf32, #tpu.memory_space<vmem_shared>>
      %dma_wait3A_81 = arith.constant 0 : i32
      %dma_wait3A_82 = tpu.memref_slice %arg5[%mul3A_0, %dma_wait3A_81] : memref<10240x64xf32, #tpu.memory_space<hbm>> -> memref<640x64xf32, #tpu.memory_space<hbm>>
      tpu.wait_dma2 semaphore(%run_scoped3A : memref<!tpu.dma_semaphore, #tpu.memory_space<semaphore_mem>>) src(%dma_wait3A_82 : memref<640x64xf32, #tpu.memory_space<hbm>>) dst(%dma_wait3A_80 : memref<640x64xf32, #tpu.memory_space<vmem_shared>>)
      tpu.yield
    }) : () -> ()
    "tpu.region"() ({
      %run_scoped3A = tpu.sem_alloc : memref<!tpu.dma_semaphore, #tpu.memory_space<semaphore_mem>>
      %dma_start3A_75 = arith.constant 0 : i32
      %dma_start3A_76 = arith.constant 0 : i32
      %dma_start3A_77 = tpu.memref_slice %arg3[%arg1, %dma_start3A_75, %dma_start3A_76] : memref<16x160x128xi32, #tpu.memory_space<hbm>> -> memref<1x160x128xi32, #tpu.memory_space<hbm>>
      %dma_start3A_78 = tpu.memref_squeeze %dma_start3A_77 : memref<1x160x128xi32, #tpu.memory_space<hbm>> -> memref<160x128xi32, #tpu.memory_space<hbm>>
      %dma_start3A_79 = arith.constant 0 : i32
      %dma_start3A_80 = arith.constant 0 : i32
      %dma_start3A_81 = tpu.memref_slice %arg3[%arg1, %dma_start3A_79, %dma_start3A_80] : memref<16x160x128xi32, #tpu.memory_space<hbm>> -> memref<1x160x128xi32, #tpu.memory_space<hbm>>
      %dma_start3A_82 = tpu.memref_squeeze %dma_start3A_81 : memref<1x160x128xi32, #tpu.memory_space<hbm>> -> memref<160x128xi32, #tpu.memory_space<hbm>>
      tpu.enqueue_dma source(%dma_start3A_82 : memref<160x128xi32, #tpu.memory_space<hbm>>) target(%arg7 : memref<160x128xi32, #tpu.memory_space<vmem>>) target_semaphore(%run_scoped3A : memref<!tpu.dma_semaphore, #tpu.memory_space<semaphore_mem>>)
      %dma_wait3A_83 = arith.constant 0 : i32
      %dma_wait3A_84 = arith.constant 0 : i32
      %dma_wait3A_85 = tpu.memref_slice %arg3[%arg1, %dma_wait3A_83, %dma_wait3A_84] : memref<16x160x128xi32, #tpu.memory_space<hbm>> -> memref<1x160x128xi32, #tpu.memory_space<hbm>>
      %dma_wait3A_86 = tpu.memref_squeeze %dma_wait3A_85 : memref<1x160x128xi32, #tpu.memory_space<hbm>> -> memref<160x128xi32, #tpu.memory_space<hbm>>
      %dma_wait3A_87 = arith.constant 0 : i32
      %dma_wait3A_88 = arith.constant 0 : i32
      %dma_wait3A_89 = tpu.memref_slice %arg3[%arg1, %dma_wait3A_87, %dma_wait3A_88] : memref<16x160x128xi32, #tpu.memory_space<hbm>> -> memref<1x160x128xi32, #tpu.memory_space<hbm>>
      %dma_wait3A_90 = tpu.memref_squeeze %dma_wait3A_89 : memref<1x160x128xi32, #tpu.memory_space<hbm>> -> memref<160x128xi32, #tpu.memory_space<hbm>>
      tpu.wait_dma2 semaphore(%run_scoped3A : memref<!tpu.dma_semaphore, #tpu.memory_space<semaphore_mem>>) src(%dma_wait3A_90 : memref<160x128xi32, #tpu.memory_space<hbm>>) dst(%arg7 : memref<160x128xi32, #tpu.memory_space<vmem>>)
      tpu.yield
    }) : () -> ()
    "tpu.region"() ({
      %run_scoped3A = tpu.sem_alloc : memref<!tpu.dma_semaphore, #tpu.memory_space<semaphore_mem>>
      %dma_start3A_75 = arith.constant 0 : i32
      %dma_start3A_76 = arith.constant 0 : i32
      %dma_start3A_77 = tpu.memref_slice %arg4[%arg1, %dma_start3A_75, %dma_start3A_76] : memref<16x160x128xi32, #tpu.memory_space<hbm>> -> memref<1x160x128xi32, #tpu.memory_space<hbm>>
      %dma_start3A_78 = tpu.memref_squeeze %dma_start3A_77 : memref<1x160x128xi32, #tpu.memory_space<hbm>> -> memref<160x128xi32, #tpu.memory_space<hbm>>
      %dma_start3A_79 = arith.constant 0 : i32
      %dma_start3A_80 = arith.constant 0 : i32
      %dma_start3A_81 = tpu.memref_slice %arg4[%arg1, %dma_start3A_79, %dma_start3A_80] : memref<16x160x128xi32, #tpu.memory_space<hbm>> -> memref<1x160x128xi32, #tpu.memory_space<hbm>>
      %dma_start3A_82 = tpu.memref_squeeze %dma_start3A_81 : memref<1x160x128xi32, #tpu.memory_space<hbm>> -> memref<160x128xi32, #tpu.memory_space<hbm>>
      tpu.enqueue_dma source(%dma_start3A_82 : memref<160x128xi32, #tpu.memory_space<hbm>>) target(%arg8 : memref<160x128xi32, #tpu.memory_space<vmem>>) target_semaphore(%run_scoped3A : memref<!tpu.dma_semaphore, #tpu.memory_space<semaphore_mem>>)
      %dma_wait3A_83 = arith.constant 0 : i32
      %dma_wait3A_84 = arith.constant 0 : i32
      %dma_wait3A_85 = tpu.memref_slice %arg4[%arg1, %dma_wait3A_83, %dma_wait3A_84] : memref<16x160x128xi32, #tpu.memory_space<hbm>> -> memref<1x160x128xi32, #tpu.memory_space<hbm>>
      %dma_wait3A_86 = tpu.memref_squeeze %dma_wait3A_85 : memref<1x160x128xi32, #tpu.memory_space<hbm>> -> memref<160x128xi32, #tpu.memory_space<hbm>>
      %dma_wait3A_87 = arith.constant 0 : i32
      %dma_wait3A_88 = arith.constant 0 : i32
      %dma_wait3A_89 = tpu.memref_slice %arg4[%arg1, %dma_wait3A_87, %dma_wait3A_88] : memref<16x160x128xi32, #tpu.memory_space<hbm>> -> memref<1x160x128xi32, #tpu.memory_space<hbm>>
      %dma_wait3A_90 = tpu.memref_squeeze %dma_wait3A_89 : memref<1x160x128xi32, #tpu.memory_space<hbm>> -> memref<160x128xi32, #tpu.memory_space<hbm>>
      tpu.wait_dma2 semaphore(%run_scoped3A : memref<!tpu.dma_semaphore, #tpu.memory_space<semaphore_mem>>) src(%dma_wait3A_90 : memref<160x128xi32, #tpu.memory_space<hbm>>) dst(%arg8 : memref<160x128xi32, #tpu.memory_space<vmem>>)
      tpu.yield
    }) : () -> ()
    %barrier3A = arith.constant 0 : index
    tpu.barrier barrier_id(%barrier3A)
    %scan3A = arith.constant 0 : i32
    %scan3A_3 = arith.constant 0 : i32
    %scan3A_4 = arith.constant 40 : i32
    %scan3A_5 = arith.addi %scan3A_3, %scan3A_4 : i32
    %scan3A_6 = arith.constant 1 : i32
    scf.for %scan3A_75 = %scan3A_3 to %scan3A_5 step %scan3A_6  : i32 {
      %mul3A_76 = arith.constant 4 : i32
      %mul3A_77 = arith.muli %scan3A_75, %mul3A_76 : i32
      %add3A = arith.constant 0 : i32
      %add3A_78 = arith.addi %mul3A_77, %add3A : i32
      %ge3A = arith.constant 1 : i32
      %ge3A_79 = arith.cmpi sge, %scan3A_75, %ge3A : i32
      %convert_element_type3A = arith.extui %ge3A_79 : i1 to i32
      %cond3A = arith.constant 0 : i32
      %cond3A_80 = arith.cmpi ne, %convert_element_type3A, %cond3A : i32
      scf.if %cond3A_80 {
        %sub3A_193 = arith.constant 4 : i32
        %sub3A_194 = arith.subi %add3A_78, %sub3A_193 : i32
        %dma_wait3A_195 = arith.constant 0 : i32
        %dma_wait3A_196 = tpu.memref_slice %arg8[%sub3A_194, %dma_wait3A_195] : memref<160x128xi32, #tpu.memory_space<vmem>> -> memref<1x128xi32, #tpu.memory_space<vmem>>
        %dma_wait3A_197 = tpu.memref_squeeze %dma_wait3A_196 : memref<1x128xi32, #tpu.memory_space<vmem>> -> memref<128xi32, #tpu.memory_space<vmem>>
        %dma_wait3A_198 = arith.constant 0 : i32
        %dma_wait3A_199 = arith.constant 0 : i32
        %dma_wait3A_200 = tpu.memref_slice %arg13[%dma_wait3A_198, %dma_wait3A_199] : memref<10240x64xf32, #tpu.memory_space<vmem_shared>> -> memref<10240x64xf32, #tpu.memory_space<vmem_shared>>
        tpu.wait_indirect_dma semaphore(%arg18 : memref<!tpu.dma_semaphore, #tpu.memory_space<semaphore_mem>>) src(%arg9 : memref<128x64xf32, #tpu.memory_space<vmem>>) dst(%dma_wait3A_200 : memref<10240x64xf32, #tpu.memory_space<vmem_shared>>)
      } else {
      }
      %dma_start3A_81 = arith.constant 0 : i32
      %dma_start3A_82 = tpu.memref_slice %arg7[%add3A_78, %dma_start3A_81] : memref<160x128xi32, #tpu.memory_space<vmem>> -> memref<1x128xi32, #tpu.memory_space<vmem>>
      %dma_start3A_83 = tpu.memref_squeeze %dma_start3A_82 : memref<1x128xi32, #tpu.memory_space<vmem>> -> memref<128xi32, #tpu.memory_space<vmem>>
      %dma_start3A_84 = arith.constant 0 : i32
      %dma_start3A_85 = arith.constant 0 : i32
      %dma_start3A_86 = tpu.memref_slice %arg2[%arg0, %dma_start3A_84, %dma_start3A_85] : memref<2x10240x64xf32, #tpu.memory_space<hbm>> -> memref<1x10240x64xf32, #tpu.memory_space<hbm>>
      %dma_start3A_87 = tpu.memref_squeeze %dma_start3A_86 : memref<1x10240x64xf32, #tpu.memory_space<hbm>> -> memref<10240x64xf32, #tpu.memory_space<hbm>>
      %dma_start3A_88 = arith.constant 0 : i32
      %dma_start3A_89 = arith.constant 0 : i32
      %dma_start3A_90 = tpu.memref_slice %dma_start3A_87[%dma_start3A_88, %dma_start3A_89] : memref<10240x64xf32, #tpu.memory_space<hbm>> -> memref<10240x64xf32, #tpu.memory_space<hbm>>
      tpu.enqueue_indirect_dma source(%dma_start3A_90 : memref<10240x64xf32, #tpu.memory_space<hbm>>) target(%arg9 : memref<128x64xf32, #tpu.memory_space<vmem>>) offsets(%dma_start3A_83 : memref<128xi32, #tpu.memory_space<vmem>>) semaphore(%arg14 : memref<!tpu.dma_semaphore, #tpu.memory_space<semaphore_mem>>)
      %ge3A_91 = arith.constant 1 : i32
      %ge3A_92 = arith.cmpi sge, %scan3A_75, %ge3A_91 : i32
      %convert_element_type3A_93 = arith.extui %ge3A_92 : i1 to i32
      %cond3A_94 = arith.constant 0 : i32
      %cond3A_95 = arith.cmpi ne, %convert_element_type3A_93, %cond3A_94 : i32
      scf.if %cond3A_95 {
        %sub3A_193 = arith.constant 2 : i32
        %sub3A_194 = arith.subi %add3A_78, %sub3A_193 : i32
        %dma_wait3A_195 = arith.constant 0 : i32
        %dma_wait3A_196 = tpu.memref_slice %arg7[%sub3A_194, %dma_wait3A_195] : memref<160x128xi32, #tpu.memory_space<vmem>> -> memref<1x128xi32, #tpu.memory_space<vmem>>
        %dma_wait3A_197 = tpu.memref_squeeze %dma_wait3A_196 : memref<1x128xi32, #tpu.memory_space<vmem>> -> memref<128xi32, #tpu.memory_space<vmem>>
        %dma_wait3A_198 = arith.constant 0 : i32
        %dma_wait3A_199 = arith.constant 0 : i32
        %dma_wait3A_200 = tpu.memref_slice %arg2[%arg0, %dma_wait3A_198, %dma_wait3A_199] : memref<2x10240x64xf32, #tpu.memory_space<hbm>> -> memref<1x10240x64xf32, #tpu.memory_space<hbm>>
        %dma_wait3A_201 = tpu.memref_squeeze %dma_wait3A_200 : memref<1x10240x64xf32, #tpu.memory_space<hbm>> -> memref<10240x64xf32, #tpu.memory_space<hbm>>
        %dma_wait3A_202 = arith.constant 0 : i32
        %dma_wait3A_203 = arith.constant 0 : i32
        %dma_wait3A_204 = tpu.memref_slice %dma_wait3A_201[%dma_wait3A_202, %dma_wait3A_203] : memref<10240x64xf32, #tpu.memory_space<hbm>> -> memref<10240x64xf32, #tpu.memory_space<hbm>>
        tpu.wait_indirect_dma semaphore(%arg16 : memref<!tpu.dma_semaphore, #tpu.memory_space<semaphore_mem>>) src(%dma_wait3A_204 : memref<10240x64xf32, #tpu.memory_space<hbm>>) dst(%arg11 : memref<128x64xf32, #tpu.memory_space<vmem>>)
        %dma_start3A_205 = arith.constant 0 : i32
        %dma_start3A_206 = tpu.memref_slice %arg8[%sub3A_194, %dma_start3A_205] : memref<160x128xi32, #tpu.memory_space<vmem>> -> memref<1x128xi32, #tpu.memory_space<vmem>>
        %dma_start3A_207 = tpu.memref_squeeze %dma_start3A_206 : memref<1x128xi32, #tpu.memory_space<vmem>> -> memref<128xi32, #tpu.memory_space<vmem>>
        %dma_start3A_208 = arith.constant 0 : i32
        %dma_start3A_209 = arith.constant 0 : i32
        %dma_start3A_210 = tpu.memref_slice %arg13[%dma_start3A_208, %dma_start3A_209] : memref<10240x64xf32, #tpu.memory_space<vmem_shared>> -> memref<10240x64xf32, #tpu.memory_space<vmem_shared>>
        tpu.enqueue_indirect_dma source(%arg11 : memref<128x64xf32, #tpu.memory_space<vmem>>) target(%dma_start3A_210 : memref<10240x64xf32, #tpu.memory_space<vmem_shared>>) offsets(%dma_start3A_207 : memref<128xi32, #tpu.memory_space<vmem>>) semaphore(%arg20 : memref<!tpu.dma_semaphore, #tpu.memory_space<semaphore_mem>>) {add = true}
      } else {
      }
      %mul3A_96 = arith.constant 4 : i32
      %mul3A_97 = arith.muli %scan3A_75, %mul3A_96 : i32
      %add3A_98 = arith.constant 1 : i32
      %add3A_99 = arith.addi %mul3A_97, %add3A_98 : i32
      %ge3A_100 = arith.constant 1 : i32
      %ge3A_101 = arith.cmpi sge, %scan3A_75, %ge3A_100 : i32
      %convert_element_type3A_102 = arith.extui %ge3A_101 : i1 to i32
      %cond3A_103 = arith.constant 0 : i32
      %cond3A_104 = arith.cmpi ne, %convert_element_type3A_102, %cond3A_103 : i32
      scf.if %cond3A_104 {
        %sub3A_193 = arith.constant 4 : i32
        %sub3A_194 = arith.subi %add3A_99, %sub3A_193 : i32
        %dma_wait3A_195 = arith.constant 0 : i32
        %dma_wait3A_196 = tpu.memref_slice %arg8[%sub3A_194, %dma_wait3A_195] : memref<160x128xi32, #tpu.memory_space<vmem>> -> memref<1x128xi32, #tpu.memory_space<vmem>>
        %dma_wait3A_197 = tpu.memref_squeeze %dma_wait3A_196 : memref<1x128xi32, #tpu.memory_space<vmem>> -> memref<128xi32, #tpu.memory_space<vmem>>
        %dma_wait3A_198 = arith.constant 0 : i32
        %dma_wait3A_199 = arith.constant 0 : i32
        %dma_wait3A_200 = tpu.memref_slice %arg13[%dma_wait3A_198, %dma_wait3A_199] : memref<10240x64xf32, #tpu.memory_space<vmem_shared>> -> memref<10240x64xf32, #tpu.memory_space<vmem_shared>>
        tpu.wait_indirect_dma semaphore(%arg19 : memref<!tpu.dma_semaphore, #tpu.memory_space<semaphore_mem>>) src(%arg10 : memref<128x64xf32, #tpu.memory_space<vmem>>) dst(%dma_wait3A_200 : memref<10240x64xf32, #tpu.memory_space<vmem_shared>>)
      } else {
      }
      %dma_start3A_105 = arith.constant 0 : i32
      %dma_start3A_106 = tpu.memref_slice %arg7[%add3A_99, %dma_start3A_105] : memref<160x128xi32, #tpu.memory_space<vmem>> -> memref<1x128xi32, #tpu.memory_space<vmem>>
      %dma_start3A_107 = tpu.memref_squeeze %dma_start3A_106 : memref<1x128xi32, #tpu.memory_space<vmem>> -> memref<128xi32, #tpu.memory_space<vmem>>
      %dma_start3A_108 = arith.constant 0 : i32
      %dma_start3A_109 = arith.constant 0 : i32
      %dma_start3A_110 = tpu.memref_slice %arg2[%arg0, %dma_start3A_108, %dma_start3A_109] : memref<2x10240x64xf32, #tpu.memory_space<hbm>> -> memref<1x10240x64xf32, #tpu.memory_space<hbm>>
      %dma_start3A_111 = tpu.memref_squeeze %dma_start3A_110 : memref<1x10240x64xf32, #tpu.memory_space<hbm>> -> memref<10240x64xf32, #tpu.memory_space<hbm>>
      %dma_start3A_112 = arith.constant 0 : i32
      %dma_start3A_113 = arith.constant 0 : i32
      %dma_start3A_114 = tpu.memref_slice %dma_start3A_111[%dma_start3A_112, %dma_start3A_113] : memref<10240x64xf32, #tpu.memory_space<hbm>> -> memref<10240x64xf32, #tpu.memory_space<hbm>>
      tpu.enqueue_indirect_dma source(%dma_start3A_114 : memref<10240x64xf32, #tpu.memory_space<hbm>>) target(%arg10 : memref<128x64xf32, #tpu.memory_space<vmem>>) offsets(%dma_start3A_107 : memref<128xi32, #tpu.memory_space<vmem>>) semaphore(%arg15 : memref<!tpu.dma_semaphore, #tpu.memory_space<semaphore_mem>>)
      %ge3A_115 = arith.constant 1 : i32
      %ge3A_116 = arith.cmpi sge, %scan3A_75, %ge3A_115 : i32
      %convert_element_type3A_117 = arith.extui %ge3A_116 : i1 to i32
      %cond3A_118 = arith.constant 0 : i32
      %cond3A_119 = arith.cmpi ne, %convert_element_type3A_117, %cond3A_118 : i32
      scf.if %cond3A_119 {
        %sub3A_193 = arith.constant 2 : i32
        %sub3A_194 = arith.subi %add3A_99, %sub3A_193 : i32
        %dma_wait3A_195 = arith.constant 0 : i32
        %dma_wait3A_196 = tpu.memref_slice %arg7[%sub3A_194, %dma_wait3A_195] : memref<160x128xi32, #tpu.memory_space<vmem>> -> memref<1x128xi32, #tpu.memory_space<vmem>>
        %dma_wait3A_197 = tpu.memref_squeeze %dma_wait3A_196 : memref<1x128xi32, #tpu.memory_space<vmem>> -> memref<128xi32, #tpu.memory_space<vmem>>
        %dma_wait3A_198 = arith.constant 0 : i32
        %dma_wait3A_199 = arith.constant 0 : i32
        %dma_wait3A_200 = tpu.memref_slice %arg2[%arg0, %dma_wait3A_198, %dma_wait3A_199] : memref<2x10240x64xf32, #tpu.memory_space<hbm>> -> memref<1x10240x64xf32, #tpu.memory_space<hbm>>
        %dma_wait3A_201 = tpu.memref_squeeze %dma_wait3A_200 : memref<1x10240x64xf32, #tpu.memory_space<hbm>> -> memref<10240x64xf32, #tpu.memory_space<hbm>>
        %dma_wait3A_202 = arith.constant 0 : i32
        %dma_wait3A_203 = arith.constant 0 : i32
        %dma_wait3A_204 = tpu.memref_slice %dma_wait3A_201[%dma_wait3A_202, %dma_wait3A_203] : memref<10240x64xf32, #tpu.memory_space<hbm>> -> memref<10240x64xf32, #tpu.memory_space<hbm>>
        tpu.wait_indirect_dma semaphore(%arg17 : memref<!tpu.dma_semaphore, #tpu.memory_space<semaphore_mem>>) src(%dma_wait3A_204 : memref<10240x64xf32, #tpu.memory_space<hbm>>) dst(%arg12 : memref<128x64xf32, #tpu.memory_space<vmem>>)
        %dma_start3A_205 = arith.constant 0 : i32
        %dma_start3A_206 = tpu.memref_slice %arg8[%sub3A_194, %dma_start3A_205] : memref<160x128xi32, #tpu.memory_space<vmem>> -> memref<1x128xi32, #tpu.memory_space<vmem>>
        %dma_start3A_207 = tpu.memref_squeeze %dma_start3A_206 : memref<1x128xi32, #tpu.memory_space<vmem>> -> memref<128xi32, #tpu.memory_space<vmem>>
        %dma_start3A_208 = arith.constant 0 : i32
        %dma_start3A_209 = arith.constant 0 : i32
        %dma_start3A_210 = tpu.memref_slice %arg13[%dma_start3A_208, %dma_start3A_209] : memref<10240x64xf32, #tpu.memory_space<vmem_shared>> -> memref<10240x64xf32, #tpu.memory_space<vmem_shared>>
        tpu.enqueue_indirect_dma source(%arg12 : memref<128x64xf32, #tpu.memory_space<vmem>>) target(%dma_start3A_210 : memref<10240x64xf32, #tpu.memory_space<vmem_shared>>) offsets(%dma_start3A_207 : memref<128xi32, #tpu.memory_space<vmem>>) semaphore(%arg21 : memref<!tpu.dma_semaphore, #tpu.memory_space<semaphore_mem>>) {add = true}
      } else {
      }
      %mul3A_120 = arith.constant 4 : i32
      %mul3A_121 = arith.muli %scan3A_75, %mul3A_120 : i32
      %add3A_122 = arith.constant 2 : i32
      %add3A_123 = arith.addi %mul3A_121, %add3A_122 : i32
      %ge3A_124 = arith.constant 1 : i32
      %ge3A_125 = arith.cmpi sge, %scan3A_75, %ge3A_124 : i32
      %convert_element_type3A_126 = arith.extui %ge3A_125 : i1 to i32
      %cond3A_127 = arith.constant 0 : i32
      %cond3A_128 = arith.cmpi ne, %convert_element_type3A_126, %cond3A_127 : i32
      scf.if %cond3A_128 {
        %sub3A_193 = arith.constant 4 : i32
        %sub3A_194 = arith.subi %add3A_123, %sub3A_193 : i32
        %dma_wait3A_195 = arith.constant 0 : i32
        %dma_wait3A_196 = tpu.memref_slice %arg8[%sub3A_194, %dma_wait3A_195] : memref<160x128xi32, #tpu.memory_space<vmem>> -> memref<1x128xi32, #tpu.memory_space<vmem>>
        %dma_wait3A_197 = tpu.memref_squeeze %dma_wait3A_196 : memref<1x128xi32, #tpu.memory_space<vmem>> -> memref<128xi32, #tpu.memory_space<vmem>>
        %dma_wait3A_198 = arith.constant 0 : i32
        %dma_wait3A_199 = arith.constant 0 : i32
        %dma_wait3A_200 = tpu.memref_slice %arg13[%dma_wait3A_198, %dma_wait3A_199] : memref<10240x64xf32, #tpu.memory_space<vmem_shared>> -> memref<10240x64xf32, #tpu.memory_space<vmem_shared>>
        tpu.wait_indirect_dma semaphore(%arg20 : memref<!tpu.dma_semaphore, #tpu.memory_space<semaphore_mem>>) src(%arg11 : memref<128x64xf32, #tpu.memory_space<vmem>>) dst(%dma_wait3A_200 : memref<10240x64xf32, #tpu.memory_space<vmem_shared>>)
      } else {
      }
      %dma_start3A_129 = arith.constant 0 : i32
      %dma_start3A_130 = tpu.memref_slice %arg7[%add3A_123, %dma_start3A_129] : memref<160x128xi32, #tpu.memory_space<vmem>> -> memref<1x128xi32, #tpu.memory_space<vmem>>
      %dma_start3A_131 = tpu.memref_squeeze %dma_start3A_130 : memref<1x128xi32, #tpu.memory_space<vmem>> -> memref<128xi32, #tpu.memory_space<vmem>>
      %dma_start3A_132 = arith.constant 0 : i32
      %dma_start3A_133 = arith.constant 0 : i32
      %dma_start3A_134 = tpu.memref_slice %arg2[%arg0, %dma_start3A_132, %dma_start3A_133] : memref<2x10240x64xf32, #tpu.memory_space<hbm>> -> memref<1x10240x64xf32, #tpu.memory_space<hbm>>
      %dma_start3A_135 = tpu.memref_squeeze %dma_start3A_134 : memref<1x10240x64xf32, #tpu.memory_space<hbm>> -> memref<10240x64xf32, #tpu.memory_space<hbm>>
      %dma_start3A_136 = arith.constant 0 : i32
      %dma_start3A_137 = arith.constant 0 : i32
      %dma_start3A_138 = tpu.memref_slice %dma_start3A_135[%dma_start3A_136, %dma_start3A_137] : memref<10240x64xf32, #tpu.memory_space<hbm>> -> memref<10240x64xf32, #tpu.memory_space<hbm>>
      tpu.enqueue_indirect_dma source(%dma_start3A_138 : memref<10240x64xf32, #tpu.memory_space<hbm>>) target(%arg11 : memref<128x64xf32, #tpu.memory_space<vmem>>) offsets(%dma_start3A_131 : memref<128xi32, #tpu.memory_space<vmem>>) semaphore(%arg16 : memref<!tpu.dma_semaphore, #tpu.memory_space<semaphore_mem>>)
      %sub3A = arith.constant 2 : i32
      %sub3A_139 = arith.subi %add3A_123, %sub3A : i32
      %dma_wait3A_140 = arith.constant 0 : i32
      %dma_wait3A_141 = tpu.memref_slice %arg7[%sub3A_139, %dma_wait3A_140] : memref<160x128xi32, #tpu.memory_space<vmem>> -> memref<1x128xi32, #tpu.memory_space<vmem>>
      %dma_wait3A_142 = tpu.memref_squeeze %dma_wait3A_141 : memref<1x128xi32, #tpu.memory_space<vmem>> -> memref<128xi32, #tpu.memory_space<vmem>>
      %dma_wait3A_143 = arith.constant 0 : i32
      %dma_wait3A_144 = arith.constant 0 : i32
      %dma_wait3A_145 = tpu.memref_slice %arg2[%arg0, %dma_wait3A_143, %dma_wait3A_144] : memref<2x10240x64xf32, #tpu.memory_space<hbm>> -> memref<1x10240x64xf32, #tpu.memory_space<hbm>>
      %dma_wait3A_146 = tpu.memref_squeeze %dma_wait3A_145 : memref<1x10240x64xf32, #tpu.memory_space<hbm>> -> memref<10240x64xf32, #tpu.memory_space<hbm>>
      %dma_wait3A_147 = arith.constant 0 : i32
      %dma_wait3A_148 = arith.constant 0 : i32
      %dma_wait3A_149 = tpu.memref_slice %dma_wait3A_146[%dma_wait3A_147, %dma_wait3A_148] : memref<10240x64xf32, #tpu.memory_space<hbm>> -> memref<10240x64xf32, #tpu.memory_space<hbm>>
      tpu.wait_indirect_dma semaphore(%arg14 : memref<!tpu.dma_semaphore, #tpu.memory_space<semaphore_mem>>) src(%dma_wait3A_149 : memref<10240x64xf32, #tpu.memory_space<hbm>>) dst(%arg9 : memref<128x64xf32, #tpu.memory_space<vmem>>)
      %dma_start3A_150 = arith.constant 0 : i32
      %dma_start3A_151 = tpu.memref_slice %arg8[%sub3A_139, %dma_start3A_150] : memref<160x128xi32, #tpu.memory_space<vmem>> -> memref<1x128xi32, #tpu.memory_space<vmem>>
      %dma_start3A_152 = tpu.memref_squeeze %dma_start3A_151 : memref<1x128xi32, #tpu.memory_space<vmem>> -> memref<128xi32, #tpu.memory_space<vmem>>
      %dma_start3A_153 = arith.constant 0 : i32
      %dma_start3A_154 = arith.constant 0 : i32
      %dma_start3A_155 = tpu.memref_slice %arg13[%dma_start3A_153, %dma_start3A_154] : memref<10240x64xf32, #tpu.memory_space<vmem_shared>> -> memref<10240x64xf32, #tpu.memory_space<vmem_shared>>
      tpu.enqueue_indirect_dma source(%arg9 : memref<128x64xf32, #tpu.memory_space<vmem>>) target(%dma_start3A_155 : memref<10240x64xf32, #tpu.memory_space<vmem_shared>>) offsets(%dma_start3A_152 : memref<128xi32, #tpu.memory_space<vmem>>) semaphore(%arg18 : memref<!tpu.dma_semaphore, #tpu.memory_space<semaphore_mem>>) {add = true}
      %mul3A_156 = arith.constant 4 : i32
      %mul3A_157 = arith.muli %scan3A_75, %mul3A_156 : i32
      %add3A_158 = arith.constant 3 : i32
      %add3A_159 = arith.addi %mul3A_157, %add3A_158 : i32
      %ge3A_160 = arith.constant 1 : i32
      %ge3A_161 = arith.cmpi sge, %scan3A_75, %ge3A_160 : i32
      %convert_element_type3A_162 = arith.extui %ge3A_161 : i1 to i32
      %cond3A_163 = arith.constant 0 : i32
      %cond3A_164 = arith.cmpi ne, %convert_element_type3A_162, %cond3A_163 : i32
      scf.if %cond3A_164 {
        %sub3A_193 = arith.constant 4 : i32
        %sub3A_194 = arith.subi %add3A_159, %sub3A_193 : i32
        %dma_wait3A_195 = arith.constant 0 : i32
        %dma_wait3A_196 = tpu.memref_slice %arg8[%sub3A_194, %dma_wait3A_195] : memref<160x128xi32, #tpu.memory_space<vmem>> -> memref<1x128xi32, #tpu.memory_space<vmem>>
        %dma_wait3A_197 = tpu.memref_squeeze %dma_wait3A_196 : memref<1x128xi32, #tpu.memory_space<vmem>> -> memref<128xi32, #tpu.memory_space<vmem>>
        %dma_wait3A_198 = arith.constant 0 : i32
        %dma_wait3A_199 = arith.constant 0 : i32
        %dma_wait3A_200 = tpu.memref_slice %arg13[%dma_wait3A_198, %dma_wait3A_199] : memref<10240x64xf32, #tpu.memory_space<vmem_shared>> -> memref<10240x64xf32, #tpu.memory_space<vmem_shared>>
        tpu.wait_indirect_dma semaphore(%arg21 : memref<!tpu.dma_semaphore, #tpu.memory_space<semaphore_mem>>) src(%arg12 : memref<128x64xf32, #tpu.memory_space<vmem>>) dst(%dma_wait3A_200 : memref<10240x64xf32, #tpu.memory_space<vmem_shared>>)
      } else {
      }
      %dma_start3A_165 = arith.constant 0 : i32
      %dma_start3A_166 = tpu.memref_slice %arg7[%add3A_159, %dma_start3A_165] : memref<160x128xi32, #tpu.memory_space<vmem>> -> memref<1x128xi32, #tpu.memory_space<vmem>>
      %dma_start3A_167 = tpu.memref_squeeze %dma_start3A_166 : memref<1x128xi32, #tpu.memory_space<vmem>> -> memref<128xi32, #tpu.memory_space<vmem>>
      %dma_start3A_168 = arith.constant 0 : i32
      %dma_start3A_169 = arith.constant 0 : i32
      %dma_start3A_170 = tpu.memref_slice %arg2[%arg0, %dma_start3A_168, %dma_start3A_169] : memref<2x10240x64xf32, #tpu.memory_space<hbm>> -> memref<1x10240x64xf32, #tpu.memory_space<hbm>>
      %dma_start3A_171 = tpu.memref_squeeze %dma_start3A_170 : memref<1x10240x64xf32, #tpu.memory_space<hbm>> -> memref<10240x64xf32, #tpu.memory_space<hbm>>
      %dma_start3A_172 = arith.constant 0 : i32
      %dma_start3A_173 = arith.constant 0 : i32
      %dma_start3A_174 = tpu.memref_slice %dma_start3A_171[%dma_start3A_172, %dma_start3A_173] : memref<10240x64xf32, #tpu.memory_space<hbm>> -> memref<10240x64xf32, #tpu.memory_space<hbm>>
      tpu.enqueue_indirect_dma source(%dma_start3A_174 : memref<10240x64xf32, #tpu.memory_space<hbm>>) target(%arg12 : memref<128x64xf32, #tpu.memory_space<vmem>>) offsets(%dma_start3A_167 : memref<128xi32, #tpu.memory_space<vmem>>) semaphore(%arg17 : memref<!tpu.dma_semaphore, #tpu.memory_space<semaphore_mem>>)
      %sub3A_175 = arith.constant 2 : i32
      %sub3A_176 = arith.subi %add3A_159, %sub3A_175 : i32
      %dma_wait3A_177 = arith.constant 0 : i32
      %dma_wait3A_178 = tpu.memref_slice %arg7[%sub3A_176, %dma_wait3A_177] : memref<160x128xi32, #tpu.memory_space<vmem>> -> memref<1x128xi32, #tpu.memory_space<vmem>>
      %dma_wait3A_179 = tpu.memref_squeeze %dma_wait3A_178 : memref<1x128xi32, #tpu.memory_space<vmem>> -> memref<128xi32, #tpu.memory_space<vmem>>
      %dma_wait3A_180 = arith.constant 0 : i32
      %dma_wait3A_181 = arith.constant 0 : i32
      %dma_wait3A_182 = tpu.memref_slice %arg2[%arg0, %dma_wait3A_180, %dma_wait3A_181] : memref<2x10240x64xf32, #tpu.memory_space<hbm>> -> memref<1x10240x64xf32, #tpu.memory_space<hbm>>
      %dma_wait3A_183 = tpu.memref_squeeze %dma_wait3A_182 : memref<1x10240x64xf32, #tpu.memory_space<hbm>> -> memref<10240x64xf32, #tpu.memory_space<hbm>>
      %dma_wait3A_184 = arith.constant 0 : i32
      %dma_wait3A_185 = arith.constant 0 : i32
      %dma_wait3A_186 = tpu.memref_slice %dma_wait3A_183[%dma_wait3A_184, %dma_wait3A_185] : memref<10240x64xf32, #tpu.memory_space<hbm>> -> memref<10240x64xf32, #tpu.memory_space<hbm>>
      tpu.wait_indirect_dma semaphore(%arg15 : memref<!tpu.dma_semaphore, #tpu.memory_space<semaphore_mem>>) src(%dma_wait3A_186 : memref<10240x64xf32, #tpu.memory_space<hbm>>) dst(%arg10 : memref<128x64xf32, #tpu.memory_space<vmem>>)
      %dma_start3A_187 = arith.constant 0 : i32
      %dma_start3A_188 = tpu.memref_slice %arg8[%sub3A_176, %dma_start3A_187] : memref<160x128xi32, #tpu.memory_space<vmem>> -> memref<1x128xi32, #tpu.memory_space<vmem>>
      %dma_start3A_189 = tpu.memref_squeeze %dma_start3A_188 : memref<1x128xi32, #tpu.memory_space<vmem>> -> memref<128xi32, #tpu.memory_space<vmem>>
      %dma_start3A_190 = arith.constant 0 : i32
      %dma_start3A_191 = arith.constant 0 : i32
      %dma_start3A_192 = tpu.memref_slice %arg13[%dma_start3A_190, %dma_start3A_191] : memref<10240x64xf32, #tpu.memory_space<vmem_shared>> -> memref<10240x64xf32, #tpu.memory_space<vmem_shared>>
      tpu.enqueue_indirect_dma source(%arg10 : memref<128x64xf32, #tpu.memory_space<vmem>>) target(%dma_start3A_192 : memref<10240x64xf32, #tpu.memory_space<vmem_shared>>) offsets(%dma_start3A_189 : memref<128xi32, #tpu.memory_space<vmem>>) semaphore(%arg19 : memref<!tpu.dma_semaphore, #tpu.memory_space<semaphore_mem>>) {add = true}
    }
    %scan3A_7 = arith.constant 40 : i32
    %dma_wait3A = arith.constant 158 : i32
    %dma_wait3A_8 = arith.constant 0 : i32
    %dma_wait3A_9 = tpu.memref_slice %arg7[%dma_wait3A, %dma_wait3A_8] : memref<160x128xi32, #tpu.memory_space<vmem>> -> memref<1x128xi32, #tpu.memory_space<vmem>>
    %dma_wait3A_10 = tpu.memref_squeeze %dma_wait3A_9 : memref<1x128xi32, #tpu.memory_space<vmem>> -> memref<128xi32, #tpu.memory_space<vmem>>
    %dma_wait3A_11 = arith.constant 0 : i32
    %dma_wait3A_12 = arith.constant 0 : i32
    %dma_wait3A_13 = tpu.memref_slice %arg2[%arg0, %dma_wait3A_11, %dma_wait3A_12] : memref<2x10240x64xf32, #tpu.memory_space<hbm>> -> memref<1x10240x64xf32, #tpu.memory_space<hbm>>
    %dma_wait3A_14 = tpu.memref_squeeze %dma_wait3A_13 : memref<1x10240x64xf32, #tpu.memory_space<hbm>> -> memref<10240x64xf32, #tpu.memory_space<hbm>>
    %dma_wait3A_15 = arith.constant 0 : i32
    %dma_wait3A_16 = arith.constant 0 : i32
    %dma_wait3A_17 = tpu.memref_slice %dma_wait3A_14[%dma_wait3A_15, %dma_wait3A_16] : memref<10240x64xf32, #tpu.memory_space<hbm>> -> memref<10240x64xf32, #tpu.memory_space<hbm>>
    tpu.wait_indirect_dma semaphore(%arg16 : memref<!tpu.dma_semaphore, #tpu.memory_space<semaphore_mem>>) src(%dma_wait3A_17 : memref<10240x64xf32, #tpu.memory_space<hbm>>) dst(%arg11 : memref<128x64xf32, #tpu.memory_space<vmem>>)
    %dma_start3A = arith.constant 158 : i32
    %dma_start3A_18 = arith.constant 0 : i32
    %dma_start3A_19 = tpu.memref_slice %arg8[%dma_start3A, %dma_start3A_18] : memref<160x128xi32, #tpu.memory_space<vmem>> -> memref<1x128xi32, #tpu.memory_space<vmem>>
    %dma_start3A_20 = tpu.memref_squeeze %dma_start3A_19 : memref<1x128xi32, #tpu.memory_space<vmem>> -> memref<128xi32, #tpu.memory_space<vmem>>
    %dma_start3A_21 = arith.constant 0 : i32
    %dma_start3A_22 = arith.constant 0 : i32
    %dma_start3A_23 = tpu.memref_slice %arg13[%dma_start3A_21, %dma_start3A_22] : memref<10240x64xf32, #tpu.memory_space<vmem_shared>> -> memref<10240x64xf32, #tpu.memory_space<vmem_shared>>
    tpu.enqueue_indirect_dma source(%arg11 : memref<128x64xf32, #tpu.memory_space<vmem>>) target(%dma_start3A_23 : memref<10240x64xf32, #tpu.memory_space<vmem_shared>>) offsets(%dma_start3A_20 : memref<128xi32, #tpu.memory_space<vmem>>) semaphore(%arg20 : memref<!tpu.dma_semaphore, #tpu.memory_space<semaphore_mem>>) {add = true}
    %dma_wait3A_24 = arith.constant 159 : i32
    %dma_wait3A_25 = arith.constant 0 : i32
    %dma_wait3A_26 = tpu.memref_slice %arg7[%dma_wait3A_24, %dma_wait3A_25] : memref<160x128xi32, #tpu.memory_space<vmem>> -> memref<1x128xi32, #tpu.memory_space<vmem>>
    %dma_wait3A_27 = tpu.memref_squeeze %dma_wait3A_26 : memref<1x128xi32, #tpu.memory_space<vmem>> -> memref<128xi32, #tpu.memory_space<vmem>>
    %dma_wait3A_28 = arith.constant 0 : i32
    %dma_wait3A_29 = arith.constant 0 : i32
    %dma_wait3A_30 = tpu.memref_slice %arg2[%arg0, %dma_wait3A_28, %dma_wait3A_29] : memref<2x10240x64xf32, #tpu.memory_space<hbm>> -> memref<1x10240x64xf32, #tpu.memory_space<hbm>>
    %dma_wait3A_31 = tpu.memref_squeeze %dma_wait3A_30 : memref<1x10240x64xf32, #tpu.memory_space<hbm>> -> memref<10240x64xf32, #tpu.memory_space<hbm>>
    %dma_wait3A_32 = arith.constant 0 : i32
    %dma_wait3A_33 = arith.constant 0 : i32
    %dma_wait3A_34 = tpu.memref_slice %dma_wait3A_31[%dma_wait3A_32, %dma_wait3A_33] : memref<10240x64xf32, #tpu.memory_space<hbm>> -> memref<10240x64xf32, #tpu.memory_space<hbm>>
    tpu.wait_indirect_dma semaphore(%arg17 : memref<!tpu.dma_semaphore, #tpu.memory_space<semaphore_mem>>) src(%dma_wait3A_34 : memref<10240x64xf32, #tpu.memory_space<hbm>>) dst(%arg12 : memref<128x64xf32, #tpu.memory_space<vmem>>)
    %dma_start3A_35 = arith.constant 159 : i32
    %dma_start3A_36 = arith.constant 0 : i32
    %dma_start3A_37 = tpu.memref_slice %arg8[%dma_start3A_35, %dma_start3A_36] : memref<160x128xi32, #tpu.memory_space<vmem>> -> memref<1x128xi32, #tpu.memory_space<vmem>>
    %dma_start3A_38 = tpu.memref_squeeze %dma_start3A_37 : memref<1x128xi32, #tpu.memory_space<vmem>> -> memref<128xi32, #tpu.memory_space<vmem>>
    %dma_start3A_39 = arith.constant 0 : i32
    %dma_start3A_40 = arith.constant 0 : i32
    %dma_start3A_41 = tpu.memref_slice %arg13[%dma_start3A_39, %dma_start3A_40] : memref<10240x64xf32, #tpu.memory_space<vmem_shared>> -> memref<10240x64xf32, #tpu.memory_space<vmem_shared>>
    tpu.enqueue_indirect_dma source(%arg12 : memref<128x64xf32, #tpu.memory_space<vmem>>) target(%dma_start3A_41 : memref<10240x64xf32, #tpu.memory_space<vmem_shared>>) offsets(%dma_start3A_38 : memref<128xi32, #tpu.memory_space<vmem>>) semaphore(%arg21 : memref<!tpu.dma_semaphore, #tpu.memory_space<semaphore_mem>>) {add = true}
    %dma_wait3A_42 = arith.constant 156 : i32
    %dma_wait3A_43 = arith.constant 0 : i32
    %dma_wait3A_44 = tpu.memref_slice %arg8[%dma_wait3A_42, %dma_wait3A_43] : memref<160x128xi32, #tpu.memory_space<vmem>> -> memref<1x128xi32, #tpu.memory_space<vmem>>
    %dma_wait3A_45 = tpu.memref_squeeze %dma_wait3A_44 : memref<1x128xi32, #tpu.memory_space<vmem>> -> memref<128xi32, #tpu.memory_space<vmem>>
    %dma_wait3A_46 = arith.constant 0 : i32
    %dma_wait3A_47 = arith.constant 0 : i32
    %dma_wait3A_48 = tpu.memref_slice %arg13[%dma_wait3A_46, %dma_wait3A_47] : memref<10240x64xf32, #tpu.memory_space<vmem_shared>> -> memref<10240x64xf32, #tpu.memory_space<vmem_shared>>
    tpu.wait_indirect_dma semaphore(%arg18 : memref<!tpu.dma_semaphore, #tpu.memory_space<semaphore_mem>>) src(%arg9 : memref<128x64xf32, #tpu.memory_space<vmem>>) dst(%dma_wait3A_48 : memref<10240x64xf32, #tpu.memory_space<vmem_shared>>)
    %dma_wait3A_49 = arith.constant 157 : i32
    %dma_wait3A_50 = arith.constant 0 : i32
    %dma_wait3A_51 = tpu.memref_slice %arg8[%dma_wait3A_49, %dma_wait3A_50] : memref<160x128xi32, #tpu.memory_space<vmem>> -> memref<1x128xi32, #tpu.memory_space<vmem>>
    %dma_wait3A_52 = tpu.memref_squeeze %dma_wait3A_51 : memref<1x128xi32, #tpu.memory_space<vmem>> -> memref<128xi32, #tpu.memory_space<vmem>>
    %dma_wait3A_53 = arith.constant 0 : i32
    %dma_wait3A_54 = arith.constant 0 : i32
    %dma_wait3A_55 = tpu.memref_slice %arg13[%dma_wait3A_53, %dma_wait3A_54] : memref<10240x64xf32, #tpu.memory_space<vmem_shared>> -> memref<10240x64xf32, #tpu.memory_space<vmem_shared>>
    tpu.wait_indirect_dma semaphore(%arg19 : memref<!tpu.dma_semaphore, #tpu.memory_space<semaphore_mem>>) src(%arg10 : memref<128x64xf32, #tpu.memory_space<vmem>>) dst(%dma_wait3A_55 : memref<10240x64xf32, #tpu.memory_space<vmem_shared>>)
    %dma_wait3A_56 = arith.constant 158 : i32
    %dma_wait3A_57 = arith.constant 0 : i32
    %dma_wait3A_58 = tpu.memref_slice %arg8[%dma_wait3A_56, %dma_wait3A_57] : memref<160x128xi32, #tpu.memory_space<vmem>> -> memref<1x128xi32, #tpu.memory_space<vmem>>
    %dma_wait3A_59 = tpu.memref_squeeze %dma_wait3A_58 : memref<1x128xi32, #tpu.memory_space<vmem>> -> memref<128xi32, #tpu.memory_space<vmem>>
    %dma_wait3A_60 = arith.constant 0 : i32
    %dma_wait3A_61 = arith.constant 0 : i32
    %dma_wait3A_62 = tpu.memref_slice %arg13[%dma_wait3A_60, %dma_wait3A_61] : memref<10240x64xf32, #tpu.memory_space<vmem_shared>> -> memref<10240x64xf32, #tpu.memory_space<vmem_shared>>
    tpu.wait_indirect_dma semaphore(%arg20 : memref<!tpu.dma_semaphore, #tpu.memory_space<semaphore_mem>>) src(%arg11 : memref<128x64xf32, #tpu.memory_space<vmem>>) dst(%dma_wait3A_62 : memref<10240x64xf32, #tpu.memory_space<vmem_shared>>)
    %dma_wait3A_63 = arith.constant 159 : i32
    %dma_wait3A_64 = arith.constant 0 : i32
    %dma_wait3A_65 = tpu.memref_slice %arg8[%dma_wait3A_63, %dma_wait3A_64] : memref<160x128xi32, #tpu.memory_space<vmem>> -> memref<1x128xi32, #tpu.memory_space<vmem>>
    %dma_wait3A_66 = tpu.memref_squeeze %dma_wait3A_65 : memref<1x128xi32, #tpu.memory_space<vmem>> -> memref<128xi32, #tpu.memory_space<vmem>>
    %dma_wait3A_67 = arith.constant 0 : i32
    %dma_wait3A_68 = arith.constant 0 : i32
    %dma_wait3A_69 = tpu.memref_slice %arg13[%dma_wait3A_67, %dma_wait3A_68] : memref<10240x64xf32, #tpu.memory_space<vmem_shared>> -> memref<10240x64xf32, #tpu.memory_space<vmem_shared>>
    tpu.wait_indirect_dma semaphore(%arg21 : memref<!tpu.dma_semaphore, #tpu.memory_space<semaphore_mem>>) src(%arg12 : memref<128x64xf32, #tpu.memory_space<vmem>>) dst(%dma_wait3A_69 : memref<10240x64xf32, #tpu.memory_space<vmem_shared>>)
    %barrier3A_70 = arith.constant 0 : index
    tpu.barrier barrier_id(%barrier3A_70)
    %mul3A_71 = arith.constant 640 : i32
    %mul3A_72 = arith.muli %arg1, %mul3A_71 : i32
    %mul3A_73 = arith.constant 640 : i32
    %mul3A_74 = arith.muli %arg1, %mul3A_73 : i32
    "tpu.region"() ({
      %run_scoped3A = tpu.sem_alloc : memref<!tpu.dma_semaphore, #tpu.memory_space<semaphore_mem>>
      %dma_start3A_75 = arith.constant 0 : i32
      %dma_start3A_76 = tpu.memref_slice %arg6[%arg0, %mul3A_74, %dma_start3A_75] : memref<2x10240x64xf32, #tpu.memory_space<hbm>> -> memref<1x640x64xf32, #tpu.memory_space<hbm>>
      %dma_start3A_77 = tpu.memref_squeeze %dma_start3A_76 : memref<1x640x64xf32, #tpu.memory_space<hbm>> -> memref<640x64xf32, #tpu.memory_space<hbm>>
      %dma_start3A_78 = arith.constant 0 : i32
      %dma_start3A_79 = tpu.memref_slice %arg13[%mul3A_72, %dma_start3A_78] : memref<10240x64xf32, #tpu.memory_space<vmem_shared>> -> memref<640x64xf32, #tpu.memory_space<vmem_shared>>
      tpu.enqueue_dma source(%dma_start3A_79 : memref<640x64xf32, #tpu.memory_space<vmem_shared>>) target(%dma_start3A_77 : memref<640x64xf32, #tpu.memory_space<hbm>>) target_semaphore(%run_scoped3A : memref<!tpu.dma_semaphore, #tpu.memory_space<semaphore_mem>>)
      %dma_wait3A_80 = arith.constant 0 : i32
      %dma_wait3A_81 = tpu.memref_slice %arg6[%arg0, %mul3A_74, %dma_wait3A_80] : memref<2x10240x64xf32, #tpu.memory_space<hbm>> -> memref<1x640x64xf32, #tpu.memory_space<hbm>>
      %dma_wait3A_82 = tpu.memref_squeeze %dma_wait3A_81 : memref<1x640x64xf32, #tpu.memory_space<hbm>> -> memref<640x64xf32, #tpu.memory_space<hbm>>
      %dma_wait3A_83 = arith.constant 0 : i32
      %dma_wait3A_84 = tpu.memref_slice %arg13[%mul3A_72, %dma_wait3A_83] : memref<10240x64xf32, #tpu.memory_space<vmem_shared>> -> memref<640x64xf32, #tpu.memory_space<vmem_shared>>
      tpu.wait_dma2 semaphore(%run_scoped3A : memref<!tpu.dma_semaphore, #tpu.memory_space<semaphore_mem>>) src(%dma_wait3A_84 : memref<640x64xf32, #tpu.memory_space<vmem_shared>>) dst(%dma_wait3A_82 : memref<640x64xf32, #tpu.memory_space<hbm>>)
      tpu.yield
    }) : () -> ()
    return
  }
}

#map = affine_map<(d0, d1) -> (0, 0, 0)>
#map1 = affine_map<(d0, d1) -> (0, 0)>
module attributes {stable_mosaic.version = 14 : i64} {
  func.func @_sc_edge_agg(%arg0: i32, %arg1: i32, %arg2: memref<2x10240x64xf32, #tpu.memory_space<hbm>>, %arg3: memref<16x160x128xi32, #tpu.memory_space<hbm>>, %arg4: memref<16x160x128xi32, #tpu.memory_space<hbm>>, %arg5: memref<10240x64xf32, #tpu.memory_space<hbm>>, %arg6: memref<2x10240x64xf32, #tpu.memory_space<hbm>>, %arg7: memref<160x128xi32, #tpu.memory_space<vmem>>, %arg8: memref<160x128xi32, #tpu.memory_space<vmem>>, %arg9: memref<128x64xf32, #tpu.memory_space<vmem>>, %arg10: memref<128x64xf32, #tpu.memory_space<vmem>>, %arg11: memref<128x64xf32, #tpu.memory_space<vmem>>, %arg12: memref<128x64xf32, #tpu.memory_space<vmem>>, %arg13: memref<10240x64xf32, #tpu.memory_space<vmem_shared>>, %arg14: memref<!tpu.dma_semaphore, #tpu.memory_space<semaphore_mem>>, %arg15: memref<!tpu.dma_semaphore, #tpu.memory_space<semaphore_mem>>, %arg16: memref<!tpu.dma_semaphore, #tpu.memory_space<semaphore_mem>>, %arg17: memref<!tpu.dma_semaphore, #tpu.memory_space<semaphore_mem>>, %arg18: memref<!tpu.dma_semaphore, #tpu.memory_space<semaphore_mem>>, %arg19: memref<!tpu.dma_semaphore, #tpu.memory_space<semaphore_mem>>, %arg20: memref<!tpu.dma_semaphore, #tpu.memory_space<semaphore_mem>>, %arg21: memref<!tpu.dma_semaphore, #tpu.memory_space<semaphore_mem>>) attributes {dimension_semantics = [#tpu.dimension_semantics<core_parallel>, #tpu.dimension_semantics<subcore_parallel>], iteration_bounds = array<i64: 2, 16>, scalar_prefetch = 0 : i64, scratch_operands = 15 : i64, tpu.core_type = #tpu.core_type<sc_vector_subcore>, window_params = [{transform_indices = #map}, {transform_indices = #map}, {transform_indices = #map}, {transform_indices = #map1}, {transform_indices = #map}]} {
    %mul3A = arith.constant 640 : i32
    %mul3A_0 = arith.muli %arg1, %mul3A : i32
    %mul3A_1 = arith.constant 640 : i32
    %mul3A_2 = arith.muli %arg1, %mul3A_1 : i32
    "tpu.region"() ({
      %run_scoped3A = tpu.sem_alloc : memref<!tpu.dma_semaphore, #tpu.memory_space<semaphore_mem>>
      %dma_start3A_75 = arith.constant 0 : i32
      %dma_start3A_76 = tpu.memref_slice %arg13[%mul3A_2, %dma_start3A_75] : memref<10240x64xf32, #tpu.memory_space<vmem_shared>> -> memref<640x64xf32, #tpu.memory_space<vmem_shared>>
      %dma_start3A_77 = arith.constant 0 : i32
      %dma_start3A_78 = tpu.memref_slice %arg5[%mul3A_0, %dma_start3A_77] : memref<10240x64xf32, #tpu.memory_space<hbm>> -> memref<640x64xf32, #tpu.memory_space<hbm>>
      tpu.enqueue_dma source(%dma_start3A_78 : memref<640x64xf32, #tpu.memory_space<hbm>>) target(%dma_start3A_76 : memref<640x64xf32, #tpu.memory_space<vmem_shared>>) target_semaphore(%run_scoped3A : memref<!tpu.dma_semaphore, #tpu.memory_space<semaphore_mem>>)
      %dma_wait3A_79 = arith.constant 0 : i32
      %dma_wait3A_80 = tpu.memref_slice %arg13[%mul3A_2, %dma_wait3A_79] : memref<10240x64xf32, #tpu.memory_space<vmem_shared>> -> memref<640x64xf32, #tpu.memory_space<vmem_shared>>
      %dma_wait3A_81 = arith.constant 0 : i32
      %dma_wait3A_82 = tpu.memref_slice %arg5[%mul3A_0, %dma_wait3A_81] : memref<10240x64xf32, #tpu.memory_space<hbm>> -> memref<640x64xf32, #tpu.memory_space<hbm>>
      tpu.wait_dma2 semaphore(%run_scoped3A : memref<!tpu.dma_semaphore, #tpu.memory_space<semaphore_mem>>) src(%dma_wait3A_82 : memref<640x64xf32, #tpu.memory_space<hbm>>) dst(%dma_wait3A_80 : memref<640x64xf32, #tpu.memory_space<vmem_shared>>)
      tpu.yield
    }) : () -> ()
    "tpu.region"() ({
      %run_scoped3A = tpu.sem_alloc : memref<!tpu.dma_semaphore, #tpu.memory_space<semaphore_mem>>
      %dma_start3A_75 = arith.constant 0 : i32
      %dma_start3A_76 = arith.constant 0 : i32
      %dma_start3A_77 = tpu.memref_slice %arg3[%arg1, %dma_start3A_75, %dma_start3A_76] : memref<16x160x128xi32, #tpu.memory_space<hbm>> -> memref<1x160x128xi32, #tpu.memory_space<hbm>>
      %dma_start3A_78 = tpu.memref_squeeze %dma_start3A_77 : memref<1x160x128xi32, #tpu.memory_space<hbm>> -> memref<160x128xi32, #tpu.memory_space<hbm>>
      %dma_start3A_79 = arith.constant 0 : i32
      %dma_start3A_80 = arith.constant 0 : i32
      %dma_start3A_81 = tpu.memref_slice %arg3[%arg1, %dma_start3A_79, %dma_start3A_80] : memref<16x160x128xi32, #tpu.memory_space<hbm>> -> memref<1x160x128xi32, #tpu.memory_space<hbm>>
      %dma_start3A_82 = tpu.memref_squeeze %dma_start3A_81 : memref<1x160x128xi32, #tpu.memory_space<hbm>> -> memref<160x128xi32, #tpu.memory_space<hbm>>
      tpu.enqueue_dma source(%dma_start3A_82 : memref<160x128xi32, #tpu.memory_space<hbm>>) target(%arg7 : memref<160x128xi32, #tpu.memory_space<vmem>>) target_semaphore(%run_scoped3A : memref<!tpu.dma_semaphore, #tpu.memory_space<semaphore_mem>>)
      %dma_wait3A_83 = arith.constant 0 : i32
      %dma_wait3A_84 = arith.constant 0 : i32
      %dma_wait3A_85 = tpu.memref_slice %arg3[%arg1, %dma_wait3A_83, %dma_wait3A_84] : memref<16x160x128xi32, #tpu.memory_space<hbm>> -> memref<1x160x128xi32, #tpu.memory_space<hbm>>
      %dma_wait3A_86 = tpu.memref_squeeze %dma_wait3A_85 : memref<1x160x128xi32, #tpu.memory_space<hbm>> -> memref<160x128xi32, #tpu.memory_space<hbm>>
      %dma_wait3A_87 = arith.constant 0 : i32
      %dma_wait3A_88 = arith.constant 0 : i32
      %dma_wait3A_89 = tpu.memref_slice %arg3[%arg1, %dma_wait3A_87, %dma_wait3A_88] : memref<16x160x128xi32, #tpu.memory_space<hbm>> -> memref<1x160x128xi32, #tpu.memory_space<hbm>>
      %dma_wait3A_90 = tpu.memref_squeeze %dma_wait3A_89 : memref<1x160x128xi32, #tpu.memory_space<hbm>> -> memref<160x128xi32, #tpu.memory_space<hbm>>
      tpu.wait_dma2 semaphore(%run_scoped3A : memref<!tpu.dma_semaphore, #tpu.memory_space<semaphore_mem>>) src(%dma_wait3A_90 : memref<160x128xi32, #tpu.memory_space<hbm>>) dst(%arg7 : memref<160x128xi32, #tpu.memory_space<vmem>>)
      tpu.yield
    }) : () -> ()
    "tpu.region"() ({
      %run_scoped3A = tpu.sem_alloc : memref<!tpu.dma_semaphore, #tpu.memory_space<semaphore_mem>>
      %dma_start3A_75 = arith.constant 0 : i32
      %dma_start3A_76 = arith.constant 0 : i32
      %dma_start3A_77 = tpu.memref_slice %arg4[%arg1, %dma_start3A_75, %dma_start3A_76] : memref<16x160x128xi32, #tpu.memory_space<hbm>> -> memref<1x160x128xi32, #tpu.memory_space<hbm>>
      %dma_start3A_78 = tpu.memref_squeeze %dma_start3A_77 : memref<1x160x128xi32, #tpu.memory_space<hbm>> -> memref<160x128xi32, #tpu.memory_space<hbm>>
      %dma_start3A_79 = arith.constant 0 : i32
      %dma_start3A_80 = arith.constant 0 : i32
      %dma_start3A_81 = tpu.memref_slice %arg4[%arg1, %dma_start3A_79, %dma_start3A_80] : memref<16x160x128xi32, #tpu.memory_space<hbm>> -> memref<1x160x128xi32, #tpu.memory_space<hbm>>
      %dma_start3A_82 = tpu.memref_squeeze %dma_start3A_81 : memref<1x160x128xi32, #tpu.memory_space<hbm>> -> memref<160x128xi32, #tpu.memory_space<hbm>>
      tpu.enqueue_dma source(%dma_start3A_82 : memref<160x128xi32, #tpu.memory_space<hbm>>) target(%arg8 : memref<160x128xi32, #tpu.memory_space<vmem>>) target_semaphore(%run_scoped3A : memref<!tpu.dma_semaphore, #tpu.memory_space<semaphore_mem>>)
      %dma_wait3A_83 = arith.constant 0 : i32
      %dma_wait3A_84 = arith.constant 0 : i32
      %dma_wait3A_85 = tpu.memref_slice %arg4[%arg1, %dma_wait3A_83, %dma_wait3A_84] : memref<16x160x128xi32, #tpu.memory_space<hbm>> -> memref<1x160x128xi32, #tpu.memory_space<hbm>>
      %dma_wait3A_86 = tpu.memref_squeeze %dma_wait3A_85 : memref<1x160x128xi32, #tpu.memory_space<hbm>> -> memref<160x128xi32, #tpu.memory_space<hbm>>
      %dma_wait3A_87 = arith.constant 0 : i32
      %dma_wait3A_88 = arith.constant 0 : i32
      %dma_wait3A_89 = tpu.memref_slice %arg4[%arg1, %dma_wait3A_87, %dma_wait3A_88] : memref<16x160x128xi32, #tpu.memory_space<hbm>> -> memref<1x160x128xi32, #tpu.memory_space<hbm>>
      %dma_wait3A_90 = tpu.memref_squeeze %dma_wait3A_89 : memref<1x160x128xi32, #tpu.memory_space<hbm>> -> memref<160x128xi32, #tpu.memory_space<hbm>>
      tpu.wait_dma2 semaphore(%run_scoped3A : memref<!tpu.dma_semaphore, #tpu.memory_space<semaphore_mem>>) src(%dma_wait3A_90 : memref<160x128xi32, #tpu.memory_space<hbm>>) dst(%arg8 : memref<160x128xi32, #tpu.memory_space<vmem>>)
      tpu.yield
    }) : () -> ()
    %barrier3A = arith.constant 0 : index
    tpu.barrier barrier_id(%barrier3A)
    %scan3A = arith.constant 0 : i32
    %scan3A_3 = arith.constant 0 : i32
    %scan3A_4 = arith.constant 40 : i32
    %scan3A_5 = arith.addi %scan3A_3, %scan3A_4 : i32
    %scan3A_6 = arith.constant 1 : i32
    scf.for %scan3A_75 = %scan3A_3 to %scan3A_5 step %scan3A_6  : i32 {
      %mul3A_76 = arith.constant 4 : i32
      %mul3A_77 = arith.muli %scan3A_75, %mul3A_76 : i32
      %add3A = arith.constant 0 : i32
      %add3A_78 = arith.addi %mul3A_77, %add3A : i32
      %ge3A = arith.constant 1 : i32
      %ge3A_79 = arith.cmpi sge, %scan3A_75, %ge3A : i32
      %convert_element_type3A = arith.extui %ge3A_79 : i1 to i32
      %cond3A = arith.constant 0 : i32
      %cond3A_80 = arith.cmpi ne, %convert_element_type3A, %cond3A : i32
      scf.if %cond3A_80 {
        %sub3A_193 = arith.constant 4 : i32
        %sub3A_194 = arith.subi %add3A_78, %sub3A_193 : i32
        %dma_wait3A_195 = arith.constant 0 : i32
        %dma_wait3A_196 = tpu.memref_slice %arg8[%sub3A_194, %dma_wait3A_195] : memref<160x128xi32, #tpu.memory_space<vmem>> -> memref<1x128xi32, #tpu.memory_space<vmem>>
        %dma_wait3A_197 = tpu.memref_squeeze %dma_wait3A_196 : memref<1x128xi32, #tpu.memory_space<vmem>> -> memref<128xi32, #tpu.memory_space<vmem>>
        %dma_wait3A_198 = arith.constant 0 : i32
        %dma_wait3A_199 = arith.constant 0 : i32
        %dma_wait3A_200 = tpu.memref_slice %arg13[%dma_wait3A_198, %dma_wait3A_199] : memref<10240x64xf32, #tpu.memory_space<vmem_shared>> -> memref<10240x64xf32, #tpu.memory_space<vmem_shared>>
        tpu.wait_indirect_dma semaphore(%arg18 : memref<!tpu.dma_semaphore, #tpu.memory_space<semaphore_mem>>) src(%arg9 : memref<128x64xf32, #tpu.memory_space<vmem>>) dst(%dma_wait3A_200 : memref<10240x64xf32, #tpu.memory_space<vmem_shared>>)
      } else {
      }
      %dma_start3A_81 = arith.constant 0 : i32
      %dma_start3A_82 = tpu.memref_slice %arg7[%add3A_78, %dma_start3A_81] : memref<160x128xi32, #tpu.memory_space<vmem>> -> memref<1x128xi32, #tpu.memory_space<vmem>>
      %dma_start3A_83 = tpu.memref_squeeze %dma_start3A_82 : memref<1x128xi32, #tpu.memory_space<vmem>> -> memref<128xi32, #tpu.memory_space<vmem>>
      %dma_start3A_84 = arith.constant 0 : i32
      %dma_start3A_85 = arith.constant 0 : i32
      %dma_start3A_86 = tpu.memref_slice %arg2[%arg0, %dma_start3A_84, %dma_start3A_85] : memref<2x10240x64xf32, #tpu.memory_space<hbm>> -> memref<1x10240x64xf32, #tpu.memory_space<hbm>>
      %dma_start3A_87 = tpu.memref_squeeze %dma_start3A_86 : memref<1x10240x64xf32, #tpu.memory_space<hbm>> -> memref<10240x64xf32, #tpu.memory_space<hbm>>
      %dma_start3A_88 = arith.constant 0 : i32
      %dma_start3A_89 = arith.constant 0 : i32
      %dma_start3A_90 = tpu.memref_slice %dma_start3A_87[%dma_start3A_88, %dma_start3A_89] : memref<10240x64xf32, #tpu.memory_space<hbm>> -> memref<10240x64xf32, #tpu.memory_space<hbm>>
      tpu.enqueue_indirect_dma source(%dma_start3A_90 : memref<10240x64xf32, #tpu.memory_space<hbm>>) target(%arg9 : memref<128x64xf32, #tpu.memory_space<vmem>>) offsets(%dma_start3A_83 : memref<128xi32, #tpu.memory_space<vmem>>) semaphore(%arg14 : memref<!tpu.dma_semaphore, #tpu.memory_space<semaphore_mem>>)
      %ge3A_91 = arith.constant 1 : i32
      %ge3A_92 = arith.cmpi sge, %scan3A_75, %ge3A_91 : i32
      %convert_element_type3A_93 = arith.extui %ge3A_92 : i1 to i32
      %cond3A_94 = arith.constant 0 : i32
      %cond3A_95 = arith.cmpi ne, %convert_element_type3A_93, %cond3A_94 : i32
      scf.if %cond3A_95 {
        %sub3A_193 = arith.constant 2 : i32
        %sub3A_194 = arith.subi %add3A_78, %sub3A_193 : i32
        %dma_wait3A_195 = arith.constant 0 : i32
        %dma_wait3A_196 = tpu.memref_slice %arg7[%sub3A_194, %dma_wait3A_195] : memref<160x128xi32, #tpu.memory_space<vmem>> -> memref<1x128xi32, #tpu.memory_space<vmem>>
        %dma_wait3A_197 = tpu.memref_squeeze %dma_wait3A_196 : memref<1x128xi32, #tpu.memory_space<vmem>> -> memref<128xi32, #tpu.memory_space<vmem>>
        %dma_wait3A_198 = arith.constant 0 : i32
        %dma_wait3A_199 = arith.constant 0 : i32
        %dma_wait3A_200 = tpu.memref_slice %arg2[%arg0, %dma_wait3A_198, %dma_wait3A_199] : memref<2x10240x64xf32, #tpu.memory_space<hbm>> -> memref<1x10240x64xf32, #tpu.memory_space<hbm>>
        %dma_wait3A_201 = tpu.memref_squeeze %dma_wait3A_200 : memref<1x10240x64xf32, #tpu.memory_space<hbm>> -> memref<10240x64xf32, #tpu.memory_space<hbm>>
        %dma_wait3A_202 = arith.constant 0 : i32
        %dma_wait3A_203 = arith.constant 0 : i32
        %dma_wait3A_204 = tpu.memref_slice %dma_wait3A_201[%dma_wait3A_202, %dma_wait3A_203] : memref<10240x64xf32, #tpu.memory_space<hbm>> -> memref<10240x64xf32, #tpu.memory_space<hbm>>
        tpu.wait_indirect_dma semaphore(%arg16 : memref<!tpu.dma_semaphore, #tpu.memory_space<semaphore_mem>>) src(%dma_wait3A_204 : memref<10240x64xf32, #tpu.memory_space<hbm>>) dst(%arg11 : memref<128x64xf32, #tpu.memory_space<vmem>>)
        %dma_start3A_205 = arith.constant 0 : i32
        %dma_start3A_206 = tpu.memref_slice %arg8[%sub3A_194, %dma_start3A_205] : memref<160x128xi32, #tpu.memory_space<vmem>> -> memref<1x128xi32, #tpu.memory_space<vmem>>
        %dma_start3A_207 = tpu.memref_squeeze %dma_start3A_206 : memref<1x128xi32, #tpu.memory_space<vmem>> -> memref<128xi32, #tpu.memory_space<vmem>>
        %dma_start3A_208 = arith.constant 0 : i32
        %dma_start3A_209 = arith.constant 0 : i32
        %dma_start3A_210 = tpu.memref_slice %arg13[%dma_start3A_208, %dma_start3A_209] : memref<10240x64xf32, #tpu.memory_space<vmem_shared>> -> memref<10240x64xf32, #tpu.memory_space<vmem_shared>>
        tpu.enqueue_indirect_dma source(%arg11 : memref<128x64xf32, #tpu.memory_space<vmem>>) target(%dma_start3A_210 : memref<10240x64xf32, #tpu.memory_space<vmem_shared>>) offsets(%dma_start3A_207 : memref<128xi32, #tpu.memory_space<vmem>>) semaphore(%arg20 : memref<!tpu.dma_semaphore, #tpu.memory_space<semaphore_mem>>) {add = true}
      } else {
      }
      %mul3A_96 = arith.constant 4 : i32
      %mul3A_97 = arith.muli %scan3A_75, %mul3A_96 : i32
      %add3A_98 = arith.constant 1 : i32
      %add3A_99 = arith.addi %mul3A_97, %add3A_98 : i32
      %ge3A_100 = arith.constant 1 : i32
      %ge3A_101 = arith.cmpi sge, %scan3A_75, %ge3A_100 : i32
      %convert_element_type3A_102 = arith.extui %ge3A_101 : i1 to i32
      %cond3A_103 = arith.constant 0 : i32
      %cond3A_104 = arith.cmpi ne, %convert_element_type3A_102, %cond3A_103 : i32
      scf.if %cond3A_104 {
        %sub3A_193 = arith.constant 4 : i32
        %sub3A_194 = arith.subi %add3A_99, %sub3A_193 : i32
        %dma_wait3A_195 = arith.constant 0 : i32
        %dma_wait3A_196 = tpu.memref_slice %arg8[%sub3A_194, %dma_wait3A_195] : memref<160x128xi32, #tpu.memory_space<vmem>> -> memref<1x128xi32, #tpu.memory_space<vmem>>
        %dma_wait3A_197 = tpu.memref_squeeze %dma_wait3A_196 : memref<1x128xi32, #tpu.memory_space<vmem>> -> memref<128xi32, #tpu.memory_space<vmem>>
        %dma_wait3A_198 = arith.constant 0 : i32
        %dma_wait3A_199 = arith.constant 0 : i32
        %dma_wait3A_200 = tpu.memref_slice %arg13[%dma_wait3A_198, %dma_wait3A_199] : memref<10240x64xf32, #tpu.memory_space<vmem_shared>> -> memref<10240x64xf32, #tpu.memory_space<vmem_shared>>
        tpu.wait_indirect_dma semaphore(%arg19 : memref<!tpu.dma_semaphore, #tpu.memory_space<semaphore_mem>>) src(%arg10 : memref<128x64xf32, #tpu.memory_space<vmem>>) dst(%dma_wait3A_200 : memref<10240x64xf32, #tpu.memory_space<vmem_shared>>)
      } else {
      }
      %dma_start3A_105 = arith.constant 0 : i32
      %dma_start3A_106 = tpu.memref_slice %arg7[%add3A_99, %dma_start3A_105] : memref<160x128xi32, #tpu.memory_space<vmem>> -> memref<1x128xi32, #tpu.memory_space<vmem>>
      %dma_start3A_107 = tpu.memref_squeeze %dma_start3A_106 : memref<1x128xi32, #tpu.memory_space<vmem>> -> memref<128xi32, #tpu.memory_space<vmem>>
      %dma_start3A_108 = arith.constant 0 : i32
      %dma_start3A_109 = arith.constant 0 : i32
      %dma_start3A_110 = tpu.memref_slice %arg2[%arg0, %dma_start3A_108, %dma_start3A_109] : memref<2x10240x64xf32, #tpu.memory_space<hbm>> -> memref<1x10240x64xf32, #tpu.memory_space<hbm>>
      %dma_start3A_111 = tpu.memref_squeeze %dma_start3A_110 : memref<1x10240x64xf32, #tpu.memory_space<hbm>> -> memref<10240x64xf32, #tpu.memory_space<hbm>>
      %dma_start3A_112 = arith.constant 0 : i32
      %dma_start3A_113 = arith.constant 0 : i32
      %dma_start3A_114 = tpu.memref_slice %dma_start3A_111[%dma_start3A_112, %dma_start3A_113] : memref<10240x64xf32, #tpu.memory_space<hbm>> -> memref<10240x64xf32, #tpu.memory_space<hbm>>
      tpu.enqueue_indirect_dma source(%dma_start3A_114 : memref<10240x64xf32, #tpu.memory_space<hbm>>) target(%arg10 : memref<128x64xf32, #tpu.memory_space<vmem>>) offsets(%dma_start3A_107 : memref<128xi32, #tpu.memory_space<vmem>>) semaphore(%arg15 : memref<!tpu.dma_semaphore, #tpu.memory_space<semaphore_mem>>)
      %ge3A_115 = arith.constant 1 : i32
      %ge3A_116 = arith.cmpi sge, %scan3A_75, %ge3A_115 : i32
      %convert_element_type3A_117 = arith.extui %ge3A_116 : i1 to i32
      %cond3A_118 = arith.constant 0 : i32
      %cond3A_119 = arith.cmpi ne, %convert_element_type3A_117, %cond3A_118 : i32
      scf.if %cond3A_119 {
        %sub3A_193 = arith.constant 2 : i32
        %sub3A_194 = arith.subi %add3A_99, %sub3A_193 : i32
        %dma_wait3A_195 = arith.constant 0 : i32
        %dma_wait3A_196 = tpu.memref_slice %arg7[%sub3A_194, %dma_wait3A_195] : memref<160x128xi32, #tpu.memory_space<vmem>> -> memref<1x128xi32, #tpu.memory_space<vmem>>
        %dma_wait3A_197 = tpu.memref_squeeze %dma_wait3A_196 : memref<1x128xi32, #tpu.memory_space<vmem>> -> memref<128xi32, #tpu.memory_space<vmem>>
        %dma_wait3A_198 = arith.constant 0 : i32
        %dma_wait3A_199 = arith.constant 0 : i32
        %dma_wait3A_200 = tpu.memref_slice %arg2[%arg0, %dma_wait3A_198, %dma_wait3A_199] : memref<2x10240x64xf32, #tpu.memory_space<hbm>> -> memref<1x10240x64xf32, #tpu.memory_space<hbm>>
        %dma_wait3A_201 = tpu.memref_squeeze %dma_wait3A_200 : memref<1x10240x64xf32, #tpu.memory_space<hbm>> -> memref<10240x64xf32, #tpu.memory_space<hbm>>
        %dma_wait3A_202 = arith.constant 0 : i32
        %dma_wait3A_203 = arith.constant 0 : i32
        %dma_wait3A_204 = tpu.memref_slice %dma_wait3A_201[%dma_wait3A_202, %dma_wait3A_203] : memref<10240x64xf32, #tpu.memory_space<hbm>> -> memref<10240x64xf32, #tpu.memory_space<hbm>>
        tpu.wait_indirect_dma semaphore(%arg17 : memref<!tpu.dma_semaphore, #tpu.memory_space<semaphore_mem>>) src(%dma_wait3A_204 : memref<10240x64xf32, #tpu.memory_space<hbm>>) dst(%arg12 : memref<128x64xf32, #tpu.memory_space<vmem>>)
        %dma_start3A_205 = arith.constant 0 : i32
        %dma_start3A_206 = tpu.memref_slice %arg8[%sub3A_194, %dma_start3A_205] : memref<160x128xi32, #tpu.memory_space<vmem>> -> memref<1x128xi32, #tpu.memory_space<vmem>>
        %dma_start3A_207 = tpu.memref_squeeze %dma_start3A_206 : memref<1x128xi32, #tpu.memory_space<vmem>> -> memref<128xi32, #tpu.memory_space<vmem>>
        %dma_start3A_208 = arith.constant 0 : i32
        %dma_start3A_209 = arith.constant 0 : i32
        %dma_start3A_210 = tpu.memref_slice %arg13[%dma_start3A_208, %dma_start3A_209] : memref<10240x64xf32, #tpu.memory_space<vmem_shared>> -> memref<10240x64xf32, #tpu.memory_space<vmem_shared>>
        tpu.enqueue_indirect_dma source(%arg12 : memref<128x64xf32, #tpu.memory_space<vmem>>) target(%dma_start3A_210 : memref<10240x64xf32, #tpu.memory_space<vmem_shared>>) offsets(%dma_start3A_207 : memref<128xi32, #tpu.memory_space<vmem>>) semaphore(%arg21 : memref<!tpu.dma_semaphore, #tpu.memory_space<semaphore_mem>>) {add = true}
      } else {
      }
      %mul3A_120 = arith.constant 4 : i32
      %mul3A_121 = arith.muli %scan3A_75, %mul3A_120 : i32
      %add3A_122 = arith.constant 2 : i32
      %add3A_123 = arith.addi %mul3A_121, %add3A_122 : i32
      %ge3A_124 = arith.constant 1 : i32
      %ge3A_125 = arith.cmpi sge, %scan3A_75, %ge3A_124 : i32
      %convert_element_type3A_126 = arith.extui %ge3A_125 : i1 to i32
      %cond3A_127 = arith.constant 0 : i32
      %cond3A_128 = arith.cmpi ne, %convert_element_type3A_126, %cond3A_127 : i32
      scf.if %cond3A_128 {
        %sub3A_193 = arith.constant 4 : i32
        %sub3A_194 = arith.subi %add3A_123, %sub3A_193 : i32
        %dma_wait3A_195 = arith.constant 0 : i32
        %dma_wait3A_196 = tpu.memref_slice %arg8[%sub3A_194, %dma_wait3A_195] : memref<160x128xi32, #tpu.memory_space<vmem>> -> memref<1x128xi32, #tpu.memory_space<vmem>>
        %dma_wait3A_197 = tpu.memref_squeeze %dma_wait3A_196 : memref<1x128xi32, #tpu.memory_space<vmem>> -> memref<128xi32, #tpu.memory_space<vmem>>
        %dma_wait3A_198 = arith.constant 0 : i32
        %dma_wait3A_199 = arith.constant 0 : i32
        %dma_wait3A_200 = tpu.memref_slice %arg13[%dma_wait3A_198, %dma_wait3A_199] : memref<10240x64xf32, #tpu.memory_space<vmem_shared>> -> memref<10240x64xf32, #tpu.memory_space<vmem_shared>>
        tpu.wait_indirect_dma semaphore(%arg20 : memref<!tpu.dma_semaphore, #tpu.memory_space<semaphore_mem>>) src(%arg11 : memref<128x64xf32, #tpu.memory_space<vmem>>) dst(%dma_wait3A_200 : memref<10240x64xf32, #tpu.memory_space<vmem_shared>>)
      } else {
      }
      %dma_start3A_129 = arith.constant 0 : i32
      %dma_start3A_130 = tpu.memref_slice %arg7[%add3A_123, %dma_start3A_129] : memref<160x128xi32, #tpu.memory_space<vmem>> -> memref<1x128xi32, #tpu.memory_space<vmem>>
      %dma_start3A_131 = tpu.memref_squeeze %dma_start3A_130 : memref<1x128xi32, #tpu.memory_space<vmem>> -> memref<128xi32, #tpu.memory_space<vmem>>
      %dma_start3A_132 = arith.constant 0 : i32
      %dma_start3A_133 = arith.constant 0 : i32
      %dma_start3A_134 = tpu.memref_slice %arg2[%arg0, %dma_start3A_132, %dma_start3A_133] : memref<2x10240x64xf32, #tpu.memory_space<hbm>> -> memref<1x10240x64xf32, #tpu.memory_space<hbm>>
      %dma_start3A_135 = tpu.memref_squeeze %dma_start3A_134 : memref<1x10240x64xf32, #tpu.memory_space<hbm>> -> memref<10240x64xf32, #tpu.memory_space<hbm>>
      %dma_start3A_136 = arith.constant 0 : i32
      %dma_start3A_137 = arith.constant 0 : i32
      %dma_start3A_138 = tpu.memref_slice %dma_start3A_135[%dma_start3A_136, %dma_start3A_137] : memref<10240x64xf32, #tpu.memory_space<hbm>> -> memref<10240x64xf32, #tpu.memory_space<hbm>>
      tpu.enqueue_indirect_dma source(%dma_start3A_138 : memref<10240x64xf32, #tpu.memory_space<hbm>>) target(%arg11 : memref<128x64xf32, #tpu.memory_space<vmem>>) offsets(%dma_start3A_131 : memref<128xi32, #tpu.memory_space<vmem>>) semaphore(%arg16 : memref<!tpu.dma_semaphore, #tpu.memory_space<semaphore_mem>>)
      %sub3A = arith.constant 2 : i32
      %sub3A_139 = arith.subi %add3A_123, %sub3A : i32
      %dma_wait3A_140 = arith.constant 0 : i32
      %dma_wait3A_141 = tpu.memref_slice %arg7[%sub3A_139, %dma_wait3A_140] : memref<160x128xi32, #tpu.memory_space<vmem>> -> memref<1x128xi32, #tpu.memory_space<vmem>>
      %dma_wait3A_142 = tpu.memref_squeeze %dma_wait3A_141 : memref<1x128xi32, #tpu.memory_space<vmem>> -> memref<128xi32, #tpu.memory_space<vmem>>
      %dma_wait3A_143 = arith.constant 0 : i32
      %dma_wait3A_144 = arith.constant 0 : i32
      %dma_wait3A_145 = tpu.memref_slice %arg2[%arg0, %dma_wait3A_143, %dma_wait3A_144] : memref<2x10240x64xf32, #tpu.memory_space<hbm>> -> memref<1x10240x64xf32, #tpu.memory_space<hbm>>
      %dma_wait3A_146 = tpu.memref_squeeze %dma_wait3A_145 : memref<1x10240x64xf32, #tpu.memory_space<hbm>> -> memref<10240x64xf32, #tpu.memory_space<hbm>>
      %dma_wait3A_147 = arith.constant 0 : i32
      %dma_wait3A_148 = arith.constant 0 : i32
      %dma_wait3A_149 = tpu.memref_slice %dma_wait3A_146[%dma_wait3A_147, %dma_wait3A_148] : memref<10240x64xf32, #tpu.memory_space<hbm>> -> memref<10240x64xf32, #tpu.memory_space<hbm>>
      tpu.wait_indirect_dma semaphore(%arg14 : memref<!tpu.dma_semaphore, #tpu.memory_space<semaphore_mem>>) src(%dma_wait3A_149 : memref<10240x64xf32, #tpu.memory_space<hbm>>) dst(%arg9 : memref<128x64xf32, #tpu.memory_space<vmem>>)
      %dma_start3A_150 = arith.constant 0 : i32
      %dma_start3A_151 = tpu.memref_slice %arg8[%sub3A_139, %dma_start3A_150] : memref<160x128xi32, #tpu.memory_space<vmem>> -> memref<1x128xi32, #tpu.memory_space<vmem>>
      %dma_start3A_152 = tpu.memref_squeeze %dma_start3A_151 : memref<1x128xi32, #tpu.memory_space<vmem>> -> memref<128xi32, #tpu.memory_space<vmem>>
      %dma_start3A_153 = arith.constant 0 : i32
      %dma_start3A_154 = arith.constant 0 : i32
      %dma_start3A_155 = tpu.memref_slice %arg13[%dma_start3A_153, %dma_start3A_154] : memref<10240x64xf32, #tpu.memory_space<vmem_shared>> -> memref<10240x64xf32, #tpu.memory_space<vmem_shared>>
      tpu.enqueue_indirect_dma source(%arg9 : memref<128x64xf32, #tpu.memory_space<vmem>>) target(%dma_start3A_155 : memref<10240x64xf32, #tpu.memory_space<vmem_shared>>) offsets(%dma_start3A_152 : memref<128xi32, #tpu.memory_space<vmem>>) semaphore(%arg18 : memref<!tpu.dma_semaphore, #tpu.memory_space<semaphore_mem>>) {add = true}
      %mul3A_156 = arith.constant 4 : i32
      %mul3A_157 = arith.muli %scan3A_75, %mul3A_156 : i32
      %add3A_158 = arith.constant 3 : i32
      %add3A_159 = arith.addi %mul3A_157, %add3A_158 : i32
      %ge3A_160 = arith.constant 1 : i32
      %ge3A_161 = arith.cmpi sge, %scan3A_75, %ge3A_160 : i32
      %convert_element_type3A_162 = arith.extui %ge3A_161 : i1 to i32
      %cond3A_163 = arith.constant 0 : i32
      %cond3A_164 = arith.cmpi ne, %convert_element_type3A_162, %cond3A_163 : i32
      scf.if %cond3A_164 {
        %sub3A_193 = arith.constant 4 : i32
        %sub3A_194 = arith.subi %add3A_159, %sub3A_193 : i32
        %dma_wait3A_195 = arith.constant 0 : i32
        %dma_wait3A_196 = tpu.memref_slice %arg8[%sub3A_194, %dma_wait3A_195] : memref<160x128xi32, #tpu.memory_space<vmem>> -> memref<1x128xi32, #tpu.memory_space<vmem>>
        %dma_wait3A_197 = tpu.memref_squeeze %dma_wait3A_196 : memref<1x128xi32, #tpu.memory_space<vmem>> -> memref<128xi32, #tpu.memory_space<vmem>>
        %dma_wait3A_198 = arith.constant 0 : i32
        %dma_wait3A_199 = arith.constant 0 : i32
        %dma_wait3A_200 = tpu.memref_slice %arg13[%dma_wait3A_198, %dma_wait3A_199] : memref<10240x64xf32, #tpu.memory_space<vmem_shared>> -> memref<10240x64xf32, #tpu.memory_space<vmem_shared>>
        tpu.wait_indirect_dma semaphore(%arg21 : memref<!tpu.dma_semaphore, #tpu.memory_space<semaphore_mem>>) src(%arg12 : memref<128x64xf32, #tpu.memory_space<vmem>>) dst(%dma_wait3A_200 : memref<10240x64xf32, #tpu.memory_space<vmem_shared>>)
      } else {
      }
      %dma_start3A_165 = arith.constant 0 : i32
      %dma_start3A_166 = tpu.memref_slice %arg7[%add3A_159, %dma_start3A_165] : memref<160x128xi32, #tpu.memory_space<vmem>> -> memref<1x128xi32, #tpu.memory_space<vmem>>
      %dma_start3A_167 = tpu.memref_squeeze %dma_start3A_166 : memref<1x128xi32, #tpu.memory_space<vmem>> -> memref<128xi32, #tpu.memory_space<vmem>>
      %dma_start3A_168 = arith.constant 0 : i32
      %dma_start3A_169 = arith.constant 0 : i32
      %dma_start3A_170 = tpu.memref_slice %arg2[%arg0, %dma_start3A_168, %dma_start3A_169] : memref<2x10240x64xf32, #tpu.memory_space<hbm>> -> memref<1x10240x64xf32, #tpu.memory_space<hbm>>
      %dma_start3A_171 = tpu.memref_squeeze %dma_start3A_170 : memref<1x10240x64xf32, #tpu.memory_space<hbm>> -> memref<10240x64xf32, #tpu.memory_space<hbm>>
      %dma_start3A_172 = arith.constant 0 : i32
      %dma_start3A_173 = arith.constant 0 : i32
      %dma_start3A_174 = tpu.memref_slice %dma_start3A_171[%dma_start3A_172, %dma_start3A_173] : memref<10240x64xf32, #tpu.memory_space<hbm>> -> memref<10240x64xf32, #tpu.memory_space<hbm>>
      tpu.enqueue_indirect_dma source(%dma_start3A_174 : memref<10240x64xf32, #tpu.memory_space<hbm>>) target(%arg12 : memref<128x64xf32, #tpu.memory_space<vmem>>) offsets(%dma_start3A_167 : memref<128xi32, #tpu.memory_space<vmem>>) semaphore(%arg17 : memref<!tpu.dma_semaphore, #tpu.memory_space<semaphore_mem>>)
      %sub3A_175 = arith.constant 2 : i32
      %sub3A_176 = arith.subi %add3A_159, %sub3A_175 : i32
      %dma_wait3A_177 = arith.constant 0 : i32
      %dma_wait3A_178 = tpu.memref_slice %arg7[%sub3A_176, %dma_wait3A_177] : memref<160x128xi32, #tpu.memory_space<vmem>> -> memref<1x128xi32, #tpu.memory_space<vmem>>
      %dma_wait3A_179 = tpu.memref_squeeze %dma_wait3A_178 : memref<1x128xi32, #tpu.memory_space<vmem>> -> memref<128xi32, #tpu.memory_space<vmem>>
      %dma_wait3A_180 = arith.constant 0 : i32
      %dma_wait3A_181 = arith.constant 0 : i32
      %dma_wait3A_182 = tpu.memref_slice %arg2[%arg0, %dma_wait3A_180, %dma_wait3A_181] : memref<2x10240x64xf32, #tpu.memory_space<hbm>> -> memref<1x10240x64xf32, #tpu.memory_space<hbm>>
      %dma_wait3A_183 = tpu.memref_squeeze %dma_wait3A_182 : memref<1x10240x64xf32, #tpu.memory_space<hbm>> -> memref<10240x64xf32, #tpu.memory_space<hbm>>
      %dma_wait3A_184 = arith.constant 0 : i32
      %dma_wait3A_185 = arith.constant 0 : i32
      %dma_wait3A_186 = tpu.memref_slice %dma_wait3A_183[%dma_wait3A_184, %dma_wait3A_185] : memref<10240x64xf32, #tpu.memory_space<hbm>> -> memref<10240x64xf32, #tpu.memory_space<hbm>>
      tpu.wait_indirect_dma semaphore(%arg15 : memref<!tpu.dma_semaphore, #tpu.memory_space<semaphore_mem>>) src(%dma_wait3A_186 : memref<10240x64xf32, #tpu.memory_space<hbm>>) dst(%arg10 : memref<128x64xf32, #tpu.memory_space<vmem>>)
      %dma_start3A_187 = arith.constant 0 : i32
      %dma_start3A_188 = tpu.memref_slice %arg8[%sub3A_176, %dma_start3A_187] : memref<160x128xi32, #tpu.memory_space<vmem>> -> memref<1x128xi32, #tpu.memory_space<vmem>>
      %dma_start3A_189 = tpu.memref_squeeze %dma_start3A_188 : memref<1x128xi32, #tpu.memory_space<vmem>> -> memref<128xi32, #tpu.memory_space<vmem>>
      %dma_start3A_190 = arith.constant 0 : i32
      %dma_start3A_191 = arith.constant 0 : i32
      %dma_start3A_192 = tpu.memref_slice %arg13[%dma_start3A_190, %dma_start3A_191] : memref<10240x64xf32, #tpu.memory_space<vmem_shared>> -> memref<10240x64xf32, #tpu.memory_space<vmem_shared>>
      tpu.enqueue_indirect_dma source(%arg10 : memref<128x64xf32, #tpu.memory_space<vmem>>) target(%dma_start3A_192 : memref<10240x64xf32, #tpu.memory_space<vmem_shared>>) offsets(%dma_start3A_189 : memref<128xi32, #tpu.memory_space<vmem>>) semaphore(%arg19 : memref<!tpu.dma_semaphore, #tpu.memory_space<semaphore_mem>>) {add = true}
    }
    %scan3A_7 = arith.constant 40 : i32
    %dma_wait3A = arith.constant 158 : i32
    %dma_wait3A_8 = arith.constant 0 : i32
    %dma_wait3A_9 = tpu.memref_slice %arg7[%dma_wait3A, %dma_wait3A_8] : memref<160x128xi32, #tpu.memory_space<vmem>> -> memref<1x128xi32, #tpu.memory_space<vmem>>
    %dma_wait3A_10 = tpu.memref_squeeze %dma_wait3A_9 : memref<1x128xi32, #tpu.memory_space<vmem>> -> memref<128xi32, #tpu.memory_space<vmem>>
    %dma_wait3A_11 = arith.constant 0 : i32
    %dma_wait3A_12 = arith.constant 0 : i32
    %dma_wait3A_13 = tpu.memref_slice %arg2[%arg0, %dma_wait3A_11, %dma_wait3A_12] : memref<2x10240x64xf32, #tpu.memory_space<hbm>> -> memref<1x10240x64xf32, #tpu.memory_space<hbm>>
    %dma_wait3A_14 = tpu.memref_squeeze %dma_wait3A_13 : memref<1x10240x64xf32, #tpu.memory_space<hbm>> -> memref<10240x64xf32, #tpu.memory_space<hbm>>
    %dma_wait3A_15 = arith.constant 0 : i32
    %dma_wait3A_16 = arith.constant 0 : i32
    %dma_wait3A_17 = tpu.memref_slice %dma_wait3A_14[%dma_wait3A_15, %dma_wait3A_16] : memref<10240x64xf32, #tpu.memory_space<hbm>> -> memref<10240x64xf32, #tpu.memory_space<hbm>>
    tpu.wait_indirect_dma semaphore(%arg16 : memref<!tpu.dma_semaphore, #tpu.memory_space<semaphore_mem>>) src(%dma_wait3A_17 : memref<10240x64xf32, #tpu.memory_space<hbm>>) dst(%arg11 : memref<128x64xf32, #tpu.memory_space<vmem>>)
    %dma_start3A = arith.constant 158 : i32
    %dma_start3A_18 = arith.constant 0 : i32
    %dma_start3A_19 = tpu.memref_slice %arg8[%dma_start3A, %dma_start3A_18] : memref<160x128xi32, #tpu.memory_space<vmem>> -> memref<1x128xi32, #tpu.memory_space<vmem>>
    %dma_start3A_20 = tpu.memref_squeeze %dma_start3A_19 : memref<1x128xi32, #tpu.memory_space<vmem>> -> memref<128xi32, #tpu.memory_space<vmem>>
    %dma_start3A_21 = arith.constant 0 : i32
    %dma_start3A_22 = arith.constant 0 : i32
    %dma_start3A_23 = tpu.memref_slice %arg13[%dma_start3A_21, %dma_start3A_22] : memref<10240x64xf32, #tpu.memory_space<vmem_shared>> -> memref<10240x64xf32, #tpu.memory_space<vmem_shared>>
    tpu.enqueue_indirect_dma source(%arg11 : memref<128x64xf32, #tpu.memory_space<vmem>>) target(%dma_start3A_23 : memref<10240x64xf32, #tpu.memory_space<vmem_shared>>) offsets(%dma_start3A_20 : memref<128xi32, #tpu.memory_space<vmem>>) semaphore(%arg20 : memref<!tpu.dma_semaphore, #tpu.memory_space<semaphore_mem>>) {add = true}
    %dma_wait3A_24 = arith.constant 159 : i32
    %dma_wait3A_25 = arith.constant 0 : i32
    %dma_wait3A_26 = tpu.memref_slice %arg7[%dma_wait3A_24, %dma_wait3A_25] : memref<160x128xi32, #tpu.memory_space<vmem>> -> memref<1x128xi32, #tpu.memory_space<vmem>>
    %dma_wait3A_27 = tpu.memref_squeeze %dma_wait3A_26 : memref<1x128xi32, #tpu.memory_space<vmem>> -> memref<128xi32, #tpu.memory_space<vmem>>
    %dma_wait3A_28 = arith.constant 0 : i32
    %dma_wait3A_29 = arith.constant 0 : i32
    %dma_wait3A_30 = tpu.memref_slice %arg2[%arg0, %dma_wait3A_28, %dma_wait3A_29] : memref<2x10240x64xf32, #tpu.memory_space<hbm>> -> memref<1x10240x64xf32, #tpu.memory_space<hbm>>
    %dma_wait3A_31 = tpu.memref_squeeze %dma_wait3A_30 : memref<1x10240x64xf32, #tpu.memory_space<hbm>> -> memref<10240x64xf32, #tpu.memory_space<hbm>>
    %dma_wait3A_32 = arith.constant 0 : i32
    %dma_wait3A_33 = arith.constant 0 : i32
    %dma_wait3A_34 = tpu.memref_slice %dma_wait3A_31[%dma_wait3A_32, %dma_wait3A_33] : memref<10240x64xf32, #tpu.memory_space<hbm>> -> memref<10240x64xf32, #tpu.memory_space<hbm>>
    tpu.wait_indirect_dma semaphore(%arg17 : memref<!tpu.dma_semaphore, #tpu.memory_space<semaphore_mem>>) src(%dma_wait3A_34 : memref<10240x64xf32, #tpu.memory_space<hbm>>) dst(%arg12 : memref<128x64xf32, #tpu.memory_space<vmem>>)
    %dma_start3A_35 = arith.constant 159 : i32
    %dma_start3A_36 = arith.constant 0 : i32
    %dma_start3A_37 = tpu.memref_slice %arg8[%dma_start3A_35, %dma_start3A_36] : memref<160x128xi32, #tpu.memory_space<vmem>> -> memref<1x128xi32, #tpu.memory_space<vmem>>
    %dma_start3A_38 = tpu.memref_squeeze %dma_start3A_37 : memref<1x128xi32, #tpu.memory_space<vmem>> -> memref<128xi32, #tpu.memory_space<vmem>>
    %dma_start3A_39 = arith.constant 0 : i32
    %dma_start3A_40 = arith.constant 0 : i32
    %dma_start3A_41 = tpu.memref_slice %arg13[%dma_start3A_39, %dma_start3A_40] : memref<10240x64xf32, #tpu.memory_space<vmem_shared>> -> memref<10240x64xf32, #tpu.memory_space<vmem_shared>>
    tpu.enqueue_indirect_dma source(%arg12 : memref<128x64xf32, #tpu.memory_space<vmem>>) target(%dma_start3A_41 : memref<10240x64xf32, #tpu.memory_space<vmem_shared>>) offsets(%dma_start3A_38 : memref<128xi32, #tpu.memory_space<vmem>>) semaphore(%arg21 : memref<!tpu.dma_semaphore, #tpu.memory_space<semaphore_mem>>) {add = true}
    %dma_wait3A_42 = arith.constant 156 : i32
    %dma_wait3A_43 = arith.constant 0 : i32
    %dma_wait3A_44 = tpu.memref_slice %arg8[%dma_wait3A_42, %dma_wait3A_43] : memref<160x128xi32, #tpu.memory_space<vmem>> -> memref<1x128xi32, #tpu.memory_space<vmem>>
    %dma_wait3A_45 = tpu.memref_squeeze %dma_wait3A_44 : memref<1x128xi32, #tpu.memory_space<vmem>> -> memref<128xi32, #tpu.memory_space<vmem>>
    %dma_wait3A_46 = arith.constant 0 : i32
    %dma_wait3A_47 = arith.constant 0 : i32
    %dma_wait3A_48 = tpu.memref_slice %arg13[%dma_wait3A_46, %dma_wait3A_47] : memref<10240x64xf32, #tpu.memory_space<vmem_shared>> -> memref<10240x64xf32, #tpu.memory_space<vmem_shared>>
    tpu.wait_indirect_dma semaphore(%arg18 : memref<!tpu.dma_semaphore, #tpu.memory_space<semaphore_mem>>) src(%arg9 : memref<128x64xf32, #tpu.memory_space<vmem>>) dst(%dma_wait3A_48 : memref<10240x64xf32, #tpu.memory_space<vmem_shared>>)
    %dma_wait3A_49 = arith.constant 157 : i32
    %dma_wait3A_50 = arith.constant 0 : i32
    %dma_wait3A_51 = tpu.memref_slice %arg8[%dma_wait3A_49, %dma_wait3A_50] : memref<160x128xi32, #tpu.memory_space<vmem>> -> memref<1x128xi32, #tpu.memory_space<vmem>>
    %dma_wait3A_52 = tpu.memref_squeeze %dma_wait3A_51 : memref<1x128xi32, #tpu.memory_space<vmem>> -> memref<128xi32, #tpu.memory_space<vmem>>
    %dma_wait3A_53 = arith.constant 0 : i32
    %dma_wait3A_54 = arith.constant 0 : i32
    %dma_wait3A_55 = tpu.memref_slice %arg13[%dma_wait3A_53, %dma_wait3A_54] : memref<10240x64xf32, #tpu.memory_space<vmem_shared>> -> memref<10240x64xf32, #tpu.memory_space<vmem_shared>>
    tpu.wait_indirect_dma semaphore(%arg19 : memref<!tpu.dma_semaphore, #tpu.memory_space<semaphore_mem>>) src(%arg10 : memref<128x64xf32, #tpu.memory_space<vmem>>) dst(%dma_wait3A_55 : memref<10240x64xf32, #tpu.memory_space<vmem_shared>>)
    %dma_wait3A_56 = arith.constant 158 : i32
    %dma_wait3A_57 = arith.constant 0 : i32
    %dma_wait3A_58 = tpu.memref_slice %arg8[%dma_wait3A_56, %dma_wait3A_57] : memref<160x128xi32, #tpu.memory_space<vmem>> -> memref<1x128xi32, #tpu.memory_space<vmem>>
    %dma_wait3A_59 = tpu.memref_squeeze %dma_wait3A_58 : memref<1x128xi32, #tpu.memory_space<vmem>> -> memref<128xi32, #tpu.memory_space<vmem>>
    %dma_wait3A_60 = arith.constant 0 : i32
    %dma_wait3A_61 = arith.constant 0 : i32
    %dma_wait3A_62 = tpu.memref_slice %arg13[%dma_wait3A_60, %dma_wait3A_61] : memref<10240x64xf32, #tpu.memory_space<vmem_shared>> -> memref<10240x64xf32, #tpu.memory_space<vmem_shared>>
    tpu.wait_indirect_dma semaphore(%arg20 : memref<!tpu.dma_semaphore, #tpu.memory_space<semaphore_mem>>) src(%arg11 : memref<128x64xf32, #tpu.memory_space<vmem>>) dst(%dma_wait3A_62 : memref<10240x64xf32, #tpu.memory_space<vmem_shared>>)
    %dma_wait3A_63 = arith.constant 159 : i32
    %dma_wait3A_64 = arith.constant 0 : i32
    %dma_wait3A_65 = tpu.memref_slice %arg8[%dma_wait3A_63, %dma_wait3A_64] : memref<160x128xi32, #tpu.memory_space<vmem>> -> memref<1x128xi32, #tpu.memory_space<vmem>>
    %dma_wait3A_66 = tpu.memref_squeeze %dma_wait3A_65 : memref<1x128xi32, #tpu.memory_space<vmem>> -> memref<128xi32, #tpu.memory_space<vmem>>
    %dma_wait3A_67 = arith.constant 0 : i32
    %dma_wait3A_68 = arith.constant 0 : i32
    %dma_wait3A_69 = tpu.memref_slice %arg13[%dma_wait3A_67, %dma_wait3A_68] : memref<10240x64xf32, #tpu.memory_space<vmem_shared>> -> memref<10240x64xf32, #tpu.memory_space<vmem_shared>>
    tpu.wait_indirect_dma semaphore(%arg21 : memref<!tpu.dma_semaphore, #tpu.memory_space<semaphore_mem>>) src(%arg12 : memref<128x64xf32, #tpu.memory_space<vmem>>) dst(%dma_wait3A_69 : memref<10240x64xf32, #tpu.memory_space<vmem_shared>>)
    %barrier3A_70 = arith.constant 0 : index
    tpu.barrier barrier_id(%barrier3A_70)
    %mul3A_71 = arith.constant 640 : i32
    %mul3A_72 = arith.muli %arg1, %mul3A_71 : i32
    %mul3A_73 = arith.constant 640 : i32
    %mul3A_74 = arith.muli %arg1, %mul3A_73 : i32
    "tpu.region"() ({
      %run_scoped3A = tpu.sem_alloc : memref<!tpu.dma_semaphore, #tpu.memory_space<semaphore_mem>>
      %dma_start3A_75 = arith.constant 0 : i32
      %dma_start3A_76 = tpu.memref_slice %arg6[%arg0, %mul3A_74, %dma_start3A_75] : memref<2x10240x64xf32, #tpu.memory_space<hbm>> -> memref<1x640x64xf32, #tpu.memory_space<hbm>>
      %dma_start3A_77 = tpu.memref_squeeze %dma_start3A_76 : memref<1x640x64xf32, #tpu.memory_space<hbm>> -> memref<640x64xf32, #tpu.memory_space<hbm>>
      %dma_start3A_78 = arith.constant 0 : i32
      %dma_start3A_79 = tpu.memref_slice %arg13[%mul3A_72, %dma_start3A_78] : memref<10240x64xf32, #tpu.memory_space<vmem_shared>> -> memref<640x64xf32, #tpu.memory_space<vmem_shared>>
      tpu.enqueue_dma source(%dma_start3A_79 : memref<640x64xf32, #tpu.memory_space<vmem_shared>>) target(%dma_start3A_77 : memref<640x64xf32, #tpu.memory_space<hbm>>) target_semaphore(%run_scoped3A : memref<!tpu.dma_semaphore, #tpu.memory_space<semaphore_mem>>)
      %dma_wait3A_80 = arith.constant 0 : i32
      %dma_wait3A_81 = tpu.memref_slice %arg6[%arg0, %mul3A_74, %dma_wait3A_80] : memref<2x10240x64xf32, #tpu.memory_space<hbm>> -> memref<1x640x64xf32, #tpu.memory_space<hbm>>
      %dma_wait3A_82 = tpu.memref_squeeze %dma_wait3A_81 : memref<1x640x64xf32, #tpu.memory_space<hbm>> -> memref<640x64xf32, #tpu.memory_space<hbm>>
      %dma_wait3A_83 = arith.constant 0 : i32
      %dma_wait3A_84 = tpu.memref_slice %arg13[%mul3A_72, %dma_wait3A_83] : memref<10240x64xf32, #tpu.memory_space<vmem_shared>> -> memref<640x64xf32, #tpu.memory_space<vmem_shared>>
      tpu.wait_dma2 semaphore(%run_scoped3A : memref<!tpu.dma_semaphore, #tpu.memory_space<semaphore_mem>>) src(%dma_wait3A_84 : memref<640x64xf32, #tpu.memory_space<vmem_shared>>) dst(%dma_wait3A_82 : memref<640x64xf32, #tpu.memory_space<hbm>>)
      tpu.yield
    }) : () -> ()
    return
  }
}

#map = affine_map<(d0, d1) -> (0, 0)>
#map1 = affine_map<(d0, d1) -> (0, 0, 0)>
module attributes {stable_mosaic.version = 14 : i64} {
  func.func @_sc_gather_deg(%arg0: i32, %arg1: i32, %arg2: memref<10000x128xf32, #tpu.memory_space<hbm>>, %arg3: memref<32x4x80xi32, #tpu.memory_space<hbm>>, %arg4: memref<16x160x128xi32, #tpu.memory_space<hbm>>, %arg5: memref<10240x16xf32, #tpu.memory_space<hbm>>, %arg6: memref<128x16xf32, #tpu.memory_space<hbm>>, %arg7: memref<10240x128xf32, #tpu.memory_space<hbm>>, %arg8: memref<2x10240x16xf32, #tpu.memory_space<hbm>>, %arg9: memref<4x80xi32, #tpu.memory_space<vmem>>, %arg10: memref<80x128xf32, #tpu.memory_space<vmem>>, %arg11: memref<80x128xf32, #tpu.memory_space<vmem>>, %arg12: memref<80x128xi32, #tpu.memory_space<vmem>>, %arg13: memref<128x16xf32, #tpu.memory_space<vmem>>, %arg14: memref<10240x16xf32, #tpu.memory_space<vmem_shared>>, %arg15: memref<!tpu.dma_semaphore, #tpu.memory_space<semaphore_mem>>, %arg16: memref<!tpu.dma_semaphore, #tpu.memory_space<semaphore_mem>>, %arg17: memref<!tpu.dma_semaphore, #tpu.memory_space<semaphore_mem>>, %arg18: memref<!tpu.dma_semaphore, #tpu.memory_space<semaphore_mem>>) attributes {dimension_semantics = [#tpu.dimension_semantics<core_parallel>, #tpu.dimension_semantics<subcore_parallel>], iteration_bounds = array<i64: 2, 16>, scalar_prefetch = 0 : i64, scratch_operands = 10 : i64, tpu.core_type = #tpu.core_type<sc_vector_subcore>, window_params = [{transform_indices = #map}, {transform_indices = #map1}, {transform_indices = #map1}, {transform_indices = #map}, {transform_indices = #map}, {transform_indices = #map}, {transform_indices = #map1}]} {
    %mul3A = arith.constant 2 : i32
    %mul3A_0 = arith.muli %arg1, %mul3A : i32
    %add3A = arith.addi %mul3A_0, %arg0 : i32
    "tpu.region"() ({
      %run_scoped3A = tpu.sem_alloc : memref<!tpu.dma_semaphore, #tpu.memory_space<semaphore_mem>>
      %dma_start3A_135 = arith.constant 0 : i32
      %dma_start3A_136 = arith.constant 0 : i32
      %dma_start3A_137 = tpu.memref_slice %arg3[%add3A, %dma_start3A_135, %dma_start3A_136] : memref<32x4x80xi32, #tpu.memory_space<hbm>> -> memref<1x4x80xi32, #tpu.memory_space<hbm>>
      %dma_start3A_138 = tpu.memref_squeeze %dma_start3A_137 : memref<1x4x80xi32, #tpu.memory_space<hbm>> -> memref<4x80xi32, #tpu.memory_space<hbm>>
      %dma_start3A_139 = arith.constant 0 : i32
      %dma_start3A_140 = arith.constant 0 : i32
      %dma_start3A_141 = tpu.memref_slice %arg3[%add3A, %dma_start3A_139, %dma_start3A_140] : memref<32x4x80xi32, #tpu.memory_space<hbm>> -> memref<1x4x80xi32, #tpu.memory_space<hbm>>
      %dma_start3A_142 = tpu.memref_squeeze %dma_start3A_141 : memref<1x4x80xi32, #tpu.memory_space<hbm>> -> memref<4x80xi32, #tpu.memory_space<hbm>>
      tpu.enqueue_dma source(%dma_start3A_142 : memref<4x80xi32, #tpu.memory_space<hbm>>) target(%arg9 : memref<4x80xi32, #tpu.memory_space<vmem>>) target_semaphore(%run_scoped3A : memref<!tpu.dma_semaphore, #tpu.memory_space<semaphore_mem>>)
      %dma_wait3A_143 = arith.constant 0 : i32
      %dma_wait3A_144 = arith.constant 0 : i32
      %dma_wait3A_145 = tpu.memref_slice %arg3[%add3A, %dma_wait3A_143, %dma_wait3A_144] : memref<32x4x80xi32, #tpu.memory_space<hbm>> -> memref<1x4x80xi32, #tpu.memory_space<hbm>>
      %dma_wait3A_146 = tpu.memref_squeeze %dma_wait3A_145 : memref<1x4x80xi32, #tpu.memory_space<hbm>> -> memref<4x80xi32, #tpu.memory_space<hbm>>
      %dma_wait3A_147 = arith.constant 0 : i32
      %dma_wait3A_148 = arith.constant 0 : i32
      %dma_wait3A_149 = tpu.memref_slice %arg3[%add3A, %dma_wait3A_147, %dma_wait3A_148] : memref<32x4x80xi32, #tpu.memory_space<hbm>> -> memref<1x4x80xi32, #tpu.memory_space<hbm>>
      %dma_wait3A_150 = tpu.memref_squeeze %dma_wait3A_149 : memref<1x4x80xi32, #tpu.memory_space<hbm>> -> memref<4x80xi32, #tpu.memory_space<hbm>>
      tpu.wait_dma2 semaphore(%run_scoped3A : memref<!tpu.dma_semaphore, #tpu.memory_space<semaphore_mem>>) src(%dma_wait3A_150 : memref<4x80xi32, #tpu.memory_space<hbm>>) dst(%arg9 : memref<4x80xi32, #tpu.memory_space<vmem>>)
      tpu.yield
    }) : () -> ()
    %dma_start3A = arith.constant 0 : i32
    %dma_start3A_1 = arith.constant 0 : i32
    %dma_start3A_2 = tpu.memref_slice %arg9[%dma_start3A, %dma_start3A_1] : memref<4x80xi32, #tpu.memory_space<vmem>> -> memref<1x80xi32, #tpu.memory_space<vmem>>
    %dma_start3A_3 = tpu.memref_squeeze %dma_start3A_2 : memref<1x80xi32, #tpu.memory_space<vmem>> -> memref<80xi32, #tpu.memory_space<vmem>>
    %dma_start3A_4 = arith.constant 0 : i32
    %dma_start3A_5 = arith.constant 0 : i32
    %dma_start3A_6 = tpu.memref_slice %arg2[%dma_start3A_4, %dma_start3A_5] : memref<10000x128xf32, #tpu.memory_space<hbm>> -> memref<10000x128xf32, #tpu.memory_space<hbm>>
    tpu.enqueue_indirect_dma source(%dma_start3A_6 : memref<10000x128xf32, #tpu.memory_space<hbm>>) target(%arg10 : memref<80x128xf32, #tpu.memory_space<vmem>>) offsets(%dma_start3A_3 : memref<80xi32, #tpu.memory_space<vmem>>) semaphore(%arg15 : memref<!tpu.dma_semaphore, #tpu.memory_space<semaphore_mem>>)
    %dma_start3A_7 = arith.constant 1 : i32
    %dma_start3A_8 = arith.constant 0 : i32
    %dma_start3A_9 = tpu.memref_slice %arg9[%dma_start3A_7, %dma_start3A_8] : memref<4x80xi32, #tpu.memory_space<vmem>> -> memref<1x80xi32, #tpu.memory_space<vmem>>
    %dma_start3A_10 = tpu.memref_squeeze %dma_start3A_9 : memref<1x80xi32, #tpu.memory_space<vmem>> -> memref<80xi32, #tpu.memory_space<vmem>>
    %dma_start3A_11 = arith.constant 0 : i32
    %dma_start3A_12 = arith.constant 0 : i32
    %dma_start3A_13 = tpu.memref_slice %arg2[%dma_start3A_11, %dma_start3A_12] : memref<10000x128xf32, #tpu.memory_space<hbm>> -> memref<10000x128xf32, #tpu.memory_space<hbm>>
    tpu.enqueue_indirect_dma source(%dma_start3A_13 : memref<10000x128xf32, #tpu.memory_space<hbm>>) target(%arg11 : memref<80x128xf32, #tpu.memory_space<vmem>>) offsets(%dma_start3A_10 : memref<80xi32, #tpu.memory_space<vmem>>) semaphore(%arg16 : memref<!tpu.dma_semaphore, #tpu.memory_space<semaphore_mem>>)
    %dma_wait3A = arith.constant 0 : i32
    %dma_wait3A_14 = arith.constant 0 : i32
    %dma_wait3A_15 = tpu.memref_slice %arg9[%dma_wait3A, %dma_wait3A_14] : memref<4x80xi32, #tpu.memory_space<vmem>> -> memref<1x80xi32, #tpu.memory_space<vmem>>
    %dma_wait3A_16 = tpu.memref_squeeze %dma_wait3A_15 : memref<1x80xi32, #tpu.memory_space<vmem>> -> memref<80xi32, #tpu.memory_space<vmem>>
    %dma_wait3A_17 = arith.constant 0 : i32
    %dma_wait3A_18 = arith.constant 0 : i32
    %dma_wait3A_19 = tpu.memref_slice %arg2[%dma_wait3A_17, %dma_wait3A_18] : memref<10000x128xf32, #tpu.memory_space<hbm>> -> memref<10000x128xf32, #tpu.memory_space<hbm>>
    tpu.wait_indirect_dma semaphore(%arg15 : memref<!tpu.dma_semaphore, #tpu.memory_space<semaphore_mem>>) src(%dma_wait3A_19 : memref<10000x128xf32, #tpu.memory_space<hbm>>) dst(%arg10 : memref<80x128xf32, #tpu.memory_space<vmem>>)
    %mul3A_20 = arith.constant 320 : i32
    %mul3A_21 = arith.muli %add3A, %mul3A_20 : i32
    %add3A_22 = arith.constant 0 : i32
    %add3A_23 = arith.addi %mul3A_21, %add3A_22 : i32
    %dma_start3A_24 = arith.constant 0 : i32
    %dma_start3A_25 = tpu.memref_slice %arg7[%add3A_23, %dma_start3A_24] : memref<10240x128xf32, #tpu.memory_space<hbm>> -> memref<80x128xf32, #tpu.memory_space<hbm>>
    %dma_start3A_26 = arith.constant 0 : i32
    %dma_start3A_27 = tpu.memref_slice %arg7[%add3A_23, %dma_start3A_26] : memref<10240x128xf32, #tpu.memory_space<hbm>> -> memref<80x128xf32, #tpu.memory_space<hbm>>
    tpu.enqueue_dma source(%arg10 : memref<80x128xf32, #tpu.memory_space<vmem>>) target(%dma_start3A_27 : memref<80x128xf32, #tpu.memory_space<hbm>>) target_semaphore(%arg17 : memref<!tpu.dma_semaphore, #tpu.memory_space<semaphore_mem>>)
    %mul3A_28 = arith.constant 320 : i32
    %mul3A_29 = arith.muli %add3A, %mul3A_28 : i32
    %add3A_30 = arith.constant 0 : i32
    %add3A_31 = arith.addi %mul3A_29, %add3A_30 : i32
    %dma_wait3A_32 = arith.constant 0 : i32
    %dma_wait3A_33 = tpu.memref_slice %arg7[%add3A_31, %dma_wait3A_32] : memref<10240x128xf32, #tpu.memory_space<hbm>> -> memref<80x128xf32, #tpu.memory_space<hbm>>
    %dma_wait3A_34 = arith.constant 0 : i32
    %dma_wait3A_35 = tpu.memref_slice %arg7[%add3A_31, %dma_wait3A_34] : memref<10240x128xf32, #tpu.memory_space<hbm>> -> memref<80x128xf32, #tpu.memory_space<hbm>>
    tpu.wait_dma2 semaphore(%arg17 : memref<!tpu.dma_semaphore, #tpu.memory_space<semaphore_mem>>) src(%arg10 : memref<80x128xf32, #tpu.memory_space<vmem>>) dst(%dma_wait3A_35 : memref<80x128xf32, #tpu.memory_space<hbm>>)
    %dma_start3A_36 = arith.constant 2 : i32
    %dma_start3A_37 = arith.constant 0 : i32
    %dma_start3A_38 = tpu.memref_slice %arg9[%dma_start3A_36, %dma_start3A_37] : memref<4x80xi32, #tpu.memory_space<vmem>> -> memref<1x80xi32, #tpu.memory_space<vmem>>
    %dma_start3A_39 = tpu.memref_squeeze %dma_start3A_38 : memref<1x80xi32, #tpu.memory_space<vmem>> -> memref<80xi32, #tpu.memory_space<vmem>>
    %dma_start3A_40 = arith.constant 0 : i32
    %dma_start3A_41 = arith.constant 0 : i32
    %dma_start3A_42 = tpu.memref_slice %arg2[%dma_start3A_40, %dma_start3A_41] : memref<10000x128xf32, #tpu.memory_space<hbm>> -> memref<10000x128xf32, #tpu.memory_space<hbm>>
    tpu.enqueue_indirect_dma source(%dma_start3A_42 : memref<10000x128xf32, #tpu.memory_space<hbm>>) target(%arg10 : memref<80x128xf32, #tpu.memory_space<vmem>>) offsets(%dma_start3A_39 : memref<80xi32, #tpu.memory_space<vmem>>) semaphore(%arg15 : memref<!tpu.dma_semaphore, #tpu.memory_space<semaphore_mem>>)
    %dma_wait3A_43 = arith.constant 1 : i32
    %dma_wait3A_44 = arith.constant 0 : i32
    %dma_wait3A_45 = tpu.memref_slice %arg9[%dma_wait3A_43, %dma_wait3A_44] : memref<4x80xi32, #tpu.memory_space<vmem>> -> memref<1x80xi32, #tpu.memory_space<vmem>>
    %dma_wait3A_46 = tpu.memref_squeeze %dma_wait3A_45 : memref<1x80xi32, #tpu.memory_space<vmem>> -> memref<80xi32, #tpu.memory_space<vmem>>
    %dma_wait3A_47 = arith.constant 0 : i32
    %dma_wait3A_48 = arith.constant 0 : i32
    %dma_wait3A_49 = tpu.memref_slice %arg2[%dma_wait3A_47, %dma_wait3A_48] : memref<10000x128xf32, #tpu.memory_space<hbm>> -> memref<10000x128xf32, #tpu.memory_space<hbm>>
    tpu.wait_indirect_dma semaphore(%arg16 : memref<!tpu.dma_semaphore, #tpu.memory_space<semaphore_mem>>) src(%dma_wait3A_49 : memref<10000x128xf32, #tpu.memory_space<hbm>>) dst(%arg11 : memref<80x128xf32, #tpu.memory_space<vmem>>)
    %mul3A_50 = arith.constant 320 : i32
    %mul3A_51 = arith.muli %add3A, %mul3A_50 : i32
    %add3A_52 = arith.constant 80 : i32
    %add3A_53 = arith.addi %mul3A_51, %add3A_52 : i32
    %dma_start3A_54 = arith.constant 0 : i32
    %dma_start3A_55 = tpu.memref_slice %arg7[%add3A_53, %dma_start3A_54] : memref<10240x128xf32, #tpu.memory_space<hbm>> -> memref<80x128xf32, #tpu.memory_space<hbm>>
    %dma_start3A_56 = arith.constant 0 : i32
    %dma_start3A_57 = tpu.memref_slice %arg7[%add3A_53, %dma_start3A_56] : memref<10240x128xf32, #tpu.memory_space<hbm>> -> memref<80x128xf32, #tpu.memory_space<hbm>>
    tpu.enqueue_dma source(%arg11 : memref<80x128xf32, #tpu.memory_space<vmem>>) target(%dma_start3A_57 : memref<80x128xf32, #tpu.memory_space<hbm>>) target_semaphore(%arg17 : memref<!tpu.dma_semaphore, #tpu.memory_space<semaphore_mem>>)
    %mul3A_58 = arith.constant 320 : i32
    %mul3A_59 = arith.muli %add3A, %mul3A_58 : i32
    %add3A_60 = arith.constant 80 : i32
    %add3A_61 = arith.addi %mul3A_59, %add3A_60 : i32
    %dma_wait3A_62 = arith.constant 0 : i32
    %dma_wait3A_63 = tpu.memref_slice %arg7[%add3A_61, %dma_wait3A_62] : memref<10240x128xf32, #tpu.memory_space<hbm>> -> memref<80x128xf32, #tpu.memory_space<hbm>>
    %dma_wait3A_64 = arith.constant 0 : i32
    %dma_wait3A_65 = tpu.memref_slice %arg7[%add3A_61, %dma_wait3A_64] : memref<10240x128xf32, #tpu.memory_space<hbm>> -> memref<80x128xf32, #tpu.memory_space<hbm>>
    tpu.wait_dma2 semaphore(%arg17 : memref<!tpu.dma_semaphore, #tpu.memory_space<semaphore_mem>>) src(%arg11 : memref<80x128xf32, #tpu.memory_space<vmem>>) dst(%dma_wait3A_65 : memref<80x128xf32, #tpu.memory_space<hbm>>)
    %dma_start3A_66 = arith.constant 3 : i32
    %dma_start3A_67 = arith.constant 0 : i32
    %dma_start3A_68 = tpu.memref_slice %arg9[%dma_start3A_66, %dma_start3A_67] : memref<4x80xi32, #tpu.memory_space<vmem>> -> memref<1x80xi32, #tpu.memory_space<vmem>>
    %dma_start3A_69 = tpu.memref_squeeze %dma_start3A_68 : memref<1x80xi32, #tpu.memory_space<vmem>> -> memref<80xi32, #tpu.memory_space<vmem>>
    %dma_start3A_70 = arith.constant 0 : i32
    %dma_start3A_71 = arith.constant 0 : i32
    %dma_start3A_72 = tpu.memref_slice %arg2[%dma_start3A_70, %dma_start3A_71] : memref<10000x128xf32, #tpu.memory_space<hbm>> -> memref<10000x128xf32, #tpu.memory_space<hbm>>
    tpu.enqueue_indirect_dma source(%dma_start3A_72 : memref<10000x128xf32, #tpu.memory_space<hbm>>) target(%arg11 : memref<80x128xf32, #tpu.memory_space<vmem>>) offsets(%dma_start3A_69 : memref<80xi32, #tpu.memory_space<vmem>>) semaphore(%arg16 : memref<!tpu.dma_semaphore, #tpu.memory_space<semaphore_mem>>)
    %dma_wait3A_73 = arith.constant 2 : i32
    %dma_wait3A_74 = arith.constant 0 : i32
    %dma_wait3A_75 = tpu.memref_slice %arg9[%dma_wait3A_73, %dma_wait3A_74] : memref<4x80xi32, #tpu.memory_space<vmem>> -> memref<1x80xi32, #tpu.memory_space<vmem>>
    %dma_wait3A_76 = tpu.memref_squeeze %dma_wait3A_75 : memref<1x80xi32, #tpu.memory_space<vmem>> -> memref<80xi32, #tpu.memory_space<vmem>>
    %dma_wait3A_77 = arith.constant 0 : i32
    %dma_wait3A_78 = arith.constant 0 : i32
    %dma_wait3A_79 = tpu.memref_slice %arg2[%dma_wait3A_77, %dma_wait3A_78] : memref<10000x128xf32, #tpu.memory_space<hbm>> -> memref<10000x128xf32, #tpu.memory_space<hbm>>
    tpu.wait_indirect_dma semaphore(%arg15 : memref<!tpu.dma_semaphore, #tpu.memory_space<semaphore_mem>>) src(%dma_wait3A_79 : memref<10000x128xf32, #tpu.memory_space<hbm>>) dst(%arg10 : memref<80x128xf32, #tpu.memory_space<vmem>>)
    %mul3A_80 = arith.constant 320 : i32
    %mul3A_81 = arith.muli %add3A, %mul3A_80 : i32
    %add3A_82 = arith.constant 160 : i32
    %add3A_83 = arith.addi %mul3A_81, %add3A_82 : i32
    %dma_start3A_84 = arith.constant 0 : i32
    %dma_start3A_85 = tpu.memref_slice %arg7[%add3A_83, %dma_start3A_84] : memref<10240x128xf32, #tpu.memory_space<hbm>> -> memref<80x128xf32, #tpu.memory_space<hbm>>
    %dma_start3A_86 = arith.constant 0 : i32
    %dma_start3A_87 = tpu.memref_slice %arg7[%add3A_83, %dma_start3A_86] : memref<10240x128xf32, #tpu.memory_space<hbm>> -> memref<80x128xf32, #tpu.memory_space<hbm>>
    tpu.enqueue_dma source(%arg10 : memref<80x128xf32, #tpu.memory_space<vmem>>) target(%dma_start3A_87 : memref<80x128xf32, #tpu.memory_space<hbm>>) target_semaphore(%arg17 : memref<!tpu.dma_semaphore, #tpu.memory_space<semaphore_mem>>)
    %dma_wait3A_88 = arith.constant 3 : i32
    %dma_wait3A_89 = arith.constant 0 : i32
    %dma_wait3A_90 = tpu.memref_slice %arg9[%dma_wait3A_88, %dma_wait3A_89] : memref<4x80xi32, #tpu.memory_space<vmem>> -> memref<1x80xi32, #tpu.memory_space<vmem>>
    %dma_wait3A_91 = tpu.memref_squeeze %dma_wait3A_90 : memref<1x80xi32, #tpu.memory_space<vmem>> -> memref<80xi32, #tpu.memory_space<vmem>>
    %dma_wait3A_92 = arith.constant 0 : i32
    %dma_wait3A_93 = arith.constant 0 : i32
    %dma_wait3A_94 = tpu.memref_slice %arg2[%dma_wait3A_92, %dma_wait3A_93] : memref<10000x128xf32, #tpu.memory_space<hbm>> -> memref<10000x128xf32, #tpu.memory_space<hbm>>
    tpu.wait_indirect_dma semaphore(%arg16 : memref<!tpu.dma_semaphore, #tpu.memory_space<semaphore_mem>>) src(%dma_wait3A_94 : memref<10000x128xf32, #tpu.memory_space<hbm>>) dst(%arg11 : memref<80x128xf32, #tpu.memory_space<vmem>>)
    %mul3A_95 = arith.constant 320 : i32
    %mul3A_96 = arith.muli %add3A, %mul3A_95 : i32
    %add3A_97 = arith.constant 240 : i32
    %add3A_98 = arith.addi %mul3A_96, %add3A_97 : i32
    %dma_start3A_99 = arith.constant 0 : i32
    %dma_start3A_100 = tpu.memref_slice %arg7[%add3A_98, %dma_start3A_99] : memref<10240x128xf32, #tpu.memory_space<hbm>> -> memref<80x128xf32, #tpu.memory_space<hbm>>
    %dma_start3A_101 = arith.constant 0 : i32
    %dma_start3A_102 = tpu.memref_slice %arg7[%add3A_98, %dma_start3A_101] : memref<10240x128xf32, #tpu.memory_space<hbm>> -> memref<80x128xf32, #tpu.memory_space<hbm>>
    tpu.enqueue_dma source(%arg11 : memref<80x128xf32, #tpu.memory_space<vmem>>) target(%dma_start3A_102 : memref<80x128xf32, #tpu.memory_space<hbm>>) target_semaphore(%arg17 : memref<!tpu.dma_semaphore, #tpu.memory_space<semaphore_mem>>)
    %mul3A_103 = arith.constant 640 : i32
    %mul3A_104 = arith.muli %arg1, %mul3A_103 : i32
    %mul3A_105 = arith.constant 640 : i32
    %mul3A_106 = arith.muli %arg1, %mul3A_105 : i32
    "tpu.region"() ({
      %run_scoped3A = tpu.sem_alloc : memref<!tpu.dma_semaphore, #tpu.memory_space<semaphore_mem>>
      %dma_start3A_135 = arith.constant 0 : i32
      %dma_start3A_136 = tpu.memref_slice %arg14[%mul3A_106, %dma_start3A_135] : memref<10240x16xf32, #tpu.memory_space<vmem_shared>> -> memref<640x16xf32, #tpu.memory_space<vmem_shared>>
      %dma_start3A_137 = arith.constant 0 : i32
      %dma_start3A_138 = tpu.memref_slice %arg5[%mul3A_104, %dma_start3A_137] : memref<10240x16xf32, #tpu.memory_space<hbm>> -> memref<640x16xf32, #tpu.memory_space<hbm>>
      tpu.enqueue_dma source(%dma_start3A_138 : memref<640x16xf32, #tpu.memory_space<hbm>>) target(%dma_start3A_136 : memref<640x16xf32, #tpu.memory_space<vmem_shared>>) target_semaphore(%run_scoped3A : memref<!tpu.dma_semaphore, #tpu.memory_space<semaphore_mem>>)
      %dma_wait3A_139 = arith.constant 0 : i32
      %dma_wait3A_140 = tpu.memref_slice %arg14[%mul3A_106, %dma_wait3A_139] : memref<10240x16xf32, #tpu.memory_space<vmem_shared>> -> memref<640x16xf32, #tpu.memory_space<vmem_shared>>
      %dma_wait3A_141 = arith.constant 0 : i32
      %dma_wait3A_142 = tpu.memref_slice %arg5[%mul3A_104, %dma_wait3A_141] : memref<10240x16xf32, #tpu.memory_space<hbm>> -> memref<640x16xf32, #tpu.memory_space<hbm>>
      tpu.wait_dma2 semaphore(%run_scoped3A : memref<!tpu.dma_semaphore, #tpu.memory_space<semaphore_mem>>) src(%dma_wait3A_142 : memref<640x16xf32, #tpu.memory_space<hbm>>) dst(%dma_wait3A_140 : memref<640x16xf32, #tpu.memory_space<vmem_shared>>)
      tpu.yield
    }) : () -> ()
    "tpu.region"() ({
      %run_scoped3A = tpu.sem_alloc : memref<!tpu.dma_semaphore, #tpu.memory_space<semaphore_mem>>
      tpu.enqueue_dma source(%arg6 : memref<128x16xf32, #tpu.memory_space<hbm>>) target(%arg13 : memref<128x16xf32, #tpu.memory_space<vmem>>) target_semaphore(%run_scoped3A : memref<!tpu.dma_semaphore, #tpu.memory_space<semaphore_mem>>)
      tpu.wait_dma2 semaphore(%run_scoped3A : memref<!tpu.dma_semaphore, #tpu.memory_space<semaphore_mem>>) src(%arg6 : memref<128x16xf32, #tpu.memory_space<hbm>>) dst(%arg13 : memref<128x16xf32, #tpu.memory_space<vmem>>)
      tpu.yield
    }) : () -> ()
    %mul3A_107 = arith.constant 80 : i32
    %mul3A_108 = arith.muli %arg0, %mul3A_107 : i32
    "tpu.region"() ({
      %run_scoped3A = tpu.sem_alloc : memref<!tpu.dma_semaphore, #tpu.memory_space<semaphore_mem>>
      %dma_start3A_135 = arith.constant 0 : i32
      %dma_start3A_136 = tpu.memref_slice %arg4[%arg1, %mul3A_108, %dma_start3A_135] : memref<16x160x128xi32, #tpu.memory_space<hbm>> -> memref<1x80x128xi32, #tpu.memory_space<hbm>>
      %dma_start3A_137 = tpu.memref_squeeze %dma_start3A_136 : memref<1x80x128xi32, #tpu.memory_space<hbm>> -> memref<80x128xi32, #tpu.memory_space<hbm>>
      %dma_start3A_138 = arith.constant 0 : i32
      %dma_start3A_139 = tpu.memref_slice %arg4[%arg1, %mul3A_108, %dma_start3A_138] : memref<16x160x128xi32, #tpu.memory_space<hbm>> -> memref<1x80x128xi32, #tpu.memory_space<hbm>>
      %dma_start3A_140 = tpu.memref_squeeze %dma_start3A_139 : memref<1x80x128xi32, #tpu.memory_space<hbm>> -> memref<80x128xi32, #tpu.memory_space<hbm>>
      tpu.enqueue_dma source(%dma_start3A_140 : memref<80x128xi32, #tpu.memory_space<hbm>>) target(%arg12 : memref<80x128xi32, #tpu.memory_space<vmem>>) target_semaphore(%run_scoped3A : memref<!tpu.dma_semaphore, #tpu.memory_space<semaphore_mem>>)
      %dma_wait3A_141 = arith.constant 0 : i32
      %dma_wait3A_142 = tpu.memref_slice %arg4[%arg1, %mul3A_108, %dma_wait3A_141] : memref<16x160x128xi32, #tpu.memory_space<hbm>> -> memref<1x80x128xi32, #tpu.memory_space<hbm>>
      %dma_wait3A_143 = tpu.memref_squeeze %dma_wait3A_142 : memref<1x80x128xi32, #tpu.memory_space<hbm>> -> memref<80x128xi32, #tpu.memory_space<hbm>>
      %dma_wait3A_144 = arith.constant 0 : i32
      %dma_wait3A_145 = tpu.memref_slice %arg4[%arg1, %mul3A_108, %dma_wait3A_144] : memref<16x160x128xi32, #tpu.memory_space<hbm>> -> memref<1x80x128xi32, #tpu.memory_space<hbm>>
      %dma_wait3A_146 = tpu.memref_squeeze %dma_wait3A_145 : memref<1x80x128xi32, #tpu.memory_space<hbm>> -> memref<80x128xi32, #tpu.memory_space<hbm>>
      tpu.wait_dma2 semaphore(%run_scoped3A : memref<!tpu.dma_semaphore, #tpu.memory_space<semaphore_mem>>) src(%dma_wait3A_146 : memref<80x128xi32, #tpu.memory_space<hbm>>) dst(%arg12 : memref<80x128xi32, #tpu.memory_space<vmem>>)
      tpu.yield
    }) : () -> ()
    %barrier3A = arith.constant 0 : index
    tpu.barrier barrier_id(%barrier3A)
    %scan3A = arith.constant 0 : i32
    %scan3A_109 = arith.constant 0 : i32
    %scan3A_110 = arith.constant 20 : i32
    %scan3A_111 = arith.addi %scan3A_109, %scan3A_110 : i32
    %scan3A_112 = arith.constant 1 : i32
    scf.for %scan3A_135 = %scan3A_109 to %scan3A_111 step %scan3A_112  : i32 {
      %mul3A_136 = arith.constant 4 : i32
      %mul3A_137 = arith.muli %scan3A_135, %mul3A_136 : i32
      %add3A_138 = arith.constant 0 : i32
      %add3A_139 = arith.addi %mul3A_137, %add3A_138 : i32
      %dma_start3A_140 = arith.constant 0 : i32
      %dma_start3A_141 = tpu.memref_slice %arg12[%add3A_139, %dma_start3A_140] : memref<80x128xi32, #tpu.memory_space<vmem>> -> memref<1x128xi32, #tpu.memory_space<vmem>>
      %dma_start3A_142 = tpu.memref_squeeze %dma_start3A_141 : memref<1x128xi32, #tpu.memory_space<vmem>> -> memref<128xi32, #tpu.memory_space<vmem>>
      %dma_start3A_143 = arith.constant 0 : i32
      %dma_start3A_144 = arith.constant 0 : i32
      %dma_start3A_145 = tpu.memref_slice %arg14[%dma_start3A_143, %dma_start3A_144] : memref<10240x16xf32, #tpu.memory_space<vmem_shared>> -> memref<10240x16xf32, #tpu.memory_space<vmem_shared>>
      tpu.enqueue_indirect_dma source(%arg13 : memref<128x16xf32, #tpu.memory_space<vmem>>) target(%dma_start3A_145 : memref<10240x16xf32, #tpu.memory_space<vmem_shared>>) offsets(%dma_start3A_142 : memref<128xi32, #tpu.memory_space<vmem>>) semaphore(%arg18 : memref<!tpu.dma_semaphore, #tpu.memory_space<semaphore_mem>>) {add = true}
      %mul3A_146 = arith.constant 4 : i32
      %mul3A_147 = arith.muli %scan3A_135, %mul3A_146 : i32
      %add3A_148 = arith.constant 1 : i32
      %add3A_149 = arith.addi %mul3A_147, %add3A_148 : i32
      %dma_start3A_150 = arith.constant 0 : i32
      %dma_start3A_151 = tpu.memref_slice %arg12[%add3A_149, %dma_start3A_150] : memref<80x128xi32, #tpu.memory_space<vmem>> -> memref<1x128xi32, #tpu.memory_space<vmem>>
      %dma_start3A_152 = tpu.memref_squeeze %dma_start3A_151 : memref<1x128xi32, #tpu.memory_space<vmem>> -> memref<128xi32, #tpu.memory_space<vmem>>
      %dma_start3A_153 = arith.constant 0 : i32
      %dma_start3A_154 = arith.constant 0 : i32
      %dma_start3A_155 = tpu.memref_slice %arg14[%dma_start3A_153, %dma_start3A_154] : memref<10240x16xf32, #tpu.memory_space<vmem_shared>> -> memref<10240x16xf32, #tpu.memory_space<vmem_shared>>
      tpu.enqueue_indirect_dma source(%arg13 : memref<128x16xf32, #tpu.memory_space<vmem>>) target(%dma_start3A_155 : memref<10240x16xf32, #tpu.memory_space<vmem_shared>>) offsets(%dma_start3A_152 : memref<128xi32, #tpu.memory_space<vmem>>) semaphore(%arg18 : memref<!tpu.dma_semaphore, #tpu.memory_space<semaphore_mem>>) {add = true}
      %mul3A_156 = arith.constant 4 : i32
      %mul3A_157 = arith.muli %scan3A_135, %mul3A_156 : i32
      %add3A_158 = arith.constant 2 : i32
      %add3A_159 = arith.addi %mul3A_157, %add3A_158 : i32
      %dma_start3A_160 = arith.constant 0 : i32
      %dma_start3A_161 = tpu.memref_slice %arg12[%add3A_159, %dma_start3A_160] : memref<80x128xi32, #tpu.memory_space<vmem>> -> memref<1x128xi32, #tpu.memory_space<vmem>>
      %dma_start3A_162 = tpu.memref_squeeze %dma_start3A_161 : memref<1x128xi32, #tpu.memory_space<vmem>> -> memref<128xi32, #tpu.memory_space<vmem>>
      %dma_start3A_163 = arith.constant 0 : i32
      %dma_start3A_164 = arith.constant 0 : i32
      %dma_start3A_165 = tpu.memref_slice %arg14[%dma_start3A_163, %dma_start3A_164] : memref<10240x16xf32, #tpu.memory_space<vmem_shared>> -> memref<10240x16xf32, #tpu.memory_space<vmem_shared>>
      tpu.enqueue_indirect_dma source(%arg13 : memref<128x16xf32, #tpu.memory_space<vmem>>) target(%dma_start3A_165 : memref<10240x16xf32, #tpu.memory_space<vmem_shared>>) offsets(%dma_start3A_162 : memref<128xi32, #tpu.memory_space<vmem>>) semaphore(%arg18 : memref<!tpu.dma_semaphore, #tpu.memory_space<semaphore_mem>>) {add = true}
      %mul3A_166 = arith.constant 4 : i32
      %mul3A_167 = arith.muli %scan3A_135, %mul3A_166 : i32
      %add3A_168 = arith.constant 3 : i32
      %add3A_169 = arith.addi %mul3A_167, %add3A_168 : i32
      %dma_start3A_170 = arith.constant 0 : i32
      %dma_start3A_171 = tpu.memref_slice %arg12[%add3A_169, %dma_start3A_170] : memref<80x128xi32, #tpu.memory_space<vmem>> -> memref<1x128xi32, #tpu.memory_space<vmem>>
      %dma_start3A_172 = tpu.memref_squeeze %dma_start3A_171 : memref<1x128xi32, #tpu.memory_space<vmem>> -> memref<128xi32, #tpu.memory_space<vmem>>
      %dma_start3A_173 = arith.constant 0 : i32
      %dma_start3A_174 = arith.constant 0 : i32
      %dma_start3A_175 = tpu.memref_slice %arg14[%dma_start3A_173, %dma_start3A_174] : memref<10240x16xf32, #tpu.memory_space<vmem_shared>> -> memref<10240x16xf32, #tpu.memory_space<vmem_shared>>
      tpu.enqueue_indirect_dma source(%arg13 : memref<128x16xf32, #tpu.memory_space<vmem>>) target(%dma_start3A_175 : memref<10240x16xf32, #tpu.memory_space<vmem_shared>>) offsets(%dma_start3A_172 : memref<128xi32, #tpu.memory_space<vmem>>) semaphore(%arg18 : memref<!tpu.dma_semaphore, #tpu.memory_space<semaphore_mem>>) {add = true}
      %mul3A_176 = arith.constant 4 : i32
      %mul3A_177 = arith.muli %scan3A_135, %mul3A_176 : i32
      %add3A_178 = arith.constant 0 : i32
      %add3A_179 = arith.addi %mul3A_177, %add3A_178 : i32
      %dma_wait3A_180 = arith.constant 0 : i32
      %dma_wait3A_181 = tpu.memref_slice %arg12[%add3A_179, %dma_wait3A_180] : memref<80x128xi32, #tpu.memory_space<vmem>> -> memref<1x128xi32, #tpu.memory_space<vmem>>
      %dma_wait3A_182 = tpu.memref_squeeze %dma_wait3A_181 : memref<1x128xi32, #tpu.memory_space<vmem>> -> memref<128xi32, #tpu.memory_space<vmem>>
      %dma_wait3A_183 = arith.constant 0 : i32
      %dma_wait3A_184 = arith.constant 0 : i32
      %dma_wait3A_185 = tpu.memref_slice %arg14[%dma_wait3A_183, %dma_wait3A_184] : memref<10240x16xf32, #tpu.memory_space<vmem_shared>> -> memref<10240x16xf32, #tpu.memory_space<vmem_shared>>
      tpu.wait_indirect_dma semaphore(%arg18 : memref<!tpu.dma_semaphore, #tpu.memory_space<semaphore_mem>>) src(%arg13 : memref<128x16xf32, #tpu.memory_space<vmem>>) dst(%dma_wait3A_185 : memref<10240x16xf32, #tpu.memory_space<vmem_shared>>)
      %mul3A_186 = arith.constant 4 : i32
      %mul3A_187 = arith.muli %scan3A_135, %mul3A_186 : i32
      %add3A_188 = arith.constant 1 : i32
      %add3A_189 = arith.addi %mul3A_187, %add3A_188 : i32
      %dma_wait3A_190 = arith.constant 0 : i32
      %dma_wait3A_191 = tpu.memref_slice %arg12[%add3A_189, %dma_wait3A_190] : memref<80x128xi32, #tpu.memory_space<vmem>> -> memref<1x128xi32, #tpu.memory_space<vmem>>
      %dma_wait3A_192 = tpu.memref_squeeze %dma_wait3A_191 : memref<1x128xi32, #tpu.memory_space<vmem>> -> memref<128xi32, #tpu.memory_space<vmem>>
      %dma_wait3A_193 = arith.constant 0 : i32
      %dma_wait3A_194 = arith.constant 0 : i32
      %dma_wait3A_195 = tpu.memref_slice %arg14[%dma_wait3A_193, %dma_wait3A_194] : memref<10240x16xf32, #tpu.memory_space<vmem_shared>> -> memref<10240x16xf32, #tpu.memory_space<vmem_shared>>
      tpu.wait_indirect_dma semaphore(%arg18 : memref<!tpu.dma_semaphore, #tpu.memory_space<semaphore_mem>>) src(%arg13 : memref<128x16xf32, #tpu.memory_space<vmem>>) dst(%dma_wait3A_195 : memref<10240x16xf32, #tpu.memory_space<vmem_shared>>)
      %mul3A_196 = arith.constant 4 : i32
      %mul3A_197 = arith.muli %scan3A_135, %mul3A_196 : i32
      %add3A_198 = arith.constant 2 : i32
      %add3A_199 = arith.addi %mul3A_197, %add3A_198 : i32
      %dma_wait3A_200 = arith.constant 0 : i32
      %dma_wait3A_201 = tpu.memref_slice %arg12[%add3A_199, %dma_wait3A_200] : memref<80x128xi32, #tpu.memory_space<vmem>> -> memref<1x128xi32, #tpu.memory_space<vmem>>
      %dma_wait3A_202 = tpu.memref_squeeze %dma_wait3A_201 : memref<1x128xi32, #tpu.memory_space<vmem>> -> memref<128xi32, #tpu.memory_space<vmem>>
      %dma_wait3A_203 = arith.constant 0 : i32
      %dma_wait3A_204 = arith.constant 0 : i32
      %dma_wait3A_205 = tpu.memref_slice %arg14[%dma_wait3A_203, %dma_wait3A_204] : memref<10240x16xf32, #tpu.memory_space<vmem_shared>> -> memref<10240x16xf32, #tpu.memory_space<vmem_shared>>
      tpu.wait_indirect_dma semaphore(%arg18 : memref<!tpu.dma_semaphore, #tpu.memory_space<semaphore_mem>>) src(%arg13 : memref<128x16xf32, #tpu.memory_space<vmem>>) dst(%dma_wait3A_205 : memref<10240x16xf32, #tpu.memory_space<vmem_shared>>)
      %mul3A_206 = arith.constant 4 : i32
      %mul3A_207 = arith.muli %scan3A_135, %mul3A_206 : i32
      %add3A_208 = arith.constant 3 : i32
      %add3A_209 = arith.addi %mul3A_207, %add3A_208 : i32
      %dma_wait3A_210 = arith.constant 0 : i32
      %dma_wait3A_211 = tpu.memref_slice %arg12[%add3A_209, %dma_wait3A_210] : memref<80x128xi32, #tpu.memory_space<vmem>> -> memref<1x128xi32, #tpu.memory_space<vmem>>
      %dma_wait3A_212 = tpu.memref_squeeze %dma_wait3A_211 : memref<1x128xi32, #tpu.memory_space<vmem>> -> memref<128xi32, #tpu.memory_space<vmem>>
      %dma_wait3A_213 = arith.constant 0 : i32
      %dma_wait3A_214 = arith.constant 0 : i32
      %dma_wait3A_215 = tpu.memref_slice %arg14[%dma_wait3A_213, %dma_wait3A_214] : memref<10240x16xf32, #tpu.memory_space<vmem_shared>> -> memref<10240x16xf32, #tpu.memory_space<vmem_shared>>
      tpu.wait_indirect_dma semaphore(%arg18 : memref<!tpu.dma_semaphore, #tpu.memory_space<semaphore_mem>>) src(%arg13 : memref<128x16xf32, #tpu.memory_space<vmem>>) dst(%dma_wait3A_215 : memref<10240x16xf32, #tpu.memory_space<vmem_shared>>)
    }
    %scan3A_113 = arith.constant 20 : i32
    %mul3A_114 = arith.constant 320 : i32
    %mul3A_115 = arith.muli %add3A, %mul3A_114 : i32
    %add3A_116 = arith.constant 160 : i32
    %add3A_117 = arith.addi %mul3A_115, %add3A_116 : i32
    %dma_wait3A_118 = arith.constant 0 : i32
    %dma_wait3A_119 = tpu.memref_slice %arg7[%add3A_117, %dma_wait3A_118] : memref<10240x128xf32, #tpu.memory_space<hbm>> -> memref<80x128xf32, #tpu.memory_space<hbm>>
    %dma_wait3A_120 = arith.constant 0 : i32
    %dma_wait3A_121 = tpu.memref_slice %arg7[%add3A_117, %dma_wait3A_120] : memref<10240x128xf32, #tpu.memory_space<hbm>> -> memref<80x128xf32, #tpu.memory_space<hbm>>
    tpu.wait_dma2 semaphore(%arg17 : memref<!tpu.dma_semaphore, #tpu.memory_space<semaphore_mem>>) src(%arg10 : memref<80x128xf32, #tpu.memory_space<vmem>>) dst(%dma_wait3A_121 : memref<80x128xf32, #tpu.memory_space<hbm>>)
    %mul3A_122 = arith.constant 320 : i32
    %mul3A_123 = arith.muli %add3A, %mul3A_122 : i32
    %add3A_124 = arith.constant 240 : i32
    %add3A_125 = arith.addi %mul3A_123, %add3A_124 : i32
    %dma_wait3A_126 = arith.constant 0 : i32
    %dma_wait3A_127 = tpu.memref_slice %arg7[%add3A_125, %dma_wait3A_126] : memref<10240x128xf32, #tpu.memory_space<hbm>> -> memref<80x128xf32, #tpu.memory_space<hbm>>
    %dma_wait3A_128 = arith.constant 0 : i32
    %dma_wait3A_129 = tpu.memref_slice %arg7[%add3A_125, %dma_wait3A_128] : memref<10240x128xf32, #tpu.memory_space<hbm>> -> memref<80x128xf32, #tpu.memory_space<hbm>>
    tpu.wait_dma2 semaphore(%arg17 : memref<!tpu.dma_semaphore, #tpu.memory_space<semaphore_mem>>) src(%arg11 : memref<80x128xf32, #tpu.memory_space<vmem>>) dst(%dma_wait3A_129 : memref<80x128xf32, #tpu.memory_space<hbm>>)
    %barrier3A_130 = arith.constant 0 : index
    tpu.barrier barrier_id(%barrier3A_130)
    %mul3A_131 = arith.constant 640 : i32
    %mul3A_132 = arith.muli %arg1, %mul3A_131 : i32
    %mul3A_133 = arith.constant 640 : i32
    %mul3A_134 = arith.muli %arg1, %mul3A_133 : i32
    "tpu.region"() ({
      %run_scoped3A = tpu.sem_alloc : memref<!tpu.dma_semaphore, #tpu.memory_space<semaphore_mem>>
      %dma_start3A_135 = arith.constant 0 : i32
      %dma_start3A_136 = tpu.memref_slice %arg8[%arg0, %mul3A_134, %dma_start3A_135] : memref<2x10240x16xf32, #tpu.memory_space<hbm>> -> memref<1x640x16xf32, #tpu.memory_space<hbm>>
      %dma_start3A_137 = tpu.memref_squeeze %dma_start3A_136 : memref<1x640x16xf32, #tpu.memory_space<hbm>> -> memref<640x16xf32, #tpu.memory_space<hbm>>
      %dma_start3A_138 = arith.constant 0 : i32
      %dma_start3A_139 = tpu.memref_slice %arg14[%mul3A_132, %dma_start3A_138] : memref<10240x16xf32, #tpu.memory_space<vmem_shared>> -> memref<640x16xf32, #tpu.memory_space<vmem_shared>>
      tpu.enqueue_dma source(%dma_start3A_139 : memref<640x16xf32, #tpu.memory_space<vmem_shared>>) target(%dma_start3A_137 : memref<640x16xf32, #tpu.memory_space<hbm>>) target_semaphore(%run_scoped3A : memref<!tpu.dma_semaphore, #tpu.memory_space<semaphore_mem>>)
      %dma_wait3A_140 = arith.constant 0 : i32
      %dma_wait3A_141 = tpu.memref_slice %arg8[%arg0, %mul3A_134, %dma_wait3A_140] : memref<2x10240x16xf32, #tpu.memory_space<hbm>> -> memref<1x640x16xf32, #tpu.memory_space<hbm>>
      %dma_wait3A_142 = tpu.memref_squeeze %dma_wait3A_141 : memref<1x640x16xf32, #tpu.memory_space<hbm>> -> memref<640x16xf32, #tpu.memory_space<hbm>>
      %dma_wait3A_143 = arith.constant 0 : i32
      %dma_wait3A_144 = tpu.memref_slice %arg14[%mul3A_132, %dma_wait3A_143] : memref<10240x16xf32, #tpu.memory_space<vmem_shared>> -> memref<640x16xf32, #tpu.memory_space<vmem_shared>>
      tpu.wait_dma2 semaphore(%run_scoped3A : memref<!tpu.dma_semaphore, #tpu.memory_space<semaphore_mem>>) src(%dma_wait3A_144 : memref<640x16xf32, #tpu.memory_space<vmem_shared>>) dst(%dma_wait3A_142 : memref<640x16xf32, #tpu.memory_space<hbm>>)
      tpu.yield
    }) : () -> ()
    return
  }
}

#map = affine_map<(d0, d1) -> (0, 0, 0)>
#map1 = affine_map<(d0, d1) -> (0)>
#map2 = affine_map<(d0, d1) -> (0, 0)>
module attributes {stable_mosaic.version = 14 : i64} {
  func.func @_sc_edge_agg_targets(%arg0: i32, %arg1: i32, %arg2: memref<2x10240x64xf32, #tpu.memory_space<hbm>>, %arg3: memref<16x160x128xi32, #tpu.memory_space<hbm>>, %arg4: memref<16x160x128xi32, #tpu.memory_space<hbm>>, %arg5: memref<1024xi32, #tpu.memory_space<hbm>>, %arg6: memref<10240xi32, #tpu.memory_space<hbm>>, %arg7: memref<10240x64xf32, #tpu.memory_space<hbm>>, %arg8: memref<2x10240x16xf32, #tpu.memory_space<hbm>>, %arg9: memref<2x1024x64xf32, #tpu.memory_space<hbm>>, %arg10: memref<2x1024x64xf32, #tpu.memory_space<hbm>>, %arg11: memref<2x1024x16xf32, #tpu.memory_space<hbm>>, %arg12: memref<2x1024x64xf32, #tpu.memory_space<hbm>>, %arg13: memref<160x128xi32, #tpu.memory_space<vmem>>, %arg14: memref<160x128xi32, #tpu.memory_space<vmem>>, %arg15: memref<162x128xi32, #tpu.memory_space<vmem>>, %arg16: memref<162x128xi32, #tpu.memory_space<vmem>>, %arg17: memref<10240xi32, #tpu.memory_space<vmem>>, %arg18: memref<1024xi32, #tpu.memory_space<vmem>>, %arg19: memref<64xi32, #tpu.memory_space<vmem>>, %arg20: memref<128x64xf32, #tpu.memory_space<vmem>>, %arg21: memref<128x64xf32, #tpu.memory_space<vmem>>, %arg22: memref<64x64xf32, #tpu.memory_space<vmem>>, %arg23: memref<64x16xf32, #tpu.memory_space<vmem>>, %arg24: memref<1040x64xf32, #tpu.memory_space<vmem_shared>>, %arg25: memref<!tpu.dma_semaphore, #tpu.memory_space<semaphore_mem>>, %arg26: memref<!tpu.dma_semaphore, #tpu.memory_space<semaphore_mem>>) attributes {dimension_semantics = [#tpu.dimension_semantics<core_parallel>, #tpu.dimension_semantics<subcore_parallel>], iteration_bounds = array<i64: 2, 16>, scalar_prefetch = 0 : i64, scratch_operands = 14 : i64, tpu.core_type = #tpu.core_type<sc_vector_subcore>, window_params = [{transform_indices = #map}, {transform_indices = #map}, {transform_indices = #map}, {transform_indices = #map1}, {transform_indices = #map1}, {transform_indices = #map2}, {transform_indices = #map}, {transform_indices = #map}, {transform_indices = #map}, {transform_indices = #map}, {transform_indices = #map}]} {
    %mul3A = arith.constant 65 : i32
    %mul3A_0 = arith.muli %arg1, %mul3A : i32
    %mul3A_1 = arith.constant 65 : i32
    %mul3A_2 = arith.muli %arg1, %mul3A_1 : i32
    "tpu.region"() ({
      %run_scoped3A = tpu.sem_alloc : memref<!tpu.dma_semaphore, #tpu.memory_space<semaphore_mem>>
      %dma_start3A_824 = arith.constant 0 : i32
      %dma_start3A_825 = tpu.memref_slice %arg24[%mul3A_2, %dma_start3A_824] : memref<1040x64xf32, #tpu.memory_space<vmem_shared>> -> memref<65x64xf32, #tpu.memory_space<vmem_shared>>
      %dma_start3A_826 = arith.constant 0 : i32
      %dma_start3A_827 = tpu.memref_slice %arg7[%mul3A_0, %dma_start3A_826] : memref<10240x64xf32, #tpu.memory_space<hbm>> -> memref<65x64xf32, #tpu.memory_space<hbm>>
      tpu.enqueue_dma source(%dma_start3A_827 : memref<65x64xf32, #tpu.memory_space<hbm>>) target(%dma_start3A_825 : memref<65x64xf32, #tpu.memory_space<vmem_shared>>) target_semaphore(%run_scoped3A : memref<!tpu.dma_semaphore, #tpu.memory_space<semaphore_mem>>)
      %dma_wait3A_828 = arith.constant 0 : i32
      %dma_wait3A_829 = tpu.memref_slice %arg24[%mul3A_2, %dma_wait3A_828] : memref<1040x64xf32, #tpu.memory_space<vmem_shared>> -> memref<65x64xf32, #tpu.memory_space<vmem_shared>>
      %dma_wait3A_830 = arith.constant 0 : i32
      %dma_wait3A_831 = tpu.memref_slice %arg7[%mul3A_0, %dma_wait3A_830] : memref<10240x64xf32, #tpu.memory_space<hbm>> -> memref<65x64xf32, #tpu.memory_space<hbm>>
      tpu.wait_dma2 semaphore(%run_scoped3A : memref<!tpu.dma_semaphore, #tpu.memory_space<semaphore_mem>>) src(%dma_wait3A_831 : memref<65x64xf32, #tpu.memory_space<hbm>>) dst(%dma_wait3A_829 : memref<65x64xf32, #tpu.memory_space<vmem_shared>>)
      tpu.yield
    }) : () -> ()
    "tpu.region"() ({
      %run_scoped3A = tpu.sem_alloc : memref<!tpu.dma_semaphore, #tpu.memory_space<semaphore_mem>>
      %dma_start3A_824 = arith.constant 0 : i32
      %dma_start3A_825 = arith.constant 0 : i32
      %dma_start3A_826 = tpu.memref_slice %arg3[%arg1, %dma_start3A_824, %dma_start3A_825] : memref<16x160x128xi32, #tpu.memory_space<hbm>> -> memref<1x160x128xi32, #tpu.memory_space<hbm>>
      %dma_start3A_827 = tpu.memref_squeeze %dma_start3A_826 : memref<1x160x128xi32, #tpu.memory_space<hbm>> -> memref<160x128xi32, #tpu.memory_space<hbm>>
      %dma_start3A_828 = arith.constant 0 : i32
      %dma_start3A_829 = arith.constant 0 : i32
      %dma_start3A_830 = tpu.memref_slice %arg3[%arg1, %dma_start3A_828, %dma_start3A_829] : memref<16x160x128xi32, #tpu.memory_space<hbm>> -> memref<1x160x128xi32, #tpu.memory_space<hbm>>
      %dma_start3A_831 = tpu.memref_squeeze %dma_start3A_830 : memref<1x160x128xi32, #tpu.memory_space<hbm>> -> memref<160x128xi32, #tpu.memory_space<hbm>>
      tpu.enqueue_dma source(%dma_start3A_831 : memref<160x128xi32, #tpu.memory_space<hbm>>) target(%arg13 : memref<160x128xi32, #tpu.memory_space<vmem>>) target_semaphore(%run_scoped3A : memref<!tpu.dma_semaphore, #tpu.memory_space<semaphore_mem>>)
      %dma_wait3A_832 = arith.constant 0 : i32
      %dma_wait3A_833 = arith.constant 0 : i32
      %dma_wait3A_834 = tpu.memref_slice %arg3[%arg1, %dma_wait3A_832, %dma_wait3A_833] : memref<16x160x128xi32, #tpu.memory_space<hbm>> -> memref<1x160x128xi32, #tpu.memory_space<hbm>>
      %dma_wait3A_835 = tpu.memref_squeeze %dma_wait3A_834 : memref<1x160x128xi32, #tpu.memory_space<hbm>> -> memref<160x128xi32, #tpu.memory_space<hbm>>
      %dma_wait3A_836 = arith.constant 0 : i32
      %dma_wait3A_837 = arith.constant 0 : i32
      %dma_wait3A_838 = tpu.memref_slice %arg3[%arg1, %dma_wait3A_836, %dma_wait3A_837] : memref<16x160x128xi32, #tpu.memory_space<hbm>> -> memref<1x160x128xi32, #tpu.memory_space<hbm>>
      %dma_wait3A_839 = tpu.memref_squeeze %dma_wait3A_838 : memref<1x160x128xi32, #tpu.memory_space<hbm>> -> memref<160x128xi32, #tpu.memory_space<hbm>>
      tpu.wait_dma2 semaphore(%run_scoped3A : memref<!tpu.dma_semaphore, #tpu.memory_space<semaphore_mem>>) src(%dma_wait3A_839 : memref<160x128xi32, #tpu.memory_space<hbm>>) dst(%arg13 : memref<160x128xi32, #tpu.memory_space<vmem>>)
      tpu.yield
    }) : () -> ()
    "tpu.region"() ({
      %run_scoped3A = tpu.sem_alloc : memref<!tpu.dma_semaphore, #tpu.memory_space<semaphore_mem>>
      %dma_start3A_824 = arith.constant 0 : i32
      %dma_start3A_825 = arith.constant 0 : i32
      %dma_start3A_826 = tpu.memref_slice %arg4[%arg1, %dma_start3A_824, %dma_start3A_825] : memref<16x160x128xi32, #tpu.memory_space<hbm>> -> memref<1x160x128xi32, #tpu.memory_space<hbm>>
      %dma_start3A_827 = tpu.memref_squeeze %dma_start3A_826 : memref<1x160x128xi32, #tpu.memory_space<hbm>> -> memref<160x128xi32, #tpu.memory_space<hbm>>
      %dma_start3A_828 = arith.constant 0 : i32
      %dma_start3A_829 = arith.constant 0 : i32
      %dma_start3A_830 = tpu.memref_slice %arg4[%arg1, %dma_start3A_828, %dma_start3A_829] : memref<16x160x128xi32, #tpu.memory_space<hbm>> -> memref<1x160x128xi32, #tpu.memory_space<hbm>>
      %dma_start3A_831 = tpu.memref_squeeze %dma_start3A_830 : memref<1x160x128xi32, #tpu.memory_space<hbm>> -> memref<160x128xi32, #tpu.memory_space<hbm>>
      tpu.enqueue_dma source(%dma_start3A_831 : memref<160x128xi32, #tpu.memory_space<hbm>>) target(%arg14 : memref<160x128xi32, #tpu.memory_space<vmem>>) target_semaphore(%run_scoped3A : memref<!tpu.dma_semaphore, #tpu.memory_space<semaphore_mem>>)
      %dma_wait3A_832 = arith.constant 0 : i32
      %dma_wait3A_833 = arith.constant 0 : i32
      %dma_wait3A_834 = tpu.memref_slice %arg4[%arg1, %dma_wait3A_832, %dma_wait3A_833] : memref<16x160x128xi32, #tpu.memory_space<hbm>> -> memref<1x160x128xi32, #tpu.memory_space<hbm>>
      %dma_wait3A_835 = tpu.memref_squeeze %dma_wait3A_834 : memref<1x160x128xi32, #tpu.memory_space<hbm>> -> memref<160x128xi32, #tpu.memory_space<hbm>>
      %dma_wait3A_836 = arith.constant 0 : i32
      %dma_wait3A_837 = arith.constant 0 : i32
      %dma_wait3A_838 = tpu.memref_slice %arg4[%arg1, %dma_wait3A_836, %dma_wait3A_837] : memref<16x160x128xi32, #tpu.memory_space<hbm>> -> memref<1x160x128xi32, #tpu.memory_space<hbm>>
      %dma_wait3A_839 = tpu.memref_squeeze %dma_wait3A_838 : memref<1x160x128xi32, #tpu.memory_space<hbm>> -> memref<160x128xi32, #tpu.memory_space<hbm>>
      tpu.wait_dma2 semaphore(%run_scoped3A : memref<!tpu.dma_semaphore, #tpu.memory_space<semaphore_mem>>) src(%dma_wait3A_839 : memref<160x128xi32, #tpu.memory_space<hbm>>) dst(%arg14 : memref<160x128xi32, #tpu.memory_space<vmem>>)
      tpu.yield
    }) : () -> ()
    "tpu.region"() ({
      %run_scoped3A = tpu.sem_alloc : memref<!tpu.dma_semaphore, #tpu.memory_space<semaphore_mem>>
      tpu.enqueue_dma source(%arg6 : memref<10240xi32, #tpu.memory_space<hbm>>) target(%arg17 : memref<10240xi32, #tpu.memory_space<vmem>>) target_semaphore(%run_scoped3A : memref<!tpu.dma_semaphore, #tpu.memory_space<semaphore_mem>>)
      tpu.wait_dma2 semaphore(%run_scoped3A : memref<!tpu.dma_semaphore, #tpu.memory_space<semaphore_mem>>) src(%arg6 : memref<10240xi32, #tpu.memory_space<hbm>>) dst(%arg17 : memref<10240xi32, #tpu.memory_space<vmem>>)
      tpu.yield
    }) : () -> ()
    "tpu.region"() ({
      %run_scoped3A = tpu.sem_alloc : memref<!tpu.dma_semaphore, #tpu.memory_space<semaphore_mem>>
      tpu.enqueue_dma source(%arg5 : memref<1024xi32, #tpu.memory_space<hbm>>) target(%arg18 : memref<1024xi32, #tpu.memory_space<vmem>>) target_semaphore(%run_scoped3A : memref<!tpu.dma_semaphore, #tpu.memory_space<semaphore_mem>>)
      tpu.wait_dma2 semaphore(%run_scoped3A : memref<!tpu.dma_semaphore, #tpu.memory_space<semaphore_mem>>) src(%arg5 : memref<1024xi32, #tpu.memory_space<hbm>>) dst(%arg18 : memref<1024xi32, #tpu.memory_space<vmem>>)
      tpu.yield
    }) : () -> ()
    %iota3A = tpu.iota {dimensions = array<i32: 0>} : vector<16xi32>
    %get3A = arith.constant 0 : index
    %get3A_3 = tpu.vector_load %arg18[%get3A] {strides = array<i32>} : memref<1024xi32, #tpu.memory_space<vmem>>, vector<16xi32>,
    %add3A = arith.constant 0 : i32
    %add3A_4 = vector.broadcast %add3A : i32 to vector<16xi32>
    %add3A_5 = arith.addi %add3A_4, %iota3A : vector<16xi32>
    %add3A_6 = arith.constant 1 : i32
    %add3A_7 = vector.broadcast %add3A_6 : i32 to vector<16xi32>
    %add3A_8 = arith.addi %add3A_5, %add3A_7 : vector<16xi32>
    tpu.vector_store_idx %arg17[%get3A_3], %add3A_8 : memref<10240xi32, #tpu.memory_space<vmem>>[vector<16xi32>], vector<16xi32>,
    %get3A_9 = arith.constant 16 : index
    %get3A_10 = tpu.vector_load %arg18[%get3A_9] {strides = array<i32>} : memref<1024xi32, #tpu.memory_space<vmem>>, vector<16xi32>,
    %add3A_11 = arith.constant 16 : i32
    %add3A_12 = vector.broadcast %add3A_11 : i32 to vector<16xi32>
    %add3A_13 = arith.addi %add3A_12, %iota3A : vector<16xi32>
    %add3A_14 = arith.constant 1 : i32
    %add3A_15 = vector.broadcast %add3A_14 : i32 to vector<16xi32>
    %add3A_16 = arith.addi %add3A_13, %add3A_15 : vector<16xi32>
    tpu.vector_store_idx %arg17[%get3A_10], %add3A_16 : memref<10240xi32, #tpu.memory_space<vmem>>[vector<16xi32>], vector<16xi32>,
    %get3A_17 = arith.constant 32 : index
    %get3A_18 = tpu.vector_load %arg18[%get3A_17] {strides = array<i32>} : memref<1024xi32, #tpu.memory_space<vmem>>, vector<16xi32>,
    %add3A_19 = arith.constant 32 : i32
    %add3A_20 = vector.broadcast %add3A_19 : i32 to vector<16xi32>
    %add3A_21 = arith.addi %add3A_20, %iota3A : vector<16xi32>
    %add3A_22 = arith.constant 1 : i32
    %add3A_23 = vector.broadcast %add3A_22 : i32 to vector<16xi32>
    %add3A_24 = arith.addi %add3A_21, %add3A_23 : vector<16xi32>
    tpu.vector_store_idx %arg17[%get3A_18], %add3A_24 : memref<10240xi32, #tpu.memory_space<vmem>>[vector<16xi32>], vector<16xi32>,
    %get3A_25 = arith.constant 48 : index
    %get3A_26 = tpu.vector_load %arg18[%get3A_25] {strides = array<i32>} : memref<1024xi32, #tpu.memory_space<vmem>>, vector<16xi32>,
    %add3A_27 = arith.constant 48 : i32
    %add3A_28 = vector.broadcast %add3A_27 : i32 to vector<16xi32>
    %add3A_29 = arith.addi %add3A_28, %iota3A : vector<16xi32>
    %add3A_30 = arith.constant 1 : i32
    %add3A_31 = vector.broadcast %add3A_30 : i32 to vector<16xi32>
    %add3A_32 = arith.addi %add3A_29, %add3A_31 : vector<16xi32>
    tpu.vector_store_idx %arg17[%get3A_26], %add3A_32 : memref<10240xi32, #tpu.memory_space<vmem>>[vector<16xi32>], vector<16xi32>,
    %get3A_33 = arith.constant 64 : index
    %get3A_34 = tpu.vector_load %arg18[%get3A_33] {strides = array<i32>} : memref<1024xi32, #tpu.memory_space<vmem>>, vector<16xi32>,
    %add3A_35 = arith.constant 64 : i32
    %add3A_36 = vector.broadcast %add3A_35 : i32 to vector<16xi32>
    %add3A_37 = arith.addi %add3A_36, %iota3A : vector<16xi32>
    %add3A_38 = arith.constant 1 : i32
    %add3A_39 = vector.broadcast %add3A_38 : i32 to vector<16xi32>
    %add3A_40 = arith.addi %add3A_37, %add3A_39 : vector<16xi32>
    tpu.vector_store_idx %arg17[%get3A_34], %add3A_40 : memref<10240xi32, #tpu.memory_space<vmem>>[vector<16xi32>], vector<16xi32>,
    %get3A_41 = arith.constant 80 : index
    %get3A_42 = tpu.vector_load %arg18[%get3A_41] {strides = array<i32>} : memref<1024xi32, #tpu.memory_space<vmem>>, vector<16xi32>,
    %add3A_43 = arith.constant 80 : i32
    %add3A_44 = vector.broadcast %add3A_43 : i32 to vector<16xi32>
    %add3A_45 = arith.addi %add3A_44, %iota3A : vector<16xi32>
    %add3A_46 = arith.constant 1 : i32
    %add3A_47 = vector.broadcast %add3A_46 : i32 to vector<16xi32>
    %add3A_48 = arith.addi %add3A_45, %add3A_47 : vector<16xi32>
    tpu.vector_store_idx %arg17[%get3A_42], %add3A_48 : memref<10240xi32, #tpu.memory_space<vmem>>[vector<16xi32>], vector<16xi32>,
    %get3A_49 = arith.constant 96 : index
    %get3A_50 = tpu.vector_load %arg18[%get3A_49] {strides = array<i32>} : memref<1024xi32, #tpu.memory_space<vmem>>, vector<16xi32>,
    %add3A_51 = arith.constant 96 : i32
    %add3A_52 = vector.broadcast %add3A_51 : i32 to vector<16xi32>
    %add3A_53 = arith.addi %add3A_52, %iota3A : vector<16xi32>
    %add3A_54 = arith.constant 1 : i32
    %add3A_55 = vector.broadcast %add3A_54 : i32 to vector<16xi32>
    %add3A_56 = arith.addi %add3A_53, %add3A_55 : vector<16xi32>
    tpu.vector_store_idx %arg17[%get3A_50], %add3A_56 : memref<10240xi32, #tpu.memory_space<vmem>>[vector<16xi32>], vector<16xi32>,
    %get3A_57 = arith.constant 112 : index
    %get3A_58 = tpu.vector_load %arg18[%get3A_57] {strides = array<i32>} : memref<1024xi32, #tpu.memory_space<vmem>>, vector<16xi32>,
    %add3A_59 = arith.constant 112 : i32
    %add3A_60 = vector.broadcast %add3A_59 : i32 to vector<16xi32>
    %add3A_61 = arith.addi %add3A_60, %iota3A : vector<16xi32>
    %add3A_62 = arith.constant 1 : i32
    %add3A_63 = vector.broadcast %add3A_62 : i32 to vector<16xi32>
    %add3A_64 = arith.addi %add3A_61, %add3A_63 : vector<16xi32>
    tpu.vector_store_idx %arg17[%get3A_58], %add3A_64 : memref<10240xi32, #tpu.memory_space<vmem>>[vector<16xi32>], vector<16xi32>,
    %get3A_65 = arith.constant 128 : index
    %get3A_66 = tpu.vector_load %arg18[%get3A_65] {strides = array<i32>} : memref<1024xi32, #tpu.memory_space<vmem>>, vector<16xi32>,
    %add3A_67 = arith.constant 128 : i32
    %add3A_68 = vector.broadcast %add3A_67 : i32 to vector<16xi32>
    %add3A_69 = arith.addi %add3A_68, %iota3A : vector<16xi32>
    %add3A_70 = arith.constant 1 : i32
    %add3A_71 = vector.broadcast %add3A_70 : i32 to vector<16xi32>
    %add3A_72 = arith.addi %add3A_69, %add3A_71 : vector<16xi32>
    tpu.vector_store_idx %arg17[%get3A_66], %add3A_72 : memref<10240xi32, #tpu.memory_space<vmem>>[vector<16xi32>], vector<16xi32>,
    %get3A_73 = arith.constant 144 : index
    %get3A_74 = tpu.vector_load %arg18[%get3A_73] {strides = array<i32>} : memref<1024xi32, #tpu.memory_space<vmem>>, vector<16xi32>,
    %add3A_75 = arith.constant 144 : i32
    %add3A_76 = vector.broadcast %add3A_75 : i32 to vector<16xi32>
    %add3A_77 = arith.addi %add3A_76, %iota3A : vector<16xi32>
    %add3A_78 = arith.constant 1 : i32
    %add3A_79 = vector.broadcast %add3A_78 : i32 to vector<16xi32>
    %add3A_80 = arith.addi %add3A_77, %add3A_79 : vector<16xi32>
    tpu.vector_store_idx %arg17[%get3A_74], %add3A_80 : memref<10240xi32, #tpu.memory_space<vmem>>[vector<16xi32>], vector<16xi32>,
    %get3A_81 = arith.constant 160 : index
    %get3A_82 = tpu.vector_load %arg18[%get3A_81] {strides = array<i32>} : memref<1024xi32, #tpu.memory_space<vmem>>, vector<16xi32>,
    %add3A_83 = arith.constant 160 : i32
    %add3A_84 = vector.broadcast %add3A_83 : i32 to vector<16xi32>
    %add3A_85 = arith.addi %add3A_84, %iota3A : vector<16xi32>
    %add3A_86 = arith.constant 1 : i32
    %add3A_87 = vector.broadcast %add3A_86 : i32 to vector<16xi32>
    %add3A_88 = arith.addi %add3A_85, %add3A_87 : vector<16xi32>
    tpu.vector_store_idx %arg17[%get3A_82], %add3A_88 : memref<10240xi32, #tpu.memory_space<vmem>>[vector<16xi32>], vector<16xi32>,
    %get3A_89 = arith.constant 176 : index
    %get3A_90 = tpu.vector_load %arg18[%get3A_89] {strides = array<i32>} : memref<1024xi32, #tpu.memory_space<vmem>>, vector<16xi32>,
    %add3A_91 = arith.constant 176 : i32
    %add3A_92 = vector.broadcast %add3A_91 : i32 to vector<16xi32>
    %add3A_93 = arith.addi %add3A_92, %iota3A : vector<16xi32>
    %add3A_94 = arith.constant 1 : i32
    %add3A_95 = vector.broadcast %add3A_94 : i32 to vector<16xi32>
    %add3A_96 = arith.addi %add3A_93, %add3A_95 : vector<16xi32>
    tpu.vector_store_idx %arg17[%get3A_90], %add3A_96 : memref<10240xi32, #tpu.memory_space<vmem>>[vector<16xi32>], vector<16xi32>,
    %get3A_97 = arith.constant 192 : index
    %get3A_98 = tpu.vector_load %arg18[%get3A_97] {strides = array<i32>} : memref<1024xi32, #tpu.memory_space<vmem>>, vector<16xi32>,
    %add3A_99 = arith.constant 192 : i32
    %add3A_100 = vector.broadcast %add3A_99 : i32 to vector<16xi32>
    %add3A_101 = arith.addi %add3A_100, %iota3A : vector<16xi32>
    %add3A_102 = arith.constant 1 : i32
    %add3A_103 = vector.broadcast %add3A_102 : i32 to vector<16xi32>
    %add3A_104 = arith.addi %add3A_101, %add3A_103 : vector<16xi32>
    tpu.vector_store_idx %arg17[%get3A_98], %add3A_104 : memref<10240xi32, #tpu.memory_space<vmem>>[vector<16xi32>], vector<16xi32>,
    %get3A_105 = arith.constant 208 : index
    %get3A_106 = tpu.vector_load %arg18[%get3A_105] {strides = array<i32>} : memref<1024xi32, #tpu.memory_space<vmem>>, vector<16xi32>,
    %add3A_107 = arith.constant 208 : i32
    %add3A_108 = vector.broadcast %add3A_107 : i32 to vector<16xi32>
    %add3A_109 = arith.addi %add3A_108, %iota3A : vector<16xi32>
    %add3A_110 = arith.constant 1 : i32
    %add3A_111 = vector.broadcast %add3A_110 : i32 to vector<16xi32>
    %add3A_112 = arith.addi %add3A_109, %add3A_111 : vector<16xi32>
    tpu.vector_store_idx %arg17[%get3A_106], %add3A_112 : memref<10240xi32, #tpu.memory_space<vmem>>[vector<16xi32>], vector<16xi32>,
    %get3A_113 = arith.constant 224 : index
    %get3A_114 = tpu.vector_load %arg18[%get3A_113] {strides = array<i32>} : memref<1024xi32, #tpu.memory_space<vmem>>, vector<16xi32>,
    %add3A_115 = arith.constant 224 : i32
    %add3A_116 = vector.broadcast %add3A_115 : i32 to vector<16xi32>
    %add3A_117 = arith.addi %add3A_116, %iota3A : vector<16xi32>
    %add3A_118 = arith.constant 1 : i32
    %add3A_119 = vector.broadcast %add3A_118 : i32 to vector<16xi32>
    %add3A_120 = arith.addi %add3A_117, %add3A_119 : vector<16xi32>
    tpu.vector_store_idx %arg17[%get3A_114], %add3A_120 : memref<10240xi32, #tpu.memory_space<vmem>>[vector<16xi32>], vector<16xi32>,
    %get3A_121 = arith.constant 240 : index
    %get3A_122 = tpu.vector_load %arg18[%get3A_121] {strides = array<i32>} : memref<1024xi32, #tpu.memory_space<vmem>>, vector<16xi32>,
    %add3A_123 = arith.constant 240 : i32
    %add3A_124 = vector.broadcast %add3A_123 : i32 to vector<16xi32>
    %add3A_125 = arith.addi %add3A_124, %iota3A : vector<16xi32>
    %add3A_126 = arith.constant 1 : i32
    %add3A_127 = vector.broadcast %add3A_126 : i32 to vector<16xi32>
    %add3A_128 = arith.addi %add3A_125, %add3A_127 : vector<16xi32>
    tpu.vector_store_idx %arg17[%get3A_122], %add3A_128 : memref<10240xi32, #tpu.memory_space<vmem>>[vector<16xi32>], vector<16xi32>,
    %get3A_129 = arith.constant 256 : index
    %get3A_130 = tpu.vector_load %arg18[%get3A_129] {strides = array<i32>} : memref<1024xi32, #tpu.memory_space<vmem>>, vector<16xi32>,
    %add3A_131 = arith.constant 256 : i32
    %add3A_132 = vector.broadcast %add3A_131 : i32 to vector<16xi32>
    %add3A_133 = arith.addi %add3A_132, %iota3A : vector<16xi32>
    %add3A_134 = arith.constant 1 : i32
    %add3A_135 = vector.broadcast %add3A_134 : i32 to vector<16xi32>
    %add3A_136 = arith.addi %add3A_133, %add3A_135 : vector<16xi32>
    tpu.vector_store_idx %arg17[%get3A_130], %add3A_136 : memref<10240xi32, #tpu.memory_space<vmem>>[vector<16xi32>], vector<16xi32>,
    %get3A_137 = arith.constant 272 : index
    %get3A_138 = tpu.vector_load %arg18[%get3A_137] {strides = array<i32>} : memref<1024xi32, #tpu.memory_space<vmem>>, vector<16xi32>,
    %add3A_139 = arith.constant 272 : i32
    %add3A_140 = vector.broadcast %add3A_139 : i32 to vector<16xi32>
    %add3A_141 = arith.addi %add3A_140, %iota3A : vector<16xi32>
    %add3A_142 = arith.constant 1 : i32
    %add3A_143 = vector.broadcast %add3A_142 : i32 to vector<16xi32>
    %add3A_144 = arith.addi %add3A_141, %add3A_143 : vector<16xi32>
    tpu.vector_store_idx %arg17[%get3A_138], %add3A_144 : memref<10240xi32, #tpu.memory_space<vmem>>[vector<16xi32>], vector<16xi32>,
    %get3A_145 = arith.constant 288 : index
    %get3A_146 = tpu.vector_load %arg18[%get3A_145] {strides = array<i32>} : memref<1024xi32, #tpu.memory_space<vmem>>, vector<16xi32>,
    %add3A_147 = arith.constant 288 : i32
    %add3A_148 = vector.broadcast %add3A_147 : i32 to vector<16xi32>
    %add3A_149 = arith.addi %add3A_148, %iota3A : vector<16xi32>
    %add3A_150 = arith.constant 1 : i32
    %add3A_151 = vector.broadcast %add3A_150 : i32 to vector<16xi32>
    %add3A_152 = arith.addi %add3A_149, %add3A_151 : vector<16xi32>
    tpu.vector_store_idx %arg17[%get3A_146], %add3A_152 : memref<10240xi32, #tpu.memory_space<vmem>>[vector<16xi32>], vector<16xi32>,
    %get3A_153 = arith.constant 304 : index
    %get3A_154 = tpu.vector_load %arg18[%get3A_153] {strides = array<i32>} : memref<1024xi32, #tpu.memory_space<vmem>>, vector<16xi32>,
    %add3A_155 = arith.constant 304 : i32
    %add3A_156 = vector.broadcast %add3A_155 : i32 to vector<16xi32>
    %add3A_157 = arith.addi %add3A_156, %iota3A : vector<16xi32>
    %add3A_158 = arith.constant 1 : i32
    %add3A_159 = vector.broadcast %add3A_158 : i32 to vector<16xi32>
    %add3A_160 = arith.addi %add3A_157, %add3A_159 : vector<16xi32>
    tpu.vector_store_idx %arg17[%get3A_154], %add3A_160 : memref<10240xi32, #tpu.memory_space<vmem>>[vector<16xi32>], vector<16xi32>,
    %get3A_161 = arith.constant 320 : index
    %get3A_162 = tpu.vector_load %arg18[%get3A_161] {strides = array<i32>} : memref<1024xi32, #tpu.memory_space<vmem>>, vector<16xi32>,
    %add3A_163 = arith.constant 320 : i32
    %add3A_164 = vector.broadcast %add3A_163 : i32 to vector<16xi32>
    %add3A_165 = arith.addi %add3A_164, %iota3A : vector<16xi32>
    %add3A_166 = arith.constant 1 : i32
    %add3A_167 = vector.broadcast %add3A_166 : i32 to vector<16xi32>
    %add3A_168 = arith.addi %add3A_165, %add3A_167 : vector<16xi32>
    tpu.vector_store_idx %arg17[%get3A_162], %add3A_168 : memref<10240xi32, #tpu.memory_space<vmem>>[vector<16xi32>], vector<16xi32>,
    %get3A_169 = arith.constant 336 : index
    %get3A_170 = tpu.vector_load %arg18[%get3A_169] {strides = array<i32>} : memref<1024xi32, #tpu.memory_space<vmem>>, vector<16xi32>,
    %add3A_171 = arith.constant 336 : i32
    %add3A_172 = vector.broadcast %add3A_171 : i32 to vector<16xi32>
    %add3A_173 = arith.addi %add3A_172, %iota3A : vector<16xi32>
    %add3A_174 = arith.constant 1 : i32
    %add3A_175 = vector.broadcast %add3A_174 : i32 to vector<16xi32>
    %add3A_176 = arith.addi %add3A_173, %add3A_175 : vector<16xi32>
    tpu.vector_store_idx %arg17[%get3A_170], %add3A_176 : memref<10240xi32, #tpu.memory_space<vmem>>[vector<16xi32>], vector<16xi32>,
    %get3A_177 = arith.constant 352 : index
    %get3A_178 = tpu.vector_load %arg18[%get3A_177] {strides = array<i32>} : memref<1024xi32, #tpu.memory_space<vmem>>, vector<16xi32>,
    %add3A_179 = arith.constant 352 : i32
    %add3A_180 = vector.broadcast %add3A_179 : i32 to vector<16xi32>
    %add3A_181 = arith.addi %add3A_180, %iota3A : vector<16xi32>
    %add3A_182 = arith.constant 1 : i32
    %add3A_183 = vector.broadcast %add3A_182 : i32 to vector<16xi32>
    %add3A_184 = arith.addi %add3A_181, %add3A_183 : vector<16xi32>
    tpu.vector_store_idx %arg17[%get3A_178], %add3A_184 : memref<10240xi32, #tpu.memory_space<vmem>>[vector<16xi32>], vector<16xi32>,
    %get3A_185 = arith.constant 368 : index
    %get3A_186 = tpu.vector_load %arg18[%get3A_185] {strides = array<i32>} : memref<1024xi32, #tpu.memory_space<vmem>>, vector<16xi32>,
    %add3A_187 = arith.constant 368 : i32
    %add3A_188 = vector.broadcast %add3A_187 : i32 to vector<16xi32>
    %add3A_189 = arith.addi %add3A_188, %iota3A : vector<16xi32>
    %add3A_190 = arith.constant 1 : i32
    %add3A_191 = vector.broadcast %add3A_190 : i32 to vector<16xi32>
    %add3A_192 = arith.addi %add3A_189, %add3A_191 : vector<16xi32>
    tpu.vector_store_idx %arg17[%get3A_186], %add3A_192 : memref<10240xi32, #tpu.memory_space<vmem>>[vector<16xi32>], vector<16xi32>,
    %get3A_193 = arith.constant 384 : index
    %get3A_194 = tpu.vector_load %arg18[%get3A_193] {strides = array<i32>} : memref<1024xi32, #tpu.memory_space<vmem>>, vector<16xi32>,
    %add3A_195 = arith.constant 384 : i32
    %add3A_196 = vector.broadcast %add3A_195 : i32 to vector<16xi32>
    %add3A_197 = arith.addi %add3A_196, %iota3A : vector<16xi32>
    %add3A_198 = arith.constant 1 : i32
    %add3A_199 = vector.broadcast %add3A_198 : i32 to vector<16xi32>
    %add3A_200 = arith.addi %add3A_197, %add3A_199 : vector<16xi32>
    tpu.vector_store_idx %arg17[%get3A_194], %add3A_200 : memref<10240xi32, #tpu.memory_space<vmem>>[vector<16xi32>], vector<16xi32>,
    %get3A_201 = arith.constant 400 : index
    %get3A_202 = tpu.vector_load %arg18[%get3A_201] {strides = array<i32>} : memref<1024xi32, #tpu.memory_space<vmem>>, vector<16xi32>,
    %add3A_203 = arith.constant 400 : i32
    %add3A_204 = vector.broadcast %add3A_203 : i32 to vector<16xi32>
    %add3A_205 = arith.addi %add3A_204, %iota3A : vector<16xi32>
    %add3A_206 = arith.constant 1 : i32
    %add3A_207 = vector.broadcast %add3A_206 : i32 to vector<16xi32>
    %add3A_208 = arith.addi %add3A_205, %add3A_207 : vector<16xi32>
    tpu.vector_store_idx %arg17[%get3A_202], %add3A_208 : memref<10240xi32, #tpu.memory_space<vmem>>[vector<16xi32>], vector<16xi32>,
    %get3A_209 = arith.constant 416 : index
    %get3A_210 = tpu.vector_load %arg18[%get3A_209] {strides = array<i32>} : memref<1024xi32, #tpu.memory_space<vmem>>, vector<16xi32>,
    %add3A_211 = arith.constant 416 : i32
    %add3A_212 = vector.broadcast %add3A_211 : i32 to vector<16xi32>
    %add3A_213 = arith.addi %add3A_212, %iota3A : vector<16xi32>
    %add3A_214 = arith.constant 1 : i32
    %add3A_215 = vector.broadcast %add3A_214 : i32 to vector<16xi32>
    %add3A_216 = arith.addi %add3A_213, %add3A_215 : vector<16xi32>
    tpu.vector_store_idx %arg17[%get3A_210], %add3A_216 : memref<10240xi32, #tpu.memory_space<vmem>>[vector<16xi32>], vector<16xi32>,
    %get3A_217 = arith.constant 432 : index
    %get3A_218 = tpu.vector_load %arg18[%get3A_217] {strides = array<i32>} : memref<1024xi32, #tpu.memory_space<vmem>>, vector<16xi32>,
    %add3A_219 = arith.constant 432 : i32
    %add3A_220 = vector.broadcast %add3A_219 : i32 to vector<16xi32>
    %add3A_221 = arith.addi %add3A_220, %iota3A : vector<16xi32>
    %add3A_222 = arith.constant 1 : i32
    %add3A_223 = vector.broadcast %add3A_222 : i32 to vector<16xi32>
    %add3A_224 = arith.addi %add3A_221, %add3A_223 : vector<16xi32>
    tpu.vector_store_idx %arg17[%get3A_218], %add3A_224 : memref<10240xi32, #tpu.memory_space<vmem>>[vector<16xi32>], vector<16xi32>,
    %get3A_225 = arith.constant 448 : index
    %get3A_226 = tpu.vector_load %arg18[%get3A_225] {strides = array<i32>} : memref<1024xi32, #tpu.memory_space<vmem>>, vector<16xi32>,
    %add3A_227 = arith.constant 448 : i32
    %add3A_228 = vector.broadcast %add3A_227 : i32 to vector<16xi32>
    %add3A_229 = arith.addi %add3A_228, %iota3A : vector<16xi32>
    %add3A_230 = arith.constant 1 : i32
    %add3A_231 = vector.broadcast %add3A_230 : i32 to vector<16xi32>
    %add3A_232 = arith.addi %add3A_229, %add3A_231 : vector<16xi32>
    tpu.vector_store_idx %arg17[%get3A_226], %add3A_232 : memref<10240xi32, #tpu.memory_space<vmem>>[vector<16xi32>], vector<16xi32>,
    %get3A_233 = arith.constant 464 : index
    %get3A_234 = tpu.vector_load %arg18[%get3A_233] {strides = array<i32>} : memref<1024xi32, #tpu.memory_space<vmem>>, vector<16xi32>,
    %add3A_235 = arith.constant 464 : i32
    %add3A_236 = vector.broadcast %add3A_235 : i32 to vector<16xi32>
    %add3A_237 = arith.addi %add3A_236, %iota3A : vector<16xi32>
    %add3A_238 = arith.constant 1 : i32
    %add3A_239 = vector.broadcast %add3A_238 : i32 to vector<16xi32>
    %add3A_240 = arith.addi %add3A_237, %add3A_239 : vector<16xi32>
    tpu.vector_store_idx %arg17[%get3A_234], %add3A_240 : memref<10240xi32, #tpu.memory_space<vmem>>[vector<16xi32>], vector<16xi32>,
    %get3A_241 = arith.constant 480 : index
    %get3A_242 = tpu.vector_load %arg18[%get3A_241] {strides = array<i32>} : memref<1024xi32, #tpu.memory_space<vmem>>, vector<16xi32>,
    %add3A_243 = arith.constant 480 : i32
    %add3A_244 = vector.broadcast %add3A_243 : i32 to vector<16xi32>
    %add3A_245 = arith.addi %add3A_244, %iota3A : vector<16xi32>
    %add3A_246 = arith.constant 1 : i32
    %add3A_247 = vector.broadcast %add3A_246 : i32 to vector<16xi32>
    %add3A_248 = arith.addi %add3A_245, %add3A_247 : vector<16xi32>
    tpu.vector_store_idx %arg17[%get3A_242], %add3A_248 : memref<10240xi32, #tpu.memory_space<vmem>>[vector<16xi32>], vector<16xi32>,
    %get3A_249 = arith.constant 496 : index
    %get3A_250 = tpu.vector_load %arg18[%get3A_249] {strides = array<i32>} : memref<1024xi32, #tpu.memory_space<vmem>>, vector<16xi32>,
    %add3A_251 = arith.constant 496 : i32
    %add3A_252 = vector.broadcast %add3A_251 : i32 to vector<16xi32>
    %add3A_253 = arith.addi %add3A_252, %iota3A : vector<16xi32>
    %add3A_254 = arith.constant 1 : i32
    %add3A_255 = vector.broadcast %add3A_254 : i32 to vector<16xi32>
    %add3A_256 = arith.addi %add3A_253, %add3A_255 : vector<16xi32>
    tpu.vector_store_idx %arg17[%get3A_250], %add3A_256 : memref<10240xi32, #tpu.memory_space<vmem>>[vector<16xi32>], vector<16xi32>,
    %get3A_257 = arith.constant 512 : index
    %get3A_258 = tpu.vector_load %arg18[%get3A_257] {strides = array<i32>} : memref<1024xi32, #tpu.memory_space<vmem>>, vector<16xi32>,
    %add3A_259 = arith.constant 512 : i32
    %add3A_260 = vector.broadcast %add3A_259 : i32 to vector<16xi32>
    %add3A_261 = arith.addi %add3A_260, %iota3A : vector<16xi32>
    %add3A_262 = arith.constant 1 : i32
    %add3A_263 = vector.broadcast %add3A_262 : i32 to vector<16xi32>
    %add3A_264 = arith.addi %add3A_261, %add3A_263 : vector<16xi32>
    tpu.vector_store_idx %arg17[%get3A_258], %add3A_264 : memref<10240xi32, #tpu.memory_space<vmem>>[vector<16xi32>], vector<16xi32>,
    %get3A_265 = arith.constant 528 : index
    %get3A_266 = tpu.vector_load %arg18[%get3A_265] {strides = array<i32>} : memref<1024xi32, #tpu.memory_space<vmem>>, vector<16xi32>,
    %add3A_267 = arith.constant 528 : i32
    %add3A_268 = vector.broadcast %add3A_267 : i32 to vector<16xi32>
    %add3A_269 = arith.addi %add3A_268, %iota3A : vector<16xi32>
    %add3A_270 = arith.constant 1 : i32
    %add3A_271 = vector.broadcast %add3A_270 : i32 to vector<16xi32>
    %add3A_272 = arith.addi %add3A_269, %add3A_271 : vector<16xi32>
    tpu.vector_store_idx %arg17[%get3A_266], %add3A_272 : memref<10240xi32, #tpu.memory_space<vmem>>[vector<16xi32>], vector<16xi32>,
    %get3A_273 = arith.constant 544 : index
    %get3A_274 = tpu.vector_load %arg18[%get3A_273] {strides = array<i32>} : memref<1024xi32, #tpu.memory_space<vmem>>, vector<16xi32>,
    %add3A_275 = arith.constant 544 : i32
    %add3A_276 = vector.broadcast %add3A_275 : i32 to vector<16xi32>
    %add3A_277 = arith.addi %add3A_276, %iota3A : vector<16xi32>
    %add3A_278 = arith.constant 1 : i32
    %add3A_279 = vector.broadcast %add3A_278 : i32 to vector<16xi32>
    %add3A_280 = arith.addi %add3A_277, %add3A_279 : vector<16xi32>
    tpu.vector_store_idx %arg17[%get3A_274], %add3A_280 : memref<10240xi32, #tpu.memory_space<vmem>>[vector<16xi32>], vector<16xi32>,
    %get3A_281 = arith.constant 560 : index
    %get3A_282 = tpu.vector_load %arg18[%get3A_281] {strides = array<i32>} : memref<1024xi32, #tpu.memory_space<vmem>>, vector<16xi32>,
    %add3A_283 = arith.constant 560 : i32
    %add3A_284 = vector.broadcast %add3A_283 : i32 to vector<16xi32>
    %add3A_285 = arith.addi %add3A_284, %iota3A : vector<16xi32>
    %add3A_286 = arith.constant 1 : i32
    %add3A_287 = vector.broadcast %add3A_286 : i32 to vector<16xi32>
    %add3A_288 = arith.addi %add3A_285, %add3A_287 : vector<16xi32>
    tpu.vector_store_idx %arg17[%get3A_282], %add3A_288 : memref<10240xi32, #tpu.memory_space<vmem>>[vector<16xi32>], vector<16xi32>,
    %get3A_289 = arith.constant 576 : index
    %get3A_290 = tpu.vector_load %arg18[%get3A_289] {strides = array<i32>} : memref<1024xi32, #tpu.memory_space<vmem>>, vector<16xi32>,
    %add3A_291 = arith.constant 576 : i32
    %add3A_292 = vector.broadcast %add3A_291 : i32 to vector<16xi32>
    %add3A_293 = arith.addi %add3A_292, %iota3A : vector<16xi32>
    %add3A_294 = arith.constant 1 : i32
    %add3A_295 = vector.broadcast %add3A_294 : i32 to vector<16xi32>
    %add3A_296 = arith.addi %add3A_293, %add3A_295 : vector<16xi32>
    tpu.vector_store_idx %arg17[%get3A_290], %add3A_296 : memref<10240xi32, #tpu.memory_space<vmem>>[vector<16xi32>], vector<16xi32>,
    %get3A_297 = arith.constant 592 : index
    %get3A_298 = tpu.vector_load %arg18[%get3A_297] {strides = array<i32>} : memref<1024xi32, #tpu.memory_space<vmem>>, vector<16xi32>,
    %add3A_299 = arith.constant 592 : i32
    %add3A_300 = vector.broadcast %add3A_299 : i32 to vector<16xi32>
    %add3A_301 = arith.addi %add3A_300, %iota3A : vector<16xi32>
    %add3A_302 = arith.constant 1 : i32
    %add3A_303 = vector.broadcast %add3A_302 : i32 to vector<16xi32>
    %add3A_304 = arith.addi %add3A_301, %add3A_303 : vector<16xi32>
    tpu.vector_store_idx %arg17[%get3A_298], %add3A_304 : memref<10240xi32, #tpu.memory_space<vmem>>[vector<16xi32>], vector<16xi32>,
    %get3A_305 = arith.constant 608 : index
    %get3A_306 = tpu.vector_load %arg18[%get3A_305] {strides = array<i32>} : memref<1024xi32, #tpu.memory_space<vmem>>, vector<16xi32>,
    %add3A_307 = arith.constant 608 : i32
    %add3A_308 = vector.broadcast %add3A_307 : i32 to vector<16xi32>
    %add3A_309 = arith.addi %add3A_308, %iota3A : vector<16xi32>
    %add3A_310 = arith.constant 1 : i32
    %add3A_311 = vector.broadcast %add3A_310 : i32 to vector<16xi32>
    %add3A_312 = arith.addi %add3A_309, %add3A_311 : vector<16xi32>
    tpu.vector_store_idx %arg17[%get3A_306], %add3A_312 : memref<10240xi32, #tpu.memory_space<vmem>>[vector<16xi32>], vector<16xi32>,
    %get3A_313 = arith.constant 624 : index
    %get3A_314 = tpu.vector_load %arg18[%get3A_313] {strides = array<i32>} : memref<1024xi32, #tpu.memory_space<vmem>>, vector<16xi32>,
    %add3A_315 = arith.constant 624 : i32
    %add3A_316 = vector.broadcast %add3A_315 : i32 to vector<16xi32>
    %add3A_317 = arith.addi %add3A_316, %iota3A : vector<16xi32>
    %add3A_318 = arith.constant 1 : i32
    %add3A_319 = vector.broadcast %add3A_318 : i32 to vector<16xi32>
    %add3A_320 = arith.addi %add3A_317, %add3A_319 : vector<16xi32>
    tpu.vector_store_idx %arg17[%get3A_314], %add3A_320 : memref<10240xi32, #tpu.memory_space<vmem>>[vector<16xi32>], vector<16xi32>,
    %get3A_321 = arith.constant 640 : index
    %get3A_322 = tpu.vector_load %arg18[%get3A_321] {strides = array<i32>} : memref<1024xi32, #tpu.memory_space<vmem>>, vector<16xi32>,
    %add3A_323 = arith.constant 640 : i32
    %add3A_324 = vector.broadcast %add3A_323 : i32 to vector<16xi32>
    %add3A_325 = arith.addi %add3A_324, %iota3A : vector<16xi32>
    %add3A_326 = arith.constant 1 : i32
    %add3A_327 = vector.broadcast %add3A_326 : i32 to vector<16xi32>
    %add3A_328 = arith.addi %add3A_325, %add3A_327 : vector<16xi32>
    tpu.vector_store_idx %arg17[%get3A_322], %add3A_328 : memref<10240xi32, #tpu.memory_space<vmem>>[vector<16xi32>], vector<16xi32>,
    %get3A_329 = arith.constant 656 : index
    %get3A_330 = tpu.vector_load %arg18[%get3A_329] {strides = array<i32>} : memref<1024xi32, #tpu.memory_space<vmem>>, vector<16xi32>,
    %add3A_331 = arith.constant 656 : i32
    %add3A_332 = vector.broadcast %add3A_331 : i32 to vector<16xi32>
    %add3A_333 = arith.addi %add3A_332, %iota3A : vector<16xi32>
    %add3A_334 = arith.constant 1 : i32
    %add3A_335 = vector.broadcast %add3A_334 : i32 to vector<16xi32>
    %add3A_336 = arith.addi %add3A_333, %add3A_335 : vector<16xi32>
    tpu.vector_store_idx %arg17[%get3A_330], %add3A_336 : memref<10240xi32, #tpu.memory_space<vmem>>[vector<16xi32>], vector<16xi32>,
    %get3A_337 = arith.constant 672 : index
    %get3A_338 = tpu.vector_load %arg18[%get3A_337] {strides = array<i32>} : memref<1024xi32, #tpu.memory_space<vmem>>, vector<16xi32>,
    %add3A_339 = arith.constant 672 : i32
    %add3A_340 = vector.broadcast %add3A_339 : i32 to vector<16xi32>
    %add3A_341 = arith.addi %add3A_340, %iota3A : vector<16xi32>
    %add3A_342 = arith.constant 1 : i32
    %add3A_343 = vector.broadcast %add3A_342 : i32 to vector<16xi32>
    %add3A_344 = arith.addi %add3A_341, %add3A_343 : vector<16xi32>
    tpu.vector_store_idx %arg17[%get3A_338], %add3A_344 : memref<10240xi32, #tpu.memory_space<vmem>>[vector<16xi32>], vector<16xi32>,
    %get3A_345 = arith.constant 688 : index
    %get3A_346 = tpu.vector_load %arg18[%get3A_345] {strides = array<i32>} : memref<1024xi32, #tpu.memory_space<vmem>>, vector<16xi32>,
    %add3A_347 = arith.constant 688 : i32
    %add3A_348 = vector.broadcast %add3A_347 : i32 to vector<16xi32>
    %add3A_349 = arith.addi %add3A_348, %iota3A : vector<16xi32>
    %add3A_350 = arith.constant 1 : i32
    %add3A_351 = vector.broadcast %add3A_350 : i32 to vector<16xi32>
    %add3A_352 = arith.addi %add3A_349, %add3A_351 : vector<16xi32>
    tpu.vector_store_idx %arg17[%get3A_346], %add3A_352 : memref<10240xi32, #tpu.memory_space<vmem>>[vector<16xi32>], vector<16xi32>,
    %get3A_353 = arith.constant 704 : index
    %get3A_354 = tpu.vector_load %arg18[%get3A_353] {strides = array<i32>} : memref<1024xi32, #tpu.memory_space<vmem>>, vector<16xi32>,
    %add3A_355 = arith.constant 704 : i32
    %add3A_356 = vector.broadcast %add3A_355 : i32 to vector<16xi32>
    %add3A_357 = arith.addi %add3A_356, %iota3A : vector<16xi32>
    %add3A_358 = arith.constant 1 : i32
    %add3A_359 = vector.broadcast %add3A_358 : i32 to vector<16xi32>
    %add3A_360 = arith.addi %add3A_357, %add3A_359 : vector<16xi32>
    tpu.vector_store_idx %arg17[%get3A_354], %add3A_360 : memref<10240xi32, #tpu.memory_space<vmem>>[vector<16xi32>], vector<16xi32>,
    %get3A_361 = arith.constant 720 : index
    %get3A_362 = tpu.vector_load %arg18[%get3A_361] {strides = array<i32>} : memref<1024xi32, #tpu.memory_space<vmem>>, vector<16xi32>,
    %add3A_363 = arith.constant 720 : i32
    %add3A_364 = vector.broadcast %add3A_363 : i32 to vector<16xi32>
    %add3A_365 = arith.addi %add3A_364, %iota3A : vector<16xi32>
    %add3A_366 = arith.constant 1 : i32
    %add3A_367 = vector.broadcast %add3A_366 : i32 to vector<16xi32>
    %add3A_368 = arith.addi %add3A_365, %add3A_367 : vector<16xi32>
    tpu.vector_store_idx %arg17[%get3A_362], %add3A_368 : memref<10240xi32, #tpu.memory_space<vmem>>[vector<16xi32>], vector<16xi32>,
    %get3A_369 = arith.constant 736 : index
    %get3A_370 = tpu.vector_load %arg18[%get3A_369] {strides = array<i32>} : memref<1024xi32, #tpu.memory_space<vmem>>, vector<16xi32>,
    %add3A_371 = arith.constant 736 : i32
    %add3A_372 = vector.broadcast %add3A_371 : i32 to vector<16xi32>
    %add3A_373 = arith.addi %add3A_372, %iota3A : vector<16xi32>
    %add3A_374 = arith.constant 1 : i32
    %add3A_375 = vector.broadcast %add3A_374 : i32 to vector<16xi32>
    %add3A_376 = arith.addi %add3A_373, %add3A_375 : vector<16xi32>
    tpu.vector_store_idx %arg17[%get3A_370], %add3A_376 : memref<10240xi32, #tpu.memory_space<vmem>>[vector<16xi32>], vector<16xi32>,
    %get3A_377 = arith.constant 752 : index
    %get3A_378 = tpu.vector_load %arg18[%get3A_377] {strides = array<i32>} : memref<1024xi32, #tpu.memory_space<vmem>>, vector<16xi32>,
    %add3A_379 = arith.constant 752 : i32
    %add3A_380 = vector.broadcast %add3A_379 : i32 to vector<16xi32>
    %add3A_381 = arith.addi %add3A_380, %iota3A : vector<16xi32>
    %add3A_382 = arith.constant 1 : i32
    %add3A_383 = vector.broadcast %add3A_382 : i32 to vector<16xi32>
    %add3A_384 = arith.addi %add3A_381, %add3A_383 : vector<16xi32>
    tpu.vector_store_idx %arg17[%get3A_378], %add3A_384 : memref<10240xi32, #tpu.memory_space<vmem>>[vector<16xi32>], vector<16xi32>,
    %get3A_385 = arith.constant 768 : index
    %get3A_386 = tpu.vector_load %arg18[%get3A_385] {strides = array<i32>} : memref<1024xi32, #tpu.memory_space<vmem>>, vector<16xi32>,
    %add3A_387 = arith.constant 768 : i32
    %add3A_388 = vector.broadcast %add3A_387 : i32 to vector<16xi32>
    %add3A_389 = arith.addi %add3A_388, %iota3A : vector<16xi32>
    %add3A_390 = arith.constant 1 : i32
    %add3A_391 = vector.broadcast %add3A_390 : i32 to vector<16xi32>
    %add3A_392 = arith.addi %add3A_389, %add3A_391 : vector<16xi32>
    tpu.vector_store_idx %arg17[%get3A_386], %add3A_392 : memref<10240xi32, #tpu.memory_space<vmem>>[vector<16xi32>], vector<16xi32>,
    %get3A_393 = arith.constant 784 : index
    %get3A_394 = tpu.vector_load %arg18[%get3A_393] {strides = array<i32>} : memref<1024xi32, #tpu.memory_space<vmem>>, vector<16xi32>,
    %add3A_395 = arith.constant 784 : i32
    %add3A_396 = vector.broadcast %add3A_395 : i32 to vector<16xi32>
    %add3A_397 = arith.addi %add3A_396, %iota3A : vector<16xi32>
    %add3A_398 = arith.constant 1 : i32
    %add3A_399 = vector.broadcast %add3A_398 : i32 to vector<16xi32>
    %add3A_400 = arith.addi %add3A_397, %add3A_399 : vector<16xi32>
    tpu.vector_store_idx %arg17[%get3A_394], %add3A_400 : memref<10240xi32, #tpu.memory_space<vmem>>[vector<16xi32>], vector<16xi32>,
    %get3A_401 = arith.constant 800 : index
    %get3A_402 = tpu.vector_load %arg18[%get3A_401] {strides = array<i32>} : memref<1024xi32, #tpu.memory_space<vmem>>, vector<16xi32>,
    %add3A_403 = arith.constant 800 : i32
    %add3A_404 = vector.broadcast %add3A_403 : i32 to vector<16xi32>
    %add3A_405 = arith.addi %add3A_404, %iota3A : vector<16xi32>
    %add3A_406 = arith.constant 1 : i32
    %add3A_407 = vector.broadcast %add3A_406 : i32 to vector<16xi32>
    %add3A_408 = arith.addi %add3A_405, %add3A_407 : vector<16xi32>
    tpu.vector_store_idx %arg17[%get3A_402], %add3A_408 : memref<10240xi32, #tpu.memory_space<vmem>>[vector<16xi32>], vector<16xi32>,
    %get3A_409 = arith.constant 816 : index
    %get3A_410 = tpu.vector_load %arg18[%get3A_409] {strides = array<i32>} : memref<1024xi32, #tpu.memory_space<vmem>>, vector<16xi32>,
    %add3A_411 = arith.constant 816 : i32
    %add3A_412 = vector.broadcast %add3A_411 : i32 to vector<16xi32>
    %add3A_413 = arith.addi %add3A_412, %iota3A : vector<16xi32>
    %add3A_414 = arith.constant 1 : i32
    %add3A_415 = vector.broadcast %add3A_414 : i32 to vector<16xi32>
    %add3A_416 = arith.addi %add3A_413, %add3A_415 : vector<16xi32>
    tpu.vector_store_idx %arg17[%get3A_410], %add3A_416 : memref<10240xi32, #tpu.memory_space<vmem>>[vector<16xi32>], vector<16xi32>,
    %get3A_417 = arith.constant 832 : index
    %get3A_418 = tpu.vector_load %arg18[%get3A_417] {strides = array<i32>} : memref<1024xi32, #tpu.memory_space<vmem>>, vector<16xi32>,
    %add3A_419 = arith.constant 832 : i32
    %add3A_420 = vector.broadcast %add3A_419 : i32 to vector<16xi32>
    %add3A_421 = arith.addi %add3A_420, %iota3A : vector<16xi32>
    %add3A_422 = arith.constant 1 : i32
    %add3A_423 = vector.broadcast %add3A_422 : i32 to vector<16xi32>
    %add3A_424 = arith.addi %add3A_421, %add3A_423 : vector<16xi32>
    tpu.vector_store_idx %arg17[%get3A_418], %add3A_424 : memref<10240xi32, #tpu.memory_space<vmem>>[vector<16xi32>], vector<16xi32>,
    %get3A_425 = arith.constant 848 : index
    %get3A_426 = tpu.vector_load %arg18[%get3A_425] {strides = array<i32>} : memref<1024xi32, #tpu.memory_space<vmem>>, vector<16xi32>,
    %add3A_427 = arith.constant 848 : i32
    %add3A_428 = vector.broadcast %add3A_427 : i32 to vector<16xi32>
    %add3A_429 = arith.addi %add3A_428, %iota3A : vector<16xi32>
    %add3A_430 = arith.constant 1 : i32
    %add3A_431 = vector.broadcast %add3A_430 : i32 to vector<16xi32>
    %add3A_432 = arith.addi %add3A_429, %add3A_431 : vector<16xi32>
    tpu.vector_store_idx %arg17[%get3A_426], %add3A_432 : memref<10240xi32, #tpu.memory_space<vmem>>[vector<16xi32>], vector<16xi32>,
    %get3A_433 = arith.constant 864 : index
    %get3A_434 = tpu.vector_load %arg18[%get3A_433] {strides = array<i32>} : memref<1024xi32, #tpu.memory_space<vmem>>, vector<16xi32>,
    %add3A_435 = arith.constant 864 : i32
    %add3A_436 = vector.broadcast %add3A_435 : i32 to vector<16xi32>
    %add3A_437 = arith.addi %add3A_436, %iota3A : vector<16xi32>
    %add3A_438 = arith.constant 1 : i32
    %add3A_439 = vector.broadcast %add3A_438 : i32 to vector<16xi32>
    %add3A_440 = arith.addi %add3A_437, %add3A_439 : vector<16xi32>
    tpu.vector_store_idx %arg17[%get3A_434], %add3A_440 : memref<10240xi32, #tpu.memory_space<vmem>>[vector<16xi32>], vector<16xi32>,
    %get3A_441 = arith.constant 880 : index
    %get3A_442 = tpu.vector_load %arg18[%get3A_441] {strides = array<i32>} : memref<1024xi32, #tpu.memory_space<vmem>>, vector<16xi32>,
    %add3A_443 = arith.constant 880 : i32
    %add3A_444 = vector.broadcast %add3A_443 : i32 to vector<16xi32>
    %add3A_445 = arith.addi %add3A_444, %iota3A : vector<16xi32>
    %add3A_446 = arith.constant 1 : i32
    %add3A_447 = vector.broadcast %add3A_446 : i32 to vector<16xi32>
    %add3A_448 = arith.addi %add3A_445, %add3A_447 : vector<16xi32>
    tpu.vector_store_idx %arg17[%get3A_442], %add3A_448 : memref<10240xi32, #tpu.memory_space<vmem>>[vector<16xi32>], vector<16xi32>,
    %get3A_449 = arith.constant 896 : index
    %get3A_450 = tpu.vector_load %arg18[%get3A_449] {strides = array<i32>} : memref<1024xi32, #tpu.memory_space<vmem>>, vector<16xi32>,
    %add3A_451 = arith.constant 896 : i32
    %add3A_452 = vector.broadcast %add3A_451 : i32 to vector<16xi32>
    %add3A_453 = arith.addi %add3A_452, %iota3A : vector<16xi32>
    %add3A_454 = arith.constant 1 : i32
    %add3A_455 = vector.broadcast %add3A_454 : i32 to vector<16xi32>
    %add3A_456 = arith.addi %add3A_453, %add3A_455 : vector<16xi32>
    tpu.vector_store_idx %arg17[%get3A_450], %add3A_456 : memref<10240xi32, #tpu.memory_space<vmem>>[vector<16xi32>], vector<16xi32>,
    %get3A_457 = arith.constant 912 : index
    %get3A_458 = tpu.vector_load %arg18[%get3A_457] {strides = array<i32>} : memref<1024xi32, #tpu.memory_space<vmem>>, vector<16xi32>,
    %add3A_459 = arith.constant 912 : i32
    %add3A_460 = vector.broadcast %add3A_459 : i32 to vector<16xi32>
    %add3A_461 = arith.addi %add3A_460, %iota3A : vector<16xi32>
    %add3A_462 = arith.constant 1 : i32
    %add3A_463 = vector.broadcast %add3A_462 : i32 to vector<16xi32>
    %add3A_464 = arith.addi %add3A_461, %add3A_463 : vector<16xi32>
    tpu.vector_store_idx %arg17[%get3A_458], %add3A_464 : memref<10240xi32, #tpu.memory_space<vmem>>[vector<16xi32>], vector<16xi32>,
    %get3A_465 = arith.constant 928 : index
    %get3A_466 = tpu.vector_load %arg18[%get3A_465] {strides = array<i32>} : memref<1024xi32, #tpu.memory_space<vmem>>, vector<16xi32>,
    %add3A_467 = arith.constant 928 : i32
    %add3A_468 = vector.broadcast %add3A_467 : i32 to vector<16xi32>
    %add3A_469 = arith.addi %add3A_468, %iota3A : vector<16xi32>
    %add3A_470 = arith.constant 1 : i32
    %add3A_471 = vector.broadcast %add3A_470 : i32 to vector<16xi32>
    %add3A_472 = arith.addi %add3A_469, %add3A_471 : vector<16xi32>
    tpu.vector_store_idx %arg17[%get3A_466], %add3A_472 : memref<10240xi32, #tpu.memory_space<vmem>>[vector<16xi32>], vector<16xi32>,
    %get3A_473 = arith.constant 944 : index
    %get3A_474 = tpu.vector_load %arg18[%get3A_473] {strides = array<i32>} : memref<1024xi32, #tpu.memory_space<vmem>>, vector<16xi32>,
    %add3A_475 = arith.constant 944 : i32
    %add3A_476 = vector.broadcast %add3A_475 : i32 to vector<16xi32>
    %add3A_477 = arith.addi %add3A_476, %iota3A : vector<16xi32>
    %add3A_478 = arith.constant 1 : i32
    %add3A_479 = vector.broadcast %add3A_478 : i32 to vector<16xi32>
    %add3A_480 = arith.addi %add3A_477, %add3A_479 : vector<16xi32>
    tpu.vector_store_idx %arg17[%get3A_474], %add3A_480 : memref<10240xi32, #tpu.memory_space<vmem>>[vector<16xi32>], vector<16xi32>,
    %get3A_481 = arith.constant 960 : index
    %get3A_482 = tpu.vector_load %arg18[%get3A_481] {strides = array<i32>} : memref<1024xi32, #tpu.memory_space<vmem>>, vector<16xi32>,
    %add3A_483 = arith.constant 960 : i32
    %add3A_484 = vector.broadcast %add3A_483 : i32 to vector<16xi32>
    %add3A_485 = arith.addi %add3A_484, %iota3A : vector<16xi32>
    %add3A_486 = arith.constant 1 : i32
    %add3A_487 = vector.broadcast %add3A_486 : i32 to vector<16xi32>
    %add3A_488 = arith.addi %add3A_485, %add3A_487 : vector<16xi32>
    tpu.vector_store_idx %arg17[%get3A_482], %add3A_488 : memref<10240xi32, #tpu.memory_space<vmem>>[vector<16xi32>], vector<16xi32>,
    %get3A_489 = arith.constant 976 : index
    %get3A_490 = tpu.vector_load %arg18[%get3A_489] {strides = array<i32>} : memref<1024xi32, #tpu.memory_space<vmem>>, vector<16xi32>,
    %add3A_491 = arith.constant 976 : i32
    %add3A_492 = vector.broadcast %add3A_491 : i32 to vector<16xi32>
    %add3A_493 = arith.addi %add3A_492, %iota3A : vector<16xi32>
    %add3A_494 = arith.constant 1 : i32
    %add3A_495 = vector.broadcast %add3A_494 : i32 to vector<16xi32>
    %add3A_496 = arith.addi %add3A_493, %add3A_495 : vector<16xi32>
    tpu.vector_store_idx %arg17[%get3A_490], %add3A_496 : memref<10240xi32, #tpu.memory_space<vmem>>[vector<16xi32>], vector<16xi32>,
    %get3A_497 = arith.constant 992 : index
    %get3A_498 = tpu.vector_load %arg18[%get3A_497] {strides = array<i32>} : memref<1024xi32, #tpu.memory_space<vmem>>, vector<16xi32>,
    %add3A_499 = arith.constant 992 : i32
    %add3A_500 = vector.broadcast %add3A_499 : i32 to vector<16xi32>
    %add3A_501 = arith.addi %add3A_500, %iota3A : vector<16xi32>
    %add3A_502 = arith.constant 1 : i32
    %add3A_503 = vector.broadcast %add3A_502 : i32 to vector<16xi32>
    %add3A_504 = arith.addi %add3A_501, %add3A_503 : vector<16xi32>
    tpu.vector_store_idx %arg17[%get3A_498], %add3A_504 : memref<10240xi32, #tpu.memory_space<vmem>>[vector<16xi32>], vector<16xi32>,
    %get3A_505 = arith.constant 1008 : index
    %get3A_506 = tpu.vector_load %arg18[%get3A_505] {strides = array<i32>} : memref<1024xi32, #tpu.memory_space<vmem>>, vector<16xi32>,
    %add3A_507 = arith.constant 1008 : i32
    %add3A_508 = vector.broadcast %add3A_507 : i32 to vector<16xi32>
    %add3A_509 = arith.addi %add3A_508, %iota3A : vector<16xi32>
    %add3A_510 = arith.constant 1 : i32
    %add3A_511 = vector.broadcast %add3A_510 : i32 to vector<16xi32>
    %add3A_512 = arith.addi %add3A_509, %add3A_511 : vector<16xi32>
    tpu.vector_store_idx %arg17[%get3A_506], %add3A_512 : memref<10240xi32, #tpu.memory_space<vmem>>[vector<16xi32>], vector<16xi32>,
    %mul3A_513 = arith.constant 64 : i32
    %mul3A_514 = arith.muli %arg1, %mul3A_513 : i32
    %add3A_515 = arith.constant 0 : i32
    %add3A_516 = arith.addi %mul3A_514, %add3A_515 : i32
    %get3A_517 = arith.index_cast %add3A_516 : i32 to index
    %get3A_518 = tpu.vector_load %arg18[%get3A_517] {strides = array<i32>} : memref<1024xi32, #tpu.memory_space<vmem>>, vector<16xi32>,
    %gather3A = tpu.vector_load_idx %arg17[%get3A_518] : memref<10240xi32, #tpu.memory_space<vmem>>[vector<16xi32>], vector<16xi32>,
    %sub3A = arith.constant 1 : i32
    %sub3A_519 = vector.broadcast %sub3A : i32 to vector<16xi32>
    %sub3A_520 = arith.subi %gather3A, %sub3A_519 : vector<16xi32>
    %swap3A = arith.constant 0 : index
    %swap3A_521 = tpu.vector_load %arg19[%swap3A] {strides = array<i32>} : memref<64xi32, #tpu.memory_space<vmem>>, vector<16xi32>,
    tpu.vector_store %arg19[%swap3A], %sub3A_520 {strides = array<i32>} : memref<64xi32, #tpu.memory_space<vmem>>, vector<16xi32>,
    %mul3A_522 = arith.constant 64 : i32
    %mul3A_523 = arith.muli %arg1, %mul3A_522 : i32
    %add3A_524 = arith.constant 16 : i32
    %add3A_525 = arith.addi %mul3A_523, %add3A_524 : i32
    %get3A_526 = arith.index_cast %add3A_525 : i32 to index
    %get3A_527 = tpu.vector_load %arg18[%get3A_526] {strides = array<i32>} : memref<1024xi32, #tpu.memory_space<vmem>>, vector<16xi32>,
    %gather3A_528 = tpu.vector_load_idx %arg17[%get3A_527] : memref<10240xi32, #tpu.memory_space<vmem>>[vector<16xi32>], vector<16xi32>,
    %sub3A_529 = arith.constant 1 : i32
    %sub3A_530 = vector.broadcast %sub3A_529 : i32 to vector<16xi32>
    %sub3A_531 = arith.subi %gather3A_528, %sub3A_530 : vector<16xi32>
    %swap3A_532 = arith.constant 16 : index
    %swap3A_533 = tpu.vector_load %arg19[%swap3A_532] {strides = array<i32>} : memref<64xi32, #tpu.memory_space<vmem>>, vector<16xi32>,
    tpu.vector_store %arg19[%swap3A_532], %sub3A_531 {strides = array<i32>} : memref<64xi32, #tpu.memory_space<vmem>>, vector<16xi32>,
    %mul3A_534 = arith.constant 64 : i32
    %mul3A_535 = arith.muli %arg1, %mul3A_534 : i32
    %add3A_536 = arith.constant 32 : i32
    %add3A_537 = arith.addi %mul3A_535, %add3A_536 : i32
    %get3A_538 = arith.index_cast %add3A_537 : i32 to index
    %get3A_539 = tpu.vector_load %arg18[%get3A_538] {strides = array<i32>} : memref<1024xi32, #tpu.memory_space<vmem>>, vector<16xi32>,
    %gather3A_540 = tpu.vector_load_idx %arg17[%get3A_539] : memref<10240xi32, #tpu.memory_space<vmem>>[vector<16xi32>], vector<16xi32>,
    %sub3A_541 = arith.constant 1 : i32
    %sub3A_542 = vector.broadcast %sub3A_541 : i32 to vector<16xi32>
    %sub3A_543 = arith.subi %gather3A_540, %sub3A_542 : vector<16xi32>
    %swap3A_544 = arith.constant 32 : index
    %swap3A_545 = tpu.vector_load %arg19[%swap3A_544] {strides = array<i32>} : memref<64xi32, #tpu.memory_space<vmem>>, vector<16xi32>,
    tpu.vector_store %arg19[%swap3A_544], %sub3A_543 {strides = array<i32>} : memref<64xi32, #tpu.memory_space<vmem>>, vector<16xi32>,
    %mul3A_546 = arith.constant 64 : i32
    %mul3A_547 = arith.muli %arg1, %mul3A_546 : i32
    %add3A_548 = arith.constant 48 : i32
    %add3A_549 = arith.addi %mul3A_547, %add3A_548 : i32
    %get3A_550 = arith.index_cast %add3A_549 : i32 to index
    %get3A_551 = tpu.vector_load %arg18[%get3A_550] {strides = array<i32>} : memref<1024xi32, #tpu.memory_space<vmem>>, vector<16xi32>,
    %gather3A_552 = tpu.vector_load_idx %arg17[%get3A_551] : memref<10240xi32, #tpu.memory_space<vmem>>[vector<16xi32>], vector<16xi32>,
    %sub3A_553 = arith.constant 1 : i32
    %sub3A_554 = vector.broadcast %sub3A_553 : i32 to vector<16xi32>
    %sub3A_555 = arith.subi %gather3A_552, %sub3A_554 : vector<16xi32>
    %swap3A_556 = arith.constant 48 : index
    %swap3A_557 = tpu.vector_load %arg19[%swap3A_556] {strides = array<i32>} : memref<64xi32, #tpu.memory_space<vmem>>, vector<16xi32>,
    tpu.vector_store %arg19[%swap3A_556], %sub3A_555 {strides = array<i32>} : memref<64xi32, #tpu.memory_space<vmem>>, vector<16xi32>,
    %scan3A = arith.constant 0 : i32
    %scan3A_558 = arith.constant 0 : i32
    %scan3A_559 = arith.constant 160 : i32
    %scan3A_560 = arith.addi %scan3A_558, %scan3A_559 : i32
    %scan3A_561 = arith.constant 1 : i32
    %scan3A_562 = scf.for %scan3A_824 = %scan3A_558 to %scan3A_560 step %scan3A_561 iter_args(%scan3A_825 = %scan3A) -> (i32)  : i32 {
      %get3A_826 = arith.index_cast %scan3A_824 : i32 to index
      %get3A_827 = arith.constant 0 : index
      %get3A_828 = tpu.vector_load %arg13[%get3A_826, %get3A_827] {strides = array<i32>} : memref<160x128xi32, #tpu.memory_space<vmem>>, vector<16xi32>,
      %get3A_829 = arith.index_cast %scan3A_824 : i32 to index
      %get3A_830 = arith.constant 0 : index
      %get3A_831 = tpu.vector_load %arg14[%get3A_829, %get3A_830] {strides = array<i32>} : memref<160x128xi32, #tpu.memory_space<vmem>>, vector<16xi32>,
      %gather3A_832 = tpu.vector_load_idx %arg17[%get3A_831] : memref<10240xi32, #tpu.memory_space<vmem>>[vector<16xi32>], vector<16xi32>,
      %gt3A = arith.constant 0 : i32
      %gt3A_833 = vector.broadcast %gt3A : i32 to vector<16xi32>
      %gt3A_834 = arith.cmpi sgt, %gather3A_832, %gt3A_833 : vector<16xi32>
      %jit3A_835 = arith.constant 1 : i32
      %jit3A_836 = arith.constant 0 : i32
      %broadcast_in_dim3A_837 = vector.broadcast %jit3A_835 : i32 to vector<16xi32>
      %broadcast_in_dim3A_838 = vector.broadcast %jit3A_836 : i32 to vector<16xi32>
      %select_n3A_839 = arith.select %gt3A_834, %broadcast_in_dim3A_837, %broadcast_in_dim3A_838 : vector<16xi1>, vector<16xi32>
      %broadcast_in_dim3A_840 = arith.constant true
      %broadcast_in_dim3A_841 = vector.broadcast %broadcast_in_dim3A_840 : i1 to vector<16xi1>
      %masked_cumsum3A = tpu.scan <sum>, %select_n3A_839 masked %broadcast_in_dim3A_841 : vector<16xi32>, vector<16xi1> -> vector<16xi32>
      %add3A_842 = vector.broadcast %scan3A_825 : i32 to vector<16xi32>
      %add3A_843 = arith.addi %add3A_842, %masked_cumsum3A : vector<16xi32>
      %sub3A_844 = arith.constant 1 : i32
      %sub3A_845 = vector.broadcast %sub3A_844 : i32 to vector<16xi32>
      %sub3A_846 = arith.subi %add3A_843, %sub3A_845 : vector<16xi32>
      %shift_right_logical3A_847 = arith.constant 7 : i32
      %shift_right_logical3A_848 = vector.broadcast %shift_right_logical3A_847 : i32 to vector<16xi32>
      %shift_right_logical3A_849 = arith.shrui %sub3A_846, %shift_right_logical3A_848 : vector<16xi32>
      %and3A_850 = arith.constant 127 : i32
      %and3A_851 = vector.broadcast %and3A_850 : i32 to vector<16xi32>
      %and3A_852 = arith.andi %sub3A_846, %and3A_851 : vector<16xi32>
      tpu.vector_store_idx %arg15[%shift_right_logical3A_849, %and3A_852], %get3A_828 masked %gt3A_834 : memref<162x128xi32, #tpu.memory_space<vmem>>[vector<16xi32>, vector<16xi32>], vector<16xi32>, vector<16xi1>
      %sub3A_853 = arith.constant 1 : i32
      %sub3A_854 = vector.broadcast %sub3A_853 : i32 to vector<16xi32>
      %sub3A_855 = arith.subi %gather3A_832, %sub3A_854 : vector<16xi32>
      tpu.vector_store_idx %arg16[%shift_right_logical3A_849, %and3A_852], %sub3A_855 masked %gt3A_834 : memref<162x128xi32, #tpu.memory_space<vmem>>[vector<16xi32>, vector<16xi32>], vector<16xi32>, vector<16xi1>
      %reduce_sum3A = arith.constant true
      %reduce_sum3A_856 = vector.broadcast %reduce_sum3A : i1 to vector<16xi1>
      %reduce_sum3A_857 = tpu.scan <sum>, %select_n3A_839 masked %reduce_sum3A_856 : vector<16xi32>, vector<16xi1> -> vector<16xi32>
      %reduce_sum3A_858 = vector.extract %reduce_sum3A_857[15] : i32 from vector<16xi32>
      %add3A_859 = arith.addi %scan3A_825, %reduce_sum3A_858 : i32
      %get3A_860 = arith.index_cast %scan3A_824 : i32 to index
      %get3A_861 = arith.constant 16 : index
      %get3A_862 = tpu.vector_load %arg13[%get3A_860, %get3A_861] {strides = array<i32>} : memref<160x128xi32, #tpu.memory_space<vmem>>, vector<16xi32>,
      %get3A_863 = arith.index_cast %scan3A_824 : i32 to index
      %get3A_864 = arith.constant 16 : index
      %get3A_865 = tpu.vector_load %arg14[%get3A_863, %get3A_864] {strides = array<i32>} : memref<160x128xi32, #tpu.memory_space<vmem>>, vector<16xi32>,
      %gather3A_866 = tpu.vector_load_idx %arg17[%get3A_865] : memref<10240xi32, #tpu.memory_space<vmem>>[vector<16xi32>], vector<16xi32>,
      %gt3A_867 = arith.constant 0 : i32
      %gt3A_868 = vector.broadcast %gt3A_867 : i32 to vector<16xi32>
      %gt3A_869 = arith.cmpi sgt, %gather3A_866, %gt3A_868 : vector<16xi32>
      %jit3A_870 = arith.constant 1 : i32
      %jit3A_871 = arith.constant 0 : i32
      %broadcast_in_dim3A_872 = vector.broadcast %jit3A_870 : i32 to vector<16xi32>
      %broadcast_in_dim3A_873 = vector.broadcast %jit3A_871 : i32 to vector<16xi32>
      %select_n3A_874 = arith.select %gt3A_869, %broadcast_in_dim3A_872, %broadcast_in_dim3A_873 : vector<16xi1>, vector<16xi32>
      %broadcast_in_dim3A_875 = arith.constant true
      %broadcast_in_dim3A_876 = vector.broadcast %broadcast_in_dim3A_875 : i1 to vector<16xi1>
      %masked_cumsum3A_877 = tpu.scan <sum>, %select_n3A_874 masked %broadcast_in_dim3A_876 : vector<16xi32>, vector<16xi1> -> vector<16xi32>
      %add3A_878 = vector.broadcast %add3A_859 : i32 to vector<16xi32>
      %add3A_879 = arith.addi %add3A_878, %masked_cumsum3A_877 : vector<16xi32>
      %sub3A_880 = arith.constant 1 : i32
      %sub3A_881 = vector.broadcast %sub3A_880 : i32 to vector<16xi32>
      %sub3A_882 = arith.subi %add3A_879, %sub3A_881 : vector<16xi32>
      %shift_right_logical3A_883 = arith.constant 7 : i32
      %shift_right_logical3A_884 = vector.broadcast %shift_right_logical3A_883 : i32 to vector<16xi32>
      %shift_right_logical3A_885 = arith.shrui %sub3A_882, %shift_right_logical3A_884 : vector<16xi32>
      %and3A_886 = arith.constant 127 : i32
      %and3A_887 = vector.broadcast %and3A_886 : i32 to vector<16xi32>
      %and3A_888 = arith.andi %sub3A_882, %and3A_887 : vector<16xi32>
      tpu.vector_store_idx %arg15[%shift_right_logical3A_885, %and3A_888], %get3A_862 masked %gt3A_869 : memref<162x128xi32, #tpu.memory_space<vmem>>[vector<16xi32>, vector<16xi32>], vector<16xi32>, vector<16xi1>
      %sub3A_889 = arith.constant 1 : i32
      %sub3A_890 = vector.broadcast %sub3A_889 : i32 to vector<16xi32>
      %sub3A_891 = arith.subi %gather3A_866, %sub3A_890 : vector<16xi32>
      tpu.vector_store_idx %arg16[%shift_right_logical3A_885, %and3A_888], %sub3A_891 masked %gt3A_869 : memref<162x128xi32, #tpu.memory_space<vmem>>[vector<16xi32>, vector<16xi32>], vector<16xi32>, vector<16xi1>
      %reduce_sum3A_892 = arith.constant true
      %reduce_sum3A_893 = vector.broadcast %reduce_sum3A_892 : i1 to vector<16xi1>
      %reduce_sum3A_894 = tpu.scan <sum>, %select_n3A_874 masked %reduce_sum3A_893 : vector<16xi32>, vector<16xi1> -> vector<16xi32>
      %reduce_sum3A_895 = vector.extract %reduce_sum3A_894[15] : i32 from vector<16xi32>
      %add3A_896 = arith.addi %add3A_859, %reduce_sum3A_895 : i32
      %get3A_897 = arith.index_cast %scan3A_824 : i32 to index
      %get3A_898 = arith.constant 32 : index
      %get3A_899 = tpu.vector_load %arg13[%get3A_897, %get3A_898] {strides = array<i32>} : memref<160x128xi32, #tpu.memory_space<vmem>>, vector<16xi32>,
      %get3A_900 = arith.index_cast %scan3A_824 : i32 to index
      %get3A_901 = arith.constant 32 : index
      %get3A_902 = tpu.vector_load %arg14[%get3A_900, %get3A_901] {strides = array<i32>} : memref<160x128xi32, #tpu.memory_space<vmem>>, vector<16xi32>,
      %gather3A_903 = tpu.vector_load_idx %arg17[%get3A_902] : memref<10240xi32, #tpu.memory_space<vmem>>[vector<16xi32>], vector<16xi32>,
      %gt3A_904 = arith.constant 0 : i32
      %gt3A_905 = vector.broadcast %gt3A_904 : i32 to vector<16xi32>
      %gt3A_906 = arith.cmpi sgt, %gather3A_903, %gt3A_905 : vector<16xi32>
      %jit3A_907 = arith.constant 1 : i32
      %jit3A_908 = arith.constant 0 : i32
      %broadcast_in_dim3A_909 = vector.broadcast %jit3A_907 : i32 to vector<16xi32>
      %broadcast_in_dim3A_910 = vector.broadcast %jit3A_908 : i32 to vector<16xi32>
      %select_n3A_911 = arith.select %gt3A_906, %broadcast_in_dim3A_909, %broadcast_in_dim3A_910 : vector<16xi1>, vector<16xi32>
      %broadcast_in_dim3A_912 = arith.constant true
      %broadcast_in_dim3A_913 = vector.broadcast %broadcast_in_dim3A_912 : i1 to vector<16xi1>
      %masked_cumsum3A_914 = tpu.scan <sum>, %select_n3A_911 masked %broadcast_in_dim3A_913 : vector<16xi32>, vector<16xi1> -> vector<16xi32>
      %add3A_915 = vector.broadcast %add3A_896 : i32 to vector<16xi32>
      %add3A_916 = arith.addi %add3A_915, %masked_cumsum3A_914 : vector<16xi32>
      %sub3A_917 = arith.constant 1 : i32
      %sub3A_918 = vector.broadcast %sub3A_917 : i32 to vector<16xi32>
      %sub3A_919 = arith.subi %add3A_916, %sub3A_918 : vector<16xi32>
      %shift_right_logical3A_920 = arith.constant 7 : i32
      %shift_right_logical3A_921 = vector.broadcast %shift_right_logical3A_920 : i32 to vector<16xi32>
      %shift_right_logical3A_922 = arith.shrui %sub3A_919, %shift_right_logical3A_921 : vector<16xi32>
      %and3A_923 = arith.constant 127 : i32
      %and3A_924 = vector.broadcast %and3A_923 : i32 to vector<16xi32>
      %and3A_925 = arith.andi %sub3A_919, %and3A_924 : vector<16xi32>
      tpu.vector_store_idx %arg15[%shift_right_logical3A_922, %and3A_925], %get3A_899 masked %gt3A_906 : memref<162x128xi32, #tpu.memory_space<vmem>>[vector<16xi32>, vector<16xi32>], vector<16xi32>, vector<16xi1>
      %sub3A_926 = arith.constant 1 : i32
      %sub3A_927 = vector.broadcast %sub3A_926 : i32 to vector<16xi32>
      %sub3A_928 = arith.subi %gather3A_903, %sub3A_927 : vector<16xi32>
      tpu.vector_store_idx %arg16[%shift_right_logical3A_922, %and3A_925], %sub3A_928 masked %gt3A_906 : memref<162x128xi32, #tpu.memory_space<vmem>>[vector<16xi32>, vector<16xi32>], vector<16xi32>, vector<16xi1>
      %reduce_sum3A_929 = arith.constant true
      %reduce_sum3A_930 = vector.broadcast %reduce_sum3A_929 : i1 to vector<16xi1>
      %reduce_sum3A_931 = tpu.scan <sum>, %select_n3A_911 masked %reduce_sum3A_930 : vector<16xi32>, vector<16xi1> -> vector<16xi32>
      %reduce_sum3A_932 = vector.extract %reduce_sum3A_931[15] : i32 from vector<16xi32>
      %add3A_933 = arith.addi %add3A_896, %reduce_sum3A_932 : i32
      %get3A_934 = arith.index_cast %scan3A_824 : i32 to index
      %get3A_935 = arith.constant 48 : index
      %get3A_936 = tpu.vector_load %arg13[%get3A_934, %get3A_935] {strides = array<i32>} : memref<160x128xi32, #tpu.memory_space<vmem>>, vector<16xi32>,
      %get3A_937 = arith.index_cast %scan3A_824 : i32 to index
      %get3A_938 = arith.constant 48 : index
      %get3A_939 = tpu.vector_load %arg14[%get3A_937, %get3A_938] {strides = array<i32>} : memref<160x128xi32, #tpu.memory_space<vmem>>, vector<16xi32>,
      %gather3A_940 = tpu.vector_load_idx %arg17[%get3A_939] : memref<10240xi32, #tpu.memory_space<vmem>>[vector<16xi32>], vector<16xi32>,
      %gt3A_941 = arith.constant 0 : i32
      %gt3A_942 = vector.broadcast %gt3A_941 : i32 to vector<16xi32>
      %gt3A_943 = arith.cmpi sgt, %gather3A_940, %gt3A_942 : vector<16xi32>
      %jit3A_944 = arith.constant 1 : i32
      %jit3A_945 = arith.constant 0 : i32
      %broadcast_in_dim3A_946 = vector.broadcast %jit3A_944 : i32 to vector<16xi32>
      %broadcast_in_dim3A_947 = vector.broadcast %jit3A_945 : i32 to vector<16xi32>
      %select_n3A_948 = arith.select %gt3A_943, %broadcast_in_dim3A_946, %broadcast_in_dim3A_947 : vector<16xi1>, vector<16xi32>
      %broadcast_in_dim3A_949 = arith.constant true
      %broadcast_in_dim3A_950 = vector.broadcast %broadcast_in_dim3A_949 : i1 to vector<16xi1>
      %masked_cumsum3A_951 = tpu.scan <sum>, %select_n3A_948 masked %broadcast_in_dim3A_950 : vector<16xi32>, vector<16xi1> -> vector<16xi32>
      %add3A_952 = vector.broadcast %add3A_933 : i32 to vector<16xi32>
      %add3A_953 = arith.addi %add3A_952, %masked_cumsum3A_951 : vector<16xi32>
      %sub3A_954 = arith.constant 1 : i32
      %sub3A_955 = vector.broadcast %sub3A_954 : i32 to vector<16xi32>
      %sub3A_956 = arith.subi %add3A_953, %sub3A_955 : vector<16xi32>
      %shift_right_logical3A_957 = arith.constant 7 : i32
      %shift_right_logical3A_958 = vector.broadcast %shift_right_logical3A_957 : i32 to vector<16xi32>
      %shift_right_logical3A_959 = arith.shrui %sub3A_956, %shift_right_logical3A_958 : vector<16xi32>
      %and3A_960 = arith.constant 127 : i32
      %and3A_961 = vector.broadcast %and3A_960 : i32 to vector<16xi32>
      %and3A_962 = arith.andi %sub3A_956, %and3A_961 : vector<16xi32>
      tpu.vector_store_idx %arg15[%shift_right_logical3A_959, %and3A_962], %get3A_936 masked %gt3A_943 : memref<162x128xi32, #tpu.memory_space<vmem>>[vector<16xi32>, vector<16xi32>], vector<16xi32>, vector<16xi1>
      %sub3A_963 = arith.constant 1 : i32
      %sub3A_964 = vector.broadcast %sub3A_963 : i32 to vector<16xi32>
      %sub3A_965 = arith.subi %gather3A_940, %sub3A_964 : vector<16xi32>
      tpu.vector_store_idx %arg16[%shift_right_logical3A_959, %and3A_962], %sub3A_965 masked %gt3A_943 : memref<162x128xi32, #tpu.memory_space<vmem>>[vector<16xi32>, vector<16xi32>], vector<16xi32>, vector<16xi1>
      %reduce_sum3A_966 = arith.constant true
      %reduce_sum3A_967 = vector.broadcast %reduce_sum3A_966 : i1 to vector<16xi1>
      %reduce_sum3A_968 = tpu.scan <sum>, %select_n3A_948 masked %reduce_sum3A_967 : vector<16xi32>, vector<16xi1> -> vector<16xi32>
      %reduce_sum3A_969 = vector.extract %reduce_sum3A_968[15] : i32 from vector<16xi32>
      %add3A_970 = arith.addi %add3A_933, %reduce_sum3A_969 : i32
      %get3A_971 = arith.index_cast %scan3A_824 : i32 to index
      %get3A_972 = arith.constant 64 : index
      %get3A_973 = tpu.vector_load %arg13[%get3A_971, %get3A_972] {strides = array<i32>} : memref<160x128xi32, #tpu.memory_space<vmem>>, vector<16xi32>,
      %get3A_974 = arith.index_cast %scan3A_824 : i32 to index
      %get3A_975 = arith.constant 64 : index
      %get3A_976 = tpu.vector_load %arg14[%get3A_974, %get3A_975] {strides = array<i32>} : memref<160x128xi32, #tpu.memory_space<vmem>>, vector<16xi32>,
      %gather3A_977 = tpu.vector_load_idx %arg17[%get3A_976] : memref<10240xi32, #tpu.memory_space<vmem>>[vector<16xi32>], vector<16xi32>,
      %gt3A_978 = arith.constant 0 : i32
      %gt3A_979 = vector.broadcast %gt3A_978 : i32 to vector<16xi32>
      %gt3A_980 = arith.cmpi sgt, %gather3A_977, %gt3A_979 : vector<16xi32>
      %jit3A_981 = arith.constant 1 : i32
      %jit3A_982 = arith.constant 0 : i32
      %broadcast_in_dim3A_983 = vector.broadcast %jit3A_981 : i32 to vector<16xi32>
      %broadcast_in_dim3A_984 = vector.broadcast %jit3A_982 : i32 to vector<16xi32>
      %select_n3A_985 = arith.select %gt3A_980, %broadcast_in_dim3A_983, %broadcast_in_dim3A_984 : vector<16xi1>, vector<16xi32>
      %broadcast_in_dim3A_986 = arith.constant true
      %broadcast_in_dim3A_987 = vector.broadcast %broadcast_in_dim3A_986 : i1 to vector<16xi1>
      %masked_cumsum3A_988 = tpu.scan <sum>, %select_n3A_985 masked %broadcast_in_dim3A_987 : vector<16xi32>, vector<16xi1> -> vector<16xi32>
      %add3A_989 = vector.broadcast %add3A_970 : i32 to vector<16xi32>
      %add3A_990 = arith.addi %add3A_989, %masked_cumsum3A_988 : vector<16xi32>
      %sub3A_991 = arith.constant 1 : i32
      %sub3A_992 = vector.broadcast %sub3A_991 : i32 to vector<16xi32>
      %sub3A_993 = arith.subi %add3A_990, %sub3A_992 : vector<16xi32>
      %shift_right_logical3A_994 = arith.constant 7 : i32
      %shift_right_logical3A_995 = vector.broadcast %shift_right_logical3A_994 : i32 to vector<16xi32>
      %shift_right_logical3A_996 = arith.shrui %sub3A_993, %shift_right_logical3A_995 : vector<16xi32>
      %and3A_997 = arith.constant 127 : i32
      %and3A_998 = vector.broadcast %and3A_997 : i32 to vector<16xi32>
      %and3A_999 = arith.andi %sub3A_993, %and3A_998 : vector<16xi32>
      tpu.vector_store_idx %arg15[%shift_right_logical3A_996, %and3A_999], %get3A_973 masked %gt3A_980 : memref<162x128xi32, #tpu.memory_space<vmem>>[vector<16xi32>, vector<16xi32>], vector<16xi32>, vector<16xi1>
      %sub3A_1000 = arith.constant 1 : i32
      %sub3A_1001 = vector.broadcast %sub3A_1000 : i32 to vector<16xi32>
      %sub3A_1002 = arith.subi %gather3A_977, %sub3A_1001 : vector<16xi32>
      tpu.vector_store_idx %arg16[%shift_right_logical3A_996, %and3A_999], %sub3A_1002 masked %gt3A_980 : memref<162x128xi32, #tpu.memory_space<vmem>>[vector<16xi32>, vector<16xi32>], vector<16xi32>, vector<16xi1>
      %reduce_sum3A_1003 = arith.constant true
      %reduce_sum3A_1004 = vector.broadcast %reduce_sum3A_1003 : i1 to vector<16xi1>
      %reduce_sum3A_1005 = tpu.scan <sum>, %select_n3A_985 masked %reduce_sum3A_1004 : vector<16xi32>, vector<16xi1> -> vector<16xi32>
      %reduce_sum3A_1006 = vector.extract %reduce_sum3A_1005[15] : i32 from vector<16xi32>
      %add3A_1007 = arith.addi %add3A_970, %reduce_sum3A_1006 : i32
      %get3A_1008 = arith.index_cast %scan3A_824 : i32 to index
      %get3A_1009 = arith.constant 80 : index
      %get3A_1010 = tpu.vector_load %arg13[%get3A_1008, %get3A_1009] {strides = array<i32>} : memref<160x128xi32, #tpu.memory_space<vmem>>, vector<16xi32>,
      %get3A_1011 = arith.index_cast %scan3A_824 : i32 to index
      %get3A_1012 = arith.constant 80 : index
      %get3A_1013 = tpu.vector_load %arg14[%get3A_1011, %get3A_1012] {strides = array<i32>} : memref<160x128xi32, #tpu.memory_space<vmem>>, vector<16xi32>,
      %gather3A_1014 = tpu.vector_load_idx %arg17[%get3A_1013] : memref<10240xi32, #tpu.memory_space<vmem>>[vector<16xi32>], vector<16xi32>,
      %gt3A_1015 = arith.constant 0 : i32
      %gt3A_1016 = vector.broadcast %gt3A_1015 : i32 to vector<16xi32>
      %gt3A_1017 = arith.cmpi sgt, %gather3A_1014, %gt3A_1016 : vector<16xi32>
      %jit3A_1018 = arith.constant 1 : i32
      %jit3A_1019 = arith.constant 0 : i32
      %broadcast_in_dim3A_1020 = vector.broadcast %jit3A_1018 : i32 to vector<16xi32>
      %broadcast_in_dim3A_1021 = vector.broadcast %jit3A_1019 : i32 to vector<16xi32>
      %select_n3A_1022 = arith.select %gt3A_1017, %broadcast_in_dim3A_1020, %broadcast_in_dim3A_1021 : vector<16xi1>, vector<16xi32>
      %broadcast_in_dim3A_1023 = arith.constant true
      %broadcast_in_dim3A_1024 = vector.broadcast %broadcast_in_dim3A_1023 : i1 to vector<16xi1>
      %masked_cumsum3A_1025 = tpu.scan <sum>, %select_n3A_1022 masked %broadcast_in_dim3A_1024 : vector<16xi32>, vector<16xi1> -> vector<16xi32>
      %add3A_1026 = vector.broadcast %add3A_1007 : i32 to vector<16xi32>
      %add3A_1027 = arith.addi %add3A_1026, %masked_cumsum3A_1025 : vector<16xi32>
      %sub3A_1028 = arith.constant 1 : i32
      %sub3A_1029 = vector.broadcast %sub3A_1028 : i32 to vector<16xi32>
      %sub3A_1030 = arith.subi %add3A_1027, %sub3A_1029 : vector<16xi32>
      %shift_right_logical3A_1031 = arith.constant 7 : i32
      %shift_right_logical3A_1032 = vector.broadcast %shift_right_logical3A_1031 : i32 to vector<16xi32>
      %shift_right_logical3A_1033 = arith.shrui %sub3A_1030, %shift_right_logical3A_1032 : vector<16xi32>
      %and3A_1034 = arith.constant 127 : i32
      %and3A_1035 = vector.broadcast %and3A_1034 : i32 to vector<16xi32>
      %and3A_1036 = arith.andi %sub3A_1030, %and3A_1035 : vector<16xi32>
      tpu.vector_store_idx %arg15[%shift_right_logical3A_1033, %and3A_1036], %get3A_1010 masked %gt3A_1017 : memref<162x128xi32, #tpu.memory_space<vmem>>[vector<16xi32>, vector<16xi32>], vector<16xi32>, vector<16xi1>
      %sub3A_1037 = arith.constant 1 : i32
      %sub3A_1038 = vector.broadcast %sub3A_1037 : i32 to vector<16xi32>
      %sub3A_1039 = arith.subi %gather3A_1014, %sub3A_1038 : vector<16xi32>
      tpu.vector_store_idx %arg16[%shift_right_logical3A_1033, %and3A_1036], %sub3A_1039 masked %gt3A_1017 : memref<162x128xi32, #tpu.memory_space<vmem>>[vector<16xi32>, vector<16xi32>], vector<16xi32>, vector<16xi1>
      %reduce_sum3A_1040 = arith.constant true
      %reduce_sum3A_1041 = vector.broadcast %reduce_sum3A_1040 : i1 to vector<16xi1>
      %reduce_sum3A_1042 = tpu.scan <sum>, %select_n3A_1022 masked %reduce_sum3A_1041 : vector<16xi32>, vector<16xi1> -> vector<16xi32>
      %reduce_sum3A_1043 = vector.extract %reduce_sum3A_1042[15] : i32 from vector<16xi32>
      %add3A_1044 = arith.addi %add3A_1007, %reduce_sum3A_1043 : i32
      %get3A_1045 = arith.index_cast %scan3A_824 : i32 to index
      %get3A_1046 = arith.constant 96 : index
      %get3A_1047 = tpu.vector_load %arg13[%get3A_1045, %get3A_1046] {strides = array<i32>} : memref<160x128xi32, #tpu.memory_space<vmem>>, vector<16xi32>,
      %get3A_1048 = arith.index_cast %scan3A_824 : i32 to index
      %get3A_1049 = arith.constant 96 : index
      %get3A_1050 = tpu.vector_load %arg14[%get3A_1048, %get3A_1049] {strides = array<i32>} : memref<160x128xi32, #tpu.memory_space<vmem>>, vector<16xi32>,
      %gather3A_1051 = tpu.vector_load_idx %arg17[%get3A_1050] : memref<10240xi32, #tpu.memory_space<vmem>>[vector<16xi32>], vector<16xi32>,
      %gt3A_1052 = arith.constant 0 : i32
      %gt3A_1053 = vector.broadcast %gt3A_1052 : i32 to vector<16xi32>
      %gt3A_1054 = arith.cmpi sgt, %gather3A_1051, %gt3A_1053 : vector<16xi32>
      %jit3A_1055 = arith.constant 1 : i32
      %jit3A_1056 = arith.constant 0 : i32
      %broadcast_in_dim3A_1057 = vector.broadcast %jit3A_1055 : i32 to vector<16xi32>
      %broadcast_in_dim3A_1058 = vector.broadcast %jit3A_1056 : i32 to vector<16xi32>
      %select_n3A_1059 = arith.select %gt3A_1054, %broadcast_in_dim3A_1057, %broadcast_in_dim3A_1058 : vector<16xi1>, vector<16xi32>
      %broadcast_in_dim3A_1060 = arith.constant true
      %broadcast_in_dim3A_1061 = vector.broadcast %broadcast_in_dim3A_1060 : i1 to vector<16xi1>
      %masked_cumsum3A_1062 = tpu.scan <sum>, %select_n3A_1059 masked %broadcast_in_dim3A_1061 : vector<16xi32>, vector<16xi1> -> vector<16xi32>
      %add3A_1063 = vector.broadcast %add3A_1044 : i32 to vector<16xi32>
      %add3A_1064 = arith.addi %add3A_1063, %masked_cumsum3A_1062 : vector<16xi32>
      %sub3A_1065 = arith.constant 1 : i32
      %sub3A_1066 = vector.broadcast %sub3A_1065 : i32 to vector<16xi32>
      %sub3A_1067 = arith.subi %add3A_1064, %sub3A_1066 : vector<16xi32>
      %shift_right_logical3A_1068 = arith.constant 7 : i32
      %shift_right_logical3A_1069 = vector.broadcast %shift_right_logical3A_1068 : i32 to vector<16xi32>
      %shift_right_logical3A_1070 = arith.shrui %sub3A_1067, %shift_right_logical3A_1069 : vector<16xi32>
      %and3A_1071 = arith.constant 127 : i32
      %and3A_1072 = vector.broadcast %and3A_1071 : i32 to vector<16xi32>
      %and3A_1073 = arith.andi %sub3A_1067, %and3A_1072 : vector<16xi32>
      tpu.vector_store_idx %arg15[%shift_right_logical3A_1070, %and3A_1073], %get3A_1047 masked %gt3A_1054 : memref<162x128xi32, #tpu.memory_space<vmem>>[vector<16xi32>, vector<16xi32>], vector<16xi32>, vector<16xi1>
      %sub3A_1074 = arith.constant 1 : i32
      %sub3A_1075 = vector.broadcast %sub3A_1074 : i32 to vector<16xi32>
      %sub3A_1076 = arith.subi %gather3A_1051, %sub3A_1075 : vector<16xi32>
      tpu.vector_store_idx %arg16[%shift_right_logical3A_1070, %and3A_1073], %sub3A_1076 masked %gt3A_1054 : memref<162x128xi32, #tpu.memory_space<vmem>>[vector<16xi32>, vector<16xi32>], vector<16xi32>, vector<16xi1>
      %reduce_sum3A_1077 = arith.constant true
      %reduce_sum3A_1078 = vector.broadcast %reduce_sum3A_1077 : i1 to vector<16xi1>
      %reduce_sum3A_1079 = tpu.scan <sum>, %select_n3A_1059 masked %reduce_sum3A_1078 : vector<16xi32>, vector<16xi1> -> vector<16xi32>
      %reduce_sum3A_1080 = vector.extract %reduce_sum3A_1079[15] : i32 from vector<16xi32>
      %add3A_1081 = arith.addi %add3A_1044, %reduce_sum3A_1080 : i32
      %get3A_1082 = arith.index_cast %scan3A_824 : i32 to index
      %get3A_1083 = arith.constant 112 : index
      %get3A_1084 = tpu.vector_load %arg13[%get3A_1082, %get3A_1083] {strides = array<i32>} : memref<160x128xi32, #tpu.memory_space<vmem>>, vector<16xi32>,
      %get3A_1085 = arith.index_cast %scan3A_824 : i32 to index
      %get3A_1086 = arith.constant 112 : index
      %get3A_1087 = tpu.vector_load %arg14[%get3A_1085, %get3A_1086] {strides = array<i32>} : memref<160x128xi32, #tpu.memory_space<vmem>>, vector<16xi32>,
      %gather3A_1088 = tpu.vector_load_idx %arg17[%get3A_1087] : memref<10240xi32, #tpu.memory_space<vmem>>[vector<16xi32>], vector<16xi32>,
      %gt3A_1089 = arith.constant 0 : i32
      %gt3A_1090 = vector.broadcast %gt3A_1089 : i32 to vector<16xi32>
      %gt3A_1091 = arith.cmpi sgt, %gather3A_1088, %gt3A_1090 : vector<16xi32>
      %jit3A_1092 = arith.constant 1 : i32
      %jit3A_1093 = arith.constant 0 : i32
      %broadcast_in_dim3A_1094 = vector.broadcast %jit3A_1092 : i32 to vector<16xi32>
      %broadcast_in_dim3A_1095 = vector.broadcast %jit3A_1093 : i32 to vector<16xi32>
      %select_n3A_1096 = arith.select %gt3A_1091, %broadcast_in_dim3A_1094, %broadcast_in_dim3A_1095 : vector<16xi1>, vector<16xi32>
      %broadcast_in_dim3A_1097 = arith.constant true
      %broadcast_in_dim3A_1098 = vector.broadcast %broadcast_in_dim3A_1097 : i1 to vector<16xi1>
      %masked_cumsum3A_1099 = tpu.scan <sum>, %select_n3A_1096 masked %broadcast_in_dim3A_1098 : vector<16xi32>, vector<16xi1> -> vector<16xi32>
      %add3A_1100 = vector.broadcast %add3A_1081 : i32 to vector<16xi32>
      %add3A_1101 = arith.addi %add3A_1100, %masked_cumsum3A_1099 : vector<16xi32>
      %sub3A_1102 = arith.constant 1 : i32
      %sub3A_1103 = vector.broadcast %sub3A_1102 : i32 to vector<16xi32>
      %sub3A_1104 = arith.subi %add3A_1101, %sub3A_1103 : vector<16xi32>
      %shift_right_logical3A_1105 = arith.constant 7 : i32
      %shift_right_logical3A_1106 = vector.broadcast %shift_right_logical3A_1105 : i32 to vector<16xi32>
      %shift_right_logical3A_1107 = arith.shrui %sub3A_1104, %shift_right_logical3A_1106 : vector<16xi32>
      %and3A_1108 = arith.constant 127 : i32
      %and3A_1109 = vector.broadcast %and3A_1108 : i32 to vector<16xi32>
      %and3A_1110 = arith.andi %sub3A_1104, %and3A_1109 : vector<16xi32>
      tpu.vector_store_idx %arg15[%shift_right_logical3A_1107, %and3A_1110], %get3A_1084 masked %gt3A_1091 : memref<162x128xi32, #tpu.memory_space<vmem>>[vector<16xi32>, vector<16xi32>], vector<16xi32>, vector<16xi1>
      %sub3A_1111 = arith.constant 1 : i32
      %sub3A_1112 = vector.broadcast %sub3A_1111 : i32 to vector<16xi32>
      %sub3A_1113 = arith.subi %gather3A_1088, %sub3A_1112 : vector<16xi32>
      tpu.vector_store_idx %arg16[%shift_right_logical3A_1107, %and3A_1110], %sub3A_1113 masked %gt3A_1091 : memref<162x128xi32, #tpu.memory_space<vmem>>[vector<16xi32>, vector<16xi32>], vector<16xi32>, vector<16xi1>
      %reduce_sum3A_1114 = arith.constant true
      %reduce_sum3A_1115 = vector.broadcast %reduce_sum3A_1114 : i1 to vector<16xi1>
      %reduce_sum3A_1116 = tpu.scan <sum>, %select_n3A_1096 masked %reduce_sum3A_1115 : vector<16xi32>, vector<16xi1> -> vector<16xi32>
      %reduce_sum3A_1117 = vector.extract %reduce_sum3A_1116[15] : i32 from vector<16xi32>
      %add3A_1118 = arith.addi %add3A_1081, %reduce_sum3A_1117 : i32
      scf.yield %add3A_1118 : i32
    }
    %scan3A_563 = arith.constant 160 : i32
    %broadcast_in_dim3A = arith.constant 10000 : i32
    %broadcast_in_dim3A_564 = vector.broadcast %broadcast_in_dim3A : i32 to vector<16xi32>
    %broadcast_in_dim3A_565 = arith.constant 1024 : i32
    %broadcast_in_dim3A_566 = vector.broadcast %broadcast_in_dim3A_565 : i32 to vector<16xi32>
    %add3A_567 = arith.constant 0 : i32
    %add3A_568 = arith.addi %scan3A_562, %add3A_567 : i32
    %add3A_569 = vector.broadcast %add3A_568 : i32 to vector<16xi32>
    %add3A_570 = arith.addi %add3A_569, %iota3A : vector<16xi32>
    %shift_right_logical3A = arith.constant 7 : i32
    %shift_right_logical3A_571 = vector.broadcast %shift_right_logical3A : i32 to vector<16xi32>
    %shift_right_logical3A_572 = arith.shrui %add3A_570, %shift_right_logical3A_571 : vector<16xi32>
    %and3A = arith.constant 127 : i32
    %and3A_573 = vector.broadcast %and3A : i32 to vector<16xi32>
    %and3A_574 = arith.andi %add3A_570, %and3A_573 : vector<16xi32>
    tpu.vector_store_idx %arg15[%shift_right_logical3A_572, %and3A_574], %broadcast_in_dim3A_564 : memref<162x128xi32, #tpu.memory_space<vmem>>[vector<16xi32>, vector<16xi32>], vector<16xi32>,
    tpu.vector_store_idx %arg16[%shift_right_logical3A_572, %and3A_574], %broadcast_in_dim3A_566 : memref<162x128xi32, #tpu.memory_space<vmem>>[vector<16xi32>, vector<16xi32>], vector<16xi32>,
    %add3A_575 = arith.constant 16 : i32
    %add3A_576 = arith.addi %scan3A_562, %add3A_575 : i32
    %add3A_577 = vector.broadcast %add3A_576 : i32 to vector<16xi32>
    %add3A_578 = arith.addi %add3A_577, %iota3A : vector<16xi32>
    %shift_right_logical3A_579 = arith.constant 7 : i32
    %shift_right_logical3A_580 = vector.broadcast %shift_right_logical3A_579 : i32 to vector<16xi32>
    %shift_right_logical3A_581 = arith.shrui %add3A_578, %shift_right_logical3A_580 : vector<16xi32>
    %and3A_582 = arith.constant 127 : i32
    %and3A_583 = vector.broadcast %and3A_582 : i32 to vector<16xi32>
    %and3A_584 = arith.andi %add3A_578, %and3A_583 : vector<16xi32>
    tpu.vector_store_idx %arg15[%shift_right_logical3A_581, %and3A_584], %broadcast_in_dim3A_564 : memref<162x128xi32, #tpu.memory_space<vmem>>[vector<16xi32>, vector<16xi32>], vector<16xi32>,
    tpu.vector_store_idx %arg16[%shift_right_logical3A_581, %and3A_584], %broadcast_in_dim3A_566 : memref<162x128xi32, #tpu.memory_space<vmem>>[vector<16xi32>, vector<16xi32>], vector<16xi32>,
    %add3A_585 = arith.constant 32 : i32
    %add3A_586 = arith.addi %scan3A_562, %add3A_585 : i32
    %add3A_587 = vector.broadcast %add3A_586 : i32 to vector<16xi32>
    %add3A_588 = arith.addi %add3A_587, %iota3A : vector<16xi32>
    %shift_right_logical3A_589 = arith.constant 7 : i32
    %shift_right_logical3A_590 = vector.broadcast %shift_right_logical3A_589 : i32 to vector<16xi32>
    %shift_right_logical3A_591 = arith.shrui %add3A_588, %shift_right_logical3A_590 : vector<16xi32>
    %and3A_592 = arith.constant 127 : i32
    %and3A_593 = vector.broadcast %and3A_592 : i32 to vector<16xi32>
    %and3A_594 = arith.andi %add3A_588, %and3A_593 : vector<16xi32>
    tpu.vector_store_idx %arg15[%shift_right_logical3A_591, %and3A_594], %broadcast_in_dim3A_564 : memref<162x128xi32, #tpu.memory_space<vmem>>[vector<16xi32>, vector<16xi32>], vector<16xi32>,
    tpu.vector_store_idx %arg16[%shift_right_logical3A_591, %and3A_594], %broadcast_in_dim3A_566 : memref<162x128xi32, #tpu.memory_space<vmem>>[vector<16xi32>, vector<16xi32>], vector<16xi32>,
    %add3A_595 = arith.constant 48 : i32
    %add3A_596 = arith.addi %scan3A_562, %add3A_595 : i32
    %add3A_597 = vector.broadcast %add3A_596 : i32 to vector<16xi32>
    %add3A_598 = arith.addi %add3A_597, %iota3A : vector<16xi32>
    %shift_right_logical3A_599 = arith.constant 7 : i32
    %shift_right_logical3A_600 = vector.broadcast %shift_right_logical3A_599 : i32 to vector<16xi32>
    %shift_right_logical3A_601 = arith.shrui %add3A_598, %shift_right_logical3A_600 : vector<16xi32>
    %and3A_602 = arith.constant 127 : i32
    %and3A_603 = vector.broadcast %and3A_602 : i32 to vector<16xi32>
    %and3A_604 = arith.andi %add3A_598, %and3A_603 : vector<16xi32>
    tpu.vector_store_idx %arg15[%shift_right_logical3A_601, %and3A_604], %broadcast_in_dim3A_564 : memref<162x128xi32, #tpu.memory_space<vmem>>[vector<16xi32>, vector<16xi32>], vector<16xi32>,
    tpu.vector_store_idx %arg16[%shift_right_logical3A_601, %and3A_604], %broadcast_in_dim3A_566 : memref<162x128xi32, #tpu.memory_space<vmem>>[vector<16xi32>, vector<16xi32>], vector<16xi32>,
    %add3A_605 = arith.constant 64 : i32
    %add3A_606 = arith.addi %scan3A_562, %add3A_605 : i32
    %add3A_607 = vector.broadcast %add3A_606 : i32 to vector<16xi32>
    %add3A_608 = arith.addi %add3A_607, %iota3A : vector<16xi32>
    %shift_right_logical3A_609 = arith.constant 7 : i32
    %shift_right_logical3A_610 = vector.broadcast %shift_right_logical3A_609 : i32 to vector<16xi32>
    %shift_right_logical3A_611 = arith.shrui %add3A_608, %shift_right_logical3A_610 : vector<16xi32>
    %and3A_612 = arith.constant 127 : i32
    %and3A_613 = vector.broadcast %and3A_612 : i32 to vector<16xi32>
    %and3A_614 = arith.andi %add3A_608, %and3A_613 : vector<16xi32>
    tpu.vector_store_idx %arg15[%shift_right_logical3A_611, %and3A_614], %broadcast_in_dim3A_564 : memref<162x128xi32, #tpu.memory_space<vmem>>[vector<16xi32>, vector<16xi32>], vector<16xi32>,
    tpu.vector_store_idx %arg16[%shift_right_logical3A_611, %and3A_614], %broadcast_in_dim3A_566 : memref<162x128xi32, #tpu.memory_space<vmem>>[vector<16xi32>, vector<16xi32>], vector<16xi32>,
    %add3A_615 = arith.constant 80 : i32
    %add3A_616 = arith.addi %scan3A_562, %add3A_615 : i32
    %add3A_617 = vector.broadcast %add3A_616 : i32 to vector<16xi32>
    %add3A_618 = arith.addi %add3A_617, %iota3A : vector<16xi32>
    %shift_right_logical3A_619 = arith.constant 7 : i32
    %shift_right_logical3A_620 = vector.broadcast %shift_right_logical3A_619 : i32 to vector<16xi32>
    %shift_right_logical3A_621 = arith.shrui %add3A_618, %shift_right_logical3A_620 : vector<16xi32>
    %and3A_622 = arith.constant 127 : i32
    %and3A_623 = vector.broadcast %and3A_622 : i32 to vector<16xi32>
    %and3A_624 = arith.andi %add3A_618, %and3A_623 : vector<16xi32>
    tpu.vector_store_idx %arg15[%shift_right_logical3A_621, %and3A_624], %broadcast_in_dim3A_564 : memref<162x128xi32, #tpu.memory_space<vmem>>[vector<16xi32>, vector<16xi32>], vector<16xi32>,
    tpu.vector_store_idx %arg16[%shift_right_logical3A_621, %and3A_624], %broadcast_in_dim3A_566 : memref<162x128xi32, #tpu.memory_space<vmem>>[vector<16xi32>, vector<16xi32>], vector<16xi32>,
    %add3A_625 = arith.constant 96 : i32
    %add3A_626 = arith.addi %scan3A_562, %add3A_625 : i32
    %add3A_627 = vector.broadcast %add3A_626 : i32 to vector<16xi32>
    %add3A_628 = arith.addi %add3A_627, %iota3A : vector<16xi32>
    %shift_right_logical3A_629 = arith.constant 7 : i32
    %shift_right_logical3A_630 = vector.broadcast %shift_right_logical3A_629 : i32 to vector<16xi32>
    %shift_right_logical3A_631 = arith.shrui %add3A_628, %shift_right_logical3A_630 : vector<16xi32>
    %and3A_632 = arith.constant 127 : i32
    %and3A_633 = vector.broadcast %and3A_632 : i32 to vector<16xi32>
    %and3A_634 = arith.andi %add3A_628, %and3A_633 : vector<16xi32>
    tpu.vector_store_idx %arg15[%shift_right_logical3A_631, %and3A_634], %broadcast_in_dim3A_564 : memref<162x128xi32, #tpu.memory_space<vmem>>[vector<16xi32>, vector<16xi32>], vector<16xi32>,
    tpu.vector_store_idx %arg16[%shift_right_logical3A_631, %and3A_634], %broadcast_in_dim3A_566 : memref<162x128xi32, #tpu.memory_space<vmem>>[vector<16xi32>, vector<16xi32>], vector<16xi32>,
    %add3A_635 = arith.constant 112 : i32
    %add3A_636 = arith.addi %scan3A_562, %add3A_635 : i32
    %add3A_637 = vector.broadcast %add3A_636 : i32 to vector<16xi32>
    %add3A_638 = arith.addi %add3A_637, %iota3A : vector<16xi32>
    %shift_right_logical3A_639 = arith.constant 7 : i32
    %shift_right_logical3A_640 = vector.broadcast %shift_right_logical3A_639 : i32 to vector<16xi32>
    %shift_right_logical3A_641 = arith.shrui %add3A_638, %shift_right_logical3A_640 : vector<16xi32>
    %and3A_642 = arith.constant 127 : i32
    %and3A_643 = vector.broadcast %and3A_642 : i32 to vector<16xi32>
    %and3A_644 = arith.andi %add3A_638, %and3A_643 : vector<16xi32>
    tpu.vector_store_idx %arg15[%shift_right_logical3A_641, %and3A_644], %broadcast_in_dim3A_564 : memref<162x128xi32, #tpu.memory_space<vmem>>[vector<16xi32>, vector<16xi32>], vector<16xi32>,
    tpu.vector_store_idx %arg16[%shift_right_logical3A_641, %and3A_644], %broadcast_in_dim3A_566 : memref<162x128xi32, #tpu.memory_space<vmem>>[vector<16xi32>, vector<16xi32>], vector<16xi32>,
    %add3A_645 = arith.constant 128 : i32
    %add3A_646 = arith.addi %scan3A_562, %add3A_645 : i32
    %add3A_647 = vector.broadcast %add3A_646 : i32 to vector<16xi32>
    %add3A_648 = arith.addi %add3A_647, %iota3A : vector<16xi32>
    %shift_right_logical3A_649 = arith.constant 7 : i32
    %shift_right_logical3A_650 = vector.broadcast %shift_right_logical3A_649 : i32 to vector<16xi32>
    %shift_right_logical3A_651 = arith.shrui %add3A_648, %shift_right_logical3A_650 : vector<16xi32>
    %and3A_652 = arith.constant 127 : i32
    %and3A_653 = vector.broadcast %and3A_652 : i32 to vector<16xi32>
    %and3A_654 = arith.andi %add3A_648, %and3A_653 : vector<16xi32>
    tpu.vector_store_idx %arg15[%shift_right_logical3A_651, %and3A_654], %broadcast_in_dim3A_564 : memref<162x128xi32, #tpu.memory_space<vmem>>[vector<16xi32>, vector<16xi32>], vector<16xi32>,
    tpu.vector_store_idx %arg16[%shift_right_logical3A_651, %and3A_654], %broadcast_in_dim3A_566 : memref<162x128xi32, #tpu.memory_space<vmem>>[vector<16xi32>, vector<16xi32>], vector<16xi32>,
    %add3A_655 = arith.constant 144 : i32
    %add3A_656 = arith.addi %scan3A_562, %add3A_655 : i32
    %add3A_657 = vector.broadcast %add3A_656 : i32 to vector<16xi32>
    %add3A_658 = arith.addi %add3A_657, %iota3A : vector<16xi32>
    %shift_right_logical3A_659 = arith.constant 7 : i32
    %shift_right_logical3A_660 = vector.broadcast %shift_right_logical3A_659 : i32 to vector<16xi32>
    %shift_right_logical3A_661 = arith.shrui %add3A_658, %shift_right_logical3A_660 : vector<16xi32>
    %and3A_662 = arith.constant 127 : i32
    %and3A_663 = vector.broadcast %and3A_662 : i32 to vector<16xi32>
    %and3A_664 = arith.andi %add3A_658, %and3A_663 : vector<16xi32>
    tpu.vector_store_idx %arg15[%shift_right_logical3A_661, %and3A_664], %broadcast_in_dim3A_564 : memref<162x128xi32, #tpu.memory_space<vmem>>[vector<16xi32>, vector<16xi32>], vector<16xi32>,
    tpu.vector_store_idx %arg16[%shift_right_logical3A_661, %and3A_664], %broadcast_in_dim3A_566 : memref<162x128xi32, #tpu.memory_space<vmem>>[vector<16xi32>, vector<16xi32>], vector<16xi32>,
    %add3A_665 = arith.constant 160 : i32
    %add3A_666 = arith.addi %scan3A_562, %add3A_665 : i32
    %add3A_667 = vector.broadcast %add3A_666 : i32 to vector<16xi32>
    %add3A_668 = arith.addi %add3A_667, %iota3A : vector<16xi32>
    %shift_right_logical3A_669 = arith.constant 7 : i32
    %shift_right_logical3A_670 = vector.broadcast %shift_right_logical3A_669 : i32 to vector<16xi32>
    %shift_right_logical3A_671 = arith.shrui %add3A_668, %shift_right_logical3A_670 : vector<16xi32>
    %and3A_672 = arith.constant 127 : i32
    %and3A_673 = vector.broadcast %and3A_672 : i32 to vector<16xi32>
    %and3A_674 = arith.andi %add3A_668, %and3A_673 : vector<16xi32>
    tpu.vector_store_idx %arg15[%shift_right_logical3A_671, %and3A_674], %broadcast_in_dim3A_564 : memref<162x128xi32, #tpu.memory_space<vmem>>[vector<16xi32>, vector<16xi32>], vector<16xi32>,
    tpu.vector_store_idx %arg16[%shift_right_logical3A_671, %and3A_674], %broadcast_in_dim3A_566 : memref<162x128xi32, #tpu.memory_space<vmem>>[vector<16xi32>, vector<16xi32>], vector<16xi32>,
    %add3A_675 = arith.constant 176 : i32
    %add3A_676 = arith.addi %scan3A_562, %add3A_675 : i32
    %add3A_677 = vector.broadcast %add3A_676 : i32 to vector<16xi32>
    %add3A_678 = arith.addi %add3A_677, %iota3A : vector<16xi32>
    %shift_right_logical3A_679 = arith.constant 7 : i32
    %shift_right_logical3A_680 = vector.broadcast %shift_right_logical3A_679 : i32 to vector<16xi32>
    %shift_right_logical3A_681 = arith.shrui %add3A_678, %shift_right_logical3A_680 : vector<16xi32>
    %and3A_682 = arith.constant 127 : i32
    %and3A_683 = vector.broadcast %and3A_682 : i32 to vector<16xi32>
    %and3A_684 = arith.andi %add3A_678, %and3A_683 : vector<16xi32>
    tpu.vector_store_idx %arg15[%shift_right_logical3A_681, %and3A_684], %broadcast_in_dim3A_564 : memref<162x128xi32, #tpu.memory_space<vmem>>[vector<16xi32>, vector<16xi32>], vector<16xi32>,
    tpu.vector_store_idx %arg16[%shift_right_logical3A_681, %and3A_684], %broadcast_in_dim3A_566 : memref<162x128xi32, #tpu.memory_space<vmem>>[vector<16xi32>, vector<16xi32>], vector<16xi32>,
    %add3A_685 = arith.constant 192 : i32
    %add3A_686 = arith.addi %scan3A_562, %add3A_685 : i32
    %add3A_687 = vector.broadcast %add3A_686 : i32 to vector<16xi32>
    %add3A_688 = arith.addi %add3A_687, %iota3A : vector<16xi32>
    %shift_right_logical3A_689 = arith.constant 7 : i32
    %shift_right_logical3A_690 = vector.broadcast %shift_right_logical3A_689 : i32 to vector<16xi32>
    %shift_right_logical3A_691 = arith.shrui %add3A_688, %shift_right_logical3A_690 : vector<16xi32>
    %and3A_692 = arith.constant 127 : i32
    %and3A_693 = vector.broadcast %and3A_692 : i32 to vector<16xi32>
    %and3A_694 = arith.andi %add3A_688, %and3A_693 : vector<16xi32>
    tpu.vector_store_idx %arg15[%shift_right_logical3A_691, %and3A_694], %broadcast_in_dim3A_564 : memref<162x128xi32, #tpu.memory_space<vmem>>[vector<16xi32>, vector<16xi32>], vector<16xi32>,
    tpu.vector_store_idx %arg16[%shift_right_logical3A_691, %and3A_694], %broadcast_in_dim3A_566 : memref<162x128xi32, #tpu.memory_space<vmem>>[vector<16xi32>, vector<16xi32>], vector<16xi32>,
    %add3A_695 = arith.constant 208 : i32
    %add3A_696 = arith.addi %scan3A_562, %add3A_695 : i32
    %add3A_697 = vector.broadcast %add3A_696 : i32 to vector<16xi32>
    %add3A_698 = arith.addi %add3A_697, %iota3A : vector<16xi32>
    %shift_right_logical3A_699 = arith.constant 7 : i32
    %shift_right_logical3A_700 = vector.broadcast %shift_right_logical3A_699 : i32 to vector<16xi32>
    %shift_right_logical3A_701 = arith.shrui %add3A_698, %shift_right_logical3A_700 : vector<16xi32>
    %and3A_702 = arith.constant 127 : i32
    %and3A_703 = vector.broadcast %and3A_702 : i32 to vector<16xi32>
    %and3A_704 = arith.andi %add3A_698, %and3A_703 : vector<16xi32>
    tpu.vector_store_idx %arg15[%shift_right_logical3A_701, %and3A_704], %broadcast_in_dim3A_564 : memref<162x128xi32, #tpu.memory_space<vmem>>[vector<16xi32>, vector<16xi32>], vector<16xi32>,
    tpu.vector_store_idx %arg16[%shift_right_logical3A_701, %and3A_704], %broadcast_in_dim3A_566 : memref<162x128xi32, #tpu.memory_space<vmem>>[vector<16xi32>, vector<16xi32>], vector<16xi32>,
    %add3A_705 = arith.constant 224 : i32
    %add3A_706 = arith.addi %scan3A_562, %add3A_705 : i32
    %add3A_707 = vector.broadcast %add3A_706 : i32 to vector<16xi32>
    %add3A_708 = arith.addi %add3A_707, %iota3A : vector<16xi32>
    %shift_right_logical3A_709 = arith.constant 7 : i32
    %shift_right_logical3A_710 = vector.broadcast %shift_right_logical3A_709 : i32 to vector<16xi32>
    %shift_right_logical3A_711 = arith.shrui %add3A_708, %shift_right_logical3A_710 : vector<16xi32>
    %and3A_712 = arith.constant 127 : i32
    %and3A_713 = vector.broadcast %and3A_712 : i32 to vector<16xi32>
    %and3A_714 = arith.andi %add3A_708, %and3A_713 : vector<16xi32>
    tpu.vector_store_idx %arg15[%shift_right_logical3A_711, %and3A_714], %broadcast_in_dim3A_564 : memref<162x128xi32, #tpu.memory_space<vmem>>[vector<16xi32>, vector<16xi32>], vector<16xi32>,
    tpu.vector_store_idx %arg16[%shift_right_logical3A_711, %and3A_714], %broadcast_in_dim3A_566 : memref<162x128xi32, #tpu.memory_space<vmem>>[vector<16xi32>, vector<16xi32>], vector<16xi32>,
    %add3A_715 = arith.constant 240 : i32
    %add3A_716 = arith.addi %scan3A_562, %add3A_715 : i32
    %add3A_717 = vector.broadcast %add3A_716 : i32 to vector<16xi32>
    %add3A_718 = arith.addi %add3A_717, %iota3A : vector<16xi32>
    %shift_right_logical3A_719 = arith.constant 7 : i32
    %shift_right_logical3A_720 = vector.broadcast %shift_right_logical3A_719 : i32 to vector<16xi32>
    %shift_right_logical3A_721 = arith.shrui %add3A_718, %shift_right_logical3A_720 : vector<16xi32>
    %and3A_722 = arith.constant 127 : i32
    %and3A_723 = vector.broadcast %and3A_722 : i32 to vector<16xi32>
    %and3A_724 = arith.andi %add3A_718, %and3A_723 : vector<16xi32>
    tpu.vector_store_idx %arg15[%shift_right_logical3A_721, %and3A_724], %broadcast_in_dim3A_564 : memref<162x128xi32, #tpu.memory_space<vmem>>[vector<16xi32>, vector<16xi32>], vector<16xi32>,
    tpu.vector_store_idx %arg16[%shift_right_logical3A_721, %and3A_724], %broadcast_in_dim3A_566 : memref<162x128xi32, #tpu.memory_space<vmem>>[vector<16xi32>, vector<16xi32>], vector<16xi32>,
    %barrier3A = arith.constant 0 : index
    tpu.barrier barrier_id(%barrier3A)
    %add3A_725 = arith.constant 255 : i32
    %add3A_726 = arith.addi %scan3A_562, %add3A_725 : i32
    %jit3A = arith.constant 256 : i32
    %div3A = arith.divsi %add3A_726, %jit3A : i32
    %sign3A = arith.constant 0 : i32
    %sign3A_727 = arith.cmpi sgt, %add3A_726, %sign3A : i32
    %sign3A_728 = arith.extui %sign3A_727 : i1 to i32
    %sign3A_729 = arith.constant 0 : i32
    %sign3A_730 = arith.cmpi slt, %add3A_726, %sign3A_729 : i32
    %sign3A_731 = arith.extui %sign3A_730 : i1 to i32
    %sign3A_732 = arith.subi %sign3A_728, %sign3A_731 : i32
    %sign3A_733 = arith.constant 0 : i32
    %sign3A_734 = arith.cmpi sgt, %jit3A, %sign3A_733 : i32
    %sign3A_735 = arith.extui %sign3A_734 : i1 to i32
    %sign3A_736 = arith.constant 0 : i32
    %sign3A_737 = arith.cmpi slt, %jit3A, %sign3A_736 : i32
    %sign3A_738 = arith.extui %sign3A_737 : i1 to i32
    %sign3A_739 = arith.subi %sign3A_735, %sign3A_738 : i32
    %ne3A = arith.cmpi ne, %sign3A_732, %sign3A_739 : i32
    %rem3A = arith.remsi %add3A_726, %jit3A : i32
    %ne3A_740 = arith.constant 0 : i32
    %ne3A_741 = arith.cmpi ne, %rem3A, %ne3A_740 : i32
    %and3A_742 = arith.andi %ne3A, %ne3A_741 : i1
    %sub3A_743 = arith.constant 1 : i32
    %sub3A_744 = arith.subi %div3A, %sub3A_743 : i32
    %select_n3A = arith.select %and3A_742, %sub3A_744, %div3A : i32
    %max3A = arith.constant 1 : i32
    %max3A_745 = arith.maxsi %select_n3A, %max3A : i32
    %dma_start3A = arith.constant 0 : i32
    %dma_start3A_746 = arith.constant 0 : i32
    %dma_start3A_747 = tpu.memref_slice %arg15[%dma_start3A, %dma_start3A_746] : memref<162x128xi32, #tpu.memory_space<vmem>> -> memref<1x128xi32, #tpu.memory_space<vmem>>
    %dma_start3A_748 = tpu.memref_squeeze %dma_start3A_747 : memref<1x128xi32, #tpu.memory_space<vmem>> -> memref<128xi32, #tpu.memory_space<vmem>>
    %dma_start3A_749 = arith.constant 0 : i32
    %dma_start3A_750 = arith.constant 0 : i32
    %dma_start3A_751 = tpu.memref_slice %arg2[%arg0, %dma_start3A_749, %dma_start3A_750] : memref<2x10240x64xf32, #tpu.memory_space<hbm>> -> memref<1x10240x64xf32, #tpu.memory_space<hbm>>
    %dma_start3A_752 = tpu.memref_squeeze %dma_start3A_751 : memref<1x10240x64xf32, #tpu.memory_space<hbm>> -> memref<10240x64xf32, #tpu.memory_space<hbm>>
    %dma_start3A_753 = arith.constant 0 : i32
    %dma_start3A_754 = arith.constant 0 : i32
    %dma_start3A_755 = tpu.memref_slice %dma_start3A_752[%dma_start3A_753, %dma_start3A_754] : memref<10240x64xf32, #tpu.memory_space<hbm>> -> memref<10240x64xf32, #tpu.memory_space<hbm>>
    tpu.enqueue_indirect_dma source(%dma_start3A_755 : memref<10240x64xf32, #tpu.memory_space<hbm>>) target(%arg20 : memref<128x64xf32, #tpu.memory_space<vmem>>) offsets(%dma_start3A_748 : memref<128xi32, #tpu.memory_space<vmem>>) semaphore(%arg25 : memref<!tpu.dma_semaphore, #tpu.memory_space<semaphore_mem>>)
    %while3A = arith.constant 0 : i32
    %while3A_756 = arith.constant 0 : i32
    %while3A_757 = arith.subi %max3A_745, %while3A_756 : i32
    %while3A_758 = arith.addi %while3A_756, %while3A_757 : i32
    %while3A_759 = arith.constant 1 : i32
    %while3A_760 = arith.divsi %while3A_757, %while3A_759 : i32
    %while3A_761 = arith.muli %while3A_760, %while3A_759 : i32
    %while3A_762 = arith.addi %while3A_756, %while3A_761 : i32
    %while3A_763 = arith.constant 1 : i32
    scf.for %while3A_824 = %while3A_756 to %while3A_762 step %while3A_763  : i32 {
      %mul3A_825 = arith.constant 2 : i32
      %mul3A_826 = arith.muli %while3A_824, %mul3A_825 : i32
      %add3A_827 = arith.constant 1 : i32
      %add3A_828 = arith.addi %mul3A_826, %add3A_827 : i32
      %dma_start3A_829 = arith.constant 0 : i32
      %dma_start3A_830 = tpu.memref_slice %arg15[%add3A_828, %dma_start3A_829] : memref<162x128xi32, #tpu.memory_space<vmem>> -> memref<1x128xi32, #tpu.memory_space<vmem>>
      %dma_start3A_831 = tpu.memref_squeeze %dma_start3A_830 : memref<1x128xi32, #tpu.memory_space<vmem>> -> memref<128xi32, #tpu.memory_space<vmem>>
      %dma_start3A_832 = arith.constant 0 : i32
      %dma_start3A_833 = arith.constant 0 : i32
      %dma_start3A_834 = tpu.memref_slice %arg2[%arg0, %dma_start3A_832, %dma_start3A_833] : memref<2x10240x64xf32, #tpu.memory_space<hbm>> -> memref<1x10240x64xf32, #tpu.memory_space<hbm>>
      %dma_start3A_835 = tpu.memref_squeeze %dma_start3A_834 : memref<1x10240x64xf32, #tpu.memory_space<hbm>> -> memref<10240x64xf32, #tpu.memory_space<hbm>>
      %dma_start3A_836 = arith.constant 0 : i32
      %dma_start3A_837 = arith.constant 0 : i32
      %dma_start3A_838 = tpu.memref_slice %dma_start3A_835[%dma_start3A_836, %dma_start3A_837] : memref<10240x64xf32, #tpu.memory_space<hbm>> -> memref<10240x64xf32, #tpu.memory_space<hbm>>
      tpu.enqueue_indirect_dma source(%dma_start3A_838 : memref<10240x64xf32, #tpu.memory_space<hbm>>) target(%arg21 : memref<128x64xf32, #tpu.memory_space<vmem>>) offsets(%dma_start3A_831 : memref<128xi32, #tpu.memory_space<vmem>>) semaphore(%arg26 : memref<!tpu.dma_semaphore, #tpu.memory_space<semaphore_mem>>)
      %dma_wait3A_839 = arith.constant 0 : i32
      %dma_wait3A_840 = tpu.memref_slice %arg15[%mul3A_826, %dma_wait3A_839] : memref<162x128xi32, #tpu.memory_space<vmem>> -> memref<1x128xi32, #tpu.memory_space<vmem>>
      %dma_wait3A_841 = tpu.memref_squeeze %dma_wait3A_840 : memref<1x128xi32, #tpu.memory_space<vmem>> -> memref<128xi32, #tpu.memory_space<vmem>>
      %dma_wait3A_842 = arith.constant 0 : i32
      %dma_wait3A_843 = arith.constant 0 : i32
      %dma_wait3A_844 = tpu.memref_slice %arg2[%arg0, %dma_wait3A_842, %dma_wait3A_843] : memref<2x10240x64xf32, #tpu.memory_space<hbm>> -> memref<1x10240x64xf32, #tpu.memory_space<hbm>>
      %dma_wait3A_845 = tpu.memref_squeeze %dma_wait3A_844 : memref<1x10240x64xf32, #tpu.memory_space<hbm>> -> memref<10240x64xf32, #tpu.memory_space<hbm>>
      %dma_wait3A_846 = arith.constant 0 : i32
      %dma_wait3A_847 = arith.constant 0 : i32
      %dma_wait3A_848 = tpu.memref_slice %dma_wait3A_845[%dma_wait3A_846, %dma_wait3A_847] : memref<10240x64xf32, #tpu.memory_space<hbm>> -> memref<10240x64xf32, #tpu.memory_space<hbm>>
      tpu.wait_indirect_dma semaphore(%arg25 : memref<!tpu.dma_semaphore, #tpu.memory_space<semaphore_mem>>) src(%dma_wait3A_848 : memref<10240x64xf32, #tpu.memory_space<hbm>>) dst(%arg20 : memref<128x64xf32, #tpu.memory_space<vmem>>)
      "tpu.region"() ({
        %run_scoped3A = tpu.sem_alloc : memref<!tpu.dma_semaphore, #tpu.memory_space<semaphore_mem>>
        %dma_start3A_866 = arith.constant 0 : i32
        %dma_start3A_867 = tpu.memref_slice %arg16[%mul3A_826, %dma_start3A_866] : memref<162x128xi32, #tpu.memory_space<vmem>> -> memref<1x128xi32, #tpu.memory_space<vmem>>
        %dma_start3A_868 = tpu.memref_squeeze %dma_start3A_867 : memref<1x128xi32, #tpu.memory_space<vmem>> -> memref<128xi32, #tpu.memory_space<vmem>>
        %dma_start3A_869 = arith.constant 0 : i32
        %dma_start3A_870 = arith.constant 0 : i32
        %dma_start3A_871 = tpu.memref_slice %arg24[%dma_start3A_869, %dma_start3A_870] : memref<1040x64xf32, #tpu.memory_space<vmem_shared>> -> memref<1040x64xf32, #tpu.memory_space<vmem_shared>>
        tpu.enqueue_indirect_dma source(%arg20 : memref<128x64xf32, #tpu.memory_space<vmem>>) target(%dma_start3A_871 : memref<1040x64xf32, #tpu.memory_space<vmem_shared>>) offsets(%dma_start3A_868 : memref<128xi32, #tpu.memory_space<vmem>>) semaphore(%run_scoped3A : memref<!tpu.dma_semaphore, #tpu.memory_space<semaphore_mem>>) {add = true}
        %dma_wait3A_872 = arith.constant 0 : i32
        %dma_wait3A_873 = tpu.memref_slice %arg16[%mul3A_826, %dma_wait3A_872] : memref<162x128xi32, #tpu.memory_space<vmem>> -> memref<1x128xi32, #tpu.memory_space<vmem>>
        %dma_wait3A_874 = tpu.memref_squeeze %dma_wait3A_873 : memref<1x128xi32, #tpu.memory_space<vmem>> -> memref<128xi32, #tpu.memory_space<vmem>>
        %dma_wait3A_875 = arith.constant 0 : i32
        %dma_wait3A_876 = arith.constant 0 : i32
        %dma_wait3A_877 = tpu.memref_slice %arg24[%dma_wait3A_875, %dma_wait3A_876] : memref<1040x64xf32, #tpu.memory_space<vmem_shared>> -> memref<1040x64xf32, #tpu.memory_space<vmem_shared>>
        tpu.wait_indirect_dma semaphore(%run_scoped3A : memref<!tpu.dma_semaphore, #tpu.memory_space<semaphore_mem>>) src(%arg20 : memref<128x64xf32, #tpu.memory_space<vmem>>) dst(%dma_wait3A_877 : memref<1040x64xf32, #tpu.memory_space<vmem_shared>>)
        tpu.yield
      }) : () -> ()
      %add3A_849 = arith.constant 1 : i32
      %add3A_850 = arith.addi %while3A_824, %add3A_849 : i32
      %lt3A = arith.cmpi slt, %add3A_850, %max3A_745 : i32
      %convert_element_type3A = arith.extui %lt3A : i1 to i32
      %cond3A = arith.constant 0 : i32
      %cond3A_851 = arith.cmpi ne, %convert_element_type3A, %cond3A : i32
      scf.if %cond3A_851 {
        %add3A_866 = arith.constant 2 : i32
        %add3A_867 = arith.addi %mul3A_826, %add3A_866 : i32
        %dma_start3A_868 = arith.constant 0 : i32
        %dma_start3A_869 = tpu.memref_slice %arg15[%add3A_867, %dma_start3A_868] : memref<162x128xi32, #tpu.memory_space<vmem>> -> memref<1x128xi32, #tpu.memory_space<vmem>>
        %dma_start3A_870 = tpu.memref_squeeze %dma_start3A_869 : memref<1x128xi32, #tpu.memory_space<vmem>> -> memref<128xi32, #tpu.memory_space<vmem>>
        %dma_start3A_871 = arith.constant 0 : i32
        %dma_start3A_872 = arith.constant 0 : i32
        %dma_start3A_873 = tpu.memref_slice %arg2[%arg0, %dma_start3A_871, %dma_start3A_872] : memref<2x10240x64xf32, #tpu.memory_space<hbm>> -> memref<1x10240x64xf32, #tpu.memory_space<hbm>>
        %dma_start3A_874 = tpu.memref_squeeze %dma_start3A_873 : memref<1x10240x64xf32, #tpu.memory_space<hbm>> -> memref<10240x64xf32, #tpu.memory_space<hbm>>
        %dma_start3A_875 = arith.constant 0 : i32
        %dma_start3A_876 = arith.constant 0 : i32
        %dma_start3A_877 = tpu.memref_slice %dma_start3A_874[%dma_start3A_875, %dma_start3A_876] : memref<10240x64xf32, #tpu.memory_space<hbm>> -> memref<10240x64xf32, #tpu.memory_space<hbm>>
        tpu.enqueue_indirect_dma source(%dma_start3A_877 : memref<10240x64xf32, #tpu.memory_space<hbm>>) target(%arg20 : memref<128x64xf32, #tpu.memory_space<vmem>>) offsets(%dma_start3A_870 : memref<128xi32, #tpu.memory_space<vmem>>) semaphore(%arg25 : memref<!tpu.dma_semaphore, #tpu.memory_space<semaphore_mem>>)
      } else {
      }
      %add3A_852 = arith.constant 1 : i32
      %add3A_853 = arith.addi %mul3A_826, %add3A_852 : i32
      %dma_wait3A_854 = arith.constant 0 : i32
      %dma_wait3A_855 = tpu.memref_slice %arg15[%add3A_853, %dma_wait3A_854] : memref<162x128xi32, #tpu.memory_space<vmem>> -> memref<1x128xi32, #tpu.memory_space<vmem>>
      %dma_wait3A_856 = tpu.memref_squeeze %dma_wait3A_855 : memref<1x128xi32, #tpu.memory_space<vmem>> -> memref<128xi32, #tpu.memory_space<vmem>>
      %dma_wait3A_857 = arith.constant 0 : i32
      %dma_wait3A_858 = arith.constant 0 : i32
      %dma_wait3A_859 = tpu.memref_slice %arg2[%arg0, %dma_wait3A_857, %dma_wait3A_858] : memref<2x10240x64xf32, #tpu.memory_space<hbm>> -> memref<1x10240x64xf32, #tpu.memory_space<hbm>>
      %dma_wait3A_860 = tpu.memref_squeeze %dma_wait3A_859 : memref<1x10240x64xf32, #tpu.memory_space<hbm>> -> memref<10240x64xf32, #tpu.memory_space<hbm>>
      %dma_wait3A_861 = arith.constant 0 : i32
      %dma_wait3A_862 = arith.constant 0 : i32
      %dma_wait3A_863 = tpu.memref_slice %dma_wait3A_860[%dma_wait3A_861, %dma_wait3A_862] : memref<10240x64xf32, #tpu.memory_space<hbm>> -> memref<10240x64xf32, #tpu.memory_space<hbm>>
      tpu.wait_indirect_dma semaphore(%arg26 : memref<!tpu.dma_semaphore, #tpu.memory_space<semaphore_mem>>) src(%dma_wait3A_863 : memref<10240x64xf32, #tpu.memory_space<hbm>>) dst(%arg21 : memref<128x64xf32, #tpu.memory_space<vmem>>)
      %add3A_864 = arith.constant 1 : i32
      %add3A_865 = arith.addi %mul3A_826, %add3A_864 : i32
      "tpu.region"() ({
        %run_scoped3A = tpu.sem_alloc : memref<!tpu.dma_semaphore, #tpu.memory_space<semaphore_mem>>
        %dma_start3A_866 = arith.constant 0 : i32
        %dma_start3A_867 = tpu.memref_slice %arg16[%add3A_865, %dma_start3A_866] : memref<162x128xi32, #tpu.memory_space<vmem>> -> memref<1x128xi32, #tpu.memory_space<vmem>>
        %dma_start3A_868 = tpu.memref_squeeze %dma_start3A_867 : memref<1x128xi32, #tpu.memory_space<vmem>> -> memref<128xi32, #tpu.memory_space<vmem>>
        %dma_start3A_869 = arith.constant 0 : i32
        %dma_start3A_870 = arith.constant 0 : i32
        %dma_start3A_871 = tpu.memref_slice %arg24[%dma_start3A_869, %dma_start3A_870] : memref<1040x64xf32, #tpu.memory_space<vmem_shared>> -> memref<1040x64xf32, #tpu.memory_space<vmem_shared>>
        tpu.enqueue_indirect_dma source(%arg21 : memref<128x64xf32, #tpu.memory_space<vmem>>) target(%dma_start3A_871 : memref<1040x64xf32, #tpu.memory_space<vmem_shared>>) offsets(%dma_start3A_868 : memref<128xi32, #tpu.memory_space<vmem>>) semaphore(%run_scoped3A : memref<!tpu.dma_semaphore, #tpu.memory_space<semaphore_mem>>) {add = true}
        %dma_wait3A_872 = arith.constant 0 : i32
        %dma_wait3A_873 = tpu.memref_slice %arg16[%add3A_865, %dma_wait3A_872] : memref<162x128xi32, #tpu.memory_space<vmem>> -> memref<1x128xi32, #tpu.memory_space<vmem>>
        %dma_wait3A_874 = tpu.memref_squeeze %dma_wait3A_873 : memref<1x128xi32, #tpu.memory_space<vmem>> -> memref<128xi32, #tpu.memory_space<vmem>>
        %dma_wait3A_875 = arith.constant 0 : i32
        %dma_wait3A_876 = arith.constant 0 : i32
        %dma_wait3A_877 = tpu.memref_slice %arg24[%dma_wait3A_875, %dma_wait3A_876] : memref<1040x64xf32, #tpu.memory_space<vmem_shared>> -> memref<1040x64xf32, #tpu.memory_space<vmem_shared>>
        tpu.wait_indirect_dma semaphore(%run_scoped3A : memref<!tpu.dma_semaphore, #tpu.memory_space<semaphore_mem>>) src(%arg21 : memref<128x64xf32, #tpu.memory_space<vmem>>) dst(%dma_wait3A_877 : memref<1040x64xf32, #tpu.memory_space<vmem_shared>>)
        tpu.yield
      }) : () -> ()
    }
    %while3A_764 = arith.constant 1 : i32
    scf.for %while3A_824 = %while3A_762 to %while3A_758 step %while3A_764  : i32 {
      %mul3A_825 = arith.constant 2 : i32
      %mul3A_826 = arith.muli %while3A_824, %mul3A_825 : i32
      %add3A_827 = arith.constant 1 : i32
      %add3A_828 = arith.addi %mul3A_826, %add3A_827 : i32
      %dma_start3A_829 = arith.constant 0 : i32
      %dma_start3A_830 = tpu.memref_slice %arg15[%add3A_828, %dma_start3A_829] : memref<162x128xi32, #tpu.memory_space<vmem>> -> memref<1x128xi32, #tpu.memory_space<vmem>>
      %dma_start3A_831 = tpu.memref_squeeze %dma_start3A_830 : memref<1x128xi32, #tpu.memory_space<vmem>> -> memref<128xi32, #tpu.memory_space<vmem>>
      %dma_start3A_832 = arith.constant 0 : i32
      %dma_start3A_833 = arith.constant 0 : i32
      %dma_start3A_834 = tpu.memref_slice %arg2[%arg0, %dma_start3A_832, %dma_start3A_833] : memref<2x10240x64xf32, #tpu.memory_space<hbm>> -> memref<1x10240x64xf32, #tpu.memory_space<hbm>>
      %dma_start3A_835 = tpu.memref_squeeze %dma_start3A_834 : memref<1x10240x64xf32, #tpu.memory_space<hbm>> -> memref<10240x64xf32, #tpu.memory_space<hbm>>
      %dma_start3A_836 = arith.constant 0 : i32
      %dma_start3A_837 = arith.constant 0 : i32
      %dma_start3A_838 = tpu.memref_slice %dma_start3A_835[%dma_start3A_836, %dma_start3A_837] : memref<10240x64xf32, #tpu.memory_space<hbm>> -> memref<10240x64xf32, #tpu.memory_space<hbm>>
      tpu.enqueue_indirect_dma source(%dma_start3A_838 : memref<10240x64xf32, #tpu.memory_space<hbm>>) target(%arg21 : memref<128x64xf32, #tpu.memory_space<vmem>>) offsets(%dma_start3A_831 : memref<128xi32, #tpu.memory_space<vmem>>) semaphore(%arg26 : memref<!tpu.dma_semaphore, #tpu.memory_space<semaphore_mem>>)
      %dma_wait3A_839 = arith.constant 0 : i32
      %dma_wait3A_840 = tpu.memref_slice %arg15[%mul3A_826, %dma_wait3A_839] : memref<162x128xi32, #tpu.memory_space<vmem>> -> memref<1x128xi32, #tpu.memory_space<vmem>>
      %dma_wait3A_841 = tpu.memref_squeeze %dma_wait3A_840 : memref<1x128xi32, #tpu.memory_space<vmem>> -> memref<128xi32, #tpu.memory_space<vmem>>
      %dma_wait3A_842 = arith.constant 0 : i32
      %dma_wait3A_843 = arith.constant 0 : i32
      %dma_wait3A_844 = tpu.memref_slice %arg2[%arg0, %dma_wait3A_842, %dma_wait3A_843] : memref<2x10240x64xf32, #tpu.memory_space<hbm>> -> memref<1x10240x64xf32, #tpu.memory_space<hbm>>
      %dma_wait3A_845 = tpu.memref_squeeze %dma_wait3A_844 : memref<1x10240x64xf32, #tpu.memory_space<hbm>> -> memref<10240x64xf32, #tpu.memory_space<hbm>>
      %dma_wait3A_846 = arith.constant 0 : i32
      %dma_wait3A_847 = arith.constant 0 : i32
      %dma_wait3A_848 = tpu.memref_slice %dma_wait3A_845[%dma_wait3A_846, %dma_wait3A_847] : memref<10240x64xf32, #tpu.memory_space<hbm>> -> memref<10240x64xf32, #tpu.memory_space<hbm>>
      tpu.wait_indirect_dma semaphore(%arg25 : memref<!tpu.dma_semaphore, #tpu.memory_space<semaphore_mem>>) src(%dma_wait3A_848 : memref<10240x64xf32, #tpu.memory_space<hbm>>) dst(%arg20 : memref<128x64xf32, #tpu.memory_space<vmem>>)
      "tpu.region"() ({
        %run_scoped3A = tpu.sem_alloc : memref<!tpu.dma_semaphore, #tpu.memory_space<semaphore_mem>>
        %dma_start3A_866 = arith.constant 0 : i32
        %dma_start3A_867 = tpu.memref_slice %arg16[%mul3A_826, %dma_start3A_866] : memref<162x128xi32, #tpu.memory_space<vmem>> -> memref<1x128xi32, #tpu.memory_space<vmem>>
        %dma_start3A_868 = tpu.memref_squeeze %dma_start3A_867 : memref<1x128xi32, #tpu.memory_space<vmem>> -> memref<128xi32, #tpu.memory_space<vmem>>
        %dma_start3A_869 = arith.constant 0 : i32
        %dma_start3A_870 = arith.constant 0 : i32
        %dma_start3A_871 = tpu.memref_slice %arg24[%dma_start3A_869, %dma_start3A_870] : memref<1040x64xf32, #tpu.memory_space<vmem_shared>> -> memref<1040x64xf32, #tpu.memory_space<vmem_shared>>
        tpu.enqueue_indirect_dma source(%arg20 : memref<128x64xf32, #tpu.memory_space<vmem>>) target(%dma_start3A_871 : memref<1040x64xf32, #tpu.memory_space<vmem_shared>>) offsets(%dma_start3A_868 : memref<128xi32, #tpu.memory_space<vmem>>) semaphore(%run_scoped3A : memref<!tpu.dma_semaphore, #tpu.memory_space<semaphore_mem>>) {add = true}
        %dma_wait3A_872 = arith.constant 0 : i32
        %dma_wait3A_873 = tpu.memref_slice %arg16[%mul3A_826, %dma_wait3A_872] : memref<162x128xi32, #tpu.memory_space<vmem>> -> memref<1x128xi32, #tpu.memory_space<vmem>>
        %dma_wait3A_874 = tpu.memref_squeeze %dma_wait3A_873 : memref<1x128xi32, #tpu.memory_space<vmem>> -> memref<128xi32, #tpu.memory_space<vmem>>
        %dma_wait3A_875 = arith.constant 0 : i32
        %dma_wait3A_876 = arith.constant 0 : i32
        %dma_wait3A_877 = tpu.memref_slice %arg24[%dma_wait3A_875, %dma_wait3A_876] : memref<1040x64xf32, #tpu.memory_space<vmem_shared>> -> memref<1040x64xf32, #tpu.memory_space<vmem_shared>>
        tpu.wait_indirect_dma semaphore(%run_scoped3A : memref<!tpu.dma_semaphore, #tpu.memory_space<semaphore_mem>>) src(%arg20 : memref<128x64xf32, #tpu.memory_space<vmem>>) dst(%dma_wait3A_877 : memref<1040x64xf32, #tpu.memory_space<vmem_shared>>)
        tpu.yield
      }) : () -> ()
      %add3A_849 = arith.constant 1 : i32
      %add3A_850 = arith.addi %while3A_824, %add3A_849 : i32
      %lt3A = arith.cmpi slt, %add3A_850, %max3A_745 : i32
      %convert_element_type3A = arith.extui %lt3A : i1 to i32
      %cond3A = arith.constant 0 : i32
      %cond3A_851 = arith.cmpi ne, %convert_element_type3A, %cond3A : i32
      scf.if %cond3A_851 {
        %add3A_866 = arith.constant 2 : i32
        %add3A_867 = arith.addi %mul3A_826, %add3A_866 : i32
        %dma_start3A_868 = arith.constant 0 : i32
        %dma_start3A_869 = tpu.memref_slice %arg15[%add3A_867, %dma_start3A_868] : memref<162x128xi32, #tpu.memory_space<vmem>> -> memref<1x128xi32, #tpu.memory_space<vmem>>
        %dma_start3A_870 = tpu.memref_squeeze %dma_start3A_869 : memref<1x128xi32, #tpu.memory_space<vmem>> -> memref<128xi32, #tpu.memory_space<vmem>>
        %dma_start3A_871 = arith.constant 0 : i32
        %dma_start3A_872 = arith.constant 0 : i32
        %dma_start3A_873 = tpu.memref_slice %arg2[%arg0, %dma_start3A_871, %dma_start3A_872] : memref<2x10240x64xf32, #tpu.memory_space<hbm>> -> memref<1x10240x64xf32, #tpu.memory_space<hbm>>
        %dma_start3A_874 = tpu.memref_squeeze %dma_start3A_873 : memref<1x10240x64xf32, #tpu.memory_space<hbm>> -> memref<10240x64xf32, #tpu.memory_space<hbm>>
        %dma_start3A_875 = arith.constant 0 : i32
        %dma_start3A_876 = arith.constant 0 : i32
        %dma_start3A_877 = tpu.memref_slice %dma_start3A_874[%dma_start3A_875, %dma_start3A_876] : memref<10240x64xf32, #tpu.memory_space<hbm>> -> memref<10240x64xf32, #tpu.memory_space<hbm>>
        tpu.enqueue_indirect_dma source(%dma_start3A_877 : memref<10240x64xf32, #tpu.memory_space<hbm>>) target(%arg20 : memref<128x64xf32, #tpu.memory_space<vmem>>) offsets(%dma_start3A_870 : memref<128xi32, #tpu.memory_space<vmem>>) semaphore(%arg25 : memref<!tpu.dma_semaphore, #tpu.memory_space<semaphore_mem>>)
      } else {
      }
      %add3A_852 = arith.constant 1 : i32
      %add3A_853 = arith.addi %mul3A_826, %add3A_852 : i32
      %dma_wait3A_854 = arith.constant 0 : i32
      %dma_wait3A_855 = tpu.memref_slice %arg15[%add3A_853, %dma_wait3A_854] : memref<162x128xi32, #tpu.memory_space<vmem>> -> memref<1x128xi32, #tpu.memory_space<vmem>>
      %dma_wait3A_856 = tpu.memref_squeeze %dma_wait3A_855 : memref<1x128xi32, #tpu.memory_space<vmem>> -> memref<128xi32, #tpu.memory_space<vmem>>
      %dma_wait3A_857 = arith.constant 0 : i32
      %dma_wait3A_858 = arith.constant 0 : i32
      %dma_wait3A_859 = tpu.memref_slice %arg2[%arg0, %dma_wait3A_857, %dma_wait3A_858] : memref<2x10240x64xf32, #tpu.memory_space<hbm>> -> memref<1x10240x64xf32, #tpu.memory_space<hbm>>
      %dma_wait3A_860 = tpu.memref_squeeze %dma_wait3A_859 : memref<1x10240x64xf32, #tpu.memory_space<hbm>> -> memref<10240x64xf32, #tpu.memory_space<hbm>>
      %dma_wait3A_861 = arith.constant 0 : i32
      %dma_wait3A_862 = arith.constant 0 : i32
      %dma_wait3A_863 = tpu.memref_slice %dma_wait3A_860[%dma_wait3A_861, %dma_wait3A_862] : memref<10240x64xf32, #tpu.memory_space<hbm>> -> memref<10240x64xf32, #tpu.memory_space<hbm>>
      tpu.wait_indirect_dma semaphore(%arg26 : memref<!tpu.dma_semaphore, #tpu.memory_space<semaphore_mem>>) src(%dma_wait3A_863 : memref<10240x64xf32, #tpu.memory_space<hbm>>) dst(%arg21 : memref<128x64xf32, #tpu.memory_space<vmem>>)
      %add3A_864 = arith.constant 1 : i32
      %add3A_865 = arith.addi %mul3A_826, %add3A_864 : i32
      "tpu.region"() ({
        %run_scoped3A = tpu.sem_alloc : memref<!tpu.dma_semaphore, #tpu.memory_space<semaphore_mem>>
        %dma_start3A_866 = arith.constant 0 : i32
        %dma_start3A_867 = tpu.memref_slice %arg16[%add3A_865, %dma_start3A_866] : memref<162x128xi32, #tpu.memory_space<vmem>> -> memref<1x128xi32, #tpu.memory_space<vmem>>
        %dma_start3A_868 = tpu.memref_squeeze %dma_start3A_867 : memref<1x128xi32, #tpu.memory_space<vmem>> -> memref<128xi32, #tpu.memory_space<vmem>>
        %dma_start3A_869 = arith.constant 0 : i32
        %dma_start3A_870 = arith.constant 0 : i32
        %dma_start3A_871 = tpu.memref_slice %arg24[%dma_start3A_869, %dma_start3A_870] : memref<1040x64xf32, #tpu.memory_space<vmem_shared>> -> memref<1040x64xf32, #tpu.memory_space<vmem_shared>>
        tpu.enqueue_indirect_dma source(%arg21 : memref<128x64xf32, #tpu.memory_space<vmem>>) target(%dma_start3A_871 : memref<1040x64xf32, #tpu.memory_space<vmem_shared>>) offsets(%dma_start3A_868 : memref<128xi32, #tpu.memory_space<vmem>>) semaphore(%run_scoped3A : memref<!tpu.dma_semaphore, #tpu.memory_space<semaphore_mem>>) {add = true}
        %dma_wait3A_872 = arith.constant 0 : i32
        %dma_wait3A_873 = tpu.memref_slice %arg16[%add3A_865, %dma_wait3A_872] : memref<162x128xi32, #tpu.memory_space<vmem>> -> memref<1x128xi32, #tpu.memory_space<vmem>>
        %dma_wait3A_874 = tpu.memref_squeeze %dma_wait3A_873 : memref<1x128xi32, #tpu.memory_space<vmem>> -> memref<128xi32, #tpu.memory_space<vmem>>
        %dma_wait3A_875 = arith.constant 0 : i32
        %dma_wait3A_876 = arith.constant 0 : i32
        %dma_wait3A_877 = tpu.memref_slice %arg24[%dma_wait3A_875, %dma_wait3A_876] : memref<1040x64xf32, #tpu.memory_space<vmem_shared>> -> memref<1040x64xf32, #tpu.memory_space<vmem_shared>>
        tpu.wait_indirect_dma semaphore(%run_scoped3A : memref<!tpu.dma_semaphore, #tpu.memory_space<semaphore_mem>>) src(%arg21 : memref<128x64xf32, #tpu.memory_space<vmem>>) dst(%dma_wait3A_877 : memref<1040x64xf32, #tpu.memory_space<vmem_shared>>)
        tpu.yield
      }) : () -> ()
    }
    %barrier3A_765 = arith.constant 0 : index
    tpu.barrier barrier_id(%barrier3A_765)
    %mul3A_766 = arith.constant 64 : i32
    %mul3A_767 = arith.muli %arg1, %mul3A_766 : i32
    %mul3A_768 = arith.constant 64 : i32
    %mul3A_769 = arith.muli %arg1, %mul3A_768 : i32
    "tpu.region"() ({
      %run_scoped3A = tpu.sem_alloc : memref<!tpu.dma_semaphore, #tpu.memory_space<semaphore_mem>>
      %dma_start3A_824 = arith.constant 0 : i32
      %dma_start3A_825 = tpu.memref_slice %arg12[%arg0, %mul3A_769, %dma_start3A_824] : memref<2x1024x64xf32, #tpu.memory_space<hbm>> -> memref<1x64x64xf32, #tpu.memory_space<hbm>>
      %dma_start3A_826 = tpu.memref_squeeze %dma_start3A_825 : memref<1x64x64xf32, #tpu.memory_space<hbm>> -> memref<64x64xf32, #tpu.memory_space<hbm>>
      %dma_start3A_827 = arith.constant 0 : i32
      %dma_start3A_828 = tpu.memref_slice %arg24[%mul3A_767, %dma_start3A_827] : memref<1040x64xf32, #tpu.memory_space<vmem_shared>> -> memref<64x64xf32, #tpu.memory_space<vmem_shared>>
      tpu.enqueue_dma source(%dma_start3A_828 : memref<64x64xf32, #tpu.memory_space<vmem_shared>>) target(%dma_start3A_826 : memref<64x64xf32, #tpu.memory_space<hbm>>) target_semaphore(%run_scoped3A : memref<!tpu.dma_semaphore, #tpu.memory_space<semaphore_mem>>)
      %dma_wait3A_829 = arith.constant 0 : i32
      %dma_wait3A_830 = tpu.memref_slice %arg12[%arg0, %mul3A_769, %dma_wait3A_829] : memref<2x1024x64xf32, #tpu.memory_space<hbm>> -> memref<1x64x64xf32, #tpu.memory_space<hbm>>
      %dma_wait3A_831 = tpu.memref_squeeze %dma_wait3A_830 : memref<1x64x64xf32, #tpu.memory_space<hbm>> -> memref<64x64xf32, #tpu.memory_space<hbm>>
      %dma_wait3A_832 = arith.constant 0 : i32
      %dma_wait3A_833 = tpu.memref_slice %arg24[%mul3A_767, %dma_wait3A_832] : memref<1040x64xf32, #tpu.memory_space<vmem_shared>> -> memref<64x64xf32, #tpu.memory_space<vmem_shared>>
      tpu.wait_dma2 semaphore(%run_scoped3A : memref<!tpu.dma_semaphore, #tpu.memory_space<semaphore_mem>>) src(%dma_wait3A_833 : memref<64x64xf32, #tpu.memory_space<vmem_shared>>) dst(%dma_wait3A_831 : memref<64x64xf32, #tpu.memory_space<hbm>>)
      tpu.yield
    }) : () -> ()
    %barrier3A_770 = arith.constant 0 : index
    tpu.barrier barrier_id(%barrier3A_770)
    %mul3A_771 = arith.constant 64 : i32
    %mul3A_772 = arith.muli %arg1, %mul3A_771 : i32
    %dma_start3A_773 = arith.constant 0 : i32
    %dma_start3A_774 = arith.constant 0 : i32
    %dma_start3A_775 = tpu.memref_slice %arg12[%arg0, %dma_start3A_773, %dma_start3A_774] : memref<2x1024x64xf32, #tpu.memory_space<hbm>> -> memref<1x1024x64xf32, #tpu.memory_space<hbm>>
    %dma_start3A_776 = tpu.memref_squeeze %dma_start3A_775 : memref<1x1024x64xf32, #tpu.memory_space<hbm>> -> memref<1024x64xf32, #tpu.memory_space<hbm>>
    %dma_start3A_777 = arith.constant 0 : i32
    %dma_start3A_778 = arith.constant 0 : i32
    %dma_start3A_779 = tpu.memref_slice %dma_start3A_776[%dma_start3A_777, %dma_start3A_778] : memref<1024x64xf32, #tpu.memory_space<hbm>> -> memref<1024x64xf32, #tpu.memory_space<hbm>>
    tpu.enqueue_indirect_dma source(%dma_start3A_779 : memref<1024x64xf32, #tpu.memory_space<hbm>>) target(%arg22 : memref<64x64xf32, #tpu.memory_space<vmem>>) offsets(%arg19 : memref<64xi32, #tpu.memory_space<vmem>>) semaphore(%arg25 : memref<!tpu.dma_semaphore, #tpu.memory_space<semaphore_mem>>)
    %dma_wait3A = arith.constant 0 : i32
    %dma_wait3A_780 = arith.constant 0 : i32
    %dma_wait3A_781 = tpu.memref_slice %arg12[%arg0, %dma_wait3A, %dma_wait3A_780] : memref<2x1024x64xf32, #tpu.memory_space<hbm>> -> memref<1x1024x64xf32, #tpu.memory_space<hbm>>
    %dma_wait3A_782 = tpu.memref_squeeze %dma_wait3A_781 : memref<1x1024x64xf32, #tpu.memory_space<hbm>> -> memref<1024x64xf32, #tpu.memory_space<hbm>>
    %dma_wait3A_783 = arith.constant 0 : i32
    %dma_wait3A_784 = arith.constant 0 : i32
    %dma_wait3A_785 = tpu.memref_slice %dma_wait3A_782[%dma_wait3A_783, %dma_wait3A_784] : memref<1024x64xf32, #tpu.memory_space<hbm>> -> memref<1024x64xf32, #tpu.memory_space<hbm>>
    tpu.wait_indirect_dma semaphore(%arg25 : memref<!tpu.dma_semaphore, #tpu.memory_space<semaphore_mem>>) src(%dma_wait3A_785 : memref<1024x64xf32, #tpu.memory_space<hbm>>) dst(%arg22 : memref<64x64xf32, #tpu.memory_space<vmem>>)
    %mul3A_786 = arith.constant 64 : i32
    %mul3A_787 = arith.muli %arg1, %mul3A_786 : i32
    "tpu.region"() ({
      %run_scoped3A = tpu.sem_alloc : memref<!tpu.dma_semaphore, #tpu.memory_space<semaphore_mem>>
      %dma_start3A_824 = arith.constant 0 : i32
      %dma_start3A_825 = tpu.memref_slice %arg9[%arg0, %mul3A_787, %dma_start3A_824] : memref<2x1024x64xf32, #tpu.memory_space<hbm>> -> memref<1x64x64xf32, #tpu.memory_space<hbm>>
      %dma_start3A_826 = tpu.memref_squeeze %dma_start3A_825 : memref<1x64x64xf32, #tpu.memory_space<hbm>> -> memref<64x64xf32, #tpu.memory_space<hbm>>
      %dma_start3A_827 = arith.constant 0 : i32
      %dma_start3A_828 = tpu.memref_slice %arg9[%arg0, %mul3A_787, %dma_start3A_827] : memref<2x1024x64xf32, #tpu.memory_space<hbm>> -> memref<1x64x64xf32, #tpu.memory_space<hbm>>
      %dma_start3A_829 = tpu.memref_squeeze %dma_start3A_828 : memref<1x64x64xf32, #tpu.memory_space<hbm>> -> memref<64x64xf32, #tpu.memory_space<hbm>>
      tpu.enqueue_dma source(%arg22 : memref<64x64xf32, #tpu.memory_space<vmem>>) target(%dma_start3A_829 : memref<64x64xf32, #tpu.memory_space<hbm>>) target_semaphore(%run_scoped3A : memref<!tpu.dma_semaphore, #tpu.memory_space<semaphore_mem>>)
      %dma_wait3A_830 = arith.constant 0 : i32
      %dma_wait3A_831 = tpu.memref_slice %arg9[%arg0, %mul3A_787, %dma_wait3A_830] : memref<2x1024x64xf32, #tpu.memory_space<hbm>> -> memref<1x64x64xf32, #tpu.memory_space<hbm>>
      %dma_wait3A_832 = tpu.memref_squeeze %dma_wait3A_831 : memref<1x64x64xf32, #tpu.memory_space<hbm>> -> memref<64x64xf32, #tpu.memory_space<hbm>>
      %dma_wait3A_833 = arith.constant 0 : i32
      %dma_wait3A_834 = tpu.memref_slice %arg9[%arg0, %mul3A_787, %dma_wait3A_833] : memref<2x1024x64xf32, #tpu.memory_space<hbm>> -> memref<1x64x64xf32, #tpu.memory_space<hbm>>
      %dma_wait3A_835 = tpu.memref_squeeze %dma_wait3A_834 : memref<1x64x64xf32, #tpu.memory_space<hbm>> -> memref<64x64xf32, #tpu.memory_space<hbm>>
      tpu.wait_dma2 semaphore(%run_scoped3A : memref<!tpu.dma_semaphore, #tpu.memory_space<semaphore_mem>>) src(%arg22 : memref<64x64xf32, #tpu.memory_space<vmem>>) dst(%dma_wait3A_835 : memref<64x64xf32, #tpu.memory_space<hbm>>)
      tpu.yield
    }) : () -> ()
    %dma_start3A_788 = tpu.memref_slice %arg18[%mul3A_772] : memref<1024xi32, #tpu.memory_space<vmem>> -> memref<64xi32, #tpu.memory_space<vmem>>
    %dma_start3A_789 = arith.constant 0 : i32
    %dma_start3A_790 = arith.constant 0 : i32
    %dma_start3A_791 = tpu.memref_slice %arg2[%arg0, %dma_start3A_789, %dma_start3A_790] : memref<2x10240x64xf32, #tpu.memory_space<hbm>> -> memref<1x10240x64xf32, #tpu.memory_space<hbm>>
    %dma_start3A_792 = tpu.memref_squeeze %dma_start3A_791 : memref<1x10240x64xf32, #tpu.memory_space<hbm>> -> memref<10240x64xf32, #tpu.memory_space<hbm>>
    %dma_start3A_793 = arith.constant 0 : i32
    %dma_start3A_794 = arith.constant 0 : i32
    %dma_start3A_795 = tpu.memref_slice %dma_start3A_792[%dma_start3A_793, %dma_start3A_794] : memref<10240x64xf32, #tpu.memory_space<hbm>> -> memref<10240x64xf32, #tpu.memory_space<hbm>>
    tpu.enqueue_indirect_dma source(%dma_start3A_795 : memref<10240x64xf32, #tpu.memory_space<hbm>>) target(%arg22 : memref<64x64xf32, #tpu.memory_space<vmem>>) offsets(%dma_start3A_788 : memref<64xi32, #tpu.memory_space<vmem>>) semaphore(%arg25 : memref<!tpu.dma_semaphore, #tpu.memory_space<semaphore_mem>>)
    %dma_wait3A_796 = tpu.memref_slice %arg18[%mul3A_772] : memref<1024xi32, #tpu.memory_space<vmem>> -> memref<64xi32, #tpu.memory_space<vmem>>
    %dma_wait3A_797 = arith.constant 0 : i32
    %dma_wait3A_798 = arith.constant 0 : i32
    %dma_wait3A_799 = tpu.memref_slice %arg2[%arg0, %dma_wait3A_797, %dma_wait3A_798] : memref<2x10240x64xf32, #tpu.memory_space<hbm>> -> memref<1x10240x64xf32, #tpu.memory_space<hbm>>
    %dma_wait3A_800 = tpu.memref_squeeze %dma_wait3A_799 : memref<1x10240x64xf32, #tpu.memory_space<hbm>> -> memref<10240x64xf32, #tpu.memory_space<hbm>>
    %dma_wait3A_801 = arith.constant 0 : i32
    %dma_wait3A_802 = arith.constant 0 : i32
    %dma_wait3A_803 = tpu.memref_slice %dma_wait3A_800[%dma_wait3A_801, %dma_wait3A_802] : memref<10240x64xf32, #tpu.memory_space<hbm>> -> memref<10240x64xf32, #tpu.memory_space<hbm>>
    tpu.wait_indirect_dma semaphore(%arg25 : memref<!tpu.dma_semaphore, #tpu.memory_space<semaphore_mem>>) src(%dma_wait3A_803 : memref<10240x64xf32, #tpu.memory_space<hbm>>) dst(%arg22 : memref<64x64xf32, #tpu.memory_space<vmem>>)
    %mul3A_804 = arith.constant 64 : i32
    %mul3A_805 = arith.muli %arg1, %mul3A_804 : i32
    "tpu.region"() ({
      %run_scoped3A = tpu.sem_alloc : memref<!tpu.dma_semaphore, #tpu.memory_space<semaphore_mem>>
      %dma_start3A_824 = arith.constant 0 : i32
      %dma_start3A_825 = tpu.memref_slice %arg10[%arg0, %mul3A_805, %dma_start3A_824] : memref<2x1024x64xf32, #tpu.memory_space<hbm>> -> memref<1x64x64xf32, #tpu.memory_space<hbm>>
      %dma_start3A_826 = tpu.memref_squeeze %dma_start3A_825 : memref<1x64x64xf32, #tpu.memory_space<hbm>> -> memref<64x64xf32, #tpu.memory_space<hbm>>
      %dma_start3A_827 = arith.constant 0 : i32
      %dma_start3A_828 = tpu.memref_slice %arg10[%arg0, %mul3A_805, %dma_start3A_827] : memref<2x1024x64xf32, #tpu.memory_space<hbm>> -> memref<1x64x64xf32, #tpu.memory_space<hbm>>
      %dma_start3A_829 = tpu.memref_squeeze %dma_start3A_828 : memref<1x64x64xf32, #tpu.memory_space<hbm>> -> memref<64x64xf32, #tpu.memory_space<hbm>>
      tpu.enqueue_dma source(%arg22 : memref<64x64xf32, #tpu.memory_space<vmem>>) target(%dma_start3A_829 : memref<64x64xf32, #tpu.memory_space<hbm>>) target_semaphore(%run_scoped3A : memref<!tpu.dma_semaphore, #tpu.memory_space<semaphore_mem>>)
      %dma_wait3A_830 = arith.constant 0 : i32
      %dma_wait3A_831 = tpu.memref_slice %arg10[%arg0, %mul3A_805, %dma_wait3A_830] : memref<2x1024x64xf32, #tpu.memory_space<hbm>> -> memref<1x64x64xf32, #tpu.memory_space<hbm>>
      %dma_wait3A_832 = tpu.memref_squeeze %dma_wait3A_831 : memref<1x64x64xf32, #tpu.memory_space<hbm>> -> memref<64x64xf32, #tpu.memory_space<hbm>>
      %dma_wait3A_833 = arith.constant 0 : i32
      %dma_wait3A_834 = tpu.memref_slice %arg10[%arg0, %mul3A_805, %dma_wait3A_833] : memref<2x1024x64xf32, #tpu.memory_space<hbm>> -> memref<1x64x64xf32, #tpu.memory_space<hbm>>
      %dma_wait3A_835 = tpu.memref_squeeze %dma_wait3A_834 : memref<1x64x64xf32, #tpu.memory_space<hbm>> -> memref<64x64xf32, #tpu.memory_space<hbm>>
      tpu.wait_dma2 semaphore(%run_scoped3A : memref<!tpu.dma_semaphore, #tpu.memory_space<semaphore_mem>>) src(%arg22 : memref<64x64xf32, #tpu.memory_space<vmem>>) dst(%dma_wait3A_835 : memref<64x64xf32, #tpu.memory_space<hbm>>)
      tpu.yield
    }) : () -> ()
    %dma_start3A_806 = tpu.memref_slice %arg18[%mul3A_772] : memref<1024xi32, #tpu.memory_space<vmem>> -> memref<64xi32, #tpu.memory_space<vmem>>
    %dma_start3A_807 = arith.constant 0 : i32
    %dma_start3A_808 = arith.constant 0 : i32
    %dma_start3A_809 = tpu.memref_slice %arg8[%arg0, %dma_start3A_807, %dma_start3A_808] : memref<2x10240x16xf32, #tpu.memory_space<hbm>> -> memref<1x10240x16xf32, #tpu.memory_space<hbm>>
    %dma_start3A_810 = tpu.memref_squeeze %dma_start3A_809 : memref<1x10240x16xf32, #tpu.memory_space<hbm>> -> memref<10240x16xf32, #tpu.memory_space<hbm>>
    %dma_start3A_811 = arith.constant 0 : i32
    %dma_start3A_812 = arith.constant 0 : i32
    %dma_start3A_813 = tpu.memref_slice %dma_start3A_810[%dma_start3A_811, %dma_start3A_812] : memref<10240x16xf32, #tpu.memory_space<hbm>> -> memref<10240x16xf32, #tpu.memory_space<hbm>>
    tpu.enqueue_indirect_dma source(%dma_start3A_813 : memref<10240x16xf32, #tpu.memory_space<hbm>>) target(%arg23 : memref<64x16xf32, #tpu.memory_space<vmem>>) offsets(%dma_start3A_806 : memref<64xi32, #tpu.memory_space<vmem>>) semaphore(%arg25 : memref<!tpu.dma_semaphore, #tpu.memory_space<semaphore_mem>>)
    %dma_wait3A_814 = tpu.memref_slice %arg18[%mul3A_772] : memref<1024xi32, #tpu.memory_space<vmem>> -> memref<64xi32, #tpu.memory_space<vmem>>
    %dma_wait3A_815 = arith.constant 0 : i32
    %dma_wait3A_816 = arith.constant 0 : i32
    %dma_wait3A_817 = tpu.memref_slice %arg8[%arg0, %dma_wait3A_815, %dma_wait3A_816] : memref<2x10240x16xf32, #tpu.memory_space<hbm>> -> memref<1x10240x16xf32, #tpu.memory_space<hbm>>
    %dma_wait3A_818 = tpu.memref_squeeze %dma_wait3A_817 : memref<1x10240x16xf32, #tpu.memory_space<hbm>> -> memref<10240x16xf32, #tpu.memory_space<hbm>>
    %dma_wait3A_819 = arith.constant 0 : i32
    %dma_wait3A_820 = arith.constant 0 : i32
    %dma_wait3A_821 = tpu.memref_slice %dma_wait3A_818[%dma_wait3A_819, %dma_wait3A_820] : memref<10240x16xf32, #tpu.memory_space<hbm>> -> memref<10240x16xf32, #tpu.memory_space<hbm>>
    tpu.wait_indirect_dma semaphore(%arg25 : memref<!tpu.dma_semaphore, #tpu.memory_space<semaphore_mem>>) src(%dma_wait3A_821 : memref<10240x16xf32, #tpu.memory_space<hbm>>) dst(%arg23 : memref<64x16xf32, #tpu.memory_space<vmem>>)
    %mul3A_822 = arith.constant 64 : i32
    %mul3A_823 = arith.muli %arg1, %mul3A_822 : i32
    "tpu.region"() ({
      %run_scoped3A = tpu.sem_alloc : memref<!tpu.dma_semaphore, #tpu.memory_space<semaphore_mem>>
      %dma_start3A_824 = arith.constant 0 : i32
      %dma_start3A_825 = tpu.memref_slice %arg11[%arg0, %mul3A_823, %dma_start3A_824] : memref<2x1024x16xf32, #tpu.memory_space<hbm>> -> memref<1x64x16xf32, #tpu.memory_space<hbm>>
      %dma_start3A_826 = tpu.memref_squeeze %dma_start3A_825 : memref<1x64x16xf32, #tpu.memory_space<hbm>> -> memref<64x16xf32, #tpu.memory_space<hbm>>
      %dma_start3A_827 = arith.constant 0 : i32
      %dma_start3A_828 = tpu.memref_slice %arg11[%arg0, %mul3A_823, %dma_start3A_827] : memref<2x1024x16xf32, #tpu.memory_space<hbm>> -> memref<1x64x16xf32, #tpu.memory_space<hbm>>
      %dma_start3A_829 = tpu.memref_squeeze %dma_start3A_828 : memref<1x64x16xf32, #tpu.memory_space<hbm>> -> memref<64x16xf32, #tpu.memory_space<hbm>>
      tpu.enqueue_dma source(%arg23 : memref<64x16xf32, #tpu.memory_space<vmem>>) target(%dma_start3A_829 : memref<64x16xf32, #tpu.memory_space<hbm>>) target_semaphore(%run_scoped3A : memref<!tpu.dma_semaphore, #tpu.memory_space<semaphore_mem>>)
      %dma_wait3A_830 = arith.constant 0 : i32
      %dma_wait3A_831 = tpu.memref_slice %arg11[%arg0, %mul3A_823, %dma_wait3A_830] : memref<2x1024x16xf32, #tpu.memory_space<hbm>> -> memref<1x64x16xf32, #tpu.memory_space<hbm>>
      %dma_wait3A_832 = tpu.memref_squeeze %dma_wait3A_831 : memref<1x64x16xf32, #tpu.memory_space<hbm>> -> memref<64x16xf32, #tpu.memory_space<hbm>>
      %dma_wait3A_833 = arith.constant 0 : i32
      %dma_wait3A_834 = tpu.memref_slice %arg11[%arg0, %mul3A_823, %dma_wait3A_833] : memref<2x1024x16xf32, #tpu.memory_space<hbm>> -> memref<1x64x16xf32, #tpu.memory_space<hbm>>
      %dma_wait3A_835 = tpu.memref_squeeze %dma_wait3A_834 : memref<1x64x16xf32, #tpu.memory_space<hbm>> -> memref<64x16xf32, #tpu.memory_space<hbm>>
      tpu.wait_dma2 semaphore(%run_scoped3A : memref<!tpu.dma_semaphore, #tpu.memory_space<semaphore_mem>>) src(%arg23 : memref<64x16xf32, #tpu.memory_space<vmem>>) dst(%dma_wait3A_835 : memref<64x16xf32, #tpu.memory_space<hbm>>)
      tpu.yield
    }) : () -> ()
    return
  }
}

module attributes {stable_mosaic.version = 14 : i64} {
  func.func @_tc_first_body(%arg0: i32, %arg1: memref<1024x128xf32, #tpu.memory_space<vmem>>, %arg2: memref<128x128xf32, #tpu.memory_space<vmem>>, %arg3: memref<1024x16xf32, #tpu.memory_space<vmem>>, %arg4: memref<1024x16xf32, #tpu.memory_space<vmem>>, %arg5: memref<2x1024x64xf32, #tpu.memory_space<vmem>>, %arg6: memref<1024x1xf32, #tpu.memory_space<vmem>>) attributes {dimension_semantics = [#tpu.dimension_semantics<arbitrary>], iteration_bounds = array<i64: 10>, scalar_prefetch = 0 : i64, scratch_operands = 0 : i64, tpu.core_type = #tpu.core_type<tc>, window_params = [{transform_indices = @transform_0, window_bounds = array<i64: 1024, 128>}, {pipeline_mode = #tpu.pipeline_mode<synchronous>, transform_indices = @transform_1, window_bounds = array<i64: 128, 128>}, {transform_indices = @transform_2, window_bounds = array<i64: 1024, 16>}, {transform_indices = @transform_3, window_bounds = array<i64: 1024, 16>}, {transform_indices = @transform_4, window_bounds = array<i64: 2, 1024, 64>}, {transform_indices = @transform_5, window_bounds = array<i64: 1024, 1>}]} {
    %get3A = arith.constant 0 : index
    %get3A_0 = arith.constant 0 : index
    %get3A_1 = vector.load %arg3[%get3A, %get3A_0] : memref<1024x16xf32, #tpu.memory_space<vmem>>, vector<1024x1xf32>
    %get3A_2 = arith.constant 0 : index
    %get3A_3 = arith.constant 0 : index
    %get3A_4 = vector.load %arg4[%get3A_2, %get3A_3] : memref<1024x16xf32, #tpu.memory_space<vmem>>, vector<1024x1xf32>
    %add3A = arith.addf %get3A_1, %get3A_4 : vector<1024x1xf32>
    %add3A_5 = arith.constant 1.000000e+00 : f32
    %add3A_6 = vector.broadcast %add3A_5 : f32 to vector<1024x1xf32>
    %add3A_7 = arith.addf %add3A, %add3A_6 : vector<1024x1xf32>
    %iota3A = tpu.iota {dimensions = array<i32: 0>} : vector<1024x1xi32>
    %mul3A = arith.constant 1024 : i32
    %mul3A_8 = arith.muli %arg0, %mul3A : i32
    %add3A_9 = vector.broadcast %mul3A_8 : i32 to vector<1024x1xi32>
    %add3A_10 = arith.addi %iota3A, %add3A_9 : vector<1024x1xi32>
    %lt3A = arith.constant 10000 : i32
    %lt3A_11 = vector.broadcast %lt3A : i32 to vector<1024x1xi32>
    %lt3A_12 = arith.cmpi slt, %add3A_10, %lt3A_11 : vector<1024x1xi32>
    %rsqrt3A = math.rsqrt %add3A_7 : vector<1024x1xf32>
    %jit3A = arith.constant 0.000000e+00 : f32
    %broadcast_in_dim3A = vector.broadcast %jit3A : f32 to vector<1024x1xf32>
    %select_n3A = arith.select %lt3A_12, %rsqrt3A, %broadcast_in_dim3A : vector<1024x1xi1>, vector<1024x1xf32>
    %get3A_13 = arith.constant 0 : index
    %get3A_14 = arith.constant 0 : index
    %get3A_15 = vector.load %arg1[%get3A_13, %get3A_14] : memref<1024x128xf32, #tpu.memory_space<vmem>>, vector<1024x128xf32>
    %get3A_16 = arith.constant 0 : index
    %get3A_17 = arith.constant 0 : index
    %get3A_18 = vector.load %arg2[%get3A_16, %get3A_17] : memref<128x128xf32, #tpu.memory_space<vmem>>, vector<128x128xf32>
    %dot_general3A = arith.constant dense<0.000000e+00> : vector<1024x128xf32>
    %dot_general3A_19 = tpu.matmul %get3A_15, %get3A_18, %dot_general3A {dimension_numbers = #tpu.dot_dimension_numbers<[1], [0], [0], [1], [0, 0, 1, 1], [], []>, transpose_lhs_hint = false} : vector<1024x128xf32>, vector<128x128xf32>, vector<1024x128xf32> -> vector<1024x128xf32>
    %mul3A_20 = vector.broadcast %select_n3A : vector<1024x1xf32> to vector<1024x128xf32>
    %mul3A_21 = arith.mulf %dot_general3A_19, %mul3A_20 : vector<1024x128xf32>
    %slice3A = vector.extract_strided_slice %mul3A_21 {offsets = [0, 0], sizes = [1024, 64], strides = [1, 1]} : vector<1024x128xf32> to vector<1024x64xf32>
    %swap3A = arith.constant 0 : index
    %swap3A_22 = arith.constant 0 : index
    %swap3A_23 = arith.constant 0 : index
    %swap3A_24 = vector.load %arg5[%swap3A, %swap3A_22, %swap3A_23] : memref<2x1024x64xf32, #tpu.memory_space<vmem>>, vector<1x1024x64xf32>
    %swap3A_25 = vector.shape_cast %swap3A_24 : vector<1x1024x64xf32> to vector<1024x64xf32>
    %swap3A_26 = vector.shape_cast %slice3A : vector<1024x64xf32> to vector<1x1024x64xf32>
    tpu.vector_store %arg5[%swap3A, %swap3A_22, %swap3A_23], %swap3A_26 {strides = array<i32>} : memref<2x1024x64xf32, #tpu.memory_space<vmem>>, vector<1x1024x64xf32>,
    %slice3A_27 = vector.extract_strided_slice %mul3A_21 {offsets = [0, 64], sizes = [1024, 64], strides = [1, 1]} : vector<1024x128xf32> to vector<1024x64xf32>
    %swap3A_28 = arith.constant 1 : index
    %swap3A_29 = arith.constant 0 : index
    %swap3A_30 = arith.constant 0 : index
    %swap3A_31 = vector.load %arg5[%swap3A_28, %swap3A_29, %swap3A_30] : memref<2x1024x64xf32, #tpu.memory_space<vmem>>, vector<1x1024x64xf32>
    %swap3A_32 = vector.shape_cast %swap3A_31 : vector<1x1024x64xf32> to vector<1024x64xf32>
    %swap3A_33 = vector.shape_cast %slice3A_27 : vector<1024x64xf32> to vector<1x1024x64xf32>
    tpu.vector_store %arg5[%swap3A_28, %swap3A_29, %swap3A_30], %swap3A_33 {strides = array<i32>} : memref<2x1024x64xf32, #tpu.memory_space<vmem>>, vector<1x1024x64xf32>,
    %swap3A_34 = arith.constant 0 : index
    %swap3A_35 = arith.constant 0 : index
    %swap3A_36 = vector.load %arg6[%swap3A_34, %swap3A_35] : memref<1024x1xf32, #tpu.memory_space<vmem>>, vector<1024x1xf32>
    tpu.vector_store %arg6[%swap3A_34, %swap3A_35], %select_n3A {strides = array<i32>} : memref<1024x1xf32, #tpu.memory_space<vmem>>, vector<1024x1xf32>,
    return
  }
  func.func @transform_0(%arg0: i32) -> (i32, i32) {
    %c0_i32 = arith.constant 0 : i32
    %c0_i32_0 = arith.constant 0 : i32
    return %arg0, %c0_i32 : i32, i32
  }
  func.func @transform_1(%arg0: i32) -> (i32, i32) {
    %c0_i32 = arith.constant 0 : i32
    %c0_i32_0 = arith.constant 0 : i32
    %c0_i32_1 = arith.constant 0 : i32
    return %c0_i32, %c0_i32_0 : i32, i32
  }
  func.func @transform_2(%arg0: i32) -> (i32, i32) {
    %c0_i32 = arith.constant 0 : i32
    %c0_i32_0 = arith.constant 0 : i32
    return %arg0, %c0_i32 : i32, i32
  }
  func.func @transform_3(%arg0: i32) -> (i32, i32) {
    %c0_i32 = arith.constant 0 : i32
    %c0_i32_0 = arith.constant 0 : i32
    return %arg0, %c0_i32 : i32, i32
  }
  func.func @transform_4(%arg0: i32) -> (i32, i32, i32) {
    %c0_i32 = arith.constant 0 : i32
    %c0_i32_0 = arith.constant 0 : i32
    %c0_i32_1 = arith.constant 0 : i32
    return %c0_i32, %arg0, %c0_i32_0 : i32, i32, i32
  }
  func.func @transform_5(%arg0: i32) -> (i32, i32) {
    %c0_i32 = arith.constant 0 : i32
    %c0_i32_0 = arith.constant 0 : i32
    return %arg0, %c0_i32 : i32, i32
  }
}

module attributes {stable_mosaic.version = 14 : i64} {
  func.func @_tc_mid_body(%arg0: i32, %arg1: memref<2x1024x64xf32, #tpu.memory_space<vmem>>, %arg2: memref<2x1024x64xf32, #tpu.memory_space<vmem>>, %arg3: memref<1024x1xf32, #tpu.memory_space<vmem>>, %arg4: memref<1x128xf32, #tpu.memory_space<vmem>>, %arg5: memref<1x128xf32, #tpu.memory_space<vmem>>, %arg6: memref<1x128xf32, #tpu.memory_space<vmem>>, %arg7: memref<128x128xf32, #tpu.memory_space<vmem>>, %arg8: memref<2x1024x64xf32, #tpu.memory_space<vmem>>) attributes {dimension_semantics = [#tpu.dimension_semantics<arbitrary>], iteration_bounds = array<i64: 10>, scalar_prefetch = 0 : i64, scratch_operands = 0 : i64, tpu.core_type = #tpu.core_type<tc>, window_params = [{transform_indices = @transform_0, window_bounds = array<i64: 2, 1024, 64>}, {transform_indices = @transform_1, window_bounds = array<i64: 2, 1024, 64>}, {transform_indices = @transform_2, window_bounds = array<i64: 1024, 1>}, {pipeline_mode = #tpu.pipeline_mode<synchronous>, transform_indices = @transform_3, window_bounds = array<i64: 1, 128>}, {pipeline_mode = #tpu.pipeline_mode<synchronous>, transform_indices = @transform_4, window_bounds = array<i64: 1, 128>}, {pipeline_mode = #tpu.pipeline_mode<synchronous>, transform_indices = @transform_5, window_bounds = array<i64: 1, 128>}, {pipeline_mode = #tpu.pipeline_mode<synchronous>, transform_indices = @transform_6, window_bounds = array<i64: 128, 128>}, {transform_indices = @transform_7, window_bounds = array<i64: 2, 1024, 64>}]} {
    %get3A = arith.constant 0 : index
    %get3A_0 = arith.constant 0 : index
    %get3A_1 = vector.load %arg3[%get3A, %get3A_0] : memref<1024x1xf32, #tpu.memory_space<vmem>>, vector<1024x1xf32>
    %get3A_2 = arith.constant 0 : index
    %get3A_3 = arith.constant 0 : index
    %get3A_4 = vector.load %arg4[%get3A_2, %get3A_3] : memref<1x128xf32, #tpu.memory_space<vmem>>, vector<1x128xf32>
    %get3A_5 = arith.constant 0 : index
    %get3A_6 = arith.constant 0 : index
    %get3A_7 = vector.load %arg5[%get3A_5, %get3A_6] : memref<1x128xf32, #tpu.memory_space<vmem>>, vector<1x128xf32>
    %get3A_8 = arith.constant 0 : index
    %get3A_9 = arith.constant 0 : index
    %get3A_10 = vector.load %arg6[%get3A_8, %get3A_9] : memref<1x128xf32, #tpu.memory_space<vmem>>, vector<1x128xf32>
    %get3A_11 = arith.constant 0 : index
    %get3A_12 = arith.constant 0 : index
    %get3A_13 = arith.constant 0 : index
    %get3A_14 = vector.load %arg1[%get3A_11, %get3A_12, %get3A_13] : memref<2x1024x64xf32, #tpu.memory_space<vmem>>, vector<1x1024x64xf32>
    %get3A_15 = vector.shape_cast %get3A_14 : vector<1x1024x64xf32> to vector<1024x64xf32>
    %get3A_16 = arith.constant 0 : index
    %get3A_17 = arith.constant 0 : index
    %get3A_18 = arith.constant 0 : index
    %get3A_19 = vector.load %arg2[%get3A_16, %get3A_17, %get3A_18] : memref<2x1024x64xf32, #tpu.memory_space<vmem>>, vector<1x1024x64xf32>
    %get3A_20 = vector.shape_cast %get3A_19 : vector<1x1024x64xf32> to vector<1024x64xf32>
    %add3A = arith.addf %get3A_15, %get3A_20 : vector<1024x64xf32>
    %mul3A = vector.broadcast %get3A_1 : vector<1024x1xf32> to vector<1024x64xf32>
    %mul3A_21 = arith.mulf %add3A, %mul3A : vector<1024x64xf32>
    %slice3A = vector.extract_strided_slice %get3A_4 {offsets = [0, 0], sizes = [1, 64], strides = [1, 1]} : vector<1x128xf32> to vector<1x64xf32>
    %add3A_22 = vector.broadcast %slice3A : vector<1x64xf32> to vector<1024x64xf32>
    %add3A_23 = arith.addf %mul3A_21, %add3A_22 : vector<1024x64xf32>
    %get3A_24 = arith.constant 1 : index
    %get3A_25 = arith.constant 0 : index
    %get3A_26 = arith.constant 0 : index
    %get3A_27 = vector.load %arg1[%get3A_24, %get3A_25, %get3A_26] : memref<2x1024x64xf32, #tpu.memory_space<vmem>>, vector<1x1024x64xf32>
    %get3A_28 = vector.shape_cast %get3A_27 : vector<1x1024x64xf32> to vector<1024x64xf32>
    %get3A_29 = arith.constant 1 : index
    %get3A_30 = arith.constant 0 : index
    %get3A_31 = arith.constant 0 : index
    %get3A_32 = vector.load %arg2[%get3A_29, %get3A_30, %get3A_31] : memref<2x1024x64xf32, #tpu.memory_space<vmem>>, vector<1x1024x64xf32>
    %get3A_33 = vector.shape_cast %get3A_32 : vector<1x1024x64xf32> to vector<1024x64xf32>
    %add3A_34 = arith.addf %get3A_28, %get3A_33 : vector<1024x64xf32>
    %mul3A_35 = vector.broadcast %get3A_1 : vector<1024x1xf32> to vector<1024x64xf32>
    %mul3A_36 = arith.mulf %add3A_34, %mul3A_35 : vector<1024x64xf32>
    %slice3A_37 = vector.extract_strided_slice %get3A_4 {offsets = [0, 64], sizes = [1, 64], strides = [1, 1]} : vector<1x128xf32> to vector<1x64xf32>
    %add3A_38 = vector.broadcast %slice3A_37 : vector<1x64xf32> to vector<1024x64xf32>
    %add3A_39 = arith.addf %mul3A_36, %add3A_38 : vector<1024x64xf32>
    %reduce_sum3A = arith.constant dense<0.000000e+00> : vector<1024xf32>
    %reduce_sum3A_40 = vector.multi_reduction <add>, %add3A_23, %reduce_sum3A [1] : vector<1024x64xf32> to vector<1024xf32>
    %broadcast_in_dim3A = vector.shape_cast %reduce_sum3A_40 : vector<1024xf32> to vector<1024x1xf32>
    %reduce_sum3A_41 = arith.constant dense<0.000000e+00> : vector<1024xf32>
    %reduce_sum3A_42 = vector.multi_reduction <add>, %add3A_39, %reduce_sum3A_41 [1] : vector<1024x64xf32> to vector<1024xf32>
    %broadcast_in_dim3A_43 = vector.shape_cast %reduce_sum3A_42 : vector<1024xf32> to vector<1024x1xf32>
    %add3A_44 = arith.addf %broadcast_in_dim3A, %broadcast_in_dim3A_43 : vector<1024x1xf32>
    %mul3A_45 = arith.constant 7.812500e-03 : f32
    %mul3A_46 = vector.broadcast %mul3A_45 : f32 to vector<1024x1xf32>
    %mul3A_47 = arith.mulf %add3A_44, %mul3A_46 : vector<1024x1xf32>
    %sub3A = vector.broadcast %mul3A_47 : vector<1024x1xf32> to vector<1024x64xf32>
    %sub3A_48 = arith.subf %add3A_23, %sub3A : vector<1024x64xf32>
    %sub3A_49 = vector.broadcast %mul3A_47 : vector<1024x1xf32> to vector<1024x64xf32>
    %sub3A_50 = arith.subf %add3A_39, %sub3A_49 : vector<1024x64xf32>
    %mul3A_51 = arith.mulf %sub3A_48, %sub3A_48 : vector<1024x64xf32>
    %reduce_sum3A_52 = arith.constant dense<0.000000e+00> : vector<1024xf32>
    %reduce_sum3A_53 = vector.multi_reduction <add>, %mul3A_51, %reduce_sum3A_52 [1] : vector<1024x64xf32> to vector<1024xf32>
    %broadcast_in_dim3A_54 = vector.shape_cast %reduce_sum3A_53 : vector<1024xf32> to vector<1024x1xf32>
    %mul3A_55 = arith.mulf %sub3A_50, %sub3A_50 : vector<1024x64xf32>
    %reduce_sum3A_56 = arith.constant dense<0.000000e+00> : vector<1024xf32>
    %reduce_sum3A_57 = vector.multi_reduction <add>, %mul3A_55, %reduce_sum3A_56 [1] : vector<1024x64xf32> to vector<1024xf32>
    %broadcast_in_dim3A_58 = vector.shape_cast %reduce_sum3A_57 : vector<1024xf32> to vector<1024x1xf32>
    %add3A_59 = arith.addf %broadcast_in_dim3A_54, %broadcast_in_dim3A_58 : vector<1024x1xf32>
    %mul3A_60 = arith.constant 7.812500e-03 : f32
    %mul3A_61 = vector.broadcast %mul3A_60 : f32 to vector<1024x1xf32>
    %mul3A_62 = arith.mulf %add3A_59, %mul3A_61 : vector<1024x1xf32>
    %add3A_63 = arith.constant 9.99999974E-6 : f32
    %add3A_64 = vector.broadcast %add3A_63 : f32 to vector<1024x1xf32>
    %add3A_65 = arith.addf %mul3A_62, %add3A_64 : vector<1024x1xf32>
    %rsqrt3A = math.rsqrt %add3A_65 : vector<1024x1xf32>
    %mul3A_66 = vector.broadcast %rsqrt3A : vector<1024x1xf32> to vector<1024x64xf32>
    %mul3A_67 = arith.mulf %sub3A_48, %mul3A_66 : vector<1024x64xf32>
    %slice3A_68 = vector.extract_strided_slice %get3A_7 {offsets = [0, 0], sizes = [1, 64], strides = [1, 1]} : vector<1x128xf32> to vector<1x64xf32>
    %mul3A_69 = vector.broadcast %slice3A_68 : vector<1x64xf32> to vector<1024x64xf32>
    %mul3A_70 = arith.mulf %mul3A_67, %mul3A_69 : vector<1024x64xf32>
    %slice3A_71 = vector.extract_strided_slice %get3A_10 {offsets = [0, 0], sizes = [1, 64], strides = [1, 1]} : vector<1x128xf32> to vector<1x64xf32>
    %add3A_72 = vector.broadcast %slice3A_71 : vector<1x64xf32> to vector<1024x64xf32>
    %add3A_73 = arith.addf %mul3A_70, %add3A_72 : vector<1024x64xf32>
    %max3A = arith.constant 0.000000e+00 : f32
    %max3A_74 = vector.broadcast %max3A : f32 to vector<1024x64xf32>
    %max3A_75 = arith.maximumf %add3A_73, %max3A_74 : vector<1024x64xf32>
    %mul3A_76 = vector.broadcast %rsqrt3A : vector<1024x1xf32> to vector<1024x64xf32>
    %mul3A_77 = arith.mulf %sub3A_50, %mul3A_76 : vector<1024x64xf32>
    %slice3A_78 = vector.extract_strided_slice %get3A_7 {offsets = [0, 64], sizes = [1, 64], strides = [1, 1]} : vector<1x128xf32> to vector<1x64xf32>
    %mul3A_79 = vector.broadcast %slice3A_78 : vector<1x64xf32> to vector<1024x64xf32>
    %mul3A_80 = arith.mulf %mul3A_77, %mul3A_79 : vector<1024x64xf32>
    %slice3A_81 = vector.extract_strided_slice %get3A_10 {offsets = [0, 64], sizes = [1, 64], strides = [1, 1]} : vector<1x128xf32> to vector<1x64xf32>
    %add3A_82 = vector.broadcast %slice3A_81 : vector<1x64xf32> to vector<1024x64xf32>
    %add3A_83 = arith.addf %mul3A_80, %add3A_82 : vector<1024x64xf32>
    %max3A_84 = arith.constant 0.000000e+00 : f32
    %max3A_85 = vector.broadcast %max3A_84 : f32 to vector<1024x64xf32>
    %max3A_86 = arith.maximumf %add3A_83, %max3A_85 : vector<1024x64xf32>
    %get3A_87 = arith.constant 0 : index
    %get3A_88 = arith.constant 0 : index
    %get3A_89 = vector.load %arg7[%get3A_87, %get3A_88] : memref<128x128xf32, #tpu.memory_space<vmem>>, vector<128x128xf32>
    %slice3A_90 = vector.extract_strided_slice %get3A_89 {offsets = [0, 0], sizes = [64, 128], strides = [1, 1]} : vector<128x128xf32> to vector<64x128xf32>
    %dot_general3A = arith.constant dense<0.000000e+00> : vector<1024x128xf32>
    %dot_general3A_91 = tpu.matmul %max3A_75, %slice3A_90, %dot_general3A {dimension_numbers = #tpu.dot_dimension_numbers<[1], [0], [0], [1], [0, 0, 1, 1], [], []>, transpose_lhs_hint = false} : vector<1024x64xf32>, vector<64x128xf32>, vector<1024x128xf32> -> vector<1024x128xf32>
    %slice3A_92 = vector.extract_strided_slice %get3A_89 {offsets = [64, 0], sizes = [64, 128], strides = [1, 1]} : vector<128x128xf32> to vector<64x128xf32>
    %dot_general3A_93 = arith.constant dense<0.000000e+00> : vector<1024x128xf32>
    %dot_general3A_94 = tpu.matmul %max3A_86, %slice3A_92, %dot_general3A_93 {dimension_numbers = #tpu.dot_dimension_numbers<[1], [0], [0], [1], [0, 0, 1, 1], [], []>, transpose_lhs_hint = false} : vector<1024x64xf32>, vector<64x128xf32>, vector<1024x128xf32> -> vector<1024x128xf32>
    %add3A_95 = arith.addf %dot_general3A_91, %dot_general3A_94 : vector<1024x128xf32>
    %mul3A_96 = vector.broadcast %get3A_1 : vector<1024x1xf32> to vector<1024x128xf32>
    %mul3A_97 = arith.mulf %add3A_95, %mul3A_96 : vector<1024x128xf32>
    %slice3A_98 = vector.extract_strided_slice %mul3A_97 {offsets = [0, 0], sizes = [1024, 64], strides = [1, 1]} : vector<1024x128xf32> to vector<1024x64xf32>
    %swap3A = arith.constant 0 : index
    %swap3A_99 = arith.constant 0 : index
    %swap3A_100 = arith.constant 0 : index
    %swap3A_101 = vector.load %arg8[%swap3A, %swap3A_99, %swap3A_100] : memref<2x1024x64xf32, #tpu.memory_space<vmem>>, vector<1x1024x64xf32>
    %swap3A_102 = vector.shape_cast %swap3A_101 : vector<1x1024x64xf32> to vector<1024x64xf32>
    %swap3A_103 = vector.shape_cast %slice3A_98 : vector<1024x64xf32> to vector<1x1024x64xf32>
    tpu.vector_store %arg8[%swap3A, %swap3A_99, %swap3A_100], %swap3A_103 {strides = array<i32>} : memref<2x1024x64xf32, #tpu.memory_space<vmem>>, vector<1x1024x64xf32>,
    %slice3A_104 = vector.extract_strided_slice %mul3A_97 {offsets = [0, 64], sizes = [1024, 64], strides = [1, 1]} : vector<1024x128xf32> to vector<1024x64xf32>
    %swap3A_105 = arith.constant 1 : index
    %swap3A_106 = arith.constant 0 : index
    %swap3A_107 = arith.constant 0 : index
    %swap3A_108 = vector.load %arg8[%swap3A_105, %swap3A_106, %swap3A_107] : memref<2x1024x64xf32, #tpu.memory_space<vmem>>, vector<1x1024x64xf32>
    %swap3A_109 = vector.shape_cast %swap3A_108 : vector<1x1024x64xf32> to vector<1024x64xf32>
    %swap3A_110 = vector.shape_cast %slice3A_104 : vector<1024x64xf32> to vector<1x1024x64xf32>
    tpu.vector_store %arg8[%swap3A_105, %swap3A_106, %swap3A_107], %swap3A_110 {strides = array<i32>} : memref<2x1024x64xf32, #tpu.memory_space<vmem>>, vector<1x1024x64xf32>,
    return
  }
  func.func @transform_0(%arg0: i32) -> (i32, i32, i32) {
    %c0_i32 = arith.constant 0 : i32
    %c0_i32_0 = arith.constant 0 : i32
    %c0_i32_1 = arith.constant 0 : i32
    return %c0_i32, %arg0, %c0_i32_0 : i32, i32, i32
  }
  func.func @transform_1(%arg0: i32) -> (i32, i32, i32) {
    %c0_i32 = arith.constant 0 : i32
    %c0_i32_0 = arith.constant 0 : i32
    %c0_i32_1 = arith.constant 0 : i32
    return %c0_i32, %arg0, %c0_i32_0 : i32, i32, i32
  }
  func.func @transform_2(%arg0: i32) -> (i32, i32) {
    %c0_i32 = arith.constant 0 : i32
    %c0_i32_0 = arith.constant 0 : i32
    return %arg0, %c0_i32 : i32, i32
  }
  func.func @transform_3(%arg0: i32) -> (i32, i32) {
    %c0_i32 = arith.constant 0 : i32
    %c0_i32_0 = arith.constant 0 : i32
    %c0_i32_1 = arith.constant 0 : i32
    return %c0_i32, %c0_i32_0 : i32, i32
  }
  func.func @transform_4(%arg0: i32) -> (i32, i32) {
    %c0_i32 = arith.constant 0 : i32
    %c0_i32_0 = arith.constant 0 : i32
    %c0_i32_1 = arith.constant 0 : i32
    return %c0_i32, %c0_i32_0 : i32, i32
  }
  func.func @transform_5(%arg0: i32) -> (i32, i32) {
    %c0_i32 = arith.constant 0 : i32
    %c0_i32_0 = arith.constant 0 : i32
    %c0_i32_1 = arith.constant 0 : i32
    return %c0_i32, %c0_i32_0 : i32, i32
  }
  func.func @transform_6(%arg0: i32) -> (i32, i32) {
    %c0_i32 = arith.constant 0 : i32
    %c0_i32_0 = arith.constant 0 : i32
    %c0_i32_1 = arith.constant 0 : i32
    return %c0_i32, %c0_i32_0 : i32, i32
  }
  func.func @transform_7(%arg0: i32) -> (i32, i32, i32) {
    %c0_i32 = arith.constant 0 : i32
    %c0_i32_0 = arith.constant 0 : i32
    %c0_i32_1 = arith.constant 0 : i32
    return %c0_i32, %arg0, %c0_i32_0 : i32, i32, i32
  }
}

module attributes {stable_mosaic.version = 14 : i64} {
  func.func @_tc_final_body(%arg0: memref<2x1024x64xf32, #tpu.memory_space<vmem>>, %arg1: memref<2x1024x64xf32, #tpu.memory_space<vmem>>, %arg2: memref<2x1024x16xf32, #tpu.memory_space<vmem>>, %arg3: memref<1x128xf32, #tpu.memory_space<vmem>>, %arg4: memref<1x128xf32, #tpu.memory_space<vmem>>, %arg5: memref<1x128xf32, #tpu.memory_space<vmem>>, %arg6: memref<128x128xf32, #tpu.memory_space<vmem>>, %arg7: memref<1x128xf32, #tpu.memory_space<vmem>>, %arg8: memref<1x128xf32, #tpu.memory_space<vmem>>, %arg9: memref<1x128xf32, #tpu.memory_space<vmem>>, %arg10: memref<128x128xf32, #tpu.memory_space<vmem>>, %arg11: memref<1x128xf32, #tpu.memory_space<vmem>>, %arg12: memref<1x128xf32, #tpu.memory_space<vmem>>, %arg13: memref<1x128xf32, #tpu.memory_space<vmem>>, %arg14: memref<128x128xf32, #tpu.memory_space<vmem>>, %arg15: memref<1x128xf32, #tpu.memory_space<vmem>>, %arg16: memref<1024x128xf32, #tpu.memory_space<vmem>>) attributes {dimension_semantics = [], scalar_prefetch = 0 : i64, scratch_operands = 0 : i64, tpu.core_type = #tpu.core_type<tc>} {
    %get3A = arith.constant 0 : index
    %get3A_0 = arith.constant 0 : index
    %get3A_1 = arith.constant 0 : index
    %get3A_2 = vector.load %arg2[%get3A, %get3A_0, %get3A_1] : memref<2x1024x16xf32, #tpu.memory_space<vmem>>, vector<1x1024x16xf32>
    %get3A_3 = vector.shape_cast %get3A_2 : vector<1x1024x16xf32> to vector<1024x16xf32>
    %slice3A = vector.extract_strided_slice %get3A_3 {offsets = [0, 0], sizes = [1024, 1], strides = [1, 1]} : vector<1024x16xf32> to vector<1024x1xf32>
    %get3A_4 = arith.constant 1 : index
    %get3A_5 = arith.constant 0 : index
    %get3A_6 = arith.constant 0 : index
    %get3A_7 = vector.load %arg2[%get3A_4, %get3A_5, %get3A_6] : memref<2x1024x16xf32, #tpu.memory_space<vmem>>, vector<1x1024x16xf32>
    %get3A_8 = vector.shape_cast %get3A_7 : vector<1x1024x16xf32> to vector<1024x16xf32>
    %slice3A_9 = vector.extract_strided_slice %get3A_8 {offsets = [0, 0], sizes = [1024, 1], strides = [1, 1]} : vector<1024x16xf32> to vector<1024x1xf32>
    %add3A = arith.addf %slice3A, %slice3A_9 : vector<1024x1xf32>
    %add3A_10 = arith.constant 1.000000e+00 : f32
    %add3A_11 = vector.broadcast %add3A_10 : f32 to vector<1024x1xf32>
    %add3A_12 = arith.addf %add3A, %add3A_11 : vector<1024x1xf32>
    %rsqrt3A = math.rsqrt %add3A_12 : vector<1024x1xf32>
    %get3A_13 = arith.constant 0 : index
    %get3A_14 = arith.constant 0 : index
    %get3A_15 = vector.load %arg3[%get3A_13, %get3A_14] : memref<1x128xf32, #tpu.memory_space<vmem>>, vector<1x128xf32>
    %get3A_16 = arith.constant 0 : index
    %get3A_17 = arith.constant 0 : index
    %get3A_18 = vector.load %arg4[%get3A_16, %get3A_17] : memref<1x128xf32, #tpu.memory_space<vmem>>, vector<1x128xf32>
    %get3A_19 = arith.constant 0 : index
    %get3A_20 = arith.constant 0 : index
    %get3A_21 = vector.load %arg5[%get3A_19, %get3A_20] : memref<1x128xf32, #tpu.memory_space<vmem>>, vector<1x128xf32>
    %get3A_22 = arith.constant 0 : index
    %get3A_23 = arith.constant 0 : index
    %get3A_24 = arith.constant 0 : index
    %get3A_25 = vector.load %arg0[%get3A_22, %get3A_23, %get3A_24] : memref<2x1024x64xf32, #tpu.memory_space<vmem>>, vector<1x1024x64xf32>
    %get3A_26 = vector.shape_cast %get3A_25 : vector<1x1024x64xf32> to vector<1024x64xf32>
    %get3A_27 = arith.constant 0 : index
    %get3A_28 = arith.constant 0 : index
    %get3A_29 = arith.constant 0 : index
    %get3A_30 = vector.load %arg1[%get3A_27, %get3A_28, %get3A_29] : memref<2x1024x64xf32, #tpu.memory_space<vmem>>, vector<1x1024x64xf32>
    %get3A_31 = vector.shape_cast %get3A_30 : vector<1x1024x64xf32> to vector<1024x64xf32>
    %add3A_32 = arith.addf %get3A_26, %get3A_31 : vector<1024x64xf32>
    %mul3A = vector.broadcast %rsqrt3A : vector<1024x1xf32> to vector<1024x64xf32>
    %mul3A_33 = arith.mulf %add3A_32, %mul3A : vector<1024x64xf32>
    %slice3A_34 = vector.extract_strided_slice %get3A_15 {offsets = [0, 0], sizes = [1, 64], strides = [1, 1]} : vector<1x128xf32> to vector<1x64xf32>
    %add3A_35 = vector.broadcast %slice3A_34 : vector<1x64xf32> to vector<1024x64xf32>
    %add3A_36 = arith.addf %mul3A_33, %add3A_35 : vector<1024x64xf32>
    %get3A_37 = arith.constant 1 : index
    %get3A_38 = arith.constant 0 : index
    %get3A_39 = arith.constant 0 : index
    %get3A_40 = vector.load %arg0[%get3A_37, %get3A_38, %get3A_39] : memref<2x1024x64xf32, #tpu.memory_space<vmem>>, vector<1x1024x64xf32>
    %get3A_41 = vector.shape_cast %get3A_40 : vector<1x1024x64xf32> to vector<1024x64xf32>
    %get3A_42 = arith.constant 1 : index
    %get3A_43 = arith.constant 0 : index
    %get3A_44 = arith.constant 0 : index
    %get3A_45 = vector.load %arg1[%get3A_42, %get3A_43, %get3A_44] : memref<2x1024x64xf32, #tpu.memory_space<vmem>>, vector<1x1024x64xf32>
    %get3A_46 = vector.shape_cast %get3A_45 : vector<1x1024x64xf32> to vector<1024x64xf32>
    %add3A_47 = arith.addf %get3A_41, %get3A_46 : vector<1024x64xf32>
    %mul3A_48 = vector.broadcast %rsqrt3A : vector<1024x1xf32> to vector<1024x64xf32>
    %mul3A_49 = arith.mulf %add3A_47, %mul3A_48 : vector<1024x64xf32>
    %slice3A_50 = vector.extract_strided_slice %get3A_15 {offsets = [0, 64], sizes = [1, 64], strides = [1, 1]} : vector<1x128xf32> to vector<1x64xf32>
    %add3A_51 = vector.broadcast %slice3A_50 : vector<1x64xf32> to vector<1024x64xf32>
    %add3A_52 = arith.addf %mul3A_49, %add3A_51 : vector<1024x64xf32>
    %reduce_sum3A = arith.constant dense<0.000000e+00> : vector<1024xf32>
    %reduce_sum3A_53 = vector.multi_reduction <add>, %add3A_36, %reduce_sum3A [1] : vector<1024x64xf32> to vector<1024xf32>
    %broadcast_in_dim3A = vector.shape_cast %reduce_sum3A_53 : vector<1024xf32> to vector<1024x1xf32>
    %reduce_sum3A_54 = arith.constant dense<0.000000e+00> : vector<1024xf32>
    %reduce_sum3A_55 = vector.multi_reduction <add>, %add3A_52, %reduce_sum3A_54 [1] : vector<1024x64xf32> to vector<1024xf32>
    %broadcast_in_dim3A_56 = vector.shape_cast %reduce_sum3A_55 : vector<1024xf32> to vector<1024x1xf32>
    %add3A_57 = arith.addf %broadcast_in_dim3A, %broadcast_in_dim3A_56 : vector<1024x1xf32>
    %mul3A_58 = arith.constant 7.812500e-03 : f32
    %mul3A_59 = vector.broadcast %mul3A_58 : f32 to vector<1024x1xf32>
    %mul3A_60 = arith.mulf %add3A_57, %mul3A_59 : vector<1024x1xf32>
    %sub3A = vector.broadcast %mul3A_60 : vector<1024x1xf32> to vector<1024x64xf32>
    %sub3A_61 = arith.subf %add3A_36, %sub3A : vector<1024x64xf32>
    %sub3A_62 = vector.broadcast %mul3A_60 : vector<1024x1xf32> to vector<1024x64xf32>
    %sub3A_63 = arith.subf %add3A_52, %sub3A_62 : vector<1024x64xf32>
    %mul3A_64 = arith.mulf %sub3A_61, %sub3A_61 : vector<1024x64xf32>
    %reduce_sum3A_65 = arith.constant dense<0.000000e+00> : vector<1024xf32>
    %reduce_sum3A_66 = vector.multi_reduction <add>, %mul3A_64, %reduce_sum3A_65 [1] : vector<1024x64xf32> to vector<1024xf32>
    %broadcast_in_dim3A_67 = vector.shape_cast %reduce_sum3A_66 : vector<1024xf32> to vector<1024x1xf32>
    %mul3A_68 = arith.mulf %sub3A_63, %sub3A_63 : vector<1024x64xf32>
    %reduce_sum3A_69 = arith.constant dense<0.000000e+00> : vector<1024xf32>
    %reduce_sum3A_70 = vector.multi_reduction <add>, %mul3A_68, %reduce_sum3A_69 [1] : vector<1024x64xf32> to vector<1024xf32>
    %broadcast_in_dim3A_71 = vector.shape_cast %reduce_sum3A_70 : vector<1024xf32> to vector<1024x1xf32>
    %add3A_72 = arith.addf %broadcast_in_dim3A_67, %broadcast_in_dim3A_71 : vector<1024x1xf32>
    %mul3A_73 = arith.constant 7.812500e-03 : f32
    %mul3A_74 = vector.broadcast %mul3A_73 : f32 to vector<1024x1xf32>
    %mul3A_75 = arith.mulf %add3A_72, %mul3A_74 : vector<1024x1xf32>
    %add3A_76 = arith.constant 9.99999974E-6 : f32
    %add3A_77 = vector.broadcast %add3A_76 : f32 to vector<1024x1xf32>
    %add3A_78 = arith.addf %mul3A_75, %add3A_77 : vector<1024x1xf32>
    %rsqrt3A_79 = math.rsqrt %add3A_78 : vector<1024x1xf32>
    %mul3A_80 = vector.broadcast %rsqrt3A_79 : vector<1024x1xf32> to vector<1024x64xf32>
    %mul3A_81 = arith.mulf %sub3A_61, %mul3A_80 : vector<1024x64xf32>
    %slice3A_82 = vector.extract_strided_slice %get3A_18 {offsets = [0, 0], sizes = [1, 64], strides = [1, 1]} : vector<1x128xf32> to vector<1x64xf32>
    %mul3A_83 = vector.broadcast %slice3A_82 : vector<1x64xf32> to vector<1024x64xf32>
    %mul3A_84 = arith.mulf %mul3A_81, %mul3A_83 : vector<1024x64xf32>
    %slice3A_85 = vector.extract_strided_slice %get3A_21 {offsets = [0, 0], sizes = [1, 64], strides = [1, 1]} : vector<1x128xf32> to vector<1x64xf32>
    %add3A_86 = vector.broadcast %slice3A_85 : vector<1x64xf32> to vector<1024x64xf32>
    %add3A_87 = arith.addf %mul3A_84, %add3A_86 : vector<1024x64xf32>
    %max3A = arith.constant 0.000000e+00 : f32
    %max3A_88 = vector.broadcast %max3A : f32 to vector<1024x64xf32>
    %max3A_89 = arith.maximumf %add3A_87, %max3A_88 : vector<1024x64xf32>
    %mul3A_90 = vector.broadcast %rsqrt3A_79 : vector<1024x1xf32> to vector<1024x64xf32>
    %mul3A_91 = arith.mulf %sub3A_63, %mul3A_90 : vector<1024x64xf32>
    %slice3A_92 = vector.extract_strided_slice %get3A_18 {offsets = [0, 64], sizes = [1, 64], strides = [1, 1]} : vector<1x128xf32> to vector<1x64xf32>
    %mul3A_93 = vector.broadcast %slice3A_92 : vector<1x64xf32> to vector<1024x64xf32>
    %mul3A_94 = arith.mulf %mul3A_91, %mul3A_93 : vector<1024x64xf32>
    %slice3A_95 = vector.extract_strided_slice %get3A_21 {offsets = [0, 64], sizes = [1, 64], strides = [1, 1]} : vector<1x128xf32> to vector<1x64xf32>
    %add3A_96 = vector.broadcast %slice3A_95 : vector<1x64xf32> to vector<1024x64xf32>
    %add3A_97 = arith.addf %mul3A_94, %add3A_96 : vector<1024x64xf32>
    %max3A_98 = arith.constant 0.000000e+00 : f32
    %max3A_99 = vector.broadcast %max3A_98 : f32 to vector<1024x64xf32>
    %max3A_100 = arith.maximumf %add3A_97, %max3A_99 : vector<1024x64xf32>
    %get3A_101 = arith.constant 0 : index
    %get3A_102 = arith.constant 0 : index
    %get3A_103 = vector.load %arg6[%get3A_101, %get3A_102] : memref<128x128xf32, #tpu.memory_space<vmem>>, vector<128x128xf32>
    %slice3A_104 = vector.extract_strided_slice %get3A_103 {offsets = [0, 0], sizes = [64, 128], strides = [1, 1]} : vector<128x128xf32> to vector<64x128xf32>
    %dot_general3A = arith.constant dense<0.000000e+00> : vector<1024x128xf32>
    %dot_general3A_105 = tpu.matmul %max3A_89, %slice3A_104, %dot_general3A {dimension_numbers = #tpu.dot_dimension_numbers<[1], [0], [0], [1], [0, 0, 1, 1], [], []>, transpose_lhs_hint = false} : vector<1024x64xf32>, vector<64x128xf32>, vector<1024x128xf32> -> vector<1024x128xf32>
    %slice3A_106 = vector.extract_strided_slice %get3A_103 {offsets = [64, 0], sizes = [64, 128], strides = [1, 1]} : vector<128x128xf32> to vector<64x128xf32>
    %dot_general3A_107 = arith.constant dense<0.000000e+00> : vector<1024x128xf32>
    %dot_general3A_108 = tpu.matmul %max3A_100, %slice3A_106, %dot_general3A_107 {dimension_numbers = #tpu.dot_dimension_numbers<[1], [0], [0], [1], [0, 0, 1, 1], [], []>, transpose_lhs_hint = false} : vector<1024x64xf32>, vector<64x128xf32>, vector<1024x128xf32> -> vector<1024x128xf32>
    %add3A_109 = arith.addf %dot_general3A_105, %dot_general3A_108 : vector<1024x128xf32>
    %get3A_110 = arith.constant 0 : index
    %get3A_111 = arith.constant 0 : index
    %get3A_112 = vector.load %arg7[%get3A_110, %get3A_111] : memref<1x128xf32, #tpu.memory_space<vmem>>, vector<1x128xf32>
    %add3A_113 = vector.broadcast %get3A_112 : vector<1x128xf32> to vector<1024x128xf32>
    %add3A_114 = arith.addf %add3A_109, %add3A_113 : vector<1024x128xf32>
    %reduce_sum3A_115 = arith.constant dense<0.000000e+00> : vector<1024xf32>
    %reduce_sum3A_116 = vector.multi_reduction <add>, %add3A_114, %reduce_sum3A_115 [1] : vector<1024x128xf32> to vector<1024xf32>
    %broadcast_in_dim3A_117 = vector.shape_cast %reduce_sum3A_116 : vector<1024xf32> to vector<1024x1xf32>
    %div3A = arith.constant 1.280000e+02 : f32
    %div3A_118 = vector.broadcast %div3A : f32 to vector<1024x1xf32>
    %div3A_119 = arith.divf %broadcast_in_dim3A_117, %div3A_118 : vector<1024x1xf32>
    %sub3A_120 = vector.broadcast %div3A_119 : vector<1024x1xf32> to vector<1024x128xf32>
    %sub3A_121 = arith.subf %add3A_114, %sub3A_120 : vector<1024x128xf32>
    %mul3A_122 = arith.mulf %sub3A_121, %sub3A_121 : vector<1024x128xf32>
    %reduce_sum3A_123 = arith.constant dense<0.000000e+00> : vector<1024xf32>
    %reduce_sum3A_124 = vector.multi_reduction <add>, %mul3A_122, %reduce_sum3A_123 [1] : vector<1024x128xf32> to vector<1024xf32>
    %broadcast_in_dim3A_125 = vector.shape_cast %reduce_sum3A_124 : vector<1024xf32> to vector<1024x1xf32>
    %div3A_126 = arith.constant 1.280000e+02 : f32
    %div3A_127 = vector.broadcast %div3A_126 : f32 to vector<1024x1xf32>
    %div3A_128 = arith.divf %broadcast_in_dim3A_125, %div3A_127 : vector<1024x1xf32>
    %add3A_129 = arith.constant 9.99999974E-6 : f32
    %add3A_130 = vector.broadcast %add3A_129 : f32 to vector<1024x1xf32>
    %add3A_131 = arith.addf %div3A_128, %add3A_130 : vector<1024x1xf32>
    %rsqrt3A_132 = math.rsqrt %add3A_131 : vector<1024x1xf32>
    %mul3A_133 = vector.broadcast %rsqrt3A_132 : vector<1024x1xf32> to vector<1024x128xf32>
    %mul3A_134 = arith.mulf %sub3A_121, %mul3A_133 : vector<1024x128xf32>
    %get3A_135 = arith.constant 0 : index
    %get3A_136 = arith.constant 0 : index
    %get3A_137 = vector.load %arg8[%get3A_135, %get3A_136] : memref<1x128xf32, #tpu.memory_space<vmem>>, vector<1x128xf32>
    %mul3A_138 = vector.broadcast %get3A_137 : vector<1x128xf32> to vector<1024x128xf32>
    %mul3A_139 = arith.mulf %mul3A_134, %mul3A_138 : vector<1024x128xf32>
    %get3A_140 = arith.constant 0 : index
    %get3A_141 = arith.constant 0 : index
    %get3A_142 = vector.load %arg9[%get3A_140, %get3A_141] : memref<1x128xf32, #tpu.memory_space<vmem>>, vector<1x128xf32>
    %add3A_143 = vector.broadcast %get3A_142 : vector<1x128xf32> to vector<1024x128xf32>
    %add3A_144 = arith.addf %mul3A_139, %add3A_143 : vector<1024x128xf32>
    %max3A_145 = arith.constant 0.000000e+00 : f32
    %max3A_146 = vector.broadcast %max3A_145 : f32 to vector<1024x128xf32>
    %max3A_147 = arith.maximumf %add3A_144, %max3A_146 : vector<1024x128xf32>
    %get3A_148 = arith.constant 0 : index
    %get3A_149 = arith.constant 0 : index
    %get3A_150 = vector.load %arg10[%get3A_148, %get3A_149] : memref<128x128xf32, #tpu.memory_space<vmem>>, vector<128x128xf32>
    %get3A_151 = arith.constant 0 : index
    %get3A_152 = arith.constant 0 : index
    %get3A_153 = vector.load %arg11[%get3A_151, %get3A_152] : memref<1x128xf32, #tpu.memory_space<vmem>>, vector<1x128xf32>
    %get3A_154 = arith.constant 0 : index
    %get3A_155 = arith.constant 0 : index
    %get3A_156 = vector.load %arg12[%get3A_154, %get3A_155] : memref<1x128xf32, #tpu.memory_space<vmem>>, vector<1x128xf32>
    %get3A_157 = arith.constant 0 : index
    %get3A_158 = arith.constant 0 : index
    %get3A_159 = vector.load %arg13[%get3A_157, %get3A_158] : memref<1x128xf32, #tpu.memory_space<vmem>>, vector<1x128xf32>
    %dot_general3A_160 = arith.constant dense<0.000000e+00> : vector<1024x128xf32>
    %dot_general3A_161 = tpu.matmul %max3A_147, %get3A_150, %dot_general3A_160 {dimension_numbers = #tpu.dot_dimension_numbers<[1], [0], [0], [1], [0, 0, 1, 1], [], []>, transpose_lhs_hint = false} : vector<1024x128xf32>, vector<128x128xf32>, vector<1024x128xf32> -> vector<1024x128xf32>
    %add3A_162 = vector.broadcast %get3A_153 : vector<1x128xf32> to vector<1024x128xf32>
    %add3A_163 = arith.addf %dot_general3A_161, %add3A_162 : vector<1024x128xf32>
    %reduce_sum3A_164 = arith.constant dense<0.000000e+00> : vector<1024xf32>
    %reduce_sum3A_165 = vector.multi_reduction <add>, %add3A_163, %reduce_sum3A_164 [1] : vector<1024x128xf32> to vector<1024xf32>
    %broadcast_in_dim3A_166 = vector.shape_cast %reduce_sum3A_165 : vector<1024xf32> to vector<1024x1xf32>
    %div3A_167 = arith.constant 1.280000e+02 : f32
    %div3A_168 = vector.broadcast %div3A_167 : f32 to vector<1024x1xf32>
    %div3A_169 = arith.divf %broadcast_in_dim3A_166, %div3A_168 : vector<1024x1xf32>
    %sub3A_170 = vector.broadcast %div3A_169 : vector<1024x1xf32> to vector<1024x128xf32>
    %sub3A_171 = arith.subf %add3A_163, %sub3A_170 : vector<1024x128xf32>
    %mul3A_172 = arith.mulf %sub3A_171, %sub3A_171 : vector<1024x128xf32>
    %reduce_sum3A_173 = arith.constant dense<0.000000e+00> : vector<1024xf32>
    %reduce_sum3A_174 = vector.multi_reduction <add>, %mul3A_172, %reduce_sum3A_173 [1] : vector<1024x128xf32> to vector<1024xf32>
    %broadcast_in_dim3A_175 = vector.shape_cast %reduce_sum3A_174 : vector<1024xf32> to vector<1024x1xf32>
    %div3A_176 = arith.constant 1.280000e+02 : f32
    %div3A_177 = vector.broadcast %div3A_176 : f32 to vector<1024x1xf32>
    %div3A_178 = arith.divf %broadcast_in_dim3A_175, %div3A_177 : vector<1024x1xf32>
    %add3A_179 = arith.constant 9.99999974E-6 : f32
    %add3A_180 = vector.broadcast %add3A_179 : f32 to vector<1024x1xf32>
    %add3A_181 = arith.addf %div3A_178, %add3A_180 : vector<1024x1xf32>
    %rsqrt3A_182 = math.rsqrt %add3A_181 : vector<1024x1xf32>
    %mul3A_183 = vector.broadcast %rsqrt3A_182 : vector<1024x1xf32> to vector<1024x128xf32>
    %mul3A_184 = arith.mulf %sub3A_171, %mul3A_183 : vector<1024x128xf32>
    %mul3A_185 = vector.broadcast %get3A_156 : vector<1x128xf32> to vector<1024x128xf32>
    %mul3A_186 = arith.mulf %mul3A_184, %mul3A_185 : vector<1024x128xf32>
    %add3A_187 = vector.broadcast %get3A_159 : vector<1x128xf32> to vector<1024x128xf32>
    %add3A_188 = arith.addf %mul3A_186, %add3A_187 : vector<1024x128xf32>
    %max3A_189 = arith.constant 0.000000e+00 : f32
    %max3A_190 = vector.broadcast %max3A_189 : f32 to vector<1024x128xf32>
    %max3A_191 = arith.maximumf %add3A_188, %max3A_190 : vector<1024x128xf32>
    %get3A_192 = arith.constant 0 : index
    %get3A_193 = arith.constant 0 : index
    %get3A_194 = vector.load %arg14[%get3A_192, %get3A_193] : memref<128x128xf32, #tpu.memory_space<vmem>>, vector<128x128xf32>
    %dot_general3A_195 = arith.constant dense<0.000000e+00> : vector<1024x128xf32>
    %dot_general3A_196 = tpu.matmul %max3A_191, %get3A_194, %dot_general3A_195 {dimension_numbers = #tpu.dot_dimension_numbers<[1], [0], [0], [1], [0, 0, 1, 1], [], []>, transpose_lhs_hint = false} : vector<1024x128xf32>, vector<128x128xf32>, vector<1024x128xf32> -> vector<1024x128xf32>
    %get3A_197 = arith.constant 0 : index
    %get3A_198 = arith.constant 0 : index
    %get3A_199 = vector.load %arg15[%get3A_197, %get3A_198] : memref<1x128xf32, #tpu.memory_space<vmem>>, vector<1x128xf32>
    %add3A_200 = vector.broadcast %get3A_199 : vector<1x128xf32> to vector<1024x128xf32>
    %add3A_201 = arith.addf %dot_general3A_196, %add3A_200 : vector<1024x128xf32>
    %swap3A = arith.constant 0 : index
    %swap3A_202 = arith.constant 0 : index
    %swap3A_203 = vector.load %arg16[%swap3A, %swap3A_202] : memref<1024x128xf32, #tpu.memory_space<vmem>>, vector<1024x128xf32>
    tpu.vector_store %arg16[%swap3A, %swap3A_202], %add3A_201 {strides = array<i32>} : memref<1024x128xf32, #tpu.memory_space<vmem>>, vector<1024x128xf32>,
    return
  }
}

</mosaic_0001>

<sc_bundles>
// kernel: kernel.10.cloned.1.call-start
scs
__scs_entry_jumppad:
0x0: {  	(pc) =	sbr.rel $0x88, $3  }
0x1: {  	(tag) =	ssettag $0x0;
	lr =	simm.s32 $0x1  }
0x2: {  	[smem:$0x3F93] =	sst lr;
	_ =	strace $0xD0000000  }
0x3: {  	_ = 	snop  }
0x4: {  	_ = 	snop  }
0x5: {  	_ = 	snop  }
0x6: {  	_ = 	snop  }
0x7: {  	_ = 	snop  }
__scs_overlays_trampoline_lowered:
0x8: {  	[smem:$0x3FA2] =	sst s0  }
0x9: {  	[smem:$0x3FA3] =	sst s1  }
0xa: {  	[smem:$0x3FA4] =	sst s2  }
0xb: {  	[smem:$0x3FA5] =	sst s3  }
0xc: {  	[smem:$0x3FA6] =	sst s4  }
0xd: {  	[smem:$0x3FA7] =	sst s5  }
0xe: {  	[smem:$0x3FA8] =	sst s6  }
0xf: {  	[smem:$0x3FA9] =	sst s7  }
0x10: {  	[smem:$0x3FAA] =	sst s8  }
0x11: {  	[smem:$0x3FAB] =	sst s9;
	s0 =	simm.s32 @!p0 $0x0  }
0x12: {  	s1 =	sld [smem:$0x3F91];
	s0 =	simm.s32 @p0 $0x1  }
0x13: {  	[smem:$0x3FAC] =	sst s0;
	s0 =	simm.s32 @!p1 $0x0  }
0x14: {  	s2 =	sld [smem:$0x3F90];
	s0 =	simm.s32 @p1 $0x1  }
0x15: {  	[smem:$0x3FAD] =	sst s0;
	s0 =	simm.s32 @!p2 $0x0  }
0x16: {  	s3 =	sld [smem:$0x3FDB];
	s0 =	simm.s32 @p2 $0x1  }
0x17: {  	s4 =	simm.s32 $0x1BF5;
	[smem:$0x3FAF] =	sst s0  }
0x18: {  	s0 =	sld [smem:$0x3F92];
	_ =	swait.ge [sflag:s4], $0x0  }
0x19: {  	s7 =	sld [smem:$0x3F93]  }
0x1a: {  	s8 =	sadd.s32 $0xFFFFE003, lr  }
0x1b: {  	s9 =	sadd.s32 $0xFFFFFEF7, lr;
	s5 =	simm.s32 $0xFFFFFFFF;
	p2 =	slt.u32 s8, $0xFFFFF086  }
0x1c: {  	p1 =	slt.u32 s9, $0xF7A;
	s5 =	simm.s32 @!p2 $0x0  }
0x1d: {  	s5 =	simm.s32 @p1 $0x1;
	p0 =	seq.s32 s7, s2  }
0x1e: {  	s7 =	smul.u32 @!p0 $0xF7A, s2;
	p2 =	seq.s32 @!p0 s5, $0x0  }
0x1f: {  	s9 =	smul.u32 $0xF7A, s1;
	s8 =	simm.s32 @!p0 $0x1BF5;
	p2 =	por !p2, p0  }
0x20: {  	[sflag:s8] =	ssyncset.s32 @!p0 $0xFFFFF086;
	s6 =	sadd.s32 @!p0 s3, s7;
	s7 =	simm.s32 @!p0 $0x108  }
0x21: {  	s3 =	sadd.s32 s3, s9;
	s6 =	sadd.s32 @!p0 $0x88, s6;
	s7 =	simm.s32 @p2 $0x1082  }
0x22: {  	[simem:s7], [sflag:s8] =	dma.local @!p0 [hbm:s6], $0xF7A  }
0x23: {  	s9 =	sor.u32 $0xD0000000, s2;
	s6 =	simm.s32 $0x108;
	_ =	swait.ge @!p0 [sflag:s8], $0x0  }
0x24: {  	s3 =	sadd.s32 $0x88, s3;
	s6 =	simm.s32 @!p1 $0x1082;
	[sflag:s4] =	ssyncset.s32 $0xFFFFF086  }
0x25: {  	[simem:s6], [sflag:s4] =	dma.local [hbm:s3], $0xF7A  }
0x26: {  	[smem:$0x3F93] =	sst s1;
	(tag) =	ssettag s2;
	_ =	strace s9  }
0x27: {  	s1 =	sld [smem:$0x3FA3]  }
0x28: {  	s2 =	sld [smem:$0x3FA4]  }
0x29: {  	s4 =	sld [smem:$0x3FA6]  }
0x2a: {  	p0 =	seq.s32 s5, $0x0;
	s5 =	sld [smem:$0x3FA7]  }
0x2b: {  	s6 =	sld [smem:$0x3FA8]  }
0x2c: {  	s7 =	sld [smem:$0x3FA9]  }
0x2d: {  	s3 =	simm.s32 $0x108;
	s8 =	sld [smem:$0x3FAA]  }
0x2e: {  	s3 =	simm.s32 @!p0 $0x1082;
	s9 =	sld [smem:$0x3FAB]  }
0x2f: {  	lr =	sadd.s32 s0, s3;
	s0 =	sld [smem:$0x3FA2]  }
0x30: {  	s3 =	sld [smem:$0x3FA5]  }
0x31: {  	[smem:$0x3FAE] =	sst s10  }
0x32: {  	s10 =	sld [smem:$0x3FAC];
	_ =	sdelay $0x3  }
0x33: {  	p0 =	seq.s32 s10, $0x1;
	s10 =	sld [smem:$0x3FAE];
	_ =	sdelay $0x3  }
0x34: {  	[smem:$0x3FAE] =	sst s10  }
0x35: {  	s10 =	sld [smem:$0x3FAD];
	_ =	sdelay $0x3  }
0x36: {  	p1 =	seq.s32 s10, $0x1;
	s10 =	sld [smem:$0x3FAE];
	_ =	sdelay $0x3  }
0x37: {  	[smem:$0x3FAE] =	sst s10  }
0x38: {  	s10 =	sld [smem:$0x3FAF]  }
0x39: {  	_ = 	snop;
	(pc) =	sbr.ind lr, $3  }
0x3a: {  	_ = 	snop  }
0x3b: {  	_ = 	snop  }
0x3c: {  	p2 =	seq.s32 s10, $0x1;
	s10 =	sld [smem:$0x3FAE]  }
0x3d: {  	_ =	shalt  }
0x3e: {  	_ =	shalt  }
0x3f: {  	_ =	shalt  }
0x40: {  	_ =	shalt  }
0x41: {  	_ =	shalt  }
0x42: {  	_ =	shalt  }
0x43: {  	_ =	shalt  }
0x44: {  	_ =	shalt  }
0x45: {  	_ =	shalt  }
0x46: {  	_ =	shalt  }
0x47: {  	_ =	shalt  }
0x48: {  	_ =	shalt  }
0x49: {  	_ =	shalt  }
0x4a: {  	_ =	shalt  }
0x4b: {  	_ =	shalt  }
0x4c: {  	_ =	shalt  }
0x4d: {  	_ =	shalt  }
0x4e: {  	_ =	shalt  }
0x4f: {  	_ =	shalt  }
0x50: {  	_ =	shalt  }
0x51: {  	_ =	shalt  }
0x52: {  	_ =	shalt  }
0x53: {  	_ =	shalt  }
0x54: {  	_ =	shalt  }
0x55: {  	_ =	shalt  }
0x56: {  	_ =	shalt  }
0x57: {  	_ =	shalt  }
0x58: {  	_ =	shalt  }
0x59: {  	_ =	shalt  }
0x5a: {  	_ =	shalt  }
0x5b: {  	_ =	shalt  }
0x5c: {  	_ =	shalt  }
0x5d: {  	_ =	shalt  }
0x5e: {  	_ =	shalt  }
0x5f: {  	_ =	shalt  }
0x60: {  	_ =	shalt  }
0x61: {  	_ =	shalt  }
0x62: {  	_ =	shalt  }
0x63: {  	_ =	shalt  }
0x64: {  	_ =	shalt  }
0x65: {  	_ =	shalt  }
0x66: {  	_ =	shalt  }
0x67: {  	_ =	shalt  }
0x68: {  	_ =	shalt  }
0x69: {  	_ =	shalt  }
0x6a: {  	_ =	shalt  }
0x6b: {  	_ =	shalt  }
0x6c: {  	_ =	shalt  }
0x6d: {  	_ =	shalt  }
0x6e: {  	_ =	shalt  }
0x6f: {  	_ =	shalt  }
0x70: {  	_ =	shalt  }
0x71: {  	_ =	shalt  }
0x72: {  	_ =	shalt  }
0x73: {  	_ =	shalt  }
0x74: {  	_ =	shalt  }
0x75: {  	_ =	shalt  }
0x76: {  	_ =	shalt  }
0x77: {  	_ =	shalt  }
0x78: {  	_ =	shalt  }
0x79: {  	_ =	shalt  }
0x7a: {  	_ =	shalt  }
0x7b: {  	_ =	shalt  }
0x7c: {  	_ =	shalt  }
0x7d: {  	_ =	shalt  }
0x7e: {  	_ =	shalt  }
0x7f: {  	_ =	shalt  }
0x80: {  	_ =	shalt  }
0x81: {  	_ =	shalt  }
0x82: {  	_ =	shalt  }
0x83: {  	_ =	shalt  }
0x84: {  	_ =	shalt  }
0x85: {  	_ =	shalt  }
0x86: {  	_ =	shalt  }
0x87: {  	_ =	shalt  }
.Lfunc_end0:
.L_simem_size_0:
called_computation_lowered:
.L_overlay_start_0:
0x88: {  	s2 =	sld [smem:$0x3FD9]  }
0x89: {  	s3 =	sld [smem:$0x3FFE];
	_ =	sdelay $0x1  }
0x8a: {  	s1 =	srdreg.scid  }
0x8b: {  	s0 =	sand.u32 $0x1, s1  }
0x8c: {  	s17 =	sshll.u32 s0, $0xA;
	s2 =	sadd.s32 s3, s2  }
0x8d: {  	s2 =	sadd.s32 s2, s17  }
0x8e: {  	[smem:$0x3FBA] =	sst s2  }
0x8f: {  	_ = 	snop  }
0x90: {  	s2 =	sld [smem:$0x3FC6]  }
0x91: {  	s18 =	sld [smem:$0x3FD0];
	(tm) =	ssettm $0x1  }
0x92: {  	s4 =	sld [smem:$0x3FFB];
	_ =	sdelay $0x3  }
0x93: {  	_ =	strace s4  }
0x94: {  	s4 =	sld [smem:$0x3FFC];
	_ =	sdelay $0x3  }
0x95: {  	_ =	strace s4  }
0x96: {  	s4 =	sld [smem:$0x3FFD];
	_ =	sdelay $0x3  }
0x97: {  	_ =	strace s4  }
0x98: {  	_ =	strace $0x8FFFFFFF  }
0x99: {  	s19 =	sld [smem:$0x3FDB];
	_ =	sdelay $0x1  }
0x9a: {  	s5 =	simm.s32 $_scs_section_size  }
0x9b: {  	s6 =	simm.s32 $_size__tile_overlayer_lowered;
	s7 =	simm.s32 $_tile_overlayer_lowered  }
0x9c: {  	s22 =	simm.s32 $0x1BFF;
	s21 =	sshll.u32 s7, $0x1;
	s4 =	sadd.s32 s5, s19  }
0x9d: {  	s8 =	simm.s32 $0x0;
	s20 =	sshll.u32 s6, $0x1;
	s6 =	sadd.s32 s21, s4  }
0x9e: {  	[timem:s8], [sflag:s22] =	dma.local [hbm:s6], s20  }
0x9f: {  	_ =	swait.ge [sflag:s22], s20  }
0xa0: {  	s5 =	ssub.s32 $0x0, s20;
	[sflag:s22] =	ssyncset.done $0x0  }
0xa1: {  	[sflag:s22] =	ssyncadd.s32 s5;
	_ =	sdelay $0x1  }
0xa2: {  	s23 =	simm.s32 $0x1B8B  }
0xa3: {  	_ =	swait.ge [sflag:s23], $0x1  }
0xa4: {  	[sflag:s23] =	ssyncset.done $0x0  }
0xa5: {  	s25 =	simm.s32 $0x1B8E;
	s24 =	sld [smem:$0x3FFE];
	[sflag:s23] =	ssyncadd.s32 $0xFFFFFFFF  }
0xa6: {  	s26 =	simm.s32 $execute0_lowered;
	[smem:$0x3FD2] =	sst s25  }
0xa7: {  	s6 =	sshll.u32 s26, $0x1;
	_ =	strace $0x80000046;
	[dreg:$0x1] =	wrdreg $0xFFFFFFFF  }
0xa8: {  	s28 =	simm.s32 $_size_execute0_lowered;
	s4 =	sadd.s32 s4, s6;
	[dreg:$0x0] =	wrdreg $0x0  }
0xa9: {  	s6 =	sshll.u32 s28, $0x1;
	[dreg:$0x2] =	wrdreg s4  }
0xaa: {  	[dreg:$0x3] =	wrdreg s6  }
0xab: {  	[dreg:$0x4] =	wrdreg $0xC0  }
0xac: {  	_ =	task [dreg:s8], $0x5FFFF  }
0xad: {  	[dreg:$0x1] =	wrdreg $0xFFFFFFFF  }
0xae: {  	[dreg:$0x0] =	wrdreg $0x60  }
0xaf: {  	[dreg:$0x2] =	wrdreg s2  }
0xb0: {  	[dreg:$0x3] =	wrdreg s18  }
0xb1: {  	[dreg:$0x4] =	wrdreg s24  }
0xb2: {  	[dreg:$0x5] =	wrdreg $0x81400  }
0xb3: {  	[dreg:$0x6] =	wrdreg $0x9  }
0xb4: {  	_ =	task.clear_ibuf [dreg:s8], $0x7FFFF;
	_ =	strace $0x90000046  }
0xb5: {  	s29 =	simm.s32 $0x9;
	_ =	strace $0x80000048  }
0xb6: {  	_ =	swait.ge [sflag:s29], $0x1  }
0xb7: {  	[sflag:s29] =	ssyncadd.s32 $0xFFFFFFFF  }
0xb8: {  	_ =	strace $0x90000048  }
0xb9: {  	_ =	sfence  }
0xba: {  	s30 =	sld [smem:$0x0];
	_ =	sdelay $0x2  }
0xbb: {  	s31 =	sshll.u32 s1, $0xD;
	s1 =	sshrl.u32 s1, $0x2  }
0xbc: {  	s3 =	sand.u32 $0x4000, s31;
	s1 =	sadd.s32 s1, s30  }
0xbd: {  	s0 =	sor.u32 s3, s0;
	s1 =	sshll.u32 s1, $0x11  }
0xbe: {  	s0 =	sor.u32 s1, s0  }
0xbf: {  	s0 =	sadd.s32 $0x8F2B, s0  }
0xc0: {  	[sflag:s0] =	ssyncadd.remote.s32 $0x1  }
0xc1: {  	_ =	sfence.sel $0xFFFF  }
0xc2: {  	[dreg:$0x0] =	wrdreg $0xFFFFFFFF;
	(pc) =	sbr.abs _section_cstart, $3  }
0xc3: {  	[dreg:$0x1] =	wrdreg $0xFFFFFFFF  }
0xc4: {  	_ =	task.clear_ibuf [dreg:s8], $0x2FFFF;
	_ =	strace $0x9FFFFFFF  }
0xc5: {  	(tm) =	ssettm $0x7FFFFFFF  }
tec
execute0_lowered:
.L_overlay_start_1:
0x0: {  	(tag) =	ssettag $0x1  }
0x1: {  	s1 =	rddreg [dreg:$0x0]  }
0x2: {  	s0 =	srdreg.scid;
	s2 =	rddreg [dreg:$0x1]  }
0x3: {  	s8 =	stileid.u32;
	s6 =	rddreg [dreg:$0x2]  }
0x4: {  	s3 =	rddreg [dreg:$0x3];
	s4 =	simm.s32 $0x0;
	s17 =	simm.s32 $0x50  }
0x5: {  	s18 =	simm.s32 $0x140;
	s19 =	simm.s32 $0x2940;
	s20 =	simm.s32 $0x1  }
0x6: {  	s21 =	simm.s32 $0x3;
	s23 =	simm.s32 $0x2;
	s28 =	simm.s32 $0x80  }
0x7: {  	s29 =	simm.s32 $0x4;
	s30 =	simm.s32 $0x0;
	s5 =	smul.u32 $0x5000, s8  }
0x8: {  	s0 =	sand.u32 $0x1, s0;
	[smem:$0x7FF] =	sst s4;
	s11 =	smul.u32 $0x2800, s8  }
0x9: {  	s8 =	sshll.u32 s8, $0x1;
	s31 =	sadd.s32 $0x12000, s6;
	s7 =	smul.u32 $0x2800, s0  }
0xa: {  	s9 =	sadd.s32 $0x12200, s6;
	s26 =	smul.u32 $0x28000, s0;
	s8 =	sor.u32 s0, s8  }
0xb: {  	_ =	strace $0x80000047;
	[dreg:$0x5] =	wrdreg s31;
	s10 =	smul.u32 $0xA000, s8  }
0xc: {  	s0 =	ssub.s32 $0x2, s0;
	s25 =	sshrl.u32 s11, $0x3;
	s14 =	smul.u32 $0x28, s8  }
0xd: {  	s15 =	sshrl.u32 s0, $0x1;
	s8 =	smul.u32 $0x1400, s8;
	s5 =	sadd.s32 s7, s5  }
0xe: {  	s12 =	sadd.s32 s25, s6;
	s7 =	sadd.s32 s11, s26;
	s0 =	ssub.s32 s0, s15  }
0xf: {  	s11 =	sadd.s32 s11, s3;
	s25 =	simm.s32 $0x7940;
	s5 =	sshrl.u32 s5, $0x3  }
0x10: {  	s7 =	sshrl.u32 s7, $0x3;
	s10 =	sshrl.u32 s10, $0x3;
	s12 =	sadd.s32 $0xD000, s12  }
0x11: {  	s15 =	smax.u32 s0, $0x1;
	s13 =	sadd.s32 s5, s6;
	s16 =	sadd.s32 s7, s6  }
0x12: {  	s10 =	sadd.s32 s9, s10;
	s6 =	sadd.s32 s2, s14;
	s7 =	sadd.s32 s9, s8  }
0x13: {  	s8 =	sadd.s32 $0x500, s10;
	s9 =	sadd.s32 $0xA00, s10;
	s10 =	sadd.s32 $0xF00, s10  }
0x14: {  	s13 =	sadd.s32 $0x3000, s13;
	s14 =	sadd.s32 $0x3A200, s16;
	s16 =	simm.s32 $0x5  }
.LBB2_1:
0x15: {  	[tilespmem:s4], [sflag:$0x5] =	stream.linear.gather [hbm4b:s6+s4], $0x140, $0x38;
	[tilespmem:$0xA940] =	vst v63  }
0x16: {  	_ =	swait.ge [sflag:s16], $0x140  }
0x17: {  	[sflag:s16] =	ssyncset.done $0x0  }
0x18: {  	[sflag:s16] =	ssyncadd.s32 $0xFFFFFEC0  }
0x19: {  	[tilespmem:s18], [sflag:$0x1] =	stream.indirect.gather [hbm4b:s1+s17], $0x80, s4, s17, $0xb8;
	[tilespmem:$0xA940] =	vst v63  }
0x1a: {  	_ = 	snop  }
0x1b: {  	[tilespmem:s19], [sflag:$0x2] =	stream.indirect.gather [hbm4b:s1+s17], $0x80, s17, s17, $0xb8;
	[tilespmem:$0xA940] =	vst v63  }
0x1c: {  	_ =	swait.ge [sflag:s20], $0x2800  }
0x1d: {  	[sflag:s20] =	ssyncset.done $0x0  }
0x1e: {  	[sflag:s20] =	ssyncadd.s32 $0xFFFFD800  }
0x1f: {  	[hbm4b:s7+s4] =	stream.linear.scatter [tilespmem:s18], [sflag:$0x3], $0x2800, $0x38;
	[tilespmem:$0xA940] =	vst v63  }
0x20: {  	_ =	swait.ge [sflag:s21], $0x2800  }
0x21: {  	[sflag:s21] =	ssyncset.done $0x0  }
0x22: {  	s0 =	simm.s32 $0xA0;
	[sflag:s21] =	ssyncadd.s32 $0xFFFFD800  }
0x23: {  	[tilespmem:s18], [sflag:$0x1] =	stream.indirect.gather [hbm4b:s1+s17], $0x80, s0, s17, $0xb8;
	[tilespmem:$0xA940] =	vst v63  }
0x24: {  	_ =	swait.ge [sflag:s23], $0x2800  }
0x25: {  	[sflag:s23] =	ssyncset.done $0x0  }
0x26: {  	[sflag:s23] =	ssyncadd.s32 $0xFFFFD800  }
0x27: {  	[hbm4b:s8+s4] =	stream.linear.scatter [tilespmem:s19], [sflag:$0x3], $0x2800, $0x38;
	[tilespmem:$0xA940] =	vst v63  }
0x28: {  	_ =	swait.ge [sflag:s21], $0x2800  }
0x29: {  	[sflag:s21] =	ssyncset.done $0x0  }
0x2a: {  	s5 =	simm.s32 $0xF0;
	[sflag:s21] =	ssyncadd.s32 $0xFFFFD800  }
0x2b: {  	[tilespmem:s19], [sflag:$0x2] =	stream.indirect.gather [hbm4b:s1+s17], $0x80, s5, s17, $0xb8;
	[tilespmem:$0xA940] =	vst v63  }
0x2c: {  	_ =	swait.ge [sflag:s20], $0x2800  }
0x2d: {  	[sflag:s20] =	ssyncset.done $0x0  }
0x2e: {  	[sflag:s20] =	ssyncadd.s32 $0xFFFFD800  }
0x2f: {  	[hbm4b:s9+s4] =	stream.linear.scatter [tilespmem:s18], [sflag:$0x3], $0x2800, $0x38;
	[tilespmem:$0xA940] =	vst v63  }
0x30: {  	s22 =	stileid.u32;
	_ =	swait.ge [sflag:s23], $0x2800  }
0x31: {  	s0 =	sshll.u32 s22, $0x6;
	[sflag:s23] =	ssyncset.done $0x0  }
0x32: {  	s2 =	sshrl.u32 s11, $0x3;
	s31 =	sor.u32 $0x1C05, s0;
	[sflag:s23] =	ssyncadd.s32 $0xFFFFD800  }
0x33: {  	[hbm4b:s10+s4] =	stream.linear.scatter [tilespmem:s19], [sflag:$0x3], $0x2800, $0x38;
	[tilespmem:$0xA940] =	vst v63  }
0x34: {  	[spmem:s2], [sflag:s31] =	dma.local [hbm:s12], $0x500  }
0x35: {  	_ =	swait.ge [sflag:s16], $0x500  }
0x36: {  	[sflag:s16] =	ssyncset.done $0x0  }
0x37: {  	s24 =	rddreg [dreg:$0x5];
	[sflag:s16] =	ssyncadd.s32 $0xFFFFFB00  }
0x38: {  	[tilespmem:s25], [sflag:$0x5] =	stream.linear.gather [hbm4b:s24+s4], $0x800, $0x38;
	[tilespmem:$0xA940] =	vst v63  }
0x39: {  	_ =	swait.ge [sflag:s16], $0x800  }
0x3a: {  	[sflag:s16] =	ssyncset.done $0x0  }
0x3b: {  	s26 =	simm.s32 $0x5140;
	[sflag:s16] =	ssyncadd.s32 $0xFFFFF800  }
0x3c: {  	[tilespmem:s26], [sflag:$0x5] =	stream.linear.gather [hbm4b:s13+s4], $0x2800, $0x38;
	[tilespmem:$0xA940] =	vst v63  }
0x3d: {  	_ =	swait.ge [sflag:s16], $0x2800  }
0x3e: {  	[sflag:s16] =	ssyncset.done $0x0  }
0x3f: {  	[sflag:s16] =	ssyncadd.s32 $0xFFFFD800  }
0x40: {  	s5 =	simm.s32 $0x5140;
	[bflag:$0x0] =	sbarrier.arrive $0xFFFF  }
0x41: {  	[spmem:s3] =	stream.indirect.scatter.add.f32 [tilespmem:s25], [sflag:$0x4], $0x10, s5, s28, $0xb8;
	[tilespmem:$0xA940] =	vst v63  }
0x42: {  	s22 =	simm.s32 $0x51C0  }
0x43: {  	[spmem:s3] =	stream.indirect.scatter.add.f32 [tilespmem:s25], [sflag:$0x4], $0x10, s22, s28, $0xb8;
	[tilespmem:$0xA940] =	vst v63  }
0x44: {  	s24 =	simm.s32 $0x5240  }
0x45: {  	[spmem:s3] =	stream.indirect.scatter.add.f32 [tilespmem:s25], [sflag:$0x4], $0x10, s24, s28, $0xb8;
	[tilespmem:$0xA940] =	vst v63  }
0x46: {  	s26 =	simm.s32 $0x52C0  }
0x47: {  	[spmem:s3] =	stream.indirect.scatter.add.f32 [tilespmem:s25], [sflag:$0x4], $0x10, s26, s28, $0xb8;
	[tilespmem:$0xA940] =	vst v63  }
0x48: {  	_ =	swait.ge [sflag:s29], $0x800  }
0x49: {  	[sflag:s29] =	ssyncset.done $0x0  }
0x4a: {  	[sflag:s29] =	ssyncadd.s32 $0xFFFFF800  }
0x4b: {  	_ =	swait.ge [sflag:s29], $0x800  }
0x4c: {  	[sflag:s29] =	ssyncset.done $0x0  }
0x4d: {  	[sflag:s29] =	ssyncadd.s32 $0xFFFFF800  }
0x4e: {  	_ =	swait.ge [sflag:s29], $0x800  }
0x4f: {  	[sflag:s29] =	ssyncset.done $0x0  }
0x50: {  	[sflag:s29] =	ssyncadd.s32 $0xFFFFF800  }
0x51: {  	_ =	swait.ge [sflag:s29], $0x800  }
0x52: {  	s0 =	simm.s32 $0x200;
	s22 =	simm.s32 $0x1000;
	[sflag:s29] =	ssyncset.done $0x0  }
.LBB2_2:
0x53: {  	s24 =	sadd.s32 $0x5140, s0  }
0x54: {  	[sflag:s29] =	ssyncadd.s32 $0xFFFFF800;
	s26 =	smov.u32 s22;
	s5 =	sadd.s32 $0x800, s22  }
0x55: {  	[spmem:s3] =	stream.indirect.scatter.add.f32 [tilespmem:s25], [sflag:$0x4], $0x10, s24, s28, $0xb8;
	[tilespmem:$0xA940] =	vst v63  }
0x56: {  	p0 =	sne.s32 s22, $0x9800;
	s22 =	sadd.s32 $0x51C0, s0  }
0x57: {  	[spmem:s3] =	stream.indirect.scatter.add.f32 [tilespmem:s25], [sflag:$0x4], $0x10, s22, s28, $0xb8;
	[tilespmem:$0xA940] =	vst v63  }
0x58: {  	s22 =	sadd.s32 $0x5240, s0  }
0x59: {  	[spmem:s3] =	stream.indirect.scatter.add.f32 [tilespmem:s25], [sflag:$0x4], $0x10, s22, s28, $0xb8;
	[tilespmem:$0xA940] =	vst v63  }
0x5a: {  	s0 =	sadd.s32 $0x52C0, s0  }
0x5b: {  	[spmem:s3] =	stream.indirect.scatter.add.f32 [tilespmem:s25], [sflag:$0x4], $0x10, s0, s28, $0xb8;
	[tilespmem:$0xA940] =	vst v63  }
0x5c: {  	_ =	swait.ge [sflag:s29], $0x800  }
0x5d: {  	[sflag:s29] =	ssyncset.done $0x0  }
0x5e: {  	[sflag:s29] =	ssyncadd.s32 $0xFFFFF800  }
0x5f: {  	_ =	swait.ge [sflag:s29], $0x800  }
0x60: {  	[sflag:s29] =	ssyncset.done $0x0  }
0x61: {  	[sflag:s29] =	ssyncadd.s32 $0xFFFFF800  }
.Ltmp0:
0x62: {  	_ =	swait.ge [sflag:s29], $0x800;
	(pc) =	sbr.rel @p0 .LBB2_2-.Ltmp0, $4  }
0x63: {  	[sflag:s29] =	ssyncset.done $0x0  }
0x64: {  	[sflag:s29] =	ssyncadd.s32 $0xFFFFF800  }
0x65: {  	_ =	swait.ge [sflag:s29], $0x800  }
0x66: {  	s22 =	smov.u32 s5;
	s0 =	sshra.s32 s26, $0x2;
	[sflag:s29] =	ssyncset.done $0x0  }
0x67: {  	s5 =	sadd.s32 $0x5140, s0;
	[sflag:s29] =	ssyncadd.s32 $0xFFFFF800  }
0x68: {  	[spmem:s3] =	stream.indirect.scatter.add.f32 [tilespmem:s25], [sflag:$0x4], $0x10, s5, s28, $0xb8;
	[tilespmem:$0xA940] =	vst v63  }
0x69: {  	s22 =	sadd.s32 $0x51C0, s0  }
0x6a: {  	[spmem:s3] =	stream.indirect.scatter.add.f32 [tilespmem:s25], [sflag:$0x4], $0x10, s22, s28, $0xb8;
	[tilespmem:$0xA940] =	vst v63  }
0x6b: {  	s24 =	sadd.s32 $0x5240, s0  }
0x6c: {  	[spmem:s3] =	stream.indirect.scatter.add.f32 [tilespmem:s25], [sflag:$0x4], $0x10, s24, s28, $0xb8;
	[tilespmem:$0xA940] =	vst v63  }
0x6d: {  	s26 =	sadd.s32 $0x52C0, s0  }
0x6e: {  	[spmem:s3] =	stream.indirect.scatter.add.f32 [tilespmem:s25], [sflag:$0x4], $0x10, s26, s28, $0xb8;
	[tilespmem:$0xA940] =	vst v63  }
0x6f: {  	_ =	swait.ge [sflag:s29], $0x800  }
0x70: {  	[sflag:s29] =	ssyncset.done $0x0  }
0x71: {  	[sflag:s29] =	ssyncadd.s32 $0xFFFFF800  }
0x72: {  	_ =	swait.ge [sflag:s29], $0x800  }
0x73: {  	[sflag:s29] =	ssyncset.done $0x0  }
0x74: {  	[sflag:s29] =	ssyncadd.s32 $0xFFFFF800  }
0x75: {  	_ =	swait.ge [sflag:s29], $0x800  }
0x76: {  	[sflag:s29] =	ssyncset.done $0x0  }
0x77: {  	[sflag:s29] =	ssyncadd.s32 $0xFFFFF800  }
0x78: {  	_ =	swait.ge [sflag:s29], $0x800  }
0x79: {  	[sflag:s29] =	ssyncset.done $0x0  }
0x7a: {  	[sflag:s29] =	ssyncadd.s32 $0xFFFFF800  }
0x7b: {  	_ =	swait.ge [sflag:s21], $0x2800  }
0x7c: {  	[sflag:s21] =	ssyncset.done $0x0  }
0x7d: {  	[sflag:s21] =	ssyncadd.s32 $0xFFFFD800  }
0x7e: {  	_ =	swait.ge [sflag:s21], $0x2800  }
0x7f: {  	s30 =	sadd.s32 $0x1, s30;
	[sflag:s21] =	ssyncset.done $0x0  }
0x80: {  	p0 =	sne.s32 s30, s15;
	[sflag:s21] =	ssyncadd.s32 $0xFFFFD800  }
.Ltmp1:
0x81: {  	[bflag:$0x0] =	sbarrier.arrive $0xFFFF;
	(pc) =	sbr.rel @p0 .LBB2_1-.Ltmp1, $4  }
0x82: {  	[hbm:s14], [sflag:s31] =	dma.local [spmem:s2], $0x500  }
0x83: {  	_ =	swait.ge [sflag:s16], $0x500  }
0x84: {  	[sflag:s16] =	ssyncset.done $0x0  }
0x85: {  	[sflag:s16] =	ssyncadd.s32 $0xFFFFFB00  }
0x86: {  	_ =	sfence.sel $0x180000  }
0x87: {  	[bflag:$0x0] =	sbarrier.arrive $0xFFFF  }
0x88: {  	_ =	strace $0x90000047  }
0x89: {  	s0 =	stileid.u32;
	[bflag:$0x2] =	sbarrier.arrive $0xFFFF  }
0x8a: {  	p0 =	sne.s32 s0, $0x0;
	s0 =	rddreg [dreg:$0x4]  }
0x8b: {  	s0 =	sadd.s32 @!p0 $0x100000, s0  }
0x8c: {  	[sflag:s0] =	ssyncadd.tile.s32 @!p0 $0x1;
	_ =	shalt  }
.Lfunc_end2:
_tile_overlayer_lowered:
.L_overlay_start_2:
0x8d: {  	(tag) =	ssettag $0x2  }
0x8e: {  	s0 =	rddreg [dreg:$0x0];
	s2 =	stileid.u32  }
0x8f: {  	s1 =	rddreg [dreg:$0x1];
	p0 =	sne.s32 s2, $0x0  }
0x90: {  	s3 =	rddreg [dreg:$0x2];
	[bflag:$0x3] =	sbarrier.arrive $0xFFFF;
	s2 =	simm.s32 @!p0 $0x1C05  }
0x91: {  	[timem:s3], [sflag:s2] =	dma.local @!p0 [hbm:s0], s1  }
0x92: {  	s0 =	simm.s32 @!p0 $0x5  }
0x93: {  	_ =	swait.ge @!p0 [sflag:s0], s1  }
0x94: {  	s1 =	ssub.s32 @!p0 $0x0, s1;
	[sflag:s0] =	ssyncset.done @!p0 $0x0  }
0x95: {  	[sflag:s0] =	ssyncadd.s32 @!p0 s1  }
0x96: {  	[bflag:$0x3] =	sbarrier.arrive $0xFFFF  }
0x97: {  	_ =	shalt  }

// kernel: kernel.13.cloned.1.call-start
scs
__scs_entry_jumppad:
0x0: {  	(pc) =	sbr.rel $0x88, $3  }
0x1: {  	(tag) =	ssettag $0x0;
	lr =	simm.s32 $0x1  }
0x2: {  	[smem:$0x3F93] =	sst lr;
	_ =	strace $0xD0000000  }
0x3: {  	_ = 	snop  }
0x4: {  	_ = 	snop  }
0x5: {  	_ = 	snop  }
0x6: {  	_ = 	snop  }
0x7: {  	_ = 	snop  }
__scs_overlays_trampoline_lowered:
0x8: {  	[smem:$0x3FA2] =	sst s0  }
0x9: {  	[smem:$0x3FA3] =	sst s1  }
0xa: {  	[smem:$0x3FA4] =	sst s2  }
0xb: {  	[smem:$0x3FA5] =	sst s3  }
0xc: {  	[smem:$0x3FA6] =	sst s4  }
0xd: {  	[smem:$0x3FA7] =	sst s5  }
0xe: {  	[smem:$0x3FA8] =	sst s6  }
0xf: {  	[smem:$0x3FA9] =	sst s7  }
0x10: {  	[smem:$0x3FAA] =	sst s8  }
0x11: {  	[smem:$0x3FAB] =	sst s9;
	s0 =	simm.s32 @!p0 $0x0  }
0x12: {  	s1 =	sld [smem:$0x3F91];
	s0 =	simm.s32 @p0 $0x1  }
0x13: {  	[smem:$0x3FAC] =	sst s0;
	s0 =	simm.s32 @!p1 $0x0  }
0x14: {  	s2 =	sld [smem:$0x3F90];
	s0 =	simm.s32 @p1 $0x1  }
0x15: {  	[smem:$0x3FAD] =	sst s0;
	s0 =	simm.s32 @!p2 $0x0  }
0x16: {  	s3 =	sld [smem:$0x3FDB];
	s0 =	simm.s32 @p2 $0x1  }
0x17: {  	s4 =	simm.s32 $0x1BF5;
	[smem:$0x3FAF] =	sst s0  }
0x18: {  	s0 =	sld [smem:$0x3F92];
	_ =	swait.ge [sflag:s4], $0x0  }
0x19: {  	s7 =	sld [smem:$0x3F93]  }
0x1a: {  	s8 =	sadd.s32 $0xFFFFE003, lr  }
0x1b: {  	s9 =	sadd.s32 $0xFFFFFEF7, lr;
	s5 =	simm.s32 $0xFFFFFFFF;
	p2 =	slt.u32 s8, $0xFFFFF086  }
0x1c: {  	p1 =	slt.u32 s9, $0xF7A;
	s5 =	simm.s32 @!p2 $0x0  }
0x1d: {  	s5 =	simm.s32 @p1 $0x1;
	p0 =	seq.s32 s7, s2  }
0x1e: {  	s7 =	smul.u32 @!p0 $0xF7A, s2;
	p2 =	seq.s32 @!p0 s5, $0x0  }
0x1f: {  	s9 =	smul.u32 $0xF7A, s1;
	s8 =	simm.s32 @!p0 $0x1BF5;
	p2 =	por !p2, p0  }
0x20: {  	[sflag:s8] =	ssyncset.s32 @!p0 $0xFFFFF086;
	s6 =	sadd.s32 @!p0 s3, s7;
	s7 =	simm.s32 @!p0 $0x108  }
0x21: {  	s3 =	sadd.s32 s3, s9;
	s6 =	sadd.s32 @!p0 $0x88, s6;
	s7 =	simm.s32 @p2 $0x1082  }
0x22: {  	[simem:s7], [sflag:s8] =	dma.local @!p0 [hbm:s6], $0xF7A  }
0x23: {  	s9 =	sor.u32 $0xD0000000, s2;
	s6 =	simm.s32 $0x108;
	_ =	swait.ge @!p0 [sflag:s8], $0x0  }
0x24: {  	s3 =	sadd.s32 $0x88, s3;
	s6 =	simm.s32 @!p1 $0x1082;
	[sflag:s4] =	ssyncset.s32 $0xFFFFF086  }
0x25: {  	[simem:s6], [sflag:s4] =	dma.local [hbm:s3], $0xF7A  }
0x26: {  	[smem:$0x3F93] =	sst s1;
	(tag) =	ssettag s2;
	_ =	strace s9  }
0x27: {  	s1 =	sld [smem:$0x3FA3]  }
0x28: {  	s2 =	sld [smem:$0x3FA4]  }
0x29: {  	s4 =	sld [smem:$0x3FA6]  }
0x2a: {  	p0 =	seq.s32 s5, $0x0;
	s5 =	sld [smem:$0x3FA7]  }
0x2b: {  	s6 =	sld [smem:$0x3FA8]  }
0x2c: {  	s7 =	sld [smem:$0x3FA9]  }
0x2d: {  	s3 =	simm.s32 $0x108;
	s8 =	sld [smem:$0x3FAA]  }
0x2e: {  	s3 =	simm.s32 @!p0 $0x1082;
	s9 =	sld [smem:$0x3FAB]  }
0x2f: {  	lr =	sadd.s32 s0, s3;
	s0 =	sld [smem:$0x3FA2]  }
0x30: {  	s3 =	sld [smem:$0x3FA5]  }
0x31: {  	[smem:$0x3FAE] =	sst s10  }
0x32: {  	s10 =	sld [smem:$0x3FAC];
	_ =	sdelay $0x3  }
0x33: {  	p0 =	seq.s32 s10, $0x1;
	s10 =	sld [smem:$0x3FAE];
	_ =	sdelay $0x3  }
0x34: {  	[smem:$0x3FAE] =	sst s10  }
0x35: {  	s10 =	sld [smem:$0x3FAD];
	_ =	sdelay $0x3  }
0x36: {  	p1 =	seq.s32 s10, $0x1;
	s10 =	sld [smem:$0x3FAE];
	_ =	sdelay $0x3  }
0x37: {  	[smem:$0x3FAE] =	sst s10  }
0x38: {  	s10 =	sld [smem:$0x3FAF]  }
0x39: {  	_ = 	snop;
	(pc) =	sbr.ind lr, $3  }
0x3a: {  	_ = 	snop  }
0x3b: {  	_ = 	snop  }
0x3c: {  	p2 =	seq.s32 s10, $0x1;
	s10 =	sld [smem:$0x3FAE]  }
0x3d: {  	_ =	shalt  }
0x3e: {  	_ =	shalt  }
0x3f: {  	_ =	shalt  }
0x40: {  	_ =	shalt  }
0x41: {  	_ =	shalt  }
0x42: {  	_ =	shalt  }
0x43: {  	_ =	shalt  }
0x44: {  	_ =	shalt  }
0x45: {  	_ =	shalt  }
0x46: {  	_ =	shalt  }
0x47: {  	_ =	shalt  }
0x48: {  	_ =	shalt  }
0x49: {  	_ =	shalt  }
0x4a: {  	_ =	shalt  }
0x4b: {  	_ =	shalt  }
0x4c: {  	_ =	shalt  }
0x4d: {  	_ =	shalt  }
0x4e: {  	_ =	shalt  }
0x4f: {  	_ =	shalt  }
0x50: {  	_ =	shalt  }
0x51: {  	_ =	shalt  }
0x52: {  	_ =	shalt  }
0x53: {  	_ =	shalt  }
0x54: {  	_ =	shalt  }
0x55: {  	_ =	shalt  }
0x56: {  	_ =	shalt  }
0x57: {  	_ =	shalt  }
0x58: {  	_ =	shalt  }
0x59: {  	_ =	shalt  }
0x5a: {  	_ =	shalt  }
0x5b: {  	_ =	shalt  }
0x5c: {  	_ =	shalt  }
0x5d: {  	_ =	shalt  }
0x5e: {  	_ =	shalt  }
0x5f: {  	_ =	shalt  }
0x60: {  	_ =	shalt  }
0x61: {  	_ =	shalt  }
0x62: {  	_ =	shalt  }
0x63: {  	_ =	shalt  }
0x64: {  	_ =	shalt  }
0x65: {  	_ =	shalt  }
0x66: {  	_ =	shalt  }
0x67: {  	_ =	shalt  }
0x68: {  	_ =	shalt  }
0x69: {  	_ =	shalt  }
0x6a: {  	_ =	shalt  }
0x6b: {  	_ =	shalt  }
0x6c: {  	_ =	shalt  }
0x6d: {  	_ =	shalt  }
0x6e: {  	_ =	shalt  }
0x6f: {  	_ =	shalt  }
0x70: {  	_ =	shalt  }
0x71: {  	_ =	shalt  }
0x72: {  	_ =	shalt  }
0x73: {  	_ =	shalt  }
0x74: {  	_ =	shalt  }
0x75: {  	_ =	shalt  }
0x76: {  	_ =	shalt  }
0x77: {  	_ =	shalt  }
0x78: {  	_ =	shalt  }
0x79: {  	_ =	shalt  }
0x7a: {  	_ =	shalt  }
0x7b: {  	_ =	shalt  }
0x7c: {  	_ =	shalt  }
0x7d: {  	_ =	shalt  }
0x7e: {  	_ =	shalt  }
0x7f: {  	_ =	shalt  }
0x80: {  	_ =	shalt  }
0x81: {  	_ =	shalt  }
0x82: {  	_ =	shalt  }
0x83: {  	_ =	shalt  }
0x84: {  	_ =	shalt  }
0x85: {  	_ =	shalt  }
0x86: {  	_ =	shalt  }
0x87: {  	_ =	shalt  }
.Lfunc_end0:
.L_simem_size_0:
called_computation.1_lowered:
.L_overlay_start_0:
0x88: {  	s2 =	sld [smem:$0x3FD9]  }
0x89: {  	s3 =	sld [smem:$0x3FFE];
	_ =	sdelay $0x1  }
0x8a: {  	s1 =	srdreg.scid  }
0x8b: {  	s0 =	sand.u32 $0x1, s1  }
0x8c: {  	s16 =	sshll.u32 s0, $0xA;
	s2 =	sadd.s32 s3, s2  }
0x8d: {  	s2 =	sadd.s32 s2, s16  }
0x8e: {  	[smem:$0x3FBA] =	sst s2  }
0x8f: {  	_ = 	snop  }
0x90: {  	(tm) =	ssettm $0x1  }
0x91: {  	s17 =	sld [smem:$0x3FFB];
	_ =	sdelay $0x3  }
0x92: {  	_ =	strace s17  }
0x93: {  	s2 =	sld [smem:$0x3FFC];
	_ =	sdelay $0x3  }
0x94: {  	_ =	strace s2  }
0x95: {  	s2 =	sld [smem:$0x3FFD];
	_ =	sdelay $0x3  }
0x96: {  	_ =	strace s2  }
0x97: {  	_ =	strace $0x8FFFFFFF  }
0x98: {  	s18 =	sld [smem:$0x3FDB];
	_ =	sdelay $0x1  }
0x99: {  	s19 =	simm.s32 $_scs_section_size  }
0x9a: {  	s4 =	simm.s32 $_size__tile_overlayer_lowered;
	s5 =	simm.s32 $_tile_overlayer_lowered  }
0x9b: {  	s22 =	simm.s32 $0x1BFF;
	s21 =	sshll.u32 s5, $0x1;
	s2 =	sadd.s32 s19, s18  }
0x9c: {  	s6 =	simm.s32 $0x0;
	s20 =	sshll.u32 s4, $0x1;
	s4 =	sadd.s32 s21, s2  }
0x9d: {  	[timem:s6], [sflag:s22] =	dma.local [hbm:s4], s20  }
0x9e: {  	_ =	swait.ge [sflag:s22], s20  }
0x9f: {  	s3 =	ssub.s32 $0x0, s20;
	[sflag:s22] =	ssyncset.done $0x0  }
0xa0: {  	[sflag:s22] =	ssyncadd.s32 s3;
	_ =	sdelay $0x1  }
0xa1: {  	s23 =	simm.s32 $0x1B8B  }
0xa2: {  	_ =	swait.ge [sflag:s23], $0x1  }
0xa3: {  	[sflag:s23] =	ssyncset.done $0x0  }
0xa4: {  	s25 =	simm.s32 $0x1B8E;
	s24 =	sld [smem:$0x3FFE];
	[sflag:s23] =	ssyncadd.s32 $0xFFFFFFFF  }
0xa5: {  	s26 =	simm.s32 $execute0_lowered;
	[smem:$0x3FD2] =	sst s25  }
0xa6: {  	s4 =	sshll.u32 s26, $0x1;
	_ =	strace $0x80000049;
	[dreg:$0x1] =	wrdreg $0xFFFFFFFF  }
0xa7: {  	s28 =	simm.s32 $_size_execute0_lowered;
	s2 =	sadd.s32 s2, s4;
	[dreg:$0x0] =	wrdreg $0x0  }
0xa8: {  	s4 =	sshll.u32 s28, $0x1;
	[dreg:$0x2] =	wrdreg s2  }
0xa9: {  	[dreg:$0x3] =	wrdreg s4  }
0xaa: {  	[dreg:$0x4] =	wrdreg $0xC0  }
0xab: {  	_ =	task [dreg:s6], $0x5FFFF  }
0xac: {  	[dreg:$0x1] =	wrdreg $0xFFFFFFFF  }
0xad: {  	[dreg:$0x0] =	wrdreg $0x60  }
0xae: {  	[dreg:$0x2] =	wrdreg s24  }
0xaf: {  	[dreg:$0x3] =	wrdreg $0x120000  }
0xb0: {  	[dreg:$0x4] =	wrdreg $0x9  }
0xb1: {  	_ =	task.clear_ibuf [dreg:s6], $0x5FFFF;
	_ =	strace $0x90000049  }
0xb2: {  	s29 =	simm.s32 $0x9;
	_ =	strace $0x8000004B  }
0xb3: {  	_ =	swait.ge [sflag:s29], $0x1  }
0xb4: {  	[sflag:s29] =	ssyncadd.s32 $0xFFFFFFFF  }
0xb5: {  	_ =	strace $0x9000004B  }
0xb6: {  	_ =	sfence  }
0xb7: {  	s30 =	sld [smem:$0x0];
	_ =	sdelay $0x2  }
0xb8: {  	s31 =	sshll.u32 s1, $0xD;
	s1 =	sshrl.u32 s1, $0x2  }
0xb9: {  	s3 =	sand.u32 $0x4000, s31;
	s1 =	sadd.s32 s1, s30  }
0xba: {  	s0 =	sor.u32 s3, s0;
	s1 =	sshll.u32 s1, $0x11  }
0xbb: {  	s0 =	sor.u32 s1, s0  }
0xbc: {  	s0 =	sadd.s32 $0x8F2B, s0  }
0xbd: {  	[sflag:s0] =	ssyncadd.remote.s32 $0x1  }
0xbe: {  	_ =	sfence.sel $0xFFFF  }
0xbf: {  	[dreg:$0x0] =	wrdreg $0xFFFFFFFF;
	(pc) =	sbr.abs _section_cstart, $3  }
0xc0: {  	[dreg:$0x1] =	wrdreg $0xFFFFFFFF  }
0xc1: {  	_ =	task.clear_ibuf [dreg:s6], $0x2FFFF;
	_ =	strace $0x9FFFFFFF  }
0xc2: {  	(tm) =	ssettm $0x7FFFFFFF  }
0xc3: {  	_ =	shalt  }
tec
execute0_lowered:
.L_overlay_start_1:
0x0: {  	(tag) =	ssettag $0x1  }
0x1: {  	s0 =	srdreg.scid;
	s1 =	rddreg [dreg:$0x0]  }
0x2: {  	s10 =	stileid.u32;
	s2 =	rddreg [dreg:$0x1];
	s3 =	simm.s32 $0x0  }
0x3: {  	s12 =	simm.s32 $0x9;
	s13 =	simm.s32 $0x5000;
	s14 =	simm.s32 $0x80  }
0x4: {  	s15 =	simm.s32 $0xA000;
	s16 =	simm.s32 $0xC000;
	s18 =	simm.s32 $0xE000  }
0x5: {  	s19 =	simm.s32 $0x1;
	s21 =	simm.s32 $0x10000;
	s22 =	simm.s32 $0x2  }
0x6: {  	s28 =	simm.s32 $0x4;
	s29 =	simm.s32 $0x7;
	s5 =	smul.u32 $0xA00, s10  }
0x7: {  	s30 =	simm.s32 $0x8;
	s0 =	sand.u32 $0x1, s0;
	s6 =	smul.u32 $0xA000, s10  }
0x8: {  	s31 =	simm.s32 $0x9F00;
	[smem:$0x7FF] =	sst s3;
	s4 =	smul.u32 $0x14000, s0  }
0x9: {  	s26 =	sshll.u32 s10, $0x6;
	s7 =	smul.u32 $0xA0000, s0;
	_ =	strace $0x8000004A  }
0xa: {  	s0 =	ssub.s32 $0x2, s0;
	s9 =	sadd.s32 s5, s1;
	s23 =	sshrl.u32 s6, $0x3  }
0xb: {  	s25 =	sshrl.u32 s0, $0x1;
	s11 =	sadd.s32 s6, s2;
	s8 =	sadd.s32 s4, s1  }
0xc: {  	s24 =	sadd.s32 s6, s7;
	s4 =	sadd.s32 s23, s1;
	s0 =	ssub.s32 s0, s25  }
0xd: {  	s6 =	sadd.s32 $0x44200, s9;
	s7 =	sadd.s32 $0x3000, s9;
	s11 =	sshrl.u32 s11, $0x3  }
0xe: {  	s25 =	simm.s32 $0x3;
	s5 =	sshrl.u32 s24, $0x3;
	s4 =	sadd.s32 $0x9E200, s4  }
0xf: {  	s8 =	sadd.s32 $0xD000, s8;
	s10 =	smax.u32 s0, $0x1;
	s24 =	simm.s32 $0x5  }
0x10: {  	s0 =	simm.s32 $0x0;
	s1 =	sadd.s32 s5, s1;
	s5 =	sor.u32 $0x1C09, s26  }
0x11: {  	s26 =	simm.s32 $0x6;
	s9 =	sadd.s32 $0xB2200, s1;
	s1 =	simm.s32 $0x9F80  }
.LBB2_1:
0x12: {  	[spmem:s11], [sflag:s5] =	dma.local [hbm:s4], $0x1400  }
0x13: {  	_ =	swait.ge [sflag:s12], $0x1400  }
0x14: {  	[sflag:s12] =	ssyncset.done $0x0  }
0x15: {  	[sflag:s12] =	ssyncadd.s32 $0xFFFFEC00  }
0x16: {  	[tilespmem:s3], [sflag:$0x9] =	stream.linear.gather [hbm4b:s6+s3], $0x5000, $0x38;
	[tilespmem:$0x1C000] =	vst v63  }
0x17: {  	_ =	swait.ge [sflag:s12], $0x5000  }
0x18: {  	[sflag:s12] =	ssyncset.done $0x0  }
0x19: {  	[sflag:s12] =	ssyncadd.s32 $0xFFFFB000  }
0x1a: {  	[tilespmem:s13], [sflag:$0x9] =	stream.linear.gather [hbm4b:s7+s3], $0x5000, $0x38;
	[tilespmem:$0x1C000] =	vst v63  }
0x1b: {  	_ =	swait.ge [sflag:s12], $0x5000  }
0x1c: {  	[sflag:s12] =	ssyncset.done $0x0  }
0x1d: {  	[sflag:s12] =	ssyncadd.s32 $0xFFFFB000  }
0x1e: {  	[bflag:$0x0] =	sbarrier.arrive $0xFFFF  }
0x1f: {  	[tilespmem:s15], [sflag:$0x1] =	stream.indirect.gather [hbm4b:s8+s14], $0x40, s3, s14, $0xb8;
	[tilespmem:$0x1C000] =	vst v63  }
0x20: {  	_ = 	snop  }
0x21: {  	[tilespmem:s16], [sflag:$0x2] =	stream.indirect.gather [hbm4b:s8+s14], $0x40, s14, s14, $0xb8;
	[tilespmem:$0x1C000] =	vst v63  }
0x22: {  	s17 =	simm.s32 $0x100  }
0x23: {  	[tilespmem:s18], [sflag:$0x3] =	stream.indirect.gather [hbm4b:s8+s14], $0x40, s17, s14, $0xb8;
	[tilespmem:$0x1C000] =	vst v63  }
0x24: {  	_ =	swait.ge [sflag:s19], $0x2000  }
0x25: {  	[sflag:s19] =	ssyncset.done $0x0  }
0x26: {  	[sflag:s19] =	ssyncadd.s32 $0xFFFFE000  }
0x27: {  	[spmem:s2] =	stream.indirect.scatter.add.f32 [tilespmem:s15], [sflag:$0x5], $0x40, s13, s14, $0xb8;
	[tilespmem:$0x1C000] =	vst v63  }
0x28: {  	s23 =	simm.s32 $0x180  }
0x29: {  	[tilespmem:s21], [sflag:$0x4] =	stream.indirect.gather [hbm4b:s8+s14], $0x40, s23, s14, $0xb8;
	[tilespmem:$0x1C000] =	vst v63  }
0x2a: {  	_ =	swait.ge [sflag:s22], $0x2000  }
0x2b: {  	[sflag:s22] =	ssyncset.done $0x0  }
0x2c: {  	s20 =	simm.s32 $0x5080;
	[sflag:s22] =	ssyncadd.s32 $0xFFFFE000  }
0x2d: {  	[spmem:s2] =	stream.indirect.scatter.add.f32 [tilespmem:s16], [sflag:$0x6], $0x40, s20, s14, $0xb8;
	[tilespmem:$0x1C000] =	vst v63  }
0x2e: {  	_ =	swait.ge [sflag:s24], $0x2000  }
0x2f: {  	[sflag:s24] =	ssyncset.done $0x0  }
0x30: {  	s23 =	simm.s32 $0x200;
	[sflag:s24] =	ssyncadd.s32 $0xFFFFE000  }
0x31: {  	[tilespmem:s15], [sflag:$0x1] =	stream.indirect.gather [hbm4b:s8+s14], $0x40, s23, s14, $0xb8;
	[tilespmem:$0x1C000] =	vst v63  }
0x32: {  	_ =	swait.ge [sflag:s25], $0x2000  }
0x33: {  	[sflag:s25] =	ssyncset.done $0x0  }
0x34: {  	s20 =	simm.s32 $0x5100;
	[sflag:s25] =	ssyncadd.s32 $0xFFFFE000  }
0x35: {  	[spmem:s2] =	stream.indirect.scatter.add.f32 [tilespmem:s18], [sflag:$0x7], $0x40, s20, s14, $0xb8;
	[tilespmem:$0x1C000] =	vst v63  }
0x36: {  	_ =	swait.ge [sflag:s26], $0x2000  }
0x37: {  	[sflag:s26] =	ssyncset.done $0x0  }
0x38: {  	s23 =	simm.s32 $0x280;
	[sflag:s26] =	ssyncadd.s32 $0xFFFFE000  }
0x39: {  	[tilespmem:s16], [sflag:$0x2] =	stream.indirect.gather [hbm4b:s8+s14], $0x40, s23, s14, $0xb8;
	[tilespmem:$0x1C000] =	vst v63  }
0x3a: {  	_ =	swait.ge [sflag:s28], $0x2000  }
0x3b: {  	[sflag:s28] =	ssyncset.done $0x0  }
0x3c: {  	s20 =	simm.s32 $0x5180;
	[sflag:s28] =	ssyncadd.s32 $0xFFFFE000  }
0x3d: {  	[spmem:s2] =	stream.indirect.scatter.add.f32 [tilespmem:s21], [sflag:$0x8], $0x40, s20, s14, $0xb8;
	[tilespmem:$0x1C000] =	vst v63  }
0x3e: {  	_ =	swait.ge [sflag:s29], $0x2000  }
0x3f: {  	[sflag:s29] =	ssyncset.done $0x0  }
0x40: {  	s23 =	simm.s32 $0x300;
	[sflag:s29] =	ssyncadd.s32 $0xFFFFE000  }
0x41: {  	[tilespmem:s18], [sflag:$0x3] =	stream.indirect.gather [hbm4b:s8+s14], $0x40, s23, s14, $0xb8;
	[tilespmem:$0x1C000] =	vst v63  }
0x42: {  	_ =	swait.ge [sflag:s19], $0x2000  }
0x43: {  	[sflag:s19] =	ssyncset.done $0x0  }
0x44: {  	s20 =	simm.s32 $0x5200;
	[sflag:s19] =	ssyncadd.s32 $0xFFFFE000  }
0x45: {  	[spmem:s2] =	stream.indirect.scatter.add.f32 [tilespmem:s15], [sflag:$0x5], $0x40, s20, s14, $0xb8;
	[tilespmem:$0x1C000] =	vst v63  }
0x46: {  	_ =	swait.ge [sflag:s30], $0x2000  }
0x47: {  	[sflag:s30] =	ssyncset.done $0x0  }
0x48: {  	s23 =	simm.s32 $0x380;
	[sflag:s30] =	ssyncadd.s32 $0xFFFFE000  }
0x49: {  	[tilespmem:s21], [sflag:$0x4] =	stream.indirect.gather [hbm4b:s8+s14], $0x40, s23, s14, $0xb8;
	[tilespmem:$0x1C000] =	vst v63  }
0x4a: {  	_ =	swait.ge [sflag:s22], $0x2000  }
0x4b: {  	[sflag:s22] =	ssyncset.done $0x0  }
0x4c: {  	s17 =	simm.s32 $0x800;
	s20 =	simm.s32 $0x5280;
	[sflag:s22] =	ssyncadd.s32 $0xFFFFE000  }
.LBB2_2:
0x4d: {  	[spmem:s2] =	stream.indirect.scatter.add.f32 [tilespmem:s16], [sflag:$0x6], $0x40, s20, s14, $0xb8;
	[tilespmem:$0x1C000] =	vst v63  }
0x4e: {  	s20 =	smov.u32 s17  }
0x4f: {  	p0 =	sne.s32 s17, $0x13000;
	s17 =	sadd.s32 $0x800, s17;
	_ =	swait.ge [sflag:s24], $0x2000  }
0x50: {  	s20 =	sshra.s32 s20, $0x2;
	[sflag:s24] =	ssyncset.done $0x0  }
0x51: {  	s23 =	sadd.s32 $0x200, s20;
	[sflag:s24] =	ssyncadd.s32 $0xFFFFE000  }
0x52: {  	[tilespmem:s15], [sflag:$0x1] =	stream.indirect.gather [hbm4b:s8+s14], $0x40, s23, s14, $0xb8;
	[tilespmem:$0x1C000] =	vst v63  }
0x53: {  	_ =	swait.ge [sflag:s25], $0x2000  }
0x54: {  	[sflag:s25] =	ssyncset.done $0x0  }
0x55: {  	s23 =	sadd.s32 $0x5100, s20;
	[sflag:s25] =	ssyncadd.s32 $0xFFFFE000  }
0x56: {  	[spmem:s2] =	stream.indirect.scatter.add.f32 [tilespmem:s18], [sflag:$0x7], $0x40, s23, s14, $0xb8;
	[tilespmem:$0x1C000] =	vst v63  }
0x57: {  	_ =	swait.ge [sflag:s26], $0x2000  }
0x58: {  	[sflag:s26] =	ssyncset.done $0x0  }
0x59: {  	s23 =	sadd.s32 $0x280, s20;
	[sflag:s26] =	ssyncadd.s32 $0xFFFFE000  }
0x5a: {  	[tilespmem:s16], [sflag:$0x2] =	stream.indirect.gather [hbm4b:s8+s14], $0x40, s23, s14, $0xb8;
	[tilespmem:$0x1C000] =	vst v63  }
0x5b: {  	_ =	swait.ge [sflag:s28], $0x2000  }
0x5c: {  	[sflag:s28] =	ssyncset.done $0x0  }
0x5d: {  	s23 =	sadd.s32 $0x5180, s20;
	[sflag:s28] =	ssyncadd.s32 $0xFFFFE000  }
0x5e: {  	[spmem:s2] =	stream.indirect.scatter.add.f32 [tilespmem:s21], [sflag:$0x8], $0x40, s23, s14, $0xb8;
	[tilespmem:$0x1C000] =	vst v63  }
0x5f: {  	_ =	swait.ge [sflag:s29], $0x2000  }
0x60: {  	[sflag:s29] =	ssyncset.done $0x0  }
0x61: {  	s23 =	sadd.s32 $0x300, s20;
	[sflag:s29] =	ssyncadd.s32 $0xFFFFE000  }
0x62: {  	[tilespmem:s18], [sflag:$0x3] =	stream.indirect.gather [hbm4b:s8+s14], $0x40, s23, s14, $0xb8;
	[tilespmem:$0x1C000] =	vst v63  }
0x63: {  	_ =	swait.ge [sflag:s19], $0x2000  }
0x64: {  	[sflag:s19] =	ssyncset.done $0x0  }
0x65: {  	s23 =	sadd.s32 $0x5200, s20;
	[sflag:s19] =	ssyncadd.s32 $0xFFFFE000  }
0x66: {  	[spmem:s2] =	stream.indirect.scatter.add.f32 [tilespmem:s15], [sflag:$0x5], $0x40, s23, s14, $0xb8;
	[tilespmem:$0x1C000] =	vst v63  }
0x67: {  	_ =	swait.ge [sflag:s30], $0x2000  }
0x68: {  	[sflag:s30] =	ssyncset.done $0x0  }
.Ltmp0:
0x69: {  	s23 =	sadd.s32 $0x380, s20;
	[sflag:s30] =	ssyncadd.s32 $0xFFFFE000;
	(pc) =	sbr.rel @p0 .LBB2_2-.Ltmp0, $4  }
0x6a: {  	[tilespmem:s21], [sflag:$0x4] =	stream.indirect.gather [hbm4b:s8+s14], $0x40, s23, s14, $0xb8;
	[tilespmem:$0x1C000] =	vst v63  }
0x6b: {  	_ =	swait.ge [sflag:s22], $0x2000  }
0x6c: {  	[sflag:s22] =	ssyncset.done $0x0  }
0x6d: {  	s20 =	sadd.s32 $0x5280, s20;
	[sflag:s22] =	ssyncadd.s32 $0xFFFFE000  }
0x6e: {  	[spmem:s2] =	stream.indirect.scatter.add.f32 [tilespmem:s16], [sflag:$0x6], $0x40, s20, s14, $0xb8;
	[tilespmem:$0x1C000] =	vst v63  }
0x6f: {  	_ =	swait.ge [sflag:s25], $0x2000  }
0x70: {  	[sflag:s25] =	ssyncset.done $0x0  }
0x71: {  	[sflag:s25] =	ssyncadd.s32 $0xFFFFE000  }
0x72: {  	[spmem:s2] =	stream.indirect.scatter.add.f32 [tilespmem:s18], [sflag:$0x7], $0x40, s31, s14, $0xb8;
	[tilespmem:$0x1C000] =	vst v63  }
0x73: {  	_ =	swait.ge [sflag:s28], $0x2000  }
0x74: {  	[sflag:s28] =	ssyncset.done $0x0  }
0x75: {  	[sflag:s28] =	ssyncadd.s32 $0xFFFFE000  }
0x76: {  	[spmem:s2] =	stream.indirect.scatter.add.f32 [tilespmem:s21], [sflag:$0x8], $0x40, s1, s14, $0xb8;
	[tilespmem:$0x1C000] =	vst v63  }
0x77: {  	_ =	swait.ge [sflag:s24], $0x2000  }
0x78: {  	[sflag:s24] =	ssyncset.done $0x0  }
0x79: {  	[sflag:s24] =	ssyncadd.s32 $0xFFFFE000  }
0x7a: {  	_ =	swait.ge [sflag:s26], $0x2000  }
0x7b: {  	[sflag:s26] =	ssyncset.done $0x0  }
0x7c: {  	[sflag:s26] =	ssyncadd.s32 $0xFFFFE000  }
0x7d: {  	_ =	swait.ge [sflag:s29], $0x2000  }
0x7e: {  	[sflag:s29] =	ssyncset.done $0x0  }
0x7f: {  	[sflag:s29] =	ssyncadd.s32 $0xFFFFE000  }
0x80: {  	_ =	swait.ge [sflag:s30], $0x2000  }
0x81: {  	s0 =	sadd.s32 $0x1, s0;
	[sflag:s30] =	ssyncset.done $0x0  }
0x82: {  	p0 =	sne.s32 s0, s10;
	[sflag:s30] =	ssyncadd.s32 $0xFFFFE000  }
.Ltmp1:
0x83: {  	[bflag:$0x0] =	sbarrier.arrive $0xFFFF;
	(pc) =	sbr.rel @p0 .LBB2_1-.Ltmp1, $4  }
0x84: {  	[hbm:s9], [sflag:s5] =	dma.local [spmem:s11], $0x1400  }
0x85: {  	_ =	swait.ge [sflag:s12], $0x1400  }
0x86: {  	[sflag:s12] =	ssyncset.done $0x0  }
0x87: {  	[sflag:s12] =	ssyncadd.s32 $0xFFFFEC00  }
0x88: {  	_ =	sfence.sel $0x180000  }
0x89: {  	[bflag:$0x0] =	sbarrier.arrive $0xFFFF  }
0x8a: {  	_ =	strace $0x9000004A  }
0x8b: {  	s0 =	stileid.u32;
	[bflag:$0x2] =	sbarrier.arrive $0xFFFF  }
0x8c: {  	p0 =	sne.s32 s0, $0x0;
	s0 =	rddreg [dreg:$0x2]  }
0x8d: {  	s0 =	sadd.s32 @!p0 $0x100000, s0  }
0x8e: {  	[sflag:s0] =	ssyncadd.tile.s32 @!p0 $0x1;
	_ =	shalt  }
.Lfunc_end2:
_tile_overlayer_lowered:
.L_overlay_start_2:
0x8f: {  	(tag) =	ssettag $0x2  }
0x90: {  	s0 =	rddreg [dreg:$0x0];
	s2 =	stileid.u32  }
0x91: {  	s1 =	rddreg [dreg:$0x1];
	p0 =	sne.s32 s2, $0x0  }
0x92: {  	s3 =	rddreg [dreg:$0x2];
	[bflag:$0x3] =	sbarrier.arrive $0xFFFF;
	s2 =	simm.s32 @!p0 $0x1C09  }
0x93: {  	[timem:s3], [sflag:s2] =	dma.local @!p0 [hbm:s0], s1  }
0x94: {  	s0 =	simm.s32 @!p0 $0x9  }
0x95: {  	_ =	swait.ge @!p0 [sflag:s0], s1  }
0x96: {  	s1 =	ssub.s32 @!p0 $0x0, s1;
	[sflag:s0] =	ssyncset.done @!p0 $0x0  }
0x97: {  	[sflag:s0] =	ssyncadd.s32 @!p0 s1  }
0x98: {  	[bflag:$0x3] =	sbarrier.arrive $0xFFFF  }
0x99: {  	_ =	shalt  }

// kernel: kernel.16.cloned.1.call-start
scs
__scs_entry_jumppad:
0x0: {  	(pc) =	sbr.rel $0x88, $3  }
0x1: {  	(tag) =	ssettag $0x0;
	lr =	simm.s32 $0x1  }
0x2: {  	[smem:$0x3F93] =	sst lr;
	_ =	strace $0xD0000000  }
0x3: {  	_ = 	snop  }
0x4: {  	_ = 	snop  }
0x5: {  	_ = 	snop  }
0x6: {  	_ = 	snop  }
0x7: {  	_ = 	snop  }
__scs_overlays_trampoline_lowered:
0x8: {  	[smem:$0x3FA2] =	sst s0  }
0x9: {  	[smem:$0x3FA3] =	sst s1  }
0xa: {  	[smem:$0x3FA4] =	sst s2  }
0xb: {  	[smem:$0x3FA5] =	sst s3  }
0xc: {  	[smem:$0x3FA6] =	sst s4  }
0xd: {  	[smem:$0x3FA7] =	sst s5  }
0xe: {  	[smem:$0x3FA8] =	sst s6  }
0xf: {  	[smem:$0x3FA9] =	sst s7  }
0x10: {  	[smem:$0x3FAA] =	sst s8  }
0x11: {  	[smem:$0x3FAB] =	sst s9;
	s0 =	simm.s32 @!p0 $0x0  }
0x12: {  	s1 =	sld [smem:$0x3F91];
	s0 =	simm.s32 @p0 $0x1  }
0x13: {  	[smem:$0x3FAC] =	sst s0;
	s0 =	simm.s32 @!p1 $0x0  }
0x14: {  	s2 =	sld [smem:$0x3F90];
	s0 =	simm.s32 @p1 $0x1  }
0x15: {  	[smem:$0x3FAD] =	sst s0;
	s0 =	simm.s32 @!p2 $0x0  }
0x16: {  	s3 =	sld [smem:$0x3FDB];
	s0 =	simm.s32 @p2 $0x1  }
0x17: {  	s4 =	simm.s32 $0x1BF5;
	[smem:$0x3FAF] =	sst s0  }
0x18: {  	s0 =	sld [smem:$0x3F92];
	_ =	swait.ge [sflag:s4], $0x0  }
0x19: {  	s7 =	sld [smem:$0x3F93]  }
0x1a: {  	s8 =	sadd.s32 $0xFFFFE003, lr  }
0x1b: {  	s9 =	sadd.s32 $0xFFFFFEF7, lr;
	s5 =	simm.s32 $0xFFFFFFFF;
	p2 =	slt.u32 s8, $0xFFFFF086  }
0x1c: {  	p1 =	slt.u32 s9, $0xF7A;
	s5 =	simm.s32 @!p2 $0x0  }
0x1d: {  	s5 =	simm.s32 @p1 $0x1;
	p0 =	seq.s32 s7, s2  }
0x1e: {  	s7 =	smul.u32 @!p0 $0xF7A, s2;
	p2 =	seq.s32 @!p0 s5, $0x0  }
0x1f: {  	s9 =	smul.u32 $0xF7A, s1;
	s8 =	simm.s32 @!p0 $0x1BF5;
	p2 =	por !p2, p0  }
0x20: {  	[sflag:s8] =	ssyncset.s32 @!p0 $0xFFFFF086;
	s6 =	sadd.s32 @!p0 s3, s7;
	s7 =	simm.s32 @!p0 $0x108  }
0x21: {  	s3 =	sadd.s32 s3, s9;
	s6 =	sadd.s32 @!p0 $0x88, s6;
	s7 =	simm.s32 @p2 $0x1082  }
0x22: {  	[simem:s7], [sflag:s8] =	dma.local @!p0 [hbm:s6], $0xF7A  }
0x23: {  	s9 =	sor.u32 $0xD0000000, s2;
	s6 =	simm.s32 $0x108;
	_ =	swait.ge @!p0 [sflag:s8], $0x0  }
0x24: {  	s3 =	sadd.s32 $0x88, s3;
	s6 =	simm.s32 @!p1 $0x1082;
	[sflag:s4] =	ssyncset.s32 $0xFFFFF086  }
0x25: {  	[simem:s6], [sflag:s4] =	dma.local [hbm:s3], $0xF7A  }
0x26: {  	[smem:$0x3F93] =	sst s1;
	(tag) =	ssettag s2;
	_ =	strace s9  }
0x27: {  	s1 =	sld [smem:$0x3FA3]  }
0x28: {  	s2 =	sld [smem:$0x3FA4]  }
0x29: {  	s4 =	sld [smem:$0x3FA6]  }
0x2a: {  	p0 =	seq.s32 s5, $0x0;
	s5 =	sld [smem:$0x3FA7]  }
0x2b: {  	s6 =	sld [smem:$0x3FA8]  }
0x2c: {  	s7 =	sld [smem:$0x3FA9]  }
0x2d: {  	s3 =	simm.s32 $0x108;
	s8 =	sld [smem:$0x3FAA]  }
0x2e: {  	s3 =	simm.s32 @!p0 $0x1082;
	s9 =	sld [smem:$0x3FAB]  }
0x2f: {  	lr =	sadd.s32 s0, s3;
	s0 =	sld [smem:$0x3FA2]  }
0x30: {  	s3 =	sld [smem:$0x3FA5]  }
0x31: {  	[smem:$0x3FAE] =	sst s10  }
0x32: {  	s10 =	sld [smem:$0x3FAC];
	_ =	sdelay $0x3  }
0x33: {  	p0 =	seq.s32 s10, $0x1;
	s10 =	sld [smem:$0x3FAE];
	_ =	sdelay $0x3  }
0x34: {  	[smem:$0x3FAE] =	sst s10  }
0x35: {  	s10 =	sld [smem:$0x3FAD];
	_ =	sdelay $0x3  }
0x36: {  	p1 =	seq.s32 s10, $0x1;
	s10 =	sld [smem:$0x3FAE];
	_ =	sdelay $0x3  }
0x37: {  	[smem:$0x3FAE] =	sst s10  }
0x38: {  	s10 =	sld [smem:$0x3FAF]  }
0x39: {  	_ = 	snop;
	(pc) =	sbr.ind lr, $3  }
0x3a: {  	_ = 	snop  }
0x3b: {  	_ = 	snop  }
0x3c: {  	p2 =	seq.s32 s10, $0x1;
	s10 =	sld [smem:$0x3FAE]  }
0x3d: {  	_ =	shalt  }
0x3e: {  	_ =	shalt  }
0x3f: {  	_ =	shalt  }
0x40: {  	_ =	shalt  }
0x41: {  	_ =	shalt  }
0x42: {  	_ =	shalt  }
0x43: {  	_ =	shalt  }
0x44: {  	_ =	shalt  }
0x45: {  	_ =	shalt  }
0x46: {  	_ =	shalt  }
0x47: {  	_ =	shalt  }
0x48: {  	_ =	shalt  }
0x49: {  	_ =	shalt  }
0x4a: {  	_ =	shalt  }
0x4b: {  	_ =	shalt  }
0x4c: {  	_ =	shalt  }
0x4d: {  	_ =	shalt  }
0x4e: {  	_ =	shalt  }
0x4f: {  	_ =	shalt  }
0x50: {  	_ =	shalt  }
0x51: {  	_ =	shalt  }
0x52: {  	_ =	shalt  }
0x53: {  	_ =	shalt  }
0x54: {  	_ =	shalt  }
0x55: {  	_ =	shalt  }
0x56: {  	_ =	shalt  }
0x57: {  	_ =	shalt  }
0x58: {  	_ =	shalt  }
0x59: {  	_ =	shalt  }
0x5a: {  	_ =	shalt  }
0x5b: {  	_ =	shalt  }
0x5c: {  	_ =	shalt  }
0x5d: {  	_ =	shalt  }
0x5e: {  	_ =	shalt  }
0x5f: {  	_ =	shalt  }
0x60: {  	_ =	shalt  }
0x61: {  	_ =	shalt  }
0x62: {  	_ =	shalt  }
0x63: {  	_ =	shalt  }
0x64: {  	_ =	shalt  }
0x65: {  	_ =	shalt  }
0x66: {  	_ =	shalt  }
0x67: {  	_ =	shalt  }
0x68: {  	_ =	shalt  }
0x69: {  	_ =	shalt  }
0x6a: {  	_ =	shalt  }
0x6b: {  	_ =	shalt  }
0x6c: {  	_ =	shalt  }
0x6d: {  	_ =	shalt  }
0x6e: {  	_ =	shalt  }
0x6f: {  	_ =	shalt  }
0x70: {  	_ =	shalt  }
0x71: {  	_ =	shalt  }
0x72: {  	_ =	shalt  }
0x73: {  	_ =	shalt  }
0x74: {  	_ =	shalt  }
0x75: {  	_ =	shalt  }
0x76: {  	_ =	shalt  }
0x77: {  	_ =	shalt  }
0x78: {  	_ =	shalt  }
0x79: {  	_ =	shalt  }
0x7a: {  	_ =	shalt  }
0x7b: {  	_ =	shalt  }
0x7c: {  	_ =	shalt  }
0x7d: {  	_ =	shalt  }
0x7e: {  	_ =	shalt  }
0x7f: {  	_ =	shalt  }
0x80: {  	_ =	shalt  }
0x81: {  	_ =	shalt  }
0x82: {  	_ =	shalt  }
0x83: {  	_ =	shalt  }
0x84: {  	_ =	shalt  }
0x85: {  	_ =	shalt  }
0x86: {  	_ =	shalt  }
0x87: {  	_ =	shalt  }
.Lfunc_end0:
.L_simem_size_0:
called_computation.2_lowered:
.L_overlay_start_0:
0x88: {  	s2 =	sld [smem:$0x3FD9]  }
0x89: {  	s3 =	sld [smem:$0x3FFE];
	_ =	sdelay $0x1  }
0x8a: {  	s1 =	srdreg.scid  }
0x8b: {  	s0 =	sand.u32 $0x1, s1  }
0x8c: {  	s16 =	sshll.u32 s0, $0xA;
	s2 =	sadd.s32 s3, s2  }
0x8d: {  	s2 =	sadd.s32 s2, s16  }
0x8e: {  	[smem:$0x3FBA] =	sst s2  }
0x8f: {  	_ = 	snop  }
0x90: {  	(tm) =	ssettm $0x1  }
0x91: {  	s17 =	sld [smem:$0x3FFB];
	_ =	sdelay $0x3  }
0x92: {  	_ =	strace s17  }
0x93: {  	s2 =	sld [smem:$0x3FFC];
	_ =	sdelay $0x3  }
0x94: {  	_ =	strace s2  }
0x95: {  	s2 =	sld [smem:$0x3FFD];
	_ =	sdelay $0x3  }
0x96: {  	_ =	strace s2  }
0x97: {  	_ =	strace $0x8FFFFFFF  }
0x98: {  	s18 =	sld [smem:$0x3FDB];
	_ =	sdelay $0x1  }
0x99: {  	s19 =	simm.s32 $_scs_section_size  }
0x9a: {  	s4 =	simm.s32 $_size__tile_overlayer_lowered;
	s5 =	simm.s32 $_tile_overlayer_lowered  }
0x9b: {  	s22 =	simm.s32 $0x1BFF;
	s21 =	sshll.u32 s5, $0x1;
	s2 =	sadd.s32 s19, s18  }
0x9c: {  	s6 =	simm.s32 $0x0;
	s20 =	sshll.u32 s4, $0x1;
	s4 =	sadd.s32 s21, s2  }
0x9d: {  	[timem:s6], [sflag:s22] =	dma.local [hbm:s4], s20  }
0x9e: {  	_ =	swait.ge [sflag:s22], s20  }
0x9f: {  	s3 =	ssub.s32 $0x0, s20;
	[sflag:s22] =	ssyncset.done $0x0  }
0xa0: {  	[sflag:s22] =	ssyncadd.s32 s3;
	_ =	sdelay $0x1  }
0xa1: {  	s23 =	simm.s32 $0x1B8B  }
0xa2: {  	_ =	swait.ge [sflag:s23], $0x1  }
0xa3: {  	[sflag:s23] =	ssyncset.done $0x0  }
0xa4: {  	s25 =	simm.s32 $0x1B8E;
	s24 =	sld [smem:$0x3FFE];
	[sflag:s23] =	ssyncadd.s32 $0xFFFFFFFF  }
0xa5: {  	s26 =	simm.s32 $execute0_lowered;
	[smem:$0x3FD2] =	sst s25  }
0xa6: {  	s4 =	sshll.u32 s26, $0x1;
	_ =	strace $0x8000004C;
	[dreg:$0x1] =	wrdreg $0xFFFFFFFF  }
0xa7: {  	s28 =	simm.s32 $_size_execute0_lowered;
	s2 =	sadd.s32 s2, s4;
	[dreg:$0x0] =	wrdreg $0x0  }
0xa8: {  	s4 =	sshll.u32 s28, $0x1;
	[dreg:$0x2] =	wrdreg s2  }
0xa9: {  	[dreg:$0x3] =	wrdreg s4  }
0xaa: {  	[dreg:$0x4] =	wrdreg $0xC0  }
0xab: {  	_ =	task [dreg:s6], $0x5FFFF  }
0xac: {  	[dreg:$0x1] =	wrdreg $0xFFFFFFFF  }
0xad: {  	[dreg:$0x0] =	wrdreg $0x60  }
0xae: {  	[dreg:$0x2] =	wrdreg s24  }
0xaf: {  	[dreg:$0x3] =	wrdreg $0x120000  }
0xb0: {  	[dreg:$0x4] =	wrdreg $0x9  }
0xb1: {  	_ =	task.clear_ibuf [dreg:s6], $0x5FFFF;
	_ =	strace $0x9000004C  }
0xb2: {  	s29 =	simm.s32 $0x9;
	_ =	strace $0x8000004E  }
0xb3: {  	_ =	swait.ge [sflag:s29], $0x1  }
0xb4: {  	[sflag:s29] =	ssyncadd.s32 $0xFFFFFFFF  }
0xb5: {  	_ =	strace $0x9000004E  }
0xb6: {  	_ =	sfence  }
0xb7: {  	s30 =	sld [smem:$0x0];
	_ =	sdelay $0x2  }
0xb8: {  	s31 =	sshll.u32 s1, $0xD;
	s1 =	sshrl.u32 s1, $0x2  }
0xb9: {  	s3 =	sand.u32 $0x4000, s31;
	s1 =	sadd.s32 s1, s30  }
0xba: {  	s0 =	sor.u32 s3, s0;
	s1 =	sshll.u32 s1, $0x11  }
0xbb: {  	s0 =	sor.u32 s1, s0  }
0xbc: {  	s0 =	sadd.s32 $0x8F2B, s0  }
0xbd: {  	[sflag:s0] =	ssyncadd.remote.s32 $0x1  }
0xbe: {  	_ =	sfence.sel $0xFFFF  }
0xbf: {  	[dreg:$0x0] =	wrdreg $0xFFFFFFFF;
	(pc) =	sbr.abs _section_cstart, $3  }
0xc0: {  	[dreg:$0x1] =	wrdreg $0xFFFFFFFF  }
0xc1: {  	_ =	task.clear_ibuf [dreg:s6], $0x2FFFF;
	_ =	strace $0x9FFFFFFF  }
0xc2: {  	(tm) =	ssettm $0x7FFFFFFF  }
0xc3: {  	_ =	shalt  }
tec
execute0_lowered:
.L_overlay_start_1:
0x0: {  	(tag) =	ssettag $0x1  }
0x1: {  	s0 =	srdreg.scid;
	s1 =	rddreg [dreg:$0x0]  }
0x2: {  	s10 =	stileid.u32;
	s2 =	rddreg [dreg:$0x1];
	s3 =	simm.s32 $0x0  }
0x3: {  	s12 =	simm.s32 $0x9;
	s13 =	simm.s32 $0x5000;
	s14 =	simm.s32 $0x80  }
0x4: {  	s15 =	simm.s32 $0xA000;
	s16 =	simm.s32 $0xC000;
	s18 =	simm.s32 $0xE000  }
0x5: {  	s19 =	simm.s32 $0x1;
	s21 =	simm.s32 $0x10000;
	s22 =	simm.s32 $0x2  }
0x6: {  	s28 =	simm.s32 $0x4;
	s29 =	simm.s32 $0x7;
	s5 =	smul.u32 $0xA00, s10  }
0x7: {  	s30 =	simm.s32 $0x8;
	s0 =	sand.u32 $0x1, s0;
	s6 =	smul.u32 $0xA000, s10  }
0x8: {  	s31 =	simm.s32 $0x9F00;
	[smem:$0x7FF] =	sst s3;
	s4 =	smul.u32 $0x14000, s0  }
0x9: {  	s26 =	sshll.u32 s10, $0x6;
	s7 =	smul.u32 $0xA0000, s0;
	_ =	strace $0x8000004D  }
0xa: {  	s0 =	ssub.s32 $0x2, s0;
	s9 =	sadd.s32 s5, s1;
	s23 =	sshrl.u32 s6, $0x3  }
0xb: {  	s25 =	sshrl.u32 s0, $0x1;
	s11 =	sadd.s32 s6, s2;
	s8 =	sadd.s32 s4, s1  }
0xc: {  	s24 =	sadd.s32 s6, s7;
	s4 =	sadd.s32 s23, s1;
	s0 =	ssub.s32 s0, s25  }
0xd: {  	s6 =	sadd.s32 $0x44200, s9;
	s7 =	sadd.s32 $0x3000, s9;
	s11 =	sshrl.u32 s11, $0x3  }
0xe: {  	s25 =	simm.s32 $0x3;
	s5 =	sshrl.u32 s24, $0x3;
	s4 =	sadd.s32 $0x9E200, s4  }
0xf: {  	s8 =	sadd.s32 $0xD000, s8;
	s10 =	smax.u32 s0, $0x1;
	s24 =	simm.s32 $0x5  }
0x10: {  	s0 =	simm.s32 $0x0;
	s1 =	sadd.s32 s5, s1;
	s5 =	sor.u32 $0x1C09, s26  }
0x11: {  	s26 =	simm.s32 $0x6;
	s9 =	sadd.s32 $0xB2200, s1;
	s1 =	simm.s32 $0x9F80  }
.LBB2_1:
0x12: {  	[spmem:s11], [sflag:s5] =	dma.local [hbm:s4], $0x1400  }
0x13: {  	_ =	swait.ge [sflag:s12], $0x1400  }
0x14: {  	[sflag:s12] =	ssyncset.done $0x0  }
0x15: {  	[sflag:s12] =	ssyncadd.s32 $0xFFFFEC00  }
0x16: {  	[tilespmem:s3], [sflag:$0x9] =	stream.linear.gather [hbm4b:s6+s3], $0x5000, $0x38;
	[tilespmem:$0x1C000] =	vst v63  }
0x17: {  	_ =	swait.ge [sflag:s12], $0x5000  }
0x18: {  	[sflag:s12] =	ssyncset.done $0x0  }
0x19: {  	[sflag:s12] =	ssyncadd.s32 $0xFFFFB000  }
0x1a: {  	[tilespmem:s13], [sflag:$0x9] =	stream.linear.gather [hbm4b:s7+s3], $0x5000, $0x38;
	[tilespmem:$0x1C000] =	vst v63  }
0x1b: {  	_ =	swait.ge [sflag:s12], $0x5000  }
0x1c: {  	[sflag:s12] =	ssyncset.done $0x0  }
0x1d: {  	[sflag:s12] =	ssyncadd.s32 $0xFFFFB000  }
0x1e: {  	[bflag:$0x0] =	sbarrier.arrive $0xFFFF  }
0x1f: {  	[tilespmem:s15], [sflag:$0x1] =	stream.indirect.gather [hbm4b:s8+s14], $0x40, s3, s14, $0xb8;
	[tilespmem:$0x1C000] =	vst v63  }
0x20: {  	_ = 	snop  }
0x21: {  	[tilespmem:s16], [sflag:$0x2] =	stream.indirect.gather [hbm4b:s8+s14], $0x40, s14, s14, $0xb8;
	[tilespmem:$0x1C000] =	vst v63  }
0x22: {  	s17 =	simm.s32 $0x100  }
0x23: {  	[tilespmem:s18], [sflag:$0x3] =	stream.indirect.gather [hbm4b:s8+s14], $0x40, s17, s14, $0xb8;
	[tilespmem:$0x1C000] =	vst v63  }
0x24: {  	_ =	swait.ge [sflag:s19], $0x2000  }
0x25: {  	[sflag:s19] =	ssyncset.done $0x0  }
0x26: {  	[sflag:s19] =	ssyncadd.s32 $0xFFFFE000  }
0x27: {  	[spmem:s2] =	stream.indirect.scatter.add.f32 [tilespmem:s15], [sflag:$0x5], $0x40, s13, s14, $0xb8;
	[tilespmem:$0x1C000] =	vst v63  }
0x28: {  	s23 =	simm.s32 $0x180  }
0x29: {  	[tilespmem:s21], [sflag:$0x4] =	stream.indirect.gather [hbm4b:s8+s14], $0x40, s23, s14, $0xb8;
	[tilespmem:$0x1C000] =	vst v63  }
0x2a: {  	_ =	swait.ge [sflag:s22], $0x2000  }
0x2b: {  	[sflag:s22] =	ssyncset.done $0x0  }
0x2c: {  	s20 =	simm.s32 $0x5080;
	[sflag:s22] =	ssyncadd.s32 $0xFFFFE000  }
0x2d: {  	[spmem:s2] =	stream.indirect.scatter.add.f32 [tilespmem:s16], [sflag:$0x6], $0x40, s20, s14, $0xb8;
	[tilespmem:$0x1C000] =	vst v63  }
0x2e: {  	_ =	swait.ge [sflag:s24], $0x2000  }
0x2f: {  	[sflag:s24] =	ssyncset.done $0x0  }
0x30: {  	s23 =	simm.s32 $0x200;
	[sflag:s24] =	ssyncadd.s32 $0xFFFFE000  }
0x31: {  	[tilespmem:s15], [sflag:$0x1] =	stream.indirect.gather [hbm4b:s8+s14], $0x40, s23, s14, $0xb8;
	[tilespmem:$0x1C000] =	vst v63  }
0x32: {  	_ =	swait.ge [sflag:s25], $0x2000  }
0x33: {  	[sflag:s25] =	ssyncset.done $0x0  }
0x34: {  	s20 =	simm.s32 $0x5100;
	[sflag:s25] =	ssyncadd.s32 $0xFFFFE000  }
0x35: {  	[spmem:s2] =	stream.indirect.scatter.add.f32 [tilespmem:s18], [sflag:$0x7], $0x40, s20, s14, $0xb8;
	[tilespmem:$0x1C000] =	vst v63  }
0x36: {  	_ =	swait.ge [sflag:s26], $0x2000  }
0x37: {  	[sflag:s26] =	ssyncset.done $0x0  }
0x38: {  	s23 =	simm.s32 $0x280;
	[sflag:s26] =	ssyncadd.s32 $0xFFFFE000  }
0x39: {  	[tilespmem:s16], [sflag:$0x2] =	stream.indirect.gather [hbm4b:s8+s14], $0x40, s23, s14, $0xb8;
	[tilespmem:$0x1C000] =	vst v63  }
0x3a: {  	_ =	swait.ge [sflag:s28], $0x2000  }
0x3b: {  	[sflag:s28] =	ssyncset.done $0x0  }
0x3c: {  	s20 =	simm.s32 $0x5180;
	[sflag:s28] =	ssyncadd.s32 $0xFFFFE000  }
0x3d: {  	[spmem:s2] =	stream.indirect.scatter.add.f32 [tilespmem:s21], [sflag:$0x8], $0x40, s20, s14, $0xb8;
	[tilespmem:$0x1C000] =	vst v63  }
0x3e: {  	_ =	swait.ge [sflag:s29], $0x2000  }
0x3f: {  	[sflag:s29] =	ssyncset.done $0x0  }
0x40: {  	s23 =	simm.s32 $0x300;
	[sflag:s29] =	ssyncadd.s32 $0xFFFFE000  }
0x41: {  	[tilespmem:s18], [sflag:$0x3] =	stream.indirect.gather [hbm4b:s8+s14], $0x40, s23, s14, $0xb8;
	[tilespmem:$0x1C000] =	vst v63  }
0x42: {  	_ =	swait.ge [sflag:s19], $0x2000  }
0x43: {  	[sflag:s19] =	ssyncset.done $0x0  }
0x44: {  	s20 =	simm.s32 $0x5200;
	[sflag:s19] =	ssyncadd.s32 $0xFFFFE000  }
0x45: {  	[spmem:s2] =	stream.indirect.scatter.add.f32 [tilespmem:s15], [sflag:$0x5], $0x40, s20, s14, $0xb8;
	[tilespmem:$0x1C000] =	vst v63  }
0x46: {  	_ =	swait.ge [sflag:s30], $0x2000  }
0x47: {  	[sflag:s30] =	ssyncset.done $0x0  }
0x48: {  	s23 =	simm.s32 $0x380;
	[sflag:s30] =	ssyncadd.s32 $0xFFFFE000  }
0x49: {  	[tilespmem:s21], [sflag:$0x4] =	stream.indirect.gather [hbm4b:s8+s14], $0x40, s23, s14, $0xb8;
	[tilespmem:$0x1C000] =	vst v63  }
0x4a: {  	_ =	swait.ge [sflag:s22], $0x2000  }
0x4b: {  	[sflag:s22] =	ssyncset.done $0x0  }
0x4c: {  	s17 =	simm.s32 $0x800;
	s20 =	simm.s32 $0x5280;
	[sflag:s22] =	ssyncadd.s32 $0xFFFFE000  }
.LBB2_2:
0x4d: {  	[spmem:s2] =	stream.indirect.scatter.add.f32 [tilespmem:s16], [sflag:$0x6], $0x40, s20, s14, $0xb8;
	[tilespmem:$0x1C000] =	vst v63  }
0x4e: {  	s20 =	smov.u32 s17  }
0x4f: {  	p0 =	sne.s32 s17, $0x13000;
	s17 =	sadd.s32 $0x800, s17;
	_ =	swait.ge [sflag:s24], $0x2000  }
0x50: {  	s20 =	sshra.s32 s20, $0x2;
	[sflag:s24] =	ssyncset.done $0x0  }
0x51: {  	s23 =	sadd.s32 $0x200, s20;
	[sflag:s24] =	ssyncadd.s32 $0xFFFFE000  }
0x52: {  	[tilespmem:s15], [sflag:$0x1] =	stream.indirect.gather [hbm4b:s8+s14], $0x40, s23, s14, $0xb8;
	[tilespmem:$0x1C000] =	vst v63  }
0x53: {  	_ =	swait.ge [sflag:s25], $0x2000  }
0x54: {  	[sflag:s25] =	ssyncset.done $0x0  }
0x55: {  	s23 =	sadd.s32 $0x5100, s20;
	[sflag:s25] =	ssyncadd.s32 $0xFFFFE000  }
0x56: {  	[spmem:s2] =	stream.indirect.scatter.add.f32 [tilespmem:s18], [sflag:$0x7], $0x40, s23, s14, $0xb8;
	[tilespmem:$0x1C000] =	vst v63  }
0x57: {  	_ =	swait.ge [sflag:s26], $0x2000  }
0x58: {  	[sflag:s26] =	ssyncset.done $0x0  }
0x59: {  	s23 =	sadd.s32 $0x280, s20;
	[sflag:s26] =	ssyncadd.s32 $0xFFFFE000  }
0x5a: {  	[tilespmem:s16], [sflag:$0x2] =	stream.indirect.gather [hbm4b:s8+s14], $0x40, s23, s14, $0xb8;
	[tilespmem:$0x1C000] =	vst v63  }
0x5b: {  	_ =	swait.ge [sflag:s28], $0x2000  }
0x5c: {  	[sflag:s28] =	ssyncset.done $0x0  }
0x5d: {  	s23 =	sadd.s32 $0x5180, s20;
	[sflag:s28] =	ssyncadd.s32 $0xFFFFE000  }
0x5e: {  	[spmem:s2] =	stream.indirect.scatter.add.f32 [tilespmem:s21], [sflag:$0x8], $0x40, s23, s14, $0xb8;
	[tilespmem:$0x1C000] =	vst v63  }
0x5f: {  	_ =	swait.ge [sflag:s29], $0x2000  }
0x60: {  	[sflag:s29] =	ssyncset.done $0x0  }
0x61: {  	s23 =	sadd.s32 $0x300, s20;
	[sflag:s29] =	ssyncadd.s32 $0xFFFFE000  }
0x62: {  	[tilespmem:s18], [sflag:$0x3] =	stream.indirect.gather [hbm4b:s8+s14], $0x40, s23, s14, $0xb8;
	[tilespmem:$0x1C000] =	vst v63  }
0x63: {  	_ =	swait.ge [sflag:s19], $0x2000  }
0x64: {  	[sflag:s19] =	ssyncset.done $0x0  }
0x65: {  	s23 =	sadd.s32 $0x5200, s20;
	[sflag:s19] =	ssyncadd.s32 $0xFFFFE000  }
0x66: {  	[spmem:s2] =	stream.indirect.scatter.add.f32 [tilespmem:s15], [sflag:$0x5], $0x40, s23, s14, $0xb8;
	[tilespmem:$0x1C000] =	vst v63  }
0x67: {  	_ =	swait.ge [sflag:s30], $0x2000  }
0x68: {  	[sflag:s30] =	ssyncset.done $0x0  }
.Ltmp0:
0x69: {  	s23 =	sadd.s32 $0x380, s20;
	[sflag:s30] =	ssyncadd.s32 $0xFFFFE000;
	(pc) =	sbr.rel @p0 .LBB2_2-.Ltmp0, $4  }
0x6a: {  	[tilespmem:s21], [sflag:$0x4] =	stream.indirect.gather [hbm4b:s8+s14], $0x40, s23, s14, $0xb8;
	[tilespmem:$0x1C000] =	vst v63  }
0x6b: {  	_ =	swait.ge [sflag:s22], $0x2000  }
0x6c: {  	[sflag:s22] =	ssyncset.done $0x0  }
0x6d: {  	s20 =	sadd.s32 $0x5280, s20;
	[sflag:s22] =	ssyncadd.s32 $0xFFFFE000  }
0x6e: {  	[spmem:s2] =	stream.indirect.scatter.add.f32 [tilespmem:s16], [sflag:$0x6], $0x40, s20, s14, $0xb8;
	[tilespmem:$0x1C000] =	vst v63  }
0x6f: {  	_ =	swait.ge [sflag:s25], $0x2000  }
0x70: {  	[sflag:s25] =	ssyncset.done $0x0  }
0x71: {  	[sflag:s25] =	ssyncadd.s32 $0xFFFFE000  }
0x72: {  	[spmem:s2] =	stream.indirect.scatter.add.f32 [tilespmem:s18], [sflag:$0x7], $0x40, s31, s14, $0xb8;
	[tilespmem:$0x1C000] =	vst v63  }
0x73: {  	_ =	swait.ge [sflag:s28], $0x2000  }
0x74: {  	[sflag:s28] =	ssyncset.done $0x0  }
0x75: {  	[sflag:s28] =	ssyncadd.s32 $0xFFFFE000  }
0x76: {  	[spmem:s2] =	stream.indirect.scatter.add.f32 [tilespmem:s21], [sflag:$0x8], $0x40, s1, s14, $0xb8;
	[tilespmem:$0x1C000] =	vst v63  }
0x77: {  	_ =	swait.ge [sflag:s24], $0x2000  }
0x78: {  	[sflag:s24] =	ssyncset.done $0x0  }
0x79: {  	[sflag:s24] =	ssyncadd.s32 $0xFFFFE000  }
0x7a: {  	_ =	swait.ge [sflag:s26], $0x2000  }
0x7b: {  	[sflag:s26] =	ssyncset.done $0x0  }
0x7c: {  	[sflag:s26] =	ssyncadd.s32 $0xFFFFE000  }
0x7d: {  	_ =	swait.ge [sflag:s29], $0x2000  }
0x7e: {  	[sflag:s29] =	ssyncset.done $0x0  }
0x7f: {  	[sflag:s29] =	ssyncadd.s32 $0xFFFFE000  }
0x80: {  	_ =	swait.ge [sflag:s30], $0x2000  }
0x81: {  	s0 =	sadd.s32 $0x1, s0;
	[sflag:s30] =	ssyncset.done $0x0  }
0x82: {  	p0 =	sne.s32 s0, s10;
	[sflag:s30] =	ssyncadd.s32 $0xFFFFE000  }
.Ltmp1:
0x83: {  	[bflag:$0x0] =	sbarrier.arrive $0xFFFF;
	(pc) =	sbr.rel @p0 .LBB2_1-.Ltmp1, $4  }
0x84: {  	[hbm:s9], [sflag:s5] =	dma.local [spmem:s11], $0x1400  }
0x85: {  	_ =	swait.ge [sflag:s12], $0x1400  }
0x86: {  	[sflag:s12] =	ssyncset.done $0x0  }
0x87: {  	[sflag:s12] =	ssyncadd.s32 $0xFFFFEC00  }
0x88: {  	_ =	sfence.sel $0x180000  }
0x89: {  	[bflag:$0x0] =	sbarrier.arrive $0xFFFF  }
0x8a: {  	_ =	strace $0x9000004D  }
0x8b: {  	s0 =	stileid.u32;
	[bflag:$0x2] =	sbarrier.arrive $0xFFFF  }
0x8c: {  	p0 =	sne.s32 s0, $0x0;
	s0 =	rddreg [dreg:$0x2]  }
0x8d: {  	s0 =	sadd.s32 @!p0 $0x100000, s0  }
0x8e: {  	[sflag:s0] =	ssyncadd.tile.s32 @!p0 $0x1;
	_ =	shalt  }
.Lfunc_end2:
_tile_overlayer_lowered:
.L_overlay_start_2:
0x8f: {  	(tag) =	ssettag $0x2  }
0x90: {  	s0 =	rddreg [dreg:$0x0];
	s2 =	stileid.u32  }
0x91: {  	s1 =	rddreg [dreg:$0x1];
	p0 =	sne.s32 s2, $0x0  }
0x92: {  	s3 =	rddreg [dreg:$0x2];
	[bflag:$0x3] =	sbarrier.arrive $0xFFFF;
	s2 =	simm.s32 @!p0 $0x1C09  }
0x93: {  	[timem:s3], [sflag:s2] =	dma.local @!p0 [hbm:s0], s1  }
0x94: {  	s0 =	simm.s32 @!p0 $0x9  }
0x95: {  	_ =	swait.ge @!p0 [sflag:s0], s1  }
0x96: {  	s1 =	ssub.s32 @!p0 $0x0, s1;
	[sflag:s0] =	ssyncset.done @!p0 $0x0  }
0x97: {  	[sflag:s0] =	ssyncadd.s32 @!p0 s1  }
0x98: {  	[bflag:$0x3] =	sbarrier.arrive $0xFFFF  }
0x99: {  	_ =	shalt  }

// kernel: kernel.19.cloned.1.call-start
scs
__scs_entry_jumppad:
0x0: {  	(pc) =	sbr.rel $0x88, $3  }
0x1: {  	(tag) =	ssettag $0x0;
	lr =	simm.s32 $0x1  }
0x2: {  	[smem:$0x3F93] =	sst lr;
	_ =	strace $0xD0000000  }
0x3: {  	_ = 	snop  }
0x4: {  	_ = 	snop  }
0x5: {  	_ = 	snop  }
0x6: {  	_ = 	snop  }
0x7: {  	_ = 	snop  }
__scs_overlays_trampoline_lowered:
0x8: {  	[smem:$0x3FA2] =	sst s0  }
0x9: {  	[smem:$0x3FA3] =	sst s1  }
0xa: {  	[smem:$0x3FA4] =	sst s2  }
0xb: {  	[smem:$0x3FA5] =	sst s3  }
0xc: {  	[smem:$0x3FA6] =	sst s4  }
0xd: {  	[smem:$0x3FA7] =	sst s5  }
0xe: {  	[smem:$0x3FA8] =	sst s6  }
0xf: {  	[smem:$0x3FA9] =	sst s7  }
0x10: {  	[smem:$0x3FAA] =	sst s8  }
0x11: {  	[smem:$0x3FAB] =	sst s9;
	s0 =	simm.s32 @!p0 $0x0  }
0x12: {  	s1 =	sld [smem:$0x3F91];
	s0 =	simm.s32 @p0 $0x1  }
0x13: {  	[smem:$0x3FAC] =	sst s0;
	s0 =	simm.s32 @!p1 $0x0  }
0x14: {  	s2 =	sld [smem:$0x3F90];
	s0 =	simm.s32 @p1 $0x1  }
0x15: {  	[smem:$0x3FAD] =	sst s0;
	s0 =	simm.s32 @!p2 $0x0  }
0x16: {  	s3 =	sld [smem:$0x3FDB];
	s0 =	simm.s32 @p2 $0x1  }
0x17: {  	s4 =	simm.s32 $0x1BF5;
	[smem:$0x3FAF] =	sst s0  }
0x18: {  	s0 =	sld [smem:$0x3F92];
	_ =	swait.ge [sflag:s4], $0x0  }
0x19: {  	s7 =	sld [smem:$0x3F93]  }
0x1a: {  	s8 =	sadd.s32 $0xFFFFE003, lr  }
0x1b: {  	s9 =	sadd.s32 $0xFFFFFEF7, lr;
	s5 =	simm.s32 $0xFFFFFFFF;
	p2 =	slt.u32 s8, $0xFFFFF086  }
0x1c: {  	p1 =	slt.u32 s9, $0xF7A;
	s5 =	simm.s32 @!p2 $0x0  }
0x1d: {  	s5 =	simm.s32 @p1 $0x1;
	p0 =	seq.s32 s7, s2  }
0x1e: {  	s7 =	smul.u32 @!p0 $0xF7A, s2;
	p2 =	seq.s32 @!p0 s5, $0x0  }
0x1f: {  	s9 =	smul.u32 $0xF7A, s1;
	s8 =	simm.s32 @!p0 $0x1BF5;
	p2 =	por !p2, p0  }
0x20: {  	[sflag:s8] =	ssyncset.s32 @!p0 $0xFFFFF086;
	s6 =	sadd.s32 @!p0 s3, s7;
	s7 =	simm.s32 @!p0 $0x108  }
0x21: {  	s3 =	sadd.s32 s3, s9;
	s6 =	sadd.s32 @!p0 $0x88, s6;
	s7 =	simm.s32 @p2 $0x1082  }
0x22: {  	[simem:s7], [sflag:s8] =	dma.local @!p0 [hbm:s6], $0xF7A  }
0x23: {  	s9 =	sor.u32 $0xD0000000, s2;
	s6 =	simm.s32 $0x108;
	_ =	swait.ge @!p0 [sflag:s8], $0x0  }
0x24: {  	s3 =	sadd.s32 $0x88, s3;
	s6 =	simm.s32 @!p1 $0x1082;
	[sflag:s4] =	ssyncset.s32 $0xFFFFF086  }
0x25: {  	[simem:s6], [sflag:s4] =	dma.local [hbm:s3], $0xF7A  }
0x26: {  	[smem:$0x3F93] =	sst s1;
	(tag) =	ssettag s2;
	_ =	strace s9  }
0x27: {  	s1 =	sld [smem:$0x3FA3]  }
0x28: {  	s2 =	sld [smem:$0x3FA4]  }
0x29: {  	s4 =	sld [smem:$0x3FA6]  }
0x2a: {  	p0 =	seq.s32 s5, $0x0;
	s5 =	sld [smem:$0x3FA7]  }
0x2b: {  	s6 =	sld [smem:$0x3FA8]  }
0x2c: {  	s7 =	sld [smem:$0x3FA9]  }
0x2d: {  	s3 =	simm.s32 $0x108;
	s8 =	sld [smem:$0x3FAA]  }
0x2e: {  	s3 =	simm.s32 @!p0 $0x1082;
	s9 =	sld [smem:$0x3FAB]  }
0x2f: {  	lr =	sadd.s32 s0, s3;
	s0 =	sld [smem:$0x3FA2]  }
0x30: {  	s3 =	sld [smem:$0x3FA5]  }
0x31: {  	[smem:$0x3FAE] =	sst s10  }
0x32: {  	s10 =	sld [smem:$0x3FAC];
	_ =	sdelay $0x3  }
0x33: {  	p0 =	seq.s32 s10, $0x1;
	s10 =	sld [smem:$0x3FAE];
	_ =	sdelay $0x3  }
0x34: {  	[smem:$0x3FAE] =	sst s10  }
0x35: {  	s10 =	sld [smem:$0x3FAD];
	_ =	sdelay $0x3  }
0x36: {  	p1 =	seq.s32 s10, $0x1;
	s10 =	sld [smem:$0x3FAE];
	_ =	sdelay $0x3  }
0x37: {  	[smem:$0x3FAE] =	sst s10  }
0x38: {  	s10 =	sld [smem:$0x3FAF]  }
0x39: {  	_ = 	snop;
	(pc) =	sbr.ind lr, $3  }
0x3a: {  	_ = 	snop  }
0x3b: {  	_ = 	snop  }
0x3c: {  	p2 =	seq.s32 s10, $0x1;
	s10 =	sld [smem:$0x3FAE]  }
0x3d: {  	_ =	shalt  }
0x3e: {  	_ =	shalt  }
0x3f: {  	_ =	shalt  }
0x40: {  	_ =	shalt  }
0x41: {  	_ =	shalt  }
0x42: {  	_ =	shalt  }
0x43: {  	_ =	shalt  }
0x44: {  	_ =	shalt  }
0x45: {  	_ =	shalt  }
0x46: {  	_ =	shalt  }
0x47: {  	_ =	shalt  }
0x48: {  	_ =	shalt  }
0x49: {  	_ =	shalt  }
0x4a: {  	_ =	shalt  }
0x4b: {  	_ =	shalt  }
0x4c: {  	_ =	shalt  }
0x4d: {  	_ =	shalt  }
0x4e: {  	_ =	shalt  }
0x4f: {  	_ =	shalt  }
0x50: {  	_ =	shalt  }
0x51: {  	_ =	shalt  }
0x52: {  	_ =	shalt  }
0x53: {  	_ =	shalt  }
0x54: {  	_ =	shalt  }
0x55: {  	_ =	shalt  }
0x56: {  	_ =	shalt  }
0x57: {  	_ =	shalt  }
0x58: {  	_ =	shalt  }
0x59: {  	_ =	shalt  }
0x5a: {  	_ =	shalt  }
0x5b: {  	_ =	shalt  }
0x5c: {  	_ =	shalt  }
0x5d: {  	_ =	shalt  }
0x5e: {  	_ =	shalt  }
0x5f: {  	_ =	shalt  }
0x60: {  	_ =	shalt  }
0x61: {  	_ =	shalt  }
0x62: {  	_ =	shalt  }
0x63: {  	_ =	shalt  }
0x64: {  	_ =	shalt  }
0x65: {  	_ =	shalt  }
0x66: {  	_ =	shalt  }
0x67: {  	_ =	shalt  }
0x68: {  	_ =	shalt  }
0x69: {  	_ =	shalt  }
0x6a: {  	_ =	shalt  }
0x6b: {  	_ =	shalt  }
0x6c: {  	_ =	shalt  }
0x6d: {  	_ =	shalt  }
0x6e: {  	_ =	shalt  }
0x6f: {  	_ =	shalt  }
0x70: {  	_ =	shalt  }
0x71: {  	_ =	shalt  }
0x72: {  	_ =	shalt  }
0x73: {  	_ =	shalt  }
0x74: {  	_ =	shalt  }
0x75: {  	_ =	shalt  }
0x76: {  	_ =	shalt  }
0x77: {  	_ =	shalt  }
0x78: {  	_ =	shalt  }
0x79: {  	_ =	shalt  }
0x7a: {  	_ =	shalt  }
0x7b: {  	_ =	shalt  }
0x7c: {  	_ =	shalt  }
0x7d: {  	_ =	shalt  }
0x7e: {  	_ =	shalt  }
0x7f: {  	_ =	shalt  }
0x80: {  	_ =	shalt  }
0x81: {  	_ =	shalt  }
0x82: {  	_ =	shalt  }
0x83: {  	_ =	shalt  }
0x84: {  	_ =	shalt  }
0x85: {  	_ =	shalt  }
0x86: {  	_ =	shalt  }
0x87: {  	_ =	shalt  }
.Lfunc_end0:
.L_simem_size_0:
called_computation.3_lowered:
.L_overlay_start_0:
0x88: {  	s2 =	sld [smem:$0x3FD9]  }
0x89: {  	s3 =	sld [smem:$0x3FFE];
	_ =	sdelay $0x1  }
0x8a: {  	s1 =	srdreg.scid  }
0x8b: {  	s0 =	sand.u32 $0x1, s1  }
0x8c: {  	s17 =	sshll.u32 s0, $0xA;
	s2 =	sadd.s32 s3, s2  }
0x8d: {  	s2 =	sadd.s32 s2, s17  }
0x8e: {  	[smem:$0x3FBA] =	sst s2  }
0x8f: {  	_ = 	snop  }
0x90: {  	s2 =	sld [smem:$0x3FC8]  }
0x91: {  	s18 =	sld [smem:$0x3FD0];
	(tm) =	ssettm $0x1  }
0x92: {  	s4 =	sld [smem:$0x3FFB];
	_ =	sdelay $0x3  }
0x93: {  	_ =	strace s4  }
0x94: {  	s4 =	sld [smem:$0x3FFC];
	_ =	sdelay $0x3  }
0x95: {  	_ =	strace s4  }
0x96: {  	s4 =	sld [smem:$0x3FFD];
	_ =	sdelay $0x3  }
0x97: {  	_ =	strace s4  }
0x98: {  	_ =	strace $0x8FFFFFFF  }
0x99: {  	s19 =	sld [smem:$0x3FDB];
	_ =	sdelay $0x1  }
0x9a: {  	s5 =	simm.s32 $_scs_section_size  }
0x9b: {  	s6 =	simm.s32 $_size__tile_overlayer_lowered;
	s7 =	simm.s32 $_tile_overlayer_lowered  }
0x9c: {  	s22 =	simm.s32 $0x1BFF;
	s21 =	sshll.u32 s7, $0x1;
	s4 =	sadd.s32 s5, s19  }
0x9d: {  	s8 =	simm.s32 $0x0;
	s20 =	sshll.u32 s6, $0x1;
	s6 =	sadd.s32 s21, s4  }
0x9e: {  	[timem:s8], [sflag:s22] =	dma.local [hbm:s6], s20  }
0x9f: {  	_ =	swait.ge [sflag:s22], s20  }
0xa0: {  	s5 =	ssub.s32 $0x0, s20;
	[sflag:s22] =	ssyncset.done $0x0  }
0xa1: {  	[sflag:s22] =	ssyncadd.s32 s5;
	_ =	sdelay $0x1  }
0xa2: {  	s23 =	simm.s32 $0x1B8B  }
0xa3: {  	_ =	swait.ge [sflag:s23], $0x1  }
0xa4: {  	[sflag:s23] =	ssyncset.done $0x0  }
0xa5: {  	s25 =	simm.s32 $0x1B8E;
	s24 =	sld [smem:$0x3FFE];
	[sflag:s23] =	ssyncadd.s32 $0xFFFFFFFF  }
0xa6: {  	s26 =	simm.s32 $execute0_lowered;
	[smem:$0x3FD2] =	sst s25  }
0xa7: {  	s6 =	sshll.u32 s26, $0x1;
	_ =	strace $0x8000004F;
	[dreg:$0x1] =	wrdreg $0xFFFFFFFF  }
0xa8: {  	s28 =	simm.s32 $_size_execute0_lowered;
	s4 =	sadd.s32 s4, s6;
	[dreg:$0x0] =	wrdreg $0x0  }
0xa9: {  	s6 =	sshll.u32 s28, $0x1;
	[dreg:$0x2] =	wrdreg s4  }
0xaa: {  	[dreg:$0x3] =	wrdreg s6  }
0xab: {  	[dreg:$0x4] =	wrdreg $0xC0  }
0xac: {  	_ =	task [dreg:s8], $0x5FFFF  }
0xad: {  	[dreg:$0x1] =	wrdreg $0xFFFFFFFF  }
0xae: {  	[dreg:$0x0] =	wrdreg $0x60  }
0xaf: {  	[dreg:$0x2] =	wrdreg s24  }
0xb0: {  	[dreg:$0x3] =	wrdreg s2  }
0xb1: {  	[dreg:$0x4] =	wrdreg s18  }
0xb2: {  	[dreg:$0x5] =	wrdreg $0x1C2400  }
0xb3: {  	[dreg:$0x6] =	wrdreg $0x9  }
0xb4: {  	_ =	task.clear_ibuf [dreg:s8], $0x7FFFF;
	_ =	strace $0x9000004F  }
0xb5: {  	s29 =	simm.s32 $0x9;
	_ =	strace $0x80000051  }
0xb6: {  	_ =	swait.ge [sflag:s29], $0x1  }
0xb7: {  	[sflag:s29] =	ssyncadd.s32 $0xFFFFFFFF  }
0xb8: {  	_ =	strace $0x90000051  }
0xb9: {  	_ =	sfence  }
0xba: {  	s30 =	sld [smem:$0x0];
	_ =	sdelay $0x2  }
0xbb: {  	s31 =	sshll.u32 s1, $0xD;
	s1 =	sshrl.u32 s1, $0x2  }
0xbc: {  	s3 =	sand.u32 $0x4000, s31;
	s1 =	sadd.s32 s1, s30  }
0xbd: {  	s0 =	sor.u32 s3, s0;
	s1 =	sshll.u32 s1, $0x11  }
0xbe: {  	s0 =	sor.u32 s1, s0  }
0xbf: {  	s0 =	sadd.s32 $0x8F2B, s0  }
0xc0: {  	[sflag:s0] =	ssyncadd.remote.s32 $0x1  }
0xc1: {  	_ =	sfence.sel $0xFFFF  }
0xc2: {  	[dreg:$0x0] =	wrdreg $0xFFFFFFFF;
	(pc) =	sbr.abs _section_cstart, $3  }
0xc3: {  	[dreg:$0x1] =	wrdreg $0xFFFFFFFF  }
0xc4: {  	_ =	task.clear_ibuf [dreg:s8], $0x2FFFF;
	_ =	strace $0x9FFFFFFF  }
0xc5: {  	(tm) =	ssettm $0x7FFFFFFF  }
tec
execute0_lowered:
.L_overlay_start_1:
0x0: {  	(tag) =	ssettag $0x1  }
0x1: {  	s1 =	rddreg [dreg:$0x0]  }
0x2: {  	s3 =	rddreg [dreg:$0x3];
	s0 =	srdreg.scid;
	v0 =	vlaneseq.u32;
	s5 =	simm.s32 $0x0  }
0x3: {  	s12 =	stileid.u32;
	s23 =	simm.s32 $0x14200;
	s28 =	simm.s32 $0xF100;
	v2 =	vimm.s32 $0x2710;
	v3 =	vimm.s32 $0x400;
	v1 =	vadd.s32 $0x1, v0  }
0x4: {  	s29 =	simm.s32 $0x1;
	s30 =	simm.s32 $0x80;
	s4 =	smul.u32 $0xA00, s12;
	v8 =	vadd.s32 $0x71, v0;
	v9 =	vadd.s32 $0x81, v0;
	v10 =	vadd.s32 $0x91, v0  }
0x5: {  	s31 =	simm.s32 $0x16E40;
	s0 =	sand.u32 $0x1, s0;
	s7 =	smul.u32 $0x1040, s12;
	v11 =	vadd.s32 $0xA1, v0;
	v12 =	vadd.s32 $0xB1, v0;
	v13 =	vadd.s32 $0xC1, v0  }
0x6: {  	[smem:$0x7FF] =	sst s5;
	v14 =	vadd.s32 $0xD1, v0;
	v15 =	vadd.s32 $0xE1, v0;
	s10 =	sshll.u32 s12, $0xC;
	v16 =	vadd.s32 $0xF1, v0;
	s2 =	smul.u32 $0x14000, s0  }
0x7: {  	v17 =	vadd.s32 $0x101, v0;
	v18 =	vadd.s32 $0x111, v0;
	s16 =	sshll.u32 s12, $0x7;
	[tilespmem:$0x1FF90] =	vst v1;
	v1 =	vadd.s32 $0x11, v0;
	s6 =	smul.u32 $0x5000, s0;
	s9 =	sshll.u32 s0, $0x10  }
0x8: {  	v19 =	vadd.s32 $0x121, v0;
	v20 =	vadd.s32 $0x131, v0;
	s11 =	ssub.s32 $0x2, s0;
	s21 =	sshll.u32 s0, $0xD;
	s22 =	sadd.s32 s10, s3;
	[tilespmem:$0x1FFA0] =	vst v1;
	v1 =	vadd.s32 $0x21, v0  }
0x9: {  	v21 =	vadd.s32 $0x141, v0;
	v22 =	vadd.s32 $0x151, v0;
	s0 =	sshll.u32 s0, $0xB;
	s4 =	sadd.s32 s4, s1;
	s8 =	sshrl.u32 s7, $0x3;
	[tilespmem:$0x1FFB0] =	vst v1;
	v1 =	vadd.s32 $0x31, v0  }
0xa: {  	v23 =	vadd.s32 $0x161, v0;
	v24 =	vadd.s32 $0x171, v0;
	s15 =	sor.u32 s10, s9;
	s17 =	sshrl.u32 s11, $0x1;
	s7 =	sadd.s32 s7, s3;
	[tilespmem:$0x1FFC0] =	vst v1;
	v1 =	vadd.s32 $0x41, v0  }
0xb: {  	v25 =	vadd.s32 $0x181, v0;
	v26 =	vadd.s32 $0x191, v0;
	s2 =	sadd.s32 s2, s1;
	s8 =	sadd.s32 s8, s1;
	s13 =	sadd.s32 s6, s1;
	[tilespmem:$0x1FFD0] =	vst v1;
	v1 =	vadd.s32 $0x51, v0  }
0xc: {  	v27 =	vadd.s32 $0x1A1, v0;
	v28 =	vadd.s32 $0x1B1, v0;
	s9 =	sshrl.u32 s15, $0x3;
	s15 =	sadd.s32 s16, s1;
	s19 =	ssub.s32 s11, s17;
	[tilespmem:$0x1FFE0] =	vst v1;
	v1 =	vadd.s32 $0x61, v0  }
0xd: {  	v29 =	vadd.s32 $0x1C1, v0;
	v30 =	vadd.s32 $0x1D1, v0;
	v31 =	vadd.s32 $0x1E1, v0;
	s6 =	sshll.u32 s12, $0x6;
	s18 =	sadd.s32 $0x44200, s4;
	s8 =	sadd.s32 $0x9E200, s8;
	[tilespmem:$0x1FFF0] =	vst v1  }
0xe: {  	v32 =	vadd.s32 $0x1F1, v0;
	v33 =	vadd.s32 $0x201, v0;
	v34 =	vadd.s32 $0x211, v0;
	s4 =	sadd.s32 $0x3000, s4;
	_ =	strace $0x80000050;
	[dreg:$0x5] =	wrdreg s8  }
0xf: {  	v35 =	vadd.s32 $0x221, v0;
	v36 =	vadd.s32 $0x231, v0;
	v37 =	vadd.s32 $0x241, v0;
	s14 =	sadd.s32 s9, s1;
	s1 =	sadd.s32 $0x35000, s1;
	[dreg:$0x6] =	wrdreg s18  }
0x10: {  	v38 =	vadd.s32 $0x251, v0;
	v39 =	vadd.s32 $0x261, v0;
	v40 =	vadd.s32 $0x271, v0;
	s11 =	sadd.s32 $0x16A00, s6;
	s20 =	sadd.s32 s1, s9;
	[dreg:$0x7] =	wrdreg s4  }
0x11: {  	v41 =	vadd.s32 $0x281, v0;
	v42 =	vadd.s32 $0x291, v0;
	v43 =	vadd.s32 $0x2A1, v0;
	s12 =	sadd.s32 $0xD000, s2;
	s1 =	sadd.s32 s1, s21;
	[dreg:$0x8] =	wrdreg s20  }
0x12: {  	v44 =	vadd.s32 $0x2B1, v0;
	v45 =	vadd.s32 $0x2C1, v0;
	v46 =	vadd.s32 $0x2D1, v0;
	s0 =	sadd.s32 s0, s15;
	s24 =	sadd.s32 $0x52200, s14;
	[dreg:$0x9] =	wrdreg s1  }
0x13: {  	v47 =	vadd.s32 $0x2E1, v0;
	v48 =	vadd.s32 $0x2F1, v0;
	v49 =	vadd.s32 $0x301, v0;
	s26 =	sadd.s32 $0x3A200, s13;
	s25 =	sadd.s32 $0x4E200, s14;
	[dreg:$0xa] =	wrdreg s24  }
0x14: {  	v50 =	vadd.s32 $0x311, v0;
	v51 =	vadd.s32 $0x321, v0;
	v52 =	vadd.s32 $0x331, v0;
	s19 =	smax.u32 s19, $0x1;
	s2 =	simm.s32 $0x0;
	[dreg:$0xb] =	wrdreg s25  }
0x15: {  	v53 =	vadd.s32 $0x341, v0;
	v54 =	vadd.s32 $0x351, v0;
	v55 =	vadd.s32 $0x361, v0;
	s21 =	simm.s32 $0x3;
	s8 =	sor.u32 $0x1C03, s6;
	[dreg:$0xc] =	wrdreg s26  }
0x16: {  	v56 =	vadd.s32 $0x371, v0;
	v57 =	vadd.s32 $0x381, v0;
	v58 =	vadd.s32 $0x391, v0;
	s18 =	sadd.s32 $0x39000, s0;
	s20 =	sshrl.u32 s7, $0x3;
	s25 =	sshrl.u32 s22, $0x3  }
0x17: {  	v59 =	vadd.s32 $0x3A1, v0;
	v60 =	vadd.s32 $0x3B1, v0;
	v61 =	vadd.s32 $0x3C1, v0;
	s26 =	simm.s32 $0xA000;
	s0 =	simm.s32 $0x18E40;
	s4 =	simm.s32 $0x2  }
0x18: {  	v62 =	vadd.s32 $0x3D1, v0;
	v63 =	vadd.s32 $0x3E1, v0;
	v1 =	vimm.s32 $0x0;
	s1 =	simm.s32 $0x40;
	s22 =	simm.s32 $0x1AE40;
	s24 =	simm.s32 $0x1BE40  }
.LBB2_1:
0x19: {  	s7 =	rddreg [dreg:$0x5]  }
0x1a: {  	[spmem:s20], [sflag:s8] =	dma.local [hbm:s7], $0x208  }
0x1b: {  	_ =	swait.ge [sflag:s21], $0x208  }
0x1c: {  	[sflag:s21] =	ssyncset.done $0x0  }
0x1d: {  	s13 =	rddreg [dreg:$0x6];
	[sflag:s21] =	ssyncadd.s32 $0xFFFFFDF8  }
0x1e: {  	[tilespmem:s5], [sflag:$0x3] =	stream.linear.gather [hbm4b:s13+s5], $0x5000, $0x38;
	[tilespmem:$0x1D280] =	vst v63  }
0x1f: {  	_ =	swait.ge [sflag:s21], $0x5000  }
0x20: {  	[sflag:s21] =	ssyncset.done $0x0  }
0x21: {  	s9 =	simm.s32 $0x5000;
	s14 =	rddreg [dreg:$0x7];
	[sflag:s21] =	ssyncadd.s32 $0xFFFFB000  }
0x22: {  	[tilespmem:s9], [sflag:$0x3] =	stream.linear.gather [hbm4b:s14+s5], $0x5000, $0x38;
	[tilespmem:$0x1D280] =	vst v63  }
0x23: {  	_ =	swait.ge [sflag:s21], $0x5000  }
0x24: {  	[sflag:s21] =	ssyncset.done $0x0  }
0x25: {  	[sflag:s21] =	ssyncadd.s32 $0xFFFFB000  }
0x26: {  	s15 =	rddreg [dreg:$0x2]  }
0x27: {  	[tilespmem:s23], [sflag:$0x3] =	stream.linear.gather [hbm4b:s15+s5], $0x2800, $0x38;
	[tilespmem:$0x1D280] =	vst v63  }
0x28: {  	_ =	swait.ge [sflag:s21], $0x2800  }
0x29: {  	[sflag:s21] =	ssyncset.done $0x0  }
0x2a: {  	[sflag:s21] =	ssyncadd.s32 $0xFFFFD800  }
0x2b: {  	s17 =	simm.s32 $0x16A00;
	s16 =	rddreg [dreg:$0x1]  }
0x2c: {  	[tilespmem:s17], [sflag:$0x3] =	stream.linear.gather [hbm4b:s16+s5], $0x400, $0x38;
	[tilespmem:$0x1D280] =	vst v63  }
0x2d: {  	_ =	swait.ge [sflag:s21], $0x400  }
0x2e: {  	[sflag:s21] =	ssyncset.done $0x0  }
0x2f: {  	[sflag:s21] =	ssyncadd.s32 $0xFFFFFC00  }
0x30: {  	v4 =	vld [tilespmem:$0x16A00];
	_ =	sdelay $0x2  }
0x31: {  	v5 =	vld [tilespmem:$0x1FF90];
	_ =	sdelay $0x4  }
0x32: {  	[tilespmem:v4+s23+$0x0] =	vst.idx.msk $0xffff, v5  }
0x33: {  	v4 =	vld [tilespmem:$0x16A10];
	_ =	sdelay $0x2  }
0x34: {  	v5 =	vld [tilespmem:$0x1FFA0];
	_ =	sdelay $0x4  }
0x35: {  	[tilespmem:v4+s23+$0x0] =	vst.idx.msk $0xffff, v5  }
0x36: {  	v4 =	vld [tilespmem:$0x16A20];
	_ =	sdelay $0x2  }
0x37: {  	v5 =	vld [tilespmem:$0x1FFB0];
	_ =	sdelay $0x4  }
0x38: {  	[tilespmem:v4+s23+$0x0] =	vst.idx.msk $0xffff, v5  }
0x39: {  	v4 =	vld [tilespmem:$0x16A30];
	_ =	sdelay $0x2  }
0x3a: {  	v5 =	vld [tilespmem:$0x1FFC0];
	_ =	sdelay $0x4  }
0x3b: {  	[tilespmem:v4+s23+$0x0] =	vst.idx.msk $0xffff, v5  }
0x3c: {  	v4 =	vld [tilespmem:$0x16A40];
	_ =	sdelay $0x2  }
0x3d: {  	v5 =	vld [tilespmem:$0x1FFD0];
	_ =	sdelay $0x4  }
0x3e: {  	[tilespmem:v4+s23+$0x0] =	vst.idx.msk $0xffff, v5  }
0x3f: {  	v4 =	vld [tilespmem:$0x16A50];
	_ =	sdelay $0x2  }
0x40: {  	v5 =	vld [tilespmem:$0x1FFE0];
	_ =	sdelay $0x4  }
0x41: {  	[tilespmem:v4+s23+$0x0] =	vst.idx.msk $0xffff, v5  }
0x42: {  	v4 =	vld [tilespmem:$0x16A60];
	_ =	sdelay $0x2  }
0x43: {  	v5 =	vld [tilespmem:$0x1FFF0];
	_ =	sdelay $0x4  }
0x44: {  	[tilespmem:v4+s23+$0x0] =	vst.idx.msk $0xffff, v5  }
0x45: {  	v4 =	vld [tilespmem:$0x16A70];
	_ =	sdelay $0x7  }
0x46: {  	[tilespmem:v4+s23+$0x0] =	vst.idx.msk $0xffff, v8  }
0x47: {  	v4 =	vld [tilespmem:$0x16A80];
	_ =	sdelay $0x7  }
0x48: {  	[tilespmem:v4+s23+$0x0] =	vst.idx.msk $0xffff, v9  }
0x49: {  	v4 =	vld [tilespmem:$0x16A90];
	_ =	sdelay $0x7  }
0x4a: {  	[tilespmem:v4+s23+$0x0] =	vst.idx.msk $0xffff, v10  }
0x4b: {  	v4 =	vld [tilespmem:$0x16AA0];
	_ =	sdelay $0x7  }
0x4c: {  	[tilespmem:v4+s23+$0x0] =	vst.idx.msk $0xffff, v11  }
0x4d: {  	v4 =	vld [tilespmem:$0x16AB0];
	_ =	sdelay $0x7  }
0x4e: {  	[tilespmem:v4+s23+$0x0] =	vst.idx.msk $0xffff, v12  }
0x4f: {  	v4 =	vld [tilespmem:$0x16AC0];
	_ =	sdelay $0x7  }
0x50: {  	[tilespmem:v4+s23+$0x0] =	vst.idx.msk $0xffff, v13  }
0x51: {  	v4 =	vld [tilespmem:$0x16AD0];
	_ =	sdelay $0x7  }
0x52: {  	[tilespmem:v4+s23+$0x0] =	vst.idx.msk $0xffff, v14  }
0x53: {  	v4 =	vld [tilespmem:$0x16AE0];
	_ =	sdelay $0x7  }
0x54: {  	[tilespmem:v4+s23+$0x0] =	vst.idx.msk $0xffff, v15  }
0x55: {  	v4 =	vld [tilespmem:$0x16AF0];
	_ =	sdelay $0x7  }
0x56: {  	[tilespmem:v4+s23+$0x0] =	vst.idx.msk $0xffff, v16  }
0x57: {  	v4 =	vld [tilespmem:$0x16B00];
	_ =	sdelay $0x7  }
0x58: {  	[tilespmem:v4+s23+$0x0] =	vst.idx.msk $0xffff, v17  }
0x59: {  	v4 =	vld [tilespmem:$0x16B10];
	_ =	sdelay $0x7  }
0x5a: {  	[tilespmem:v4+s23+$0x0] =	vst.idx.msk $0xffff, v18  }
0x5b: {  	v4 =	vld [tilespmem:$0x16B20];
	_ =	sdelay $0x7  }
0x5c: {  	[tilespmem:v4+s23+$0x0] =	vst.idx.msk $0xffff, v19  }
0x5d: {  	v4 =	vld [tilespmem:$0x16B30];
	_ =	sdelay $0x7  }
0x5e: {  	[tilespmem:v4+s23+$0x0] =	vst.idx.msk $0xffff, v20  }
0x5f: {  	v4 =	vld [tilespmem:$0x16B40];
	_ =	sdelay $0x7  }
0x60: {  	[tilespmem:v4+s23+$0x0] =	vst.idx.msk $0xffff, v21  }
0x61: {  	v4 =	vld [tilespmem:$0x16B50];
	_ =	sdelay $0x7  }
0x62: {  	[tilespmem:v4+s23+$0x0] =	vst.idx.msk $0xffff, v22  }
0x63: {  	v4 =	vld [tilespmem:$0x16B60];
	_ =	sdelay $0x7  }
0x64: {  	[tilespmem:v4+s23+$0x0] =	vst.idx.msk $0xffff, v23  }
0x65: {  	v4 =	vld [tilespmem:$0x16B70];
	_ =	sdelay $0x7  }
0x66: {  	[tilespmem:v4+s23+$0x0] =	vst.idx.msk $0xffff, v24  }
0x67: {  	v4 =	vld [tilespmem:$0x16B80];
	_ =	sdelay $0x7  }
0x68: {  	[tilespmem:v4+s23+$0x0] =	vst.idx.msk $0xffff, v25  }
0x69: {  	v4 =	vld [tilespmem:$0x16B90];
	_ =	sdelay $0x7  }
0x6a: {  	[tilespmem:v4+s23+$0x0] =	vst.idx.msk $0xffff, v26  }
0x6b: {  	v4 =	vld [tilespmem:$0x16BA0];
	_ =	sdelay $0x7  }
0x6c: {  	[tilespmem:v4+s23+$0x0] =	vst.idx.msk $0xffff, v27  }
0x6d: {  	v4 =	vld [tilespmem:$0x16BB0];
	_ =	sdelay $0x7  }
0x6e: {  	[tilespmem:v4+s23+$0x0] =	vst.idx.msk $0xffff, v28  }
0x6f: {  	v4 =	vld [tilespmem:$0x16BC0];
	_ =	sdelay $0x7  }
0x70: {  	[tilespmem:v4+s23+$0x0] =	vst.idx.msk $0xffff, v29  }
0x71: {  	v4 =	vld [tilespmem:$0x16BD0];
	_ =	sdelay $0x7  }
0x72: {  	[tilespmem:v4+s23+$0x0] =	vst.idx.msk $0xffff, v30  }
0x73: {  	v4 =	vld [tilespmem:$0x16BE0];
	_ =	sdelay $0x7  }
0x74: {  	[tilespmem:v4+s23+$0x0] =	vst.idx.msk $0xffff, v31  }
0x75: {  	v4 =	vld [tilespmem:$0x16BF0];
	_ =	sdelay $0x7  }
0x76: {  	[tilespmem:v4+s23+$0x0] =	vst.idx.msk $0xffff, v32  }
0x77: {  	v4 =	vld [tilespmem:$0x16C00];
	_ =	sdelay $0x7  }
0x78: {  	[tilespmem:v4+s23+$0x0] =	vst.idx.msk $0xffff, v33  }
0x79: {  	v4 =	vld [tilespmem:$0x16C10];
	_ =	sdelay $0x7  }
0x7a: {  	[tilespmem:v4+s23+$0x0] =	vst.idx.msk $0xffff, v34  }
0x7b: {  	v4 =	vld [tilespmem:$0x16C20];
	_ =	sdelay $0x7  }
0x7c: {  	[tilespmem:v4+s23+$0x0] =	vst.idx.msk $0xffff, v35  }
0x7d: {  	v4 =	vld [tilespmem:$0x16C30];
	_ =	sdelay $0x7  }
0x7e: {  	[tilespmem:v4+s23+$0x0] =	vst.idx.msk $0xffff, v36  }
0x7f: {  	v4 =	vld [tilespmem:$0x16C40];
	_ =	sdelay $0x7  }
0x80: {  	[tilespmem:v4+s23+$0x0] =	vst.idx.msk $0xffff, v37  }
0x81: {  	v4 =	vld [tilespmem:$0x16C50];
	_ =	sdelay $0x7  }
0x82: {  	[tilespmem:v4+s23+$0x0] =	vst.idx.msk $0xffff, v38  }
0x83: {  	v4 =	vld [tilespmem:$0x16C60];
	_ =	sdelay $0x7  }
0x84: {  	[tilespmem:v4+s23+$0x0] =	vst.idx.msk $0xffff, v39  }
0x85: {  	v4 =	vld [tilespmem:$0x16C70];
	_ =	sdelay $0x7  }
0x86: {  	[tilespmem:v4+s23+$0x0] =	vst.idx.msk $0xffff, v40  }
0x87: {  	v4 =	vld [tilespmem:$0x16C80];
	_ =	sdelay $0x7  }
0x88: {  	[tilespmem:v4+s23+$0x0] =	vst.idx.msk $0xffff, v41  }
0x89: {  	v4 =	vld [tilespmem:$0x16C90];
	_ =	sdelay $0x7  }
0x8a: {  	[tilespmem:v4+s23+$0x0] =	vst.idx.msk $0xffff, v42  }
0x8b: {  	v4 =	vld [tilespmem:$0x16CA0];
	_ =	sdelay $0x7  }
0x8c: {  	[tilespmem:v4+s23+$0x0] =	vst.idx.msk $0xffff, v43  }
0x8d: {  	v4 =	vld [tilespmem:$0x16CB0];
	_ =	sdelay $0x7  }
0x8e: {  	[tilespmem:v4+s23+$0x0] =	vst.idx.msk $0xffff, v44  }
0x8f: {  	v4 =	vld [tilespmem:$0x16CC0];
	_ =	sdelay $0x7  }
0x90: {  	[tilespmem:v4+s23+$0x0] =	vst.idx.msk $0xffff, v45  }
0x91: {  	v4 =	vld [tilespmem:$0x16CD0];
	_ =	sdelay $0x7  }
0x92: {  	[tilespmem:v4+s23+$0x0] =	vst.idx.msk $0xffff, v46  }
0x93: {  	v4 =	vld [tilespmem:$0x16CE0];
	_ =	sdelay $0x7  }
0x94: {  	[tilespmem:v4+s23+$0x0] =	vst.idx.msk $0xffff, v47  }
0x95: {  	v4 =	vld [tilespmem:$0x16CF0];
	_ =	sdelay $0x7  }
0x96: {  	[tilespmem:v4+s23+$0x0] =	vst.idx.msk $0xffff, v48  }
0x97: {  	v4 =	vld [tilespmem:$0x16D00];
	_ =	sdelay $0x7  }
0x98: {  	[tilespmem:v4+s23+$0x0] =	vst.idx.msk $0xffff, v49  }
0x99: {  	v4 =	vld [tilespmem:$0x16D10];
	_ =	sdelay $0x7  }
0x9a: {  	[tilespmem:v4+s23+$0x0] =	vst.idx.msk $0xffff, v50  }
0x9b: {  	v4 =	vld [tilespmem:$0x16D20];
	_ =	sdelay $0x7  }
0x9c: {  	[tilespmem:v4+s23+$0x0] =	vst.idx.msk $0xffff, v51  }
0x9d: {  	v4 =	vld [tilespmem:$0x16D30];
	_ =	sdelay $0x7  }
0x9e: {  	[tilespmem:v4+s23+$0x0] =	vst.idx.msk $0xffff, v52  }
0x9f: {  	v4 =	vld [tilespmem:$0x16D40];
	_ =	sdelay $0x7  }
0xa0: {  	[tilespmem:v4+s23+$0x0] =	vst.idx.msk $0xffff, v53  }
0xa1: {  	v4 =	vld [tilespmem:$0x16D50];
	_ =	sdelay $0x7  }
0xa2: {  	[tilespmem:v4+s23+$0x0] =	vst.idx.msk $0xffff, v54  }
0xa3: {  	v4 =	vld [tilespmem:$0x16D60];
	_ =	sdelay $0x7  }
0xa4: {  	[tilespmem:v4+s23+$0x0] =	vst.idx.msk $0xffff, v55  }
0xa5: {  	v4 =	vld [tilespmem:$0x16D70];
	_ =	sdelay $0x7  }
0xa6: {  	[tilespmem:v4+s23+$0x0] =	vst.idx.msk $0xffff, v56  }
0xa7: {  	v4 =	vld [tilespmem:$0x16D80];
	_ =	sdelay $0x7  }
0xa8: {  	[tilespmem:v4+s23+$0x0] =	vst.idx.msk $0xffff, v57  }
0xa9: {  	v4 =	vld [tilespmem:$0x16D90];
	_ =	sdelay $0x7  }
0xaa: {  	[tilespmem:v4+s23+$0x0] =	vst.idx.msk $0xffff, v58  }
0xab: {  	v4 =	vld [tilespmem:$0x16DA0];
	_ =	sdelay $0x7  }
0xac: {  	[tilespmem:v4+s23+$0x0] =	vst.idx.msk $0xffff, v59  }
0xad: {  	v4 =	vld [tilespmem:$0x16DB0];
	_ =	sdelay $0x7  }
0xae: {  	[tilespmem:v4+s23+$0x0] =	vst.idx.msk $0xffff, v60  }
0xaf: {  	v4 =	vld [tilespmem:$0x16DC0];
	_ =	sdelay $0x7  }
0xb0: {  	[tilespmem:v4+s23+$0x0] =	vst.idx.msk $0xffff, v61  }
0xb1: {  	v4 =	vld [tilespmem:$0x16DD0];
	_ =	sdelay $0x7  }
0xb2: {  	[tilespmem:v4+s23+$0x0] =	vst.idx.msk $0xffff, v62  }
0xb3: {  	v4 =	vld [tilespmem:$0x16DE0];
	_ =	sdelay $0x7  }
0xb4: {  	[tilespmem:v4+s23+$0x0] =	vst.idx.msk $0xffff, v63  }
0xb5: {  	v4 =	vld [tilespmem:$0x16DF0];
	_ =	sdelay $0x6  }
0xb6: {  	v5 =	vadd.s32 $0x3F1, v0  }
0xb7: {  	[tilespmem:v4+s23+$0x0] =	vst.idx.msk $0xffff, v5  }
0xb8: {  	v4 =	vld [tilespmem:s6+$0x16A00];
	_ =	sdelay $0x7  }
0xb9: {  	v4 =	vld.idx.msk [tilespmem:v4+s23+$0x0], $0xffff;
	_ =	sdelay $0x4  }
0xba: {  	v4 =	vadd.s32 $0xFFFFFFFF, v4  }
0xbb: {  	[tilespmem:$0x16E00] =	vst v4  }
0xbc: {  	v4 =	vld [tilespmem:s6+$0x16A10];
	_ =	sdelay $0x7  }
0xbd: {  	v4 =	vld.idx.msk [tilespmem:v4+s23+$0x0], $0xffff;
	_ =	sdelay $0x4  }
0xbe: {  	v4 =	vadd.s32 $0xFFFFFFFF, v4  }
0xbf: {  	[tilespmem:$0x16E10] =	vst v4  }
0xc0: {  	v4 =	vld [tilespmem:s6+$0x16A20];
	_ =	sdelay $0x7  }
0xc1: {  	v4 =	vld.idx.msk [tilespmem:v4+s23+$0x0], $0xffff;
	_ =	sdelay $0x4  }
0xc2: {  	v4 =	vadd.s32 $0xFFFFFFFF, v4  }
0xc3: {  	[tilespmem:$0x16E20] =	vst v4  }
0xc4: {  	v4 =	vld [tilespmem:s6+$0x16A30];
	_ =	sdelay $0x7  }
0xc5: {  	v4 =	vld.idx.msk [tilespmem:v4+s23+$0x0], $0xffff;
	_ =	sdelay $0x4  }
0xc6: {  	v4 =	vadd.s32 $0xFFFFFFFF, v4  }
0xc7: {  	s10 =	simm.s32 $0x0;
	s7 =	simm.s32 $0x0;
	[tilespmem:$0x16E30] =	vst v4  }
.LBB2_2:
0xc8: {  	s9 =	sshra.s32 s7, $0x2  }
0xc9: {  	v4 =	vld [tilespmem:s9+$0x5000];
	_ =	sdelay $0x7  }
0xca: {  	v4 =	vld.idx.msk [tilespmem:v4+s23+$0x0], $0xffff;
	_ =	sdelay $0x4  }
0xcb: {  	vm0 =	vgt.s32 v4, $0x0  }
0xcc: {  	v5 =	vsel vm0, $0x1, v1  }
0xcd: {  	(xrf0) =	vadd.scan.msk.s32 $0xffff, v5;
	_ =	sdelay $0x2  }
0xce: {  	v5 =	vmov s10  }
0xcf: {  	v5 =	vadd.s32 $0xFFFFFFFF, v5  }
0xd0: {  	v5 =	vbroadcast v5, $0x0  }
0xd1: {  	v6, _, _ =	vpop (xrf0)  }
0xd2: {  	v7 =	vld [tilespmem:s9+$0x0];
	v5 =	vadd.s32 v6, v5;
	_ =	sdelay $0x4  }
0xd3: {  	v4 =	vadd.s32 $0xFFFFFFFF, v4;
	[tilespmem:v5+s26+$0x0] =	vst.idx.msk vm0, v7  }
0xd4: {  	[tilespmem:v5+s28+$0x0] =	vst.idx.msk vm0, v4  }
0xd5: {  	v4 =	vld [tilespmem:s9+$0x5010]  }
0xd6: {  	(v2sf) =	vpush v6, $0xF;
	_ =	sdelay $0x6  }
0xd7: {  	v4 =	vld.idx.msk [tilespmem:v4+s23+$0x0], $0xffff;
	_ =	sdelay $0x4  }
0xd8: {  	vm9 =	vgt.s32 v4, $0x0  }
0xd9: {  	v5 =	vsel vm9, $0x1, v1  }
0xda: {  	(xrf0) =	vadd.scan.msk.s32 $0xffff, v5  }
0xdb: {  	s13 =	spop (v2sf)  }
0xdc: {  	s14 =	sadd.s32 s10, s13  }
0xdd: {  	v5 =	vmov s14  }
0xde: {  	v5 =	vadd.s32 $0xFFFFFFFF, v5  }
0xdf: {  	v5 =	vbroadcast v5, $0x0  }
0xe0: {  	v6, _, _ =	vpop (xrf0)  }
0xe1: {  	v7 =	vld [tilespmem:s9+$0x10];
	v5 =	vadd.s32 v6, v5;
	_ =	sdelay $0x4  }
0xe2: {  	v4 =	vadd.s32 $0xFFFFFFFF, v4;
	[tilespmem:v5+s26+$0x0] =	vst.idx.msk vm9, v7  }
0xe3: {  	[tilespmem:v5+s28+$0x0] =	vst.idx.msk vm9, v4  }
0xe4: {  	v4 =	vld [tilespmem:s9+$0x5020]  }
0xe5: {  	(v2sf) =	vpush v6, $0xF;
	_ =	sdelay $0x6  }
0xe6: {  	v4 =	vld.idx.msk [tilespmem:v4+s23+$0x0], $0xffff;
	_ =	sdelay $0x4  }
0xe7: {  	vm10 =	vgt.s32 v4, $0x0  }
0xe8: {  	v5 =	vsel vm10, $0x1, v1  }
0xe9: {  	(xrf0) =	vadd.scan.msk.s32 $0xffff, v5  }
0xea: {  	s15 =	spop (v2sf)  }
0xeb: {  	s10 =	sadd.s32 s14, s15  }
0xec: {  	v5 =	vmov s10  }
0xed: {  	v5 =	vadd.s32 $0xFFFFFFFF, v5  }
0xee: {  	v5 =	vbroadcast v5, $0x0  }
0xef: {  	v6, _, _ =	vpop (xrf0)  }
0xf0: {  	v7 =	vld [tilespmem:s9+$0x20];
	v5 =	vadd.s32 v6, v5;
	_ =	sdelay $0x4  }
0xf1: {  	v4 =	vadd.s32 $0xFFFFFFFF, v4;
	[tilespmem:v5+s26+$0x0] =	vst.idx.msk vm10, v7  }
0xf2: {  	[tilespmem:v5+s28+$0x0] =	vst.idx.msk vm10, v4  }
0xf3: {  	v4 =	vld [tilespmem:s9+$0x5030]  }
0xf4: {  	(v2sf) =	vpush v6, $0xF;
	_ =	sdelay $0x6  }
0xf5: {  	v4 =	vld.idx.msk [tilespmem:v4+s23+$0x0], $0xffff;
	_ =	sdelay $0x4  }
0xf6: {  	vm11 =	vgt.s32 v4, $0x0  }
0xf7: {  	v5 =	vsel vm11, $0x1, v1  }
0xf8: {  	(xrf0) =	vadd.scan.msk.s32 $0xffff, v5  }
0xf9: {  	s16 =	spop (v2sf)  }
0xfa: {  	s10 =	sadd.s32 s10, s16  }
0xfb: {  	v5 =	vmov s10  }
0xfc: {  	v5 =	vadd.s32 $0xFFFFFFFF, v5  }
0xfd: {  	v5 =	vbroadcast v5, $0x0  }
0xfe: {  	v6, _, _ =	vpop (xrf0)  }
0xff: {  	v7 =	vld [tilespmem:s9+$0x30];
	v5 =	vadd.s32 v6, v5;
	_ =	sdelay $0x4  }
0x100: {  	v4 =	vadd.s32 $0xFFFFFFFF, v4;
	[tilespmem:v5+s26+$0x0] =	vst.idx.msk vm11, v7  }
0x101: {  	[tilespmem:v5+s28+$0x0] =	vst.idx.msk vm11, v4  }
0x102: {  	v4 =	vld [tilespmem:s9+$0x5040]  }
0x103: {  	(v2sf) =	vpush v6, $0xF;
	_ =	sdelay $0x6  }
0x104: {  	v4 =	vld.idx.msk [tilespmem:v4+s23+$0x0], $0xffff;
	_ =	sdelay $0x4  }
0x105: {  	vm12 =	vgt.s32 v4, $0x0  }
0x106: {  	v5 =	vsel vm12, $0x1, v1  }
0x107: {  	(xrf0) =	vadd.scan.msk.s32 $0xffff, v5  }
0x108: {  	s17 =	spop (v2sf)  }
0x109: {  	s10 =	sadd.s32 s10, s17  }
0x10a: {  	v5 =	vmov s10  }
0x10b: {  	v5 =	vadd.s32 $0xFFFFFFFF, v5  }
0x10c: {  	v5 =	vbroadcast v5, $0x0  }
0x10d: {  	v6, _, _ =	vpop (xrf0)  }
0x10e: {  	v7 =	vld [tilespmem:s9+$0x40];
	v5 =	vadd.s32 v6, v5;
	_ =	sdelay $0x4  }
0x10f: {  	v4 =	vadd.s32 $0xFFFFFFFF, v4;
	[tilespmem:v5+s26+$0x0] =	vst.idx.msk vm12, v7  }
0x110: {  	[tilespmem:v5+s28+$0x0] =	vst.idx.msk vm12, v4  }
0x111: {  	v4 =	vld [tilespmem:s9+$0x5050]  }
0x112: {  	(v2sf) =	vpush v6, $0xF;
	_ =	sdelay $0x6  }
0x113: {  	v4 =	vld.idx.msk [tilespmem:v4+s23+$0x0], $0xffff;
	_ =	sdelay $0x4  }
0x114: {  	vm13 =	vgt.s32 v4, $0x0  }
0x115: {  	v5 =	vsel vm13, $0x1, v1  }
0x116: {  	(xrf0) =	vadd.scan.msk.s32 $0xffff, v5  }
0x117: {  	s14 =	spop (v2sf)  }
0x118: {  	s10 =	sadd.s32 s10, s14  }
0x119: {  	v5 =	vmov s10  }
0x11a: {  	v5 =	vadd.s32 $0xFFFFFFFF, v5  }
0x11b: {  	v5 =	vbroadcast v5, $0x0  }
0x11c: {  	v6, _, _ =	vpop (xrf0)  }
0x11d: {  	v7 =	vld [tilespmem:s9+$0x50];
	v5 =	vadd.s32 v6, v5;
	_ =	sdelay $0x4  }
0x11e: {  	v4 =	vadd.s32 $0xFFFFFFFF, v4;
	[tilespmem:v5+s26+$0x0] =	vst.idx.msk vm13, v7  }
0x11f: {  	[tilespmem:v5+s28+$0x0] =	vst.idx.msk vm13, v4  }
0x120: {  	v4 =	vld [tilespmem:s9+$0x5060]  }
0x121: {  	(v2sf) =	vpush v6, $0xF;
	_ =	sdelay $0x6  }
0x122: {  	v4 =	vld.idx.msk [tilespmem:v4+s23+$0x0], $0xffff;
	_ =	sdelay $0x4  }
0x123: {  	vm14 =	vgt.s32 v4, $0x0  }
0x124: {  	v5 =	vsel vm14, $0x1, v1  }
0x125: {  	(xrf0) =	vadd.scan.msk.s32 $0xffff, v5  }
0x126: {  	s15 =	spop (v2sf)  }
0x127: {  	s10 =	sadd.s32 s10, s15  }
0x128: {  	v5 =	vmov s10  }
0x129: {  	v5 =	vadd.s32 $0xFFFFFFFF, v5  }
0x12a: {  	v5 =	vbroadcast v5, $0x0  }
0x12b: {  	v6, _, _ =	vpop (xrf0)  }
0x12c: {  	v7 =	vld [tilespmem:s9+$0x60];
	v5 =	vadd.s32 v6, v5;
	_ =	sdelay $0x4  }
0x12d: {  	v4 =	vadd.s32 $0xFFFFFFFF, v4;
	[tilespmem:v5+s26+$0x0] =	vst.idx.msk vm14, v7  }
0x12e: {  	[tilespmem:v5+s28+$0x0] =	vst.idx.msk vm14, v4  }
0x12f: {  	v4 =	vld [tilespmem:s9+$0x5070];
	_ =	sdelay $0x7  }
0x130: {  	v4 =	vld.idx.msk [tilespmem:v4+s23+$0x0], $0xffff;
	_ =	sdelay $0x2  }
0x131: {  	(v2sf) =	vpush v6, $0xF;
	_ =	sdelay $0x1  }
0x132: {  	vm15 =	vgt.s32 v4, $0x0  }
0x133: {  	v5 =	vsel vm15, $0x1, v1  }
0x134: {  	(xrf0) =	vadd.scan.msk.s32 $0xffff, v5;
	_ =	sdelay $0x5  }
0x135: {  	v5, _, _ =	vpop (xrf0)  }
0x136: {  	(v2sf) =	vpush v5, $0xF;
	_ =	sdelay $0x3  }
0x137: {  	s16 =	spop (v2sf)  }
0x138: {  	s10 =	sadd.s32 s10, s16  }
0x139: {  	v6 =	vmov s10  }
0x13a: {  	v6 =	vadd.s32 $0xFFFFFFFF, v6  }
0x13b: {  	v6 =	vbroadcast v6, $0x0;
	_ =	sdelay $0x1  }
0x13c: {  	v7 =	vld [tilespmem:s9+$0x70];
	v5 =	vadd.s32 v5, v6  }
0x13d: {  	p0 =	sne.s32 s7, $0x13E00  }
.Ltmp0:
0x13e: {  	_ = 	snop;
	(pc) =	sbr.rel @p0 .LBB2_2-.Ltmp0, $3  }
0x13f: {  	_ =	sdelay $0x1  }
0x140: {  	v4 =	vadd.s32 $0xFFFFFFFF, v4;
	[tilespmem:v5+s26+$0x0] =	vst.idx.msk vm15, v7;
	s17 =	spop (v2sf)  }
0x141: {  	s7 =	sadd.s32 $0x200, s7;
	[tilespmem:v5+s28+$0x0] =	vst.idx.msk vm15, v4;
	s10 =	sadd.s32 s10, s17  }
0x142: {  	v4 =	vadd.s32 s10, v0  }
0x143: {  	s7 =	sadd.s32 $0x10, s10  }
0x144: {  	v5 =	vadd.s32 s7, v0  }
0x145: {  	s13 =	sadd.s32 $0x20, s10  }
0x146: {  	v6 =	vadd.s32 s13, v0  }
0x147: {  	s9 =	sadd.s32 $0x30, s10;
	s7 =	simm.s32 $0xF100;
	[tilespmem:v4+s26+$0x0] =	vst.idx.msk $0xffff, v2  }
0x148: {  	[tilespmem:v4+s7+$0x0] =	vst.idx.msk $0xffff, v3;
	v4 =	vadd.s32 s9, v0  }
0x149: {  	s14 =	sadd.s32 $0x40, s10;
	[tilespmem:v5+s26+$0x0] =	vst.idx.msk $0xffff, v2  }
0x14a: {  	[tilespmem:v5+s7+$0x0] =	vst.idx.msk $0xffff, v3;
	v5 =	vadd.s32 s14, v0  }
0x14b: {  	s15 =	sadd.s32 $0x50, s10;
	[tilespmem:v6+s26+$0x0] =	vst.idx.msk $0xffff, v2  }
0x14c: {  	[tilespmem:v6+s7+$0x0] =	vst.idx.msk $0xffff, v3;
	v6 =	vadd.s32 s15, v0  }
0x14d: {  	s16 =	sadd.s32 $0x60, s10;
	[tilespmem:v4+s26+$0x0] =	vst.idx.msk $0xffff, v2  }
0x14e: {  	[tilespmem:v4+s7+$0x0] =	vst.idx.msk $0xffff, v3;
	v4 =	vadd.s32 s16, v0  }
0x14f: {  	s17 =	sadd.s32 $0x70, s10;
	[tilespmem:v5+s26+$0x0] =	vst.idx.msk $0xffff, v2  }
0x150: {  	[tilespmem:v5+s7+$0x0] =	vst.idx.msk $0xffff, v3;
	v5 =	vadd.s32 s17, v0  }
0x151: {  	s13 =	sadd.s32 $0x80, s10;
	[tilespmem:v6+s26+$0x0] =	vst.idx.msk $0xffff, v2  }
0x152: {  	[tilespmem:v6+s7+$0x0] =	vst.idx.msk $0xffff, v3;
	v6 =	vadd.s32 s13, v0  }
0x153: {  	s14 =	sadd.s32 $0x90, s10;
	[tilespmem:v4+s26+$0x0] =	vst.idx.msk $0xffff, v2  }
0x154: {  	[tilespmem:v4+s7+$0x0] =	vst.idx.msk $0xffff, v3;
	v4 =	vadd.s32 s14, v0  }
0x155: {  	s15 =	sadd.s32 $0xA0, s10;
	[tilespmem:v5+s26+$0x0] =	vst.idx.msk $0xffff, v2  }
0x156: {  	[tilespmem:v5+s7+$0x0] =	vst.idx.msk $0xffff, v3;
	v5 =	vadd.s32 s15, v0  }
0x157: {  	s16 =	sadd.s32 $0xB0, s10;
	[tilespmem:v6+s26+$0x0] =	vst.idx.msk $0xffff, v2  }
0x158: {  	[tilespmem:v6+s7+$0x0] =	vst.idx.msk $0xffff, v3;
	v6 =	vadd.s32 s16, v0  }
0x159: {  	s17 =	sadd.s32 $0xC0, s10;
	[tilespmem:v4+s26+$0x0] =	vst.idx.msk $0xffff, v2  }
0x15a: {  	s13 =	sadd.s32 $0xD0, s10;
	s16 =	sadd.s32 $0xFF, s10;
	[tilespmem:v4+s7+$0x0] =	vst.idx.msk $0xffff, v3;
	v4 =	vadd.s32 s17, v0  }
0x15b: {  	s14 =	sadd.s32 $0xE0, s10;
	s15 =	sadd.s32 $0xF0, s10;
	s10 =	sand.u32 $0xFF, s16;
	[tilespmem:v5+s26+$0x0] =	vst.idx.msk $0xffff, v2  }
0x15c: {  	p0 =	slt.s32 s16, $0x1;
	p1 =	sne.s32 s10, $0x0;
	[tilespmem:v5+s7+$0x0] =	vst.idx.msk $0xffff, v3;
	v5 =	vadd.s32 s13, v0;
	s13 =	sshra.s32 s16, $0x1F  }
0x15d: {  	p0 =	por !p0, !p1;
	[tilespmem:v6+s26+$0x0] =	vst.idx.msk $0xffff, v2;
	s17 =	sshrl.u32 s13, $0x18  }
0x15e: {  	s10 =	simm.s32 $0x1;
	p0 =	por !p0, !p0;
	[tilespmem:v6+s7+$0x0] =	vst.idx.msk $0xffff, v3;
	v6 =	vadd.s32 s14, v0;
	s9 =	sadd.s32 s17, s16  }
0x15f: {  	s10 =	simm.s32 @!p0 $0x0;
	[tilespmem:v4+s26+$0x0] =	vst.idx.msk $0xffff, v2;
	s9 =	sshra.s32 s9, $0x8  }
0x160: {  	[tilespmem:v4+s7+$0x0] =	vst.idx.msk $0xffff, v3;
	v4 =	vadd.s32 s15, v0;
	s13 =	ssub.s32 s9, s10  }
0x161: {  	[tilespmem:v5+s26+$0x0] =	vst.idx.msk $0xffff, v2;
	p0 =	sgt.s32 s13, $0x1;
	s9 =	smov.u32 s13  }
0x162: {  	[tilespmem:v5+s7+$0x0] =	vst.idx.msk $0xffff, v3;
	s9 =	simm.s32 @!p0 $0x1  }
0x163: {  	[tilespmem:v6+s26+$0x0] =	vst.idx.msk $0xffff, v2;
	p1 =	sne.s32 s9, $0x1  }
.Ltmp1:
0x164: {  	[tilespmem:v6+s7+$0x0] =	vst.idx.msk $0xffff, v3;
	(pc) =	sbr.rel @!p1 .LBB2_6-.Ltmp1, $4  }
0x165: {  	[tilespmem:v4+s26+$0x0] =	vst.idx.msk $0xffff, v2  }
0x166: {  	s14 =	simm.s32 $0x1;
	[tilespmem:v4+s7+$0x0] =	vst.idx.msk $0xffff, v3  }
0x167: {  	s10 =	simm.s32 $0xA100;
	p0 =	por $0x0, $0x0;
	[bflag:$0x0] =	sbarrier.arrive $0xFFFF  }
0x168: {  	[tilespmem:s31], [sflag:$0x1] =	stream.indirect.gather [hbm4b:s12+s30], $0x40, s26, s30, $0xb8;
	[tilespmem:$0x1D280] =	vst v63  }
0x169: {  	s14 =	simm.s32 $0xA080  }
0x16a: {  	[tilespmem:s0], [sflag:$0x2] =	stream.indirect.gather [hbm4b:s12+s30], $0x40, s14, s30, $0xb8;
	[tilespmem:$0x1D280] =	vst v63  }
0x16b: {  	_ =	swait.ge [sflag:s29], $0x2000  }
0x16c: {  	[sflag:s29] =	ssyncset.done $0x0  }
0x16d: {  	[sflag:s29] =	ssyncadd.s32 $0xFFFFE000  }
0x16e: {  	[spmem:s3] =	stream.indirect.scatter.add.f32 [tilespmem:s31], [sflag:$0x3], $0x40, s7, s30, $0xb8;
	[tilespmem:$0x1D280] =	vst v63  }
0x16f: {  	_ =	swait.ge [sflag:s21], $0x2000  }
0x170: {  	p0 =	sle.s32 s13, $0x1;
	[sflag:s21] =	ssyncset.done $0x0  }
0x171: {  	s14 =	simm.s32 @!p0 $0x16E40;
	s7 =	simm.s32 @!p0 $0x80;
	[sflag:s21] =	ssyncadd.s32 $0xFFFFE000  }
0x172: {  	[tilespmem:s14], [sflag:$0x1] =	stream.indirect.gather @!p0 [hbm4b:s12+s7], $0x40, s10, s7, $0xb8;
	[tilespmem:$0x1D280] =	vst v63  }
0x173: {  	p1 =	sne.s32 s9, $0x2;
	_ =	swait.ge [sflag:s4], $0x2000  }
.Ltmp2:
0x174: {  	[sflag:s4] =	ssyncset.done $0x0;
	(pc) =	sbr.rel @!p1 .LBB2_6-.Ltmp2, $4  }
0x175: {  	s17 =	simm.s32 $0xF180;
	s15 =	simm.s32 $0x2;
	[sflag:s4] =	ssyncadd.s32 $0xFFFFE000  }
0x176: {  	[spmem:s3] =	stream.indirect.scatter.add.f32 [tilespmem:s0], [sflag:$0x3], $0x40, s17, s30, $0xb8;
	[tilespmem:$0x1D280] =	vst v63  }
0x177: {  	s14 =	simm.s32 $0x2;
	s10 =	simm.s32 $0xA200;
	_ =	swait.ge [sflag:s21], $0x2000  }
0x178: {  	s7 =	simm.s32 $0xF200;
	p0 =	por $0x1, $0x1;
	[sflag:s21] =	ssyncset.done $0x0  }
.LBB2_5:
0x179: {  	s15 =	sadd.s32 $0x1, s15;
	s16 =	sadd.s32 $0xFFFFFF80, s10;
	[sflag:s21] =	ssyncadd.s32 $0xFFFFE000  }
0x17a: {  	[tilespmem:s0], [sflag:$0x2] =	stream.indirect.gather [hbm4b:s12+s30], $0x40, s16, s30, $0xb8;
	[tilespmem:$0x1D280] =	vst v63  }
0x17b: {  	p1 =	sne.s32 s9, s15;
	_ =	swait.ge [sflag:s29], $0x2000  }
0x17c: {  	[sflag:s29] =	ssyncset.done $0x0  }
0x17d: {  	[sflag:s29] =	ssyncadd.s32 $0xFFFFE000  }
0x17e: {  	[spmem:s3] =	stream.indirect.scatter.add.f32 [tilespmem:s31], [sflag:$0x3], $0x40, s7, s30, $0xb8;
	[tilespmem:$0x1D280] =	vst v63  }
0x17f: {  	_ =	swait.ge [sflag:s21], $0x2000  }
0x180: {  	p2 =	sle.s32 s13, s14;
	s14 =	smov.u32 s15;
	[sflag:s21] =	ssyncset.done $0x0  }
0x181: {  	s16 =	simm.s32 @!p2 $0x80;
	s17 =	simm.s32 @!p2 $0x16E40;
	[sflag:s21] =	ssyncadd.s32 $0xFFFFE000  }
0x182: {  	[tilespmem:s17], [sflag:$0x1] =	stream.indirect.gather @!p2 [hbm4b:s12+s16], $0x40, s10, s16, $0xb8;
	[tilespmem:$0x1D280] =	vst v63  }
0x183: {  	_ =	swait.ge [sflag:s4], $0x2000  }
.Ltmp3:
0x184: {  	[sflag:s4] =	ssyncset.done $0x0;
	(pc) =	sbr.rel @p1 .LBB2_5-.Ltmp3, $4  }
0x185: {  	s16 =	sadd.s32 $0x80, s7;
	[sflag:s4] =	ssyncadd.s32 $0xFFFFE000  }
0x186: {  	[spmem:s3] =	stream.indirect.scatter.add.f32 [tilespmem:s0], [sflag:$0x3], $0x40, s16, s30, $0xb8;
	[tilespmem:$0x1D280] =	vst v63  }
0x187: {  	_ =	swait.ge [sflag:s21], $0x2000  }
0x188: {  	s10 =	sadd.s32 $0x100, s10;
	s7 =	sadd.s32 $0x100, s7;
	[sflag:s21] =	ssyncset.done $0x0  }
.LBB2_6:
0x189: {  	s9 =	sadd.s32 $0xFFFFFF80, s10;
	[sflag:s21] =	ssyncadd.s32 @p0 $0xFFFFE000  }
0x18a: {  	[tilespmem:s0], [sflag:$0x2] =	stream.indirect.gather [hbm4b:s12+s30], $0x40, s9, s30, $0xb8;
	[tilespmem:$0x1D280] =	vst v63  }
0x18b: {  	_ =	swait.ge [sflag:s29], $0x2000  }
0x18c: {  	[sflag:s29] =	ssyncset.done $0x0  }
0x18d: {  	[sflag:s29] =	ssyncadd.s32 $0xFFFFE000  }
0x18e: {  	[spmem:s3] =	stream.indirect.scatter.add.f32 [tilespmem:s31], [sflag:$0x3], $0x40, s7, s30, $0xb8;
	[tilespmem:$0x1D280] =	vst v63  }
0x18f: {  	_ =	swait.ge [sflag:s21], $0x2000  }
0x190: {  	p0 =	sle.s32 s13, s14;
	[sflag:s21] =	ssyncset.done $0x0  }
0x191: {  	s9 =	simm.s32 @!p0 $0x80;
	s13 =	simm.s32 @!p0 $0x16E40;
	[sflag:s21] =	ssyncadd.s32 $0xFFFFE000  }
0x192: {  	[tilespmem:s13], [sflag:$0x1] =	stream.indirect.gather @!p0 [hbm4b:s12+s9], $0x40, s10, s9, $0xb8;
	[tilespmem:$0x1D280] =	vst v63  }
0x193: {  	_ =	swait.ge [sflag:s4], $0x2000  }
0x194: {  	[sflag:s4] =	ssyncset.done $0x0  }
0x195: {  	s9 =	sadd.s32 $0x80, s7;
	[sflag:s4] =	ssyncadd.s32 $0xFFFFE000  }
0x196: {  	[spmem:s3] =	stream.indirect.scatter.add.f32 [tilespmem:s0], [sflag:$0x3], $0x40, s9, s30, $0xb8;
	[tilespmem:$0x1D280] =	vst v63  }
0x197: {  	_ =	swait.ge [sflag:s21], $0x2000  }
0x198: {  	[sflag:s21] =	ssyncset.done $0x0  }
0x199: {  	[sflag:s21] =	ssyncadd.s32 $0xFFFFE000  }
0x19a: {  	[bflag:$0x0] =	sbarrier.arrive $0xFFFF  }
0x19b: {  	s10 =	rddreg [dreg:$0x8]  }
0x19c: {  	[hbm:s10], [sflag:s8] =	dma.local [spmem:s25], $0x200  }
0x19d: {  	_ =	swait.ge [sflag:s21], $0x200  }
0x19e: {  	[sflag:s21] =	ssyncset.done $0x0  }
0x19f: {  	[sflag:s21] =	ssyncadd.s32 $0xFFFFFE00  }
0x1a0: {  	[bflag:$0x0] =	sbarrier.arrive $0xFFFF  }
0x1a1: {  	s14 =	simm.s32 $0x16E00;
	s13 =	rddreg [dreg:$0x9]  }
0x1a2: {  	[tilespmem:s22], [sflag:$0x1] =	stream.indirect.gather [hbm4b:s13+s1], $0x40, s14, s1, $0xb8;
	[tilespmem:$0x1D280] =	vst v63  }
0x1a3: {  	_ =	swait.ge [sflag:s29], $0x1000  }
0x1a4: {  	[sflag:s29] =	ssyncset.done $0x0  }
0x1a5: {  	s15 =	rddreg [dreg:$0xa];
	[sflag:s29] =	ssyncadd.s32 $0xFFFFF000  }
0x1a6: {  	[hbm4b:s15+s5] =	stream.linear.scatter [tilespmem:s22], [sflag:$0x3], $0x1000, $0x38;
	[tilespmem:$0x1D280] =	vst v63  }
0x1a7: {  	_ =	swait.ge [sflag:s21], $0x1000  }
0x1a8: {  	[sflag:s21] =	ssyncset.done $0x0  }
0x1a9: {  	[sflag:s21] =	ssyncadd.s32 $0xFFFFF000  }
0x1aa: {  	[tilespmem:s22], [sflag:$0x1] =	stream.indirect.gather [hbm4b:s12+s1], $0x40, s11, s1, $0xb8;
	[tilespmem:$0x1D280] =	vst v63  }
0x1ab: {  	_ =	swait.ge [sflag:s29], $0x1000  }
0x1ac: {  	[sflag:s29] =	ssyncset.done $0x0  }
0x1ad: {  	s16 =	rddreg [dreg:$0xb];
	[sflag:s29] =	ssyncadd.s32 $0xFFFFF000  }
0x1ae: {  	[hbm4b:s16+s5] =	stream.linear.scatter [tilespmem:s22], [sflag:$0x3], $0x1000, $0x38;
	[tilespmem:$0x1D280] =	vst v63  }
0x1af: {  	_ =	swait.ge [sflag:s21], $0x1000  }
0x1b0: {  	[sflag:s21] =	ssyncset.done $0x0  }
0x1b1: {  	s17 =	rddreg [dreg:$0xc];
	[sflag:s21] =	ssyncadd.s32 $0xFFFFF000  }
0x1b2: {  	[tilespmem:s24], [sflag:$0x1] =	stream.indirect.gather [hbm4b:s17+s1], $0x10, s11, s1, $0xb8;
	[tilespmem:$0x1D280] =	vst v63  }
0x1b3: {  	s2 =	sadd.s32 $0x1, s2;
	_ =	swait.ge [sflag:s29], $0x400  }
0x1b4: {  	p0 =	sne.s32 s2, s19;
	[sflag:s29] =	ssyncset.done $0x0  }
.Ltmp4:
0x1b5: {  	[sflag:s29] =	ssyncadd.s32 $0xFFFFFC00;
	(pc) =	sbr.rel @p0 .LBB2_1-.Ltmp4, $4  }
0x1b6: {  	[hbm4b:s18+s5] =	stream.linear.scatter [tilespmem:s24], [sflag:$0x3], $0x400, $0x38;
	[tilespmem:$0x1D280] =	vst v63  }
0x1b7: {  	_ =	swait.ge [sflag:s21], $0x400  }
0x1b8: {  	[sflag:s21] =	ssyncset.done $0x0  }
0x1b9: {  	[sflag:s21] =	ssyncadd.s32 $0xFFFFFC00  }
0x1ba: {  	_ =	sfence.sel $0x180000  }
0x1bb: {  	[bflag:$0x0] =	sbarrier.arrive $0xFFFF  }
0x1bc: {  	_ =	strace $0x90000050  }
0x1bd: {  	s0 =	stileid.u32;
	[bflag:$0x2] =	sbarrier.arrive $0xFFFF  }
0x1be: {  	p0 =	sne.s32 s0, $0x0;
	s0 =	rddreg [dreg:$0x4]  }
0x1bf: {  	s0 =	sadd.s32 @!p0 $0x100000, s0  }
0x1c0: {  	[sflag:s0] =	ssyncadd.tile.s32 @!p0 $0x1;
	_ =	shalt  }
.Lfunc_end2:
_tile_overlayer_lowered:
.L_overlay_start_2:
0x1c1: {  	(tag) =	ssettag $0x2  }
0x1c2: {  	s0 =	rddreg [dreg:$0x0];
	s2 =	stileid.u32  }
0x1c3: {  	s1 =	rddreg [dreg:$0x1];
	p0 =	sne.s32 s2, $0x0  }
0x1c4: {  	s3 =	rddreg [dreg:$0x2];
	[bflag:$0x3] =	sbarrier.arrive $0xFFFF;
	s2 =	simm.s32 @!p0 $0x1C03  }
0x1c5: {  	[timem:s3], [sflag:s2] =	dma.local @!p0 [hbm:s0], s1  }
0x1c6: {  	s0 =	simm.s32 @!p0 $0x3  }
0x1c7: {  	_ =	swait.ge @!p0 [sflag:s0], s1  }
0x1c8: {  	s1 =	ssub.s32 @!p0 $0x0, s1;
	[sflag:s0] =	ssyncset.done @!p0 $0x0  }
0x1c9: {  	[sflag:s0] =	ssyncadd.s32 @!p0 s1  }
0x1ca: {  	[bflag:$0x3] =	sbarrier.arrive $0xFFFF  }
0x1cb: {  	_ =	shalt  }

</sc_bundles>
